<compile_context>
chip_gen: v7x
topology: tpu7x:2x2x1
jax: 0.10.2.dev20260603
libtpu: 0.0.44.dev20260713+nightly
codegen_flags: <defaults>
</compile_context>

<pallas_src>
import functools

import jax
import jax.numpy as jnp
from jax import lax
from jax.experimental import pallas as pl
from jax.experimental.pallas import tpu as pltpu
from jax.experimental.pallas import tpu_sc as plsc

B, N, C = 8, 2048, 512
K = N // 2

_PIECES = 1
_PB = B // _PIECES


_RANK_CH = 256


def _score_rank_body(x_ref, w_ref, b_ref, s_in_ref, score_ref, rank_ref):
    xb = x_ref[0]
    w = w_ref[0]
    score_ref[0, 0, :] = jnp.sum(xb * w[None, :], axis=1) + b_ref[0]
    s = s_in_ref[0, 0, :]
    iota_n = lax.iota(jnp.int32, N)
    ones = jnp.ones((N, 1), jnp.float32)
    for c in range(N // _RANK_CH):
        sc = s[c * _RANK_CH:(c + 1) * _RANK_CH]
        ic = iota_n[c * _RANK_CH:(c + 1) * _RANK_CH]
        ge = (s[None, :] >= sc[:, None])
        gt = (s[None, :] > sc[:, None])
        jl = (iota_n[None, :] < ic[:, None])
        cmp = jnp.where(jl, ge.astype(jnp.float32),
                        gt.astype(jnp.float32))
        cnt = jax.lax.dot(cmp, ones,
                          preferred_element_type=jnp.float32)[:, 0]
        rank_ref[0, 0, c * _RANK_CH:(c + 1) * _RANK_CH] = cnt.astype(jnp.int32)


def _score_rank_piece(x, W, b, s_in, lo):
    return pl.pallas_call(
        _score_rank_body,
        grid=(_PB,),
        in_specs=[
            pl.BlockSpec((1, N, C), lambda i: (i + lo, 0, 0)),
            pl.BlockSpec((1, C), lambda i: (0, 0)),
            pl.BlockSpec((1,), lambda i: (0,)),
            pl.BlockSpec((1, 1, N), lambda i: (i + lo, 0, 0)),
        ],
        out_specs=[
            pl.BlockSpec((1, 1, N), lambda i: (i, 0, 0)),
            pl.BlockSpec((1, 1, N), lambda i: (i, 0, 0)),
        ],
        out_shape=[
            jax.ShapeDtypeStruct((_PB, 1, N), jnp.float32),
            jax.ShapeDtypeStruct((_PB, 1, N), jnp.int32),
        ],
    )(x, W, b, s_in)



_NW = 32
_XCH = 64
_ACH = 8


def _make_sc_body(nb, pbase):
    tpb = _NW // nb
    slots = K // tpb

    def _sc_body(rank_hbm, x_hbm, adj_hbm, newx_hbm, newadj_hbm,
                 rank_v, sidx_v, idx_v, xbuf0, xbuf1, abuf0, abuf1,
                 obuf0, obuf1, semx0, semx1, sema0, sema1, semo0, semo1):
        nc = 2
        wid = lax.axis_index("s") * nc + lax.axis_index("c")
        b = wid // tpb
        bg = b + pbase
        q = wid % tpb

        with jax.named_scope("a_sidx"):
            pltpu.sync_copy(rank_hbm.at[b], rank_v)
            iota = lax.iota(jnp.int32, 16)

            @plsc.parallel_loop(0, N // 16, unroll=4)
            def _build(i):
                rv = rank_v[pl.ds(i * 16, 16)]
                m = rv < K
                rvc = jnp.where(m, rv, 0)
                plsc.store_scatter(sidx_v, [rvc], iota + i * 16, mask=m)

        @plsc.parallel_loop(0, slots // 16, unroll=4)
        def _mkidx(i):
            sv = sidx_v[pl.ds(q * slots + i * 16, 16)]
            idx_v[pl.ds(i * 16, 16)] = sv + bg * N

        out_base = b * K + q * slots

        xbufs, xsems = (xbuf0, xbuf1), (semx0, semx1)
        nxc = slots // _XCH

        def xin(ci, par):
            return pltpu.async_copy(
                x_hbm.at[idx_v.at[pl.ds(ci * _XCH, _XCH)]],
                xbufs[par], xsems[par])

        pltpu.async_copy(
            adj_hbm.at[idx_v.at[pl.ds(0 * _ACH, _ACH)]], abuf0, sema0)
        pltpu.async_copy(
            adj_hbm.at[idx_v.at[pl.ds(1 * _ACH, _ACH)]], abuf1, sema1)

        with jax.named_scope("b1_xgather"):
            pend = [xin(0, 0), xin(1, 1)]
            for ci in range(nxc):
                par = ci % 2
                pend[par].wait()
                pltpu.sync_copy(xbufs[par],
                                newx_hbm.at[pl.ds(out_base + ci * _XCH, _XCH)])
                if ci + 2 < nxc:
                    pend[par] = xin(ci + 2, par)

        abufs, asems = (abuf0, abuf1), (sema0, sema1)
        obufs, osems = (obuf0, obuf1), (semo0, semo1)
        nac = slots // _ACH

        def ain_src(ci):
            return adj_hbm.at[idx_v.at[pl.ds(ci * _ACH, _ACH)]]

        def aout_dst(ci):
            return newadj_hbm.at[pl.ds(out_base + ci * _ACH, _ACH)]

        def colgather(buf, ob):
            @plsc.parallel_loop(0, K // 16, unroll=4)
            def _cols(cc):
                cidx = sidx_v[pl.ds(cc * 16, 16)]
                for j in range(_ACH):
                    jv = jnp.full((16,), j, jnp.int32)
                    vals = plsc.load_gather(buf, [jv, cidx])
                    ob[j, pl.ds(cc * 16, 16)] = vals

        def astep(ci, first, last):
            par = ci % 2
            pltpu.make_async_copy(ain_src(ci), abufs[par], asems[par]).wait()
            if not first:
                pltpu.make_async_copy(obufs[par], aout_dst(ci - 2),
                                      osems[par]).wait()
            colgather(abufs[par], obufs[par])
            pltpu.async_copy(obufs[par], aout_dst(ci), osems[par])
            if not last:
                pltpu.async_copy(ain_src(ci + 2), abufs[par], asems[par])

        with jax.named_scope("b2_head"):
            astep(0, True, False)
            astep(1, True, False)

        def apair(p, _):
            for par in range(2):
                ci = 2 * p + par
                pltpu.make_async_copy(ain_src(ci), abufs[par],
                                      asems[par]).wait()
                pltpu.make_async_copy(obufs[par], aout_dst(ci - 2),
                                      osems[par]).wait()
                colgather(abufs[par], obufs[par])
                pltpu.async_copy(obufs[par], aout_dst(ci), osems[par])
                pltpu.async_copy(ain_src(ci + 2), abufs[par], asems[par])
            return 0

        with jax.named_scope("b2_main"):
            lax.fori_loop(1, nac // 2 - 1, apair, 0)
        with jax.named_scope("b2_tail"):
            for ci in (nac - 2, nac - 1):
                astep(ci, False, True)
            for par in range(2):
                pltpu.make_async_copy(obufs[par], aout_dst(nac - 2 + par),
                                      osems[par]).wait()

    return _sc_body


def _sc_gather(rank, x2d, adj2d, pbase):
    nb = rank.shape[0]
    mesh = plsc.VectorSubcoreMesh(core_axis_name="c", subcore_axis_name="s")
    return pl.kernel(
        _make_sc_body(nb, pbase),
        out_type=[
            jax.ShapeDtypeStruct((nb * K, C), jnp.float32),
            jax.ShapeDtypeStruct((nb * K, K), jnp.float32),
        ],
        mesh=mesh,
        scratch_types=[
            pltpu.VMEM((N,), jnp.int32),
            pltpu.VMEM((K,), jnp.int32),
            pltpu.VMEM((K // (_NW // nb),), jnp.int32),
            pltpu.VMEM((_XCH, C), jnp.float32),
            pltpu.VMEM((_XCH, C), jnp.float32),
            pltpu.VMEM((_ACH, N), jnp.float32),
            pltpu.VMEM((_ACH, N), jnp.float32),
            pltpu.VMEM((_ACH, K), jnp.float32),
            pltpu.VMEM((_ACH, K), jnp.float32),
            pltpu.SemaphoreType.DMA,
            pltpu.SemaphoreType.DMA,
            pltpu.SemaphoreType.DMA,
            pltpu.SemaphoreType.DMA,
            pltpu.SemaphoreType.DMA,
            pltpu.SemaphoreType.DMA,
        ],
        compiler_params=pltpu.CompilerParams(needs_layout_passes=False),
    )(rank, x2d, adj2d)


def kernel(x, adj, W, b):
    s_parity = (x @ W.T + b)[..., 0]

    x2d = x.reshape(B * N, C)
    adj2d = adj.reshape(B * N, N)
    scores, newxs, newadjs = [], [], []
    for p in range(_PIECES):
        lo = p * _PB
        score3, rank3 = _score_rank_piece(x, W, b,
                                          s_parity.reshape(B, 1, N), lo)
        scores.append(score3.reshape(_PB, N))
        new_x, new_adj = _sc_gather(rank3.reshape(_PB, N), x2d, adj2d, lo)
        newxs.append(new_x.reshape(_PB, K, C))
        newadjs.append(new_adj.reshape(_PB, K, K))

    return (jnp.concatenate(newxs, axis=0),
            jnp.concatenate(newadjs, axis=0),
            jnp.concatenate(scores, axis=0))

# --- scband reference (transcript-rebuilt; emitter-appended) ---
"""Pipeline reference for scband-dense-sagpooling-82755429859613 (READ-ONLY COPY).

The authoritative reference and input builder live on the scoring server;
editing this copy changes nothing except your own understanding.
"""

import jax, jax.numpy as jnp
import numpy as np

B, N, C = 8, 2048, 512
RATIO = 0.5


def setup_inputs(seed: int = 0) -> dict:
    key = jax.random.key(seed)
    k1, k2, k3, k4 = jax.random.split(key, 4)
    x = jax.random.normal(k1, (B, N, C), dtype=jnp.float32)
    adj = jax.random.uniform(k2, (B, N, N), dtype=jnp.float32)
    # nn.Linear(in_channels, 1): weight [1, C], bias [1]
    bound = 1.0 / np.sqrt(C)
    W = jax.random.uniform(k3, (1, C), dtype=jnp.float32, minval=-bound, maxval=bound)
    b = jax.random.uniform(k4, (1,), dtype=jnp.float32, minval=-bound, maxval=bound)
    return {"x": x, "adj": adj, "W": W, "b": b}


def reference(x, adj, W, b):
    Bs, Ns, Cs = x.shape
    score = (x @ W.T + b)[..., 0]  # [B, N]
    k = int(RATIO * Ns)
    if k < 1:
        k = 1
    top_k_val, top_k_idx = jax.lax.top_k(score, k)  # [B, k]
    idx_expand = jnp.broadcast_to(top_k_idx[:, :, None], (Bs, k, Cs))
    new_x = jnp.take_along_axis(x, idx_expand, axis=1)  # [B, k, C]
    idx_rows = jnp.broadcast_to(top_k_idx[:, :, None], (Bs, k, Ns))
    temp_adj = jnp.take_along_axis(adj, idx_rows, axis=1)  # [B, k, N]
    idx_cols = jnp.broadcast_to(top_k_idx[:, None, :], (Bs, k, k))
    new_adj = jnp.take_along_axis(temp_adj, idx_cols, axis=2)  # [B, k, k]
    return (new_x, new_adj, score)

if __name__ == "__main__":
    import jax
    _d = setup_inputs()
    print(jax.jit(kernel)(*tuple(_d.values())))

</pallas_src>

<mosaic_0001>
#map = affine_map<(d0, d1) -> (0, 0)>
module attributes {stable_mosaic.version = 14 : i64} {
  func.func @_sc_body(%arg0: i32, %arg1: i32, %arg2: memref<8x2048xi32, #tpu.memory_space<hbm>>, %arg3: memref<16384x512xf32, #tpu.memory_space<hbm>>, %arg4: memref<16384x2048xf32, #tpu.memory_space<hbm>>, %arg5: memref<8192x512xf32, #tpu.memory_space<hbm>>, %arg6: memref<8192x1024xf32, #tpu.memory_space<hbm>>, %arg7: memref<2048xi32, #tpu.memory_space<vmem>>, %arg8: memref<1024xi32, #tpu.memory_space<vmem>>, %arg9: memref<256xi32, #tpu.memory_space<vmem>>, %arg10: memref<64x512xf32, #tpu.memory_space<vmem>>, %arg11: memref<64x512xf32, #tpu.memory_space<vmem>>, %arg12: memref<8x2048xf32, #tpu.memory_space<vmem>>, %arg13: memref<8x2048xf32, #tpu.memory_space<vmem>>, %arg14: memref<8x1024xf32, #tpu.memory_space<vmem>>, %arg15: memref<8x1024xf32, #tpu.memory_space<vmem>>, %arg16: memref<!tpu.dma_semaphore, #tpu.memory_space<semaphore_mem>>, %arg17: memref<!tpu.dma_semaphore, #tpu.memory_space<semaphore_mem>>, %arg18: memref<!tpu.dma_semaphore, #tpu.memory_space<semaphore_mem>>, %arg19: memref<!tpu.dma_semaphore, #tpu.memory_space<semaphore_mem>>, %arg20: memref<!tpu.dma_semaphore, #tpu.memory_space<semaphore_mem>>, %arg21: memref<!tpu.dma_semaphore, #tpu.memory_space<semaphore_mem>>) attributes {dimension_semantics = [#tpu.dimension_semantics<core_parallel>, #tpu.dimension_semantics<subcore_parallel>], iteration_bounds = array<i64: 2, 16>, scalar_prefetch = 0 : i64, scratch_operands = 15 : i64, tpu.core_type = #tpu.core_type<sc_vector_subcore>, window_params = [{transform_indices = #map}, {transform_indices = #map}, {transform_indices = #map}, {transform_indices = #map}, {transform_indices = #map}]} {
    %mul3A = arith.constant 2 : i32
    %mul3A_0 = arith.muli %arg1, %mul3A : i32
    %add3A = arith.addi %mul3A_0, %arg0 : i32
    %jit3A = arith.constant 4 : i32
    %div3A = arith.divsi %add3A, %jit3A : i32
    %sign3A = arith.constant 0 : i32
    %sign3A_1 = arith.cmpi sgt, %add3A, %sign3A : i32
    %sign3A_2 = arith.extui %sign3A_1 : i1 to i32
    %sign3A_3 = arith.constant 0 : i32
    %sign3A_4 = arith.cmpi slt, %add3A, %sign3A_3 : i32
    %sign3A_5 = arith.extui %sign3A_4 : i1 to i32
    %sign3A_6 = arith.subi %sign3A_2, %sign3A_5 : i32
    %sign3A_7 = arith.constant 0 : i32
    %sign3A_8 = arith.cmpi sgt, %jit3A, %sign3A_7 : i32
    %sign3A_9 = arith.extui %sign3A_8 : i1 to i32
    %sign3A_10 = arith.constant 0 : i32
    %sign3A_11 = arith.cmpi slt, %jit3A, %sign3A_10 : i32
    %sign3A_12 = arith.extui %sign3A_11 : i1 to i32
    %sign3A_13 = arith.subi %sign3A_9, %sign3A_12 : i32
    %ne3A = arith.cmpi ne, %sign3A_6, %sign3A_13 : i32
    %rem3A = arith.remsi %add3A, %jit3A : i32
    %ne3A_14 = arith.constant 0 : i32
    %ne3A_15 = arith.cmpi ne, %rem3A, %ne3A_14 : i32
    %and3A = arith.andi %ne3A, %ne3A_15 : i1
    %sub3A = arith.constant 1 : i32
    %sub3A_16 = arith.subi %div3A, %sub3A : i32
    %select_n3A = arith.select %and3A, %sub3A_16, %div3A : i32
    %add3A_17 = arith.constant 0 : i32
    %add3A_18 = arith.addi %select_n3A, %add3A_17 : i32
    %jit3A_19 = arith.constant 4 : i32
    %eq3A = arith.constant 0 : i32
    %eq3A_20 = arith.cmpi eq, %jit3A_19, %eq3A : i32
    %jit3A_21 = arith.constant 1 : i32
    %select_n3A_22 = arith.select %eq3A_20, %jit3A_21, %jit3A_19 : i32
    %rem3A_23 = arith.remsi %add3A, %select_n3A_22 : i32
    %ne3A_24 = arith.constant 0 : i32
    %ne3A_25 = arith.cmpi ne, %rem3A_23, %ne3A_24 : i32
    %lt3A = arith.constant 0 : i32
    %lt3A_26 = arith.cmpi slt, %rem3A_23, %lt3A : i32
    %lt3A_27 = arith.constant 0 : i32
    %lt3A_28 = arith.cmpi slt, %select_n3A_22, %lt3A_27 : i32
    %ne3A_29 = arith.xori %lt3A_26, %lt3A_28 : i1
    %and3A_30 = arith.andi %ne3A_29, %ne3A_25 : i1
    %add3A_31 = arith.addi %rem3A_23, %select_n3A_22 : i32
    %select_n3A_32 = arith.select %and3A_30, %add3A_31, %rem3A_23 : i32
    "tpu.trace_start"() <{level = 10 : i32, message = "a_sidx"}> : () -> ()
    "tpu.region"() ({
      %run_scoped3A = tpu.sem_alloc : memref<!tpu.dma_semaphore, #tpu.memory_space<semaphore_mem>>
      %dma_start3A_195 = arith.constant 0 : i32
      %dma_start3A_196 = tpu.memref_slice %arg2[%select_n3A, %dma_start3A_195] : memref<8x2048xi32, #tpu.memory_space<hbm>> -> memref<1x2048xi32, #tpu.memory_space<hbm>>
      %dma_start3A_197 = tpu.memref_squeeze %dma_start3A_196 : memref<1x2048xi32, #tpu.memory_space<hbm>> -> memref<2048xi32, #tpu.memory_space<hbm>>
      %dma_start3A_198 = arith.constant 0 : i32
      %dma_start3A_199 = tpu.memref_slice %arg2[%select_n3A, %dma_start3A_198] : memref<8x2048xi32, #tpu.memory_space<hbm>> -> memref<1x2048xi32, #tpu.memory_space<hbm>>
      %dma_start3A_200 = tpu.memref_squeeze %dma_start3A_199 : memref<1x2048xi32, #tpu.memory_space<hbm>> -> memref<2048xi32, #tpu.memory_space<hbm>>
      tpu.enqueue_dma source(%dma_start3A_200 : memref<2048xi32, #tpu.memory_space<hbm>>) target(%arg7 : memref<2048xi32, #tpu.memory_space<vmem>>) target_semaphore(%run_scoped3A : memref<!tpu.dma_semaphore, #tpu.memory_space<semaphore_mem>>)
      %dma_wait3A_201 = arith.constant 0 : i32
      %dma_wait3A_202 = tpu.memref_slice %arg2[%select_n3A, %dma_wait3A_201] : memref<8x2048xi32, #tpu.memory_space<hbm>> -> memref<1x2048xi32, #tpu.memory_space<hbm>>
      %dma_wait3A_203 = tpu.memref_squeeze %dma_wait3A_202 : memref<1x2048xi32, #tpu.memory_space<hbm>> -> memref<2048xi32, #tpu.memory_space<hbm>>
      %dma_wait3A_204 = arith.constant 0 : i32
      %dma_wait3A_205 = tpu.memref_slice %arg2[%select_n3A, %dma_wait3A_204] : memref<8x2048xi32, #tpu.memory_space<hbm>> -> memref<1x2048xi32, #tpu.memory_space<hbm>>
      %dma_wait3A_206 = tpu.memref_squeeze %dma_wait3A_205 : memref<1x2048xi32, #tpu.memory_space<hbm>> -> memref<2048xi32, #tpu.memory_space<hbm>>
      tpu.wait_dma2 semaphore(%run_scoped3A : memref<!tpu.dma_semaphore, #tpu.memory_space<semaphore_mem>>) src(%dma_wait3A_206 : memref<2048xi32, #tpu.memory_space<hbm>>) dst(%arg7 : memref<2048xi32, #tpu.memory_space<vmem>>)
      tpu.yield
    }) : () -> ()
    %iota3A = tpu.iota {dimensions = array<i32: 0>} : vector<16xi32>
    %parallel_loop3A = arith.constant 0 : i32
    %parallel_loop3A_33 = arith.constant 128 : i32
    %parallel_loop3A_34 = arith.constant 1 : i32
    scf.for %parallel_loop3A_195 = %parallel_loop3A to %parallel_loop3A_33 step %parallel_loop3A_34  : i32 {
      %parallel_loop3A_196 = arith.constant 16 : i32
      %parallel_loop3A_197 = arith.muli %parallel_loop3A_195, %parallel_loop3A_196 : i32
      %parallel_loop3A_198 = arith.index_cast %parallel_loop3A_197 : i32 to index
      %parallel_loop3A_199 = tpu.vector_load %arg7[%parallel_loop3A_198] {strides = array<i32>} : memref<2048xi32, #tpu.memory_space<vmem>>, vector<16xi32>,
      %parallel_loop3A_200 = arith.constant 1024 : i32
      %parallel_loop3A_201 = vector.broadcast %parallel_loop3A_200 : i32 to vector<16xi32>
      %parallel_loop3A_202 = arith.cmpi slt, %parallel_loop3A_199, %parallel_loop3A_201 : vector<16xi32>
      %parallel_loop3A_203 = arith.constant 0 : i32
      %parallel_loop3A_204 = vector.broadcast %parallel_loop3A_203 : i32 to vector<16xi32>
      %parallel_loop3A_205 = arith.select %parallel_loop3A_202, %parallel_loop3A_199, %parallel_loop3A_204 : vector<16xi1>, vector<16xi32>
      %parallel_loop3A_206 = arith.constant 16 : i32
      %parallel_loop3A_207 = arith.muli %parallel_loop3A_195, %parallel_loop3A_206 : i32
      %parallel_loop3A_208 = vector.broadcast %parallel_loop3A_207 : i32 to vector<16xi32>
      %parallel_loop3A_209 = arith.addi %iota3A, %parallel_loop3A_208 : vector<16xi32>
      tpu.vector_store_idx %arg8[%parallel_loop3A_205], %parallel_loop3A_209 masked %parallel_loop3A_202 : memref<1024xi32, #tpu.memory_space<vmem>>[vector<16xi32>], vector<16xi32>, vector<16xi1>
    } {sc.loop_unroll_factor = 4 : i64, sc.parallel_access}
    %parallel_loop3A_35 = arith.constant 0 : i32
    %parallel_loop3A_36 = arith.constant 16 : i32
    %parallel_loop3A_37 = arith.constant 1 : i32
    "tpu.trace_stop"() : () -> ()
    scf.for %parallel_loop3A_195 = %parallel_loop3A_35 to %parallel_loop3A_36 step %parallel_loop3A_37  : i32 {
      %parallel_loop3A_196 = arith.constant 256 : i32
      %parallel_loop3A_197 = arith.muli %select_n3A_32, %parallel_loop3A_196 : i32
      %parallel_loop3A_198 = arith.constant 16 : i32
      %parallel_loop3A_199 = arith.muli %parallel_loop3A_195, %parallel_loop3A_198 : i32
      %parallel_loop3A_200 = arith.addi %parallel_loop3A_197, %parallel_loop3A_199 : i32
      %parallel_loop3A_201 = arith.index_cast %parallel_loop3A_200 : i32 to index
      %parallel_loop3A_202 = tpu.vector_load %arg8[%parallel_loop3A_201] {strides = array<i32>} : memref<1024xi32, #tpu.memory_space<vmem>>, vector<16xi32>,
      %parallel_loop3A_203 = arith.constant 2048 : i32
      %parallel_loop3A_204 = arith.muli %add3A_18, %parallel_loop3A_203 : i32
      %parallel_loop3A_205 = vector.broadcast %parallel_loop3A_204 : i32 to vector<16xi32>
      %parallel_loop3A_206 = arith.addi %parallel_loop3A_202, %parallel_loop3A_205 : vector<16xi32>
      %parallel_loop3A_207 = arith.constant 16 : i32
      %parallel_loop3A_208 = arith.muli %parallel_loop3A_195, %parallel_loop3A_207 : i32
      %parallel_loop3A_209 = arith.index_cast %parallel_loop3A_208 : i32 to index
      %parallel_loop3A_210 = tpu.vector_load %arg9[%parallel_loop3A_209] {strides = array<i32>} : memref<256xi32, #tpu.memory_space<vmem>>, vector<16xi32>,
      tpu.vector_store %arg9[%parallel_loop3A_209], %parallel_loop3A_206 {strides = array<i32>} : memref<256xi32, #tpu.memory_space<vmem>>, vector<16xi32>,
    } {sc.loop_unroll_factor = 4 : i64, sc.parallel_access}
    %mul3A_38 = arith.constant 1024 : i32
    %mul3A_39 = arith.muli %select_n3A, %mul3A_38 : i32
    %mul3A_40 = arith.constant 256 : i32
    %mul3A_41 = arith.muli %select_n3A_32, %mul3A_40 : i32
    %add3A_42 = arith.addi %mul3A_39, %mul3A_41 : i32
    %dma_start3A = arith.constant 0 : i32
    %dma_start3A_43 = tpu.memref_slice %arg9[%dma_start3A] : memref<256xi32, #tpu.memory_space<vmem>> -> memref<8xi32, #tpu.memory_space<vmem>>
    %dma_start3A_44 = arith.constant 0 : i32
    %dma_start3A_45 = arith.constant 0 : i32
    %dma_start3A_46 = tpu.memref_slice %arg4[%dma_start3A_44, %dma_start3A_45] : memref<16384x2048xf32, #tpu.memory_space<hbm>> -> memref<16384x2048xf32, #tpu.memory_space<hbm>>
    tpu.enqueue_indirect_dma source(%dma_start3A_46 : memref<16384x2048xf32, #tpu.memory_space<hbm>>) target(%arg12 : memref<8x2048xf32, #tpu.memory_space<vmem>>) offsets(%dma_start3A_43 : memref<8xi32, #tpu.memory_space<vmem>>) semaphore(%arg18 : memref<!tpu.dma_semaphore, #tpu.memory_space<semaphore_mem>>)
    %dma_start3A_47 = arith.constant 8 : i32
    %dma_start3A_48 = tpu.memref_slice %arg9[%dma_start3A_47] : memref<256xi32, #tpu.memory_space<vmem>> -> memref<8xi32, #tpu.memory_space<vmem>>
    %dma_start3A_49 = arith.constant 0 : i32
    %dma_start3A_50 = arith.constant 0 : i32
    %dma_start3A_51 = tpu.memref_slice %arg4[%dma_start3A_49, %dma_start3A_50] : memref<16384x2048xf32, #tpu.memory_space<hbm>> -> memref<16384x2048xf32, #tpu.memory_space<hbm>>
    tpu.enqueue_indirect_dma source(%dma_start3A_51 : memref<16384x2048xf32, #tpu.memory_space<hbm>>) target(%arg13 : memref<8x2048xf32, #tpu.memory_space<vmem>>) offsets(%dma_start3A_48 : memref<8xi32, #tpu.memory_space<vmem>>) semaphore(%arg19 : memref<!tpu.dma_semaphore, #tpu.memory_space<semaphore_mem>>)
    "tpu.trace_start"() <{level = 10 : i32, message = "b1_xgather"}> : () -> ()
    %dma_start3A_52 = arith.constant 0 : i32
    %dma_start3A_53 = tpu.memref_slice %arg9[%dma_start3A_52] : memref<256xi32, #tpu.memory_space<vmem>> -> memref<64xi32, #tpu.memory_space<vmem>>
    %dma_start3A_54 = arith.constant 0 : i32
    %dma_start3A_55 = arith.constant 0 : i32
    %dma_start3A_56 = tpu.memref_slice %arg3[%dma_start3A_54, %dma_start3A_55] : memref<16384x512xf32, #tpu.memory_space<hbm>> -> memref<16384x512xf32, #tpu.memory_space<hbm>>
    tpu.enqueue_indirect_dma source(%dma_start3A_56 : memref<16384x512xf32, #tpu.memory_space<hbm>>) target(%arg10 : memref<64x512xf32, #tpu.memory_space<vmem>>) offsets(%dma_start3A_53 : memref<64xi32, #tpu.memory_space<vmem>>) semaphore(%arg16 : memref<!tpu.dma_semaphore, #tpu.memory_space<semaphore_mem>>)
    %dma_start3A_57 = arith.constant 64 : i32
    %dma_start3A_58 = tpu.memref_slice %arg9[%dma_start3A_57] : memref<256xi32, #tpu.memory_space<vmem>> -> memref<64xi32, #tpu.memory_space<vmem>>
    %dma_start3A_59 = arith.constant 0 : i32
    %dma_start3A_60 = arith.constant 0 : i32
    %dma_start3A_61 = tpu.memref_slice %arg3[%dma_start3A_59, %dma_start3A_60] : memref<16384x512xf32, #tpu.memory_space<hbm>> -> memref<16384x512xf32, #tpu.memory_space<hbm>>
    tpu.enqueue_indirect_dma source(%dma_start3A_61 : memref<16384x512xf32, #tpu.memory_space<hbm>>) target(%arg11 : memref<64x512xf32, #tpu.memory_space<vmem>>) offsets(%dma_start3A_58 : memref<64xi32, #tpu.memory_space<vmem>>) semaphore(%arg17 : memref<!tpu.dma_semaphore, #tpu.memory_space<semaphore_mem>>)
    %dma_wait3A = arith.constant 0 : i32
    %dma_wait3A_62 = tpu.memref_slice %arg9[%dma_wait3A] : memref<256xi32, #tpu.memory_space<vmem>> -> memref<64xi32, #tpu.memory_space<vmem>>
    %dma_wait3A_63 = arith.constant 0 : i32
    %dma_wait3A_64 = arith.constant 0 : i32
    %dma_wait3A_65 = tpu.memref_slice %arg3[%dma_wait3A_63, %dma_wait3A_64] : memref<16384x512xf32, #tpu.memory_space<hbm>> -> memref<16384x512xf32, #tpu.memory_space<hbm>>
    tpu.wait_indirect_dma semaphore(%arg16 : memref<!tpu.dma_semaphore, #tpu.memory_space<semaphore_mem>>) src(%dma_wait3A_65 : memref<16384x512xf32, #tpu.memory_space<hbm>>) dst(%arg10 : memref<64x512xf32, #tpu.memory_space<vmem>>)
    %add3A_66 = arith.constant 0 : i32
    %add3A_67 = arith.addi %add3A_42, %add3A_66 : i32
    "tpu.region"() ({
      %run_scoped3A = tpu.sem_alloc : memref<!tpu.dma_semaphore, #tpu.memory_space<semaphore_mem>>
      %dma_start3A_195 = arith.constant 0 : i32
      %dma_start3A_196 = tpu.memref_slice %arg5[%add3A_67, %dma_start3A_195] : memref<8192x512xf32, #tpu.memory_space<hbm>> -> memref<64x512xf32, #tpu.memory_space<hbm>>
      %dma_start3A_197 = arith.constant 0 : i32
      %dma_start3A_198 = tpu.memref_slice %arg5[%add3A_67, %dma_start3A_197] : memref<8192x512xf32, #tpu.memory_space<hbm>> -> memref<64x512xf32, #tpu.memory_space<hbm>>
      tpu.enqueue_dma source(%arg10 : memref<64x512xf32, #tpu.memory_space<vmem>>) target(%dma_start3A_198 : memref<64x512xf32, #tpu.memory_space<hbm>>) target_semaphore(%run_scoped3A : memref<!tpu.dma_semaphore, #tpu.memory_space<semaphore_mem>>)
      %dma_wait3A_199 = arith.constant 0 : i32
      %dma_wait3A_200 = tpu.memref_slice %arg5[%add3A_67, %dma_wait3A_199] : memref<8192x512xf32, #tpu.memory_space<hbm>> -> memref<64x512xf32, #tpu.memory_space<hbm>>
      %dma_wait3A_201 = arith.constant 0 : i32
      %dma_wait3A_202 = tpu.memref_slice %arg5[%add3A_67, %dma_wait3A_201] : memref<8192x512xf32, #tpu.memory_space<hbm>> -> memref<64x512xf32, #tpu.memory_space<hbm>>
      tpu.wait_dma2 semaphore(%run_scoped3A : memref<!tpu.dma_semaphore, #tpu.memory_space<semaphore_mem>>) src(%arg10 : memref<64x512xf32, #tpu.memory_space<vmem>>) dst(%dma_wait3A_202 : memref<64x512xf32, #tpu.memory_space<hbm>>)
      tpu.yield
    }) : () -> ()
    %dma_start3A_68 = arith.constant 128 : i32
    %dma_start3A_69 = tpu.memref_slice %arg9[%dma_start3A_68] : memref<256xi32, #tpu.memory_space<vmem>> -> memref<64xi32, #tpu.memory_space<vmem>>
    %dma_start3A_70 = arith.constant 0 : i32
    %dma_start3A_71 = arith.constant 0 : i32
    %dma_start3A_72 = tpu.memref_slice %arg3[%dma_start3A_70, %dma_start3A_71] : memref<16384x512xf32, #tpu.memory_space<hbm>> -> memref<16384x512xf32, #tpu.memory_space<hbm>>
    tpu.enqueue_indirect_dma source(%dma_start3A_72 : memref<16384x512xf32, #tpu.memory_space<hbm>>) target(%arg10 : memref<64x512xf32, #tpu.memory_space<vmem>>) offsets(%dma_start3A_69 : memref<64xi32, #tpu.memory_space<vmem>>) semaphore(%arg16 : memref<!tpu.dma_semaphore, #tpu.memory_space<semaphore_mem>>)
    %dma_wait3A_73 = arith.constant 64 : i32
    %dma_wait3A_74 = tpu.memref_slice %arg9[%dma_wait3A_73] : memref<256xi32, #tpu.memory_space<vmem>> -> memref<64xi32, #tpu.memory_space<vmem>>
    %dma_wait3A_75 = arith.constant 0 : i32
    %dma_wait3A_76 = arith.constant 0 : i32
    %dma_wait3A_77 = tpu.memref_slice %arg3[%dma_wait3A_75, %dma_wait3A_76] : memref<16384x512xf32, #tpu.memory_space<hbm>> -> memref<16384x512xf32, #tpu.memory_space<hbm>>
    tpu.wait_indirect_dma semaphore(%arg17 : memref<!tpu.dma_semaphore, #tpu.memory_space<semaphore_mem>>) src(%dma_wait3A_77 : memref<16384x512xf32, #tpu.memory_space<hbm>>) dst(%arg11 : memref<64x512xf32, #tpu.memory_space<vmem>>)
    %add3A_78 = arith.constant 64 : i32
    %add3A_79 = arith.addi %add3A_42, %add3A_78 : i32
    "tpu.region"() ({
      %run_scoped3A = tpu.sem_alloc : memref<!tpu.dma_semaphore, #tpu.memory_space<semaphore_mem>>
      %dma_start3A_195 = arith.constant 0 : i32
      %dma_start3A_196 = tpu.memref_slice %arg5[%add3A_79, %dma_start3A_195] : memref<8192x512xf32, #tpu.memory_space<hbm>> -> memref<64x512xf32, #tpu.memory_space<hbm>>
      %dma_start3A_197 = arith.constant 0 : i32
      %dma_start3A_198 = tpu.memref_slice %arg5[%add3A_79, %dma_start3A_197] : memref<8192x512xf32, #tpu.memory_space<hbm>> -> memref<64x512xf32, #tpu.memory_space<hbm>>
      tpu.enqueue_dma source(%arg11 : memref<64x512xf32, #tpu.memory_space<vmem>>) target(%dma_start3A_198 : memref<64x512xf32, #tpu.memory_space<hbm>>) target_semaphore(%run_scoped3A : memref<!tpu.dma_semaphore, #tpu.memory_space<semaphore_mem>>)
      %dma_wait3A_199 = arith.constant 0 : i32
      %dma_wait3A_200 = tpu.memref_slice %arg5[%add3A_79, %dma_wait3A_199] : memref<8192x512xf32, #tpu.memory_space<hbm>> -> memref<64x512xf32, #tpu.memory_space<hbm>>
      %dma_wait3A_201 = arith.constant 0 : i32
      %dma_wait3A_202 = tpu.memref_slice %arg5[%add3A_79, %dma_wait3A_201] : memref<8192x512xf32, #tpu.memory_space<hbm>> -> memref<64x512xf32, #tpu.memory_space<hbm>>
      tpu.wait_dma2 semaphore(%run_scoped3A : memref<!tpu.dma_semaphore, #tpu.memory_space<semaphore_mem>>) src(%arg11 : memref<64x512xf32, #tpu.memory_space<vmem>>) dst(%dma_wait3A_202 : memref<64x512xf32, #tpu.memory_space<hbm>>)
      tpu.yield
    }) : () -> ()
    %dma_start3A_80 = arith.constant 192 : i32
    %dma_start3A_81 = tpu.memref_slice %arg9[%dma_start3A_80] : memref<256xi32, #tpu.memory_space<vmem>> -> memref<64xi32, #tpu.memory_space<vmem>>
    %dma_start3A_82 = arith.constant 0 : i32
    %dma_start3A_83 = arith.constant 0 : i32
    %dma_start3A_84 = tpu.memref_slice %arg3[%dma_start3A_82, %dma_start3A_83] : memref<16384x512xf32, #tpu.memory_space<hbm>> -> memref<16384x512xf32, #tpu.memory_space<hbm>>
    tpu.enqueue_indirect_dma source(%dma_start3A_84 : memref<16384x512xf32, #tpu.memory_space<hbm>>) target(%arg11 : memref<64x512xf32, #tpu.memory_space<vmem>>) offsets(%dma_start3A_81 : memref<64xi32, #tpu.memory_space<vmem>>) semaphore(%arg17 : memref<!tpu.dma_semaphore, #tpu.memory_space<semaphore_mem>>)
    %dma_wait3A_85 = arith.constant 128 : i32
    %dma_wait3A_86 = tpu.memref_slice %arg9[%dma_wait3A_85] : memref<256xi32, #tpu.memory_space<vmem>> -> memref<64xi32, #tpu.memory_space<vmem>>
    %dma_wait3A_87 = arith.constant 0 : i32
    %dma_wait3A_88 = arith.constant 0 : i32
    %dma_wait3A_89 = tpu.memref_slice %arg3[%dma_wait3A_87, %dma_wait3A_88] : memref<16384x512xf32, #tpu.memory_space<hbm>> -> memref<16384x512xf32, #tpu.memory_space<hbm>>
    tpu.wait_indirect_dma semaphore(%arg16 : memref<!tpu.dma_semaphore, #tpu.memory_space<semaphore_mem>>) src(%dma_wait3A_89 : memref<16384x512xf32, #tpu.memory_space<hbm>>) dst(%arg10 : memref<64x512xf32, #tpu.memory_space<vmem>>)
    %add3A_90 = arith.constant 128 : i32
    %add3A_91 = arith.addi %add3A_42, %add3A_90 : i32
    "tpu.region"() ({
      %run_scoped3A = tpu.sem_alloc : memref<!tpu.dma_semaphore, #tpu.memory_space<semaphore_mem>>
      %dma_start3A_195 = arith.constant 0 : i32
      %dma_start3A_196 = tpu.memref_slice %arg5[%add3A_91, %dma_start3A_195] : memref<8192x512xf32, #tpu.memory_space<hbm>> -> memref<64x512xf32, #tpu.memory_space<hbm>>
      %dma_start3A_197 = arith.constant 0 : i32
      %dma_start3A_198 = tpu.memref_slice %arg5[%add3A_91, %dma_start3A_197] : memref<8192x512xf32, #tpu.memory_space<hbm>> -> memref<64x512xf32, #tpu.memory_space<hbm>>
      tpu.enqueue_dma source(%arg10 : memref<64x512xf32, #tpu.memory_space<vmem>>) target(%dma_start3A_198 : memref<64x512xf32, #tpu.memory_space<hbm>>) target_semaphore(%run_scoped3A : memref<!tpu.dma_semaphore, #tpu.memory_space<semaphore_mem>>)
      %dma_wait3A_199 = arith.constant 0 : i32
      %dma_wait3A_200 = tpu.memref_slice %arg5[%add3A_91, %dma_wait3A_199] : memref<8192x512xf32, #tpu.memory_space<hbm>> -> memref<64x512xf32, #tpu.memory_space<hbm>>
      %dma_wait3A_201 = arith.constant 0 : i32
      %dma_wait3A_202 = tpu.memref_slice %arg5[%add3A_91, %dma_wait3A_201] : memref<8192x512xf32, #tpu.memory_space<hbm>> -> memref<64x512xf32, #tpu.memory_space<hbm>>
      tpu.wait_dma2 semaphore(%run_scoped3A : memref<!tpu.dma_semaphore, #tpu.memory_space<semaphore_mem>>) src(%arg10 : memref<64x512xf32, #tpu.memory_space<vmem>>) dst(%dma_wait3A_202 : memref<64x512xf32, #tpu.memory_space<hbm>>)
      tpu.yield
    }) : () -> ()
    %dma_wait3A_92 = arith.constant 192 : i32
    %dma_wait3A_93 = tpu.memref_slice %arg9[%dma_wait3A_92] : memref<256xi32, #tpu.memory_space<vmem>> -> memref<64xi32, #tpu.memory_space<vmem>>
    %dma_wait3A_94 = arith.constant 0 : i32
    %dma_wait3A_95 = arith.constant 0 : i32
    %dma_wait3A_96 = tpu.memref_slice %arg3[%dma_wait3A_94, %dma_wait3A_95] : memref<16384x512xf32, #tpu.memory_space<hbm>> -> memref<16384x512xf32, #tpu.memory_space<hbm>>
    tpu.wait_indirect_dma semaphore(%arg17 : memref<!tpu.dma_semaphore, #tpu.memory_space<semaphore_mem>>) src(%dma_wait3A_96 : memref<16384x512xf32, #tpu.memory_space<hbm>>) dst(%arg11 : memref<64x512xf32, #tpu.memory_space<vmem>>)
    %add3A_97 = arith.constant 192 : i32
    %add3A_98 = arith.addi %add3A_42, %add3A_97 : i32
    "tpu.region"() ({
      %run_scoped3A = tpu.sem_alloc : memref<!tpu.dma_semaphore, #tpu.memory_space<semaphore_mem>>
      %dma_start3A_195 = arith.constant 0 : i32
      %dma_start3A_196 = tpu.memref_slice %arg5[%add3A_98, %dma_start3A_195] : memref<8192x512xf32, #tpu.memory_space<hbm>> -> memref<64x512xf32, #tpu.memory_space<hbm>>
      %dma_start3A_197 = arith.constant 0 : i32
      %dma_start3A_198 = tpu.memref_slice %arg5[%add3A_98, %dma_start3A_197] : memref<8192x512xf32, #tpu.memory_space<hbm>> -> memref<64x512xf32, #tpu.memory_space<hbm>>
      tpu.enqueue_dma source(%arg11 : memref<64x512xf32, #tpu.memory_space<vmem>>) target(%dma_start3A_198 : memref<64x512xf32, #tpu.memory_space<hbm>>) target_semaphore(%run_scoped3A : memref<!tpu.dma_semaphore, #tpu.memory_space<semaphore_mem>>)
      %dma_wait3A_199 = arith.constant 0 : i32
      %dma_wait3A_200 = tpu.memref_slice %arg5[%add3A_98, %dma_wait3A_199] : memref<8192x512xf32, #tpu.memory_space<hbm>> -> memref<64x512xf32, #tpu.memory_space<hbm>>
      %dma_wait3A_201 = arith.constant 0 : i32
      %dma_wait3A_202 = tpu.memref_slice %arg5[%add3A_98, %dma_wait3A_201] : memref<8192x512xf32, #tpu.memory_space<hbm>> -> memref<64x512xf32, #tpu.memory_space<hbm>>
      tpu.wait_dma2 semaphore(%run_scoped3A : memref<!tpu.dma_semaphore, #tpu.memory_space<semaphore_mem>>) src(%arg11 : memref<64x512xf32, #tpu.memory_space<vmem>>) dst(%dma_wait3A_202 : memref<64x512xf32, #tpu.memory_space<hbm>>)
      tpu.yield
    }) : () -> ()
    "tpu.trace_stop"() : () -> ()
    "tpu.trace_start"() <{level = 10 : i32, message = "b2_head"}> : () -> ()
    %dma_wait3A_99 = arith.constant 0 : i32
    %dma_wait3A_100 = tpu.memref_slice %arg9[%dma_wait3A_99] : memref<256xi32, #tpu.memory_space<vmem>> -> memref<8xi32, #tpu.memory_space<vmem>>
    %dma_wait3A_101 = arith.constant 0 : i32
    %dma_wait3A_102 = arith.constant 0 : i32
    %dma_wait3A_103 = tpu.memref_slice %arg4[%dma_wait3A_101, %dma_wait3A_102] : memref<16384x2048xf32, #tpu.memory_space<hbm>> -> memref<16384x2048xf32, #tpu.memory_space<hbm>>
    tpu.wait_indirect_dma semaphore(%arg18 : memref<!tpu.dma_semaphore, #tpu.memory_space<semaphore_mem>>) src(%dma_wait3A_103 : memref<16384x2048xf32, #tpu.memory_space<hbm>>) dst(%arg12 : memref<8x2048xf32, #tpu.memory_space<vmem>>)
    %parallel_loop3A_104 = arith.constant 0 : i32
    %parallel_loop3A_105 = arith.constant 64 : i32
    %parallel_loop3A_106 = arith.constant 1 : i32
    scf.for %parallel_loop3A_195 = %parallel_loop3A_104 to %parallel_loop3A_105 step %parallel_loop3A_106  : i32 {
      %parallel_loop3A_196 = arith.constant 16 : i32
      %parallel_loop3A_197 = arith.muli %parallel_loop3A_195, %parallel_loop3A_196 : i32
      %parallel_loop3A_198 = arith.index_cast %parallel_loop3A_197 : i32 to index
      %parallel_loop3A_199 = tpu.vector_load %arg8[%parallel_loop3A_198] {strides = array<i32>} : memref<1024xi32, #tpu.memory_space<vmem>>, vector<16xi32>,
      %parallel_loop3A_200 = arith.constant 0 : i32
      %parallel_loop3A_201 = vector.broadcast %parallel_loop3A_200 : i32 to vector<16xi32>
      %parallel_loop3A_202 = tpu.vector_load_idx %arg12[%parallel_loop3A_201, %parallel_loop3A_199] : memref<8x2048xf32, #tpu.memory_space<vmem>>[vector<16xi32>, vector<16xi32>], vector<16xf32>,
      %parallel_loop3A_203 = arith.constant 16 : i32
      %parallel_loop3A_204 = arith.muli %parallel_loop3A_195, %parallel_loop3A_203 : i32
      %parallel_loop3A_205 = arith.constant 0 : i32
      %parallel_loop3A_206 = arith.index_cast %parallel_loop3A_205 : i32 to index
      %parallel_loop3A_207 = arith.index_cast %parallel_loop3A_204 : i32 to index
      %parallel_loop3A_208 = tpu.vector_load %arg14[%parallel_loop3A_206, %parallel_loop3A_207] {strides = array<i32>} : memref<8x1024xf32, #tpu.memory_space<vmem>>, vector<16xf32>,
      tpu.vector_store %arg14[%parallel_loop3A_206, %parallel_loop3A_207], %parallel_loop3A_202 {strides = array<i32>} : memref<8x1024xf32, #tpu.memory_space<vmem>>, vector<16xf32>,
      %parallel_loop3A_209 = arith.constant 1 : i32
      %parallel_loop3A_210 = vector.broadcast %parallel_loop3A_209 : i32 to vector<16xi32>
      %parallel_loop3A_211 = tpu.vector_load_idx %arg12[%parallel_loop3A_210, %parallel_loop3A_199] : memref<8x2048xf32, #tpu.memory_space<vmem>>[vector<16xi32>, vector<16xi32>], vector<16xf32>,
      %parallel_loop3A_212 = arith.constant 16 : i32
      %parallel_loop3A_213 = arith.muli %parallel_loop3A_195, %parallel_loop3A_212 : i32
      %parallel_loop3A_214 = arith.constant 1 : i32
      %parallel_loop3A_215 = arith.index_cast %parallel_loop3A_214 : i32 to index
      %parallel_loop3A_216 = arith.index_cast %parallel_loop3A_213 : i32 to index
      %parallel_loop3A_217 = tpu.vector_load %arg14[%parallel_loop3A_215, %parallel_loop3A_216] {strides = array<i32>} : memref<8x1024xf32, #tpu.memory_space<vmem>>, vector<16xf32>,
      tpu.vector_store %arg14[%parallel_loop3A_215, %parallel_loop3A_216], %parallel_loop3A_211 {strides = array<i32>} : memref<8x1024xf32, #tpu.memory_space<vmem>>, vector<16xf32>,
      %parallel_loop3A_218 = arith.constant 2 : i32
      %parallel_loop3A_219 = vector.broadcast %parallel_loop3A_218 : i32 to vector<16xi32>
      %parallel_loop3A_220 = tpu.vector_load_idx %arg12[%parallel_loop3A_219, %parallel_loop3A_199] : memref<8x2048xf32, #tpu.memory_space<vmem>>[vector<16xi32>, vector<16xi32>], vector<16xf32>,
      %parallel_loop3A_221 = arith.constant 16 : i32
      %parallel_loop3A_222 = arith.muli %parallel_loop3A_195, %parallel_loop3A_221 : i32
      %parallel_loop3A_223 = arith.constant 2 : i32
      %parallel_loop3A_224 = arith.index_cast %parallel_loop3A_223 : i32 to index
      %parallel_loop3A_225 = arith.index_cast %parallel_loop3A_222 : i32 to index
      %parallel_loop3A_226 = tpu.vector_load %arg14[%parallel_loop3A_224, %parallel_loop3A_225] {strides = array<i32>} : memref<8x1024xf32, #tpu.memory_space<vmem>>, vector<16xf32>,
      tpu.vector_store %arg14[%parallel_loop3A_224, %parallel_loop3A_225], %parallel_loop3A_220 {strides = array<i32>} : memref<8x1024xf32, #tpu.memory_space<vmem>>, vector<16xf32>,
      %parallel_loop3A_227 = arith.constant 3 : i32
      %parallel_loop3A_228 = vector.broadcast %parallel_loop3A_227 : i32 to vector<16xi32>
      %parallel_loop3A_229 = tpu.vector_load_idx %arg12[%parallel_loop3A_228, %parallel_loop3A_199] : memref<8x2048xf32, #tpu.memory_space<vmem>>[vector<16xi32>, vector<16xi32>], vector<16xf32>,
      %parallel_loop3A_230 = arith.constant 16 : i32
      %parallel_loop3A_231 = arith.muli %parallel_loop3A_195, %parallel_loop3A_230 : i32
      %parallel_loop3A_232 = arith.constant 3 : i32
      %parallel_loop3A_233 = arith.index_cast %parallel_loop3A_232 : i32 to index
      %parallel_loop3A_234 = arith.index_cast %parallel_loop3A_231 : i32 to index
      %parallel_loop3A_235 = tpu.vector_load %arg14[%parallel_loop3A_233, %parallel_loop3A_234] {strides = array<i32>} : memref<8x1024xf32, #tpu.memory_space<vmem>>, vector<16xf32>,
      tpu.vector_store %arg14[%parallel_loop3A_233, %parallel_loop3A_234], %parallel_loop3A_229 {strides = array<i32>} : memref<8x1024xf32, #tpu.memory_space<vmem>>, vector<16xf32>,
      %parallel_loop3A_236 = arith.constant 4 : i32
      %parallel_loop3A_237 = vector.broadcast %parallel_loop3A_236 : i32 to vector<16xi32>
      %parallel_loop3A_238 = tpu.vector_load_idx %arg12[%parallel_loop3A_237, %parallel_loop3A_199] : memref<8x2048xf32, #tpu.memory_space<vmem>>[vector<16xi32>, vector<16xi32>], vector<16xf32>,
      %parallel_loop3A_239 = arith.constant 16 : i32
      %parallel_loop3A_240 = arith.muli %parallel_loop3A_195, %parallel_loop3A_239 : i32
      %parallel_loop3A_241 = arith.constant 4 : i32
      %parallel_loop3A_242 = arith.index_cast %parallel_loop3A_241 : i32 to index
      %parallel_loop3A_243 = arith.index_cast %parallel_loop3A_240 : i32 to index
      %parallel_loop3A_244 = tpu.vector_load %arg14[%parallel_loop3A_242, %parallel_loop3A_243] {strides = array<i32>} : memref<8x1024xf32, #tpu.memory_space<vmem>>, vector<16xf32>,
      tpu.vector_store %arg14[%parallel_loop3A_242, %parallel_loop3A_243], %parallel_loop3A_238 {strides = array<i32>} : memref<8x1024xf32, #tpu.memory_space<vmem>>, vector<16xf32>,
      %parallel_loop3A_245 = arith.constant 5 : i32
      %parallel_loop3A_246 = vector.broadcast %parallel_loop3A_245 : i32 to vector<16xi32>
      %parallel_loop3A_247 = tpu.vector_load_idx %arg12[%parallel_loop3A_246, %parallel_loop3A_199] : memref<8x2048xf32, #tpu.memory_space<vmem>>[vector<16xi32>, vector<16xi32>], vector<16xf32>,
      %parallel_loop3A_248 = arith.constant 16 : i32
      %parallel_loop3A_249 = arith.muli %parallel_loop3A_195, %parallel_loop3A_248 : i32
      %parallel_loop3A_250 = arith.constant 5 : i32
      %parallel_loop3A_251 = arith.index_cast %parallel_loop3A_250 : i32 to index
      %parallel_loop3A_252 = arith.index_cast %parallel_loop3A_249 : i32 to index
      %parallel_loop3A_253 = tpu.vector_load %arg14[%parallel_loop3A_251, %parallel_loop3A_252] {strides = array<i32>} : memref<8x1024xf32, #tpu.memory_space<vmem>>, vector<16xf32>,
      tpu.vector_store %arg14[%parallel_loop3A_251, %parallel_loop3A_252], %parallel_loop3A_247 {strides = array<i32>} : memref<8x1024xf32, #tpu.memory_space<vmem>>, vector<16xf32>,
      %parallel_loop3A_254 = arith.constant 6 : i32
      %parallel_loop3A_255 = vector.broadcast %parallel_loop3A_254 : i32 to vector<16xi32>
      %parallel_loop3A_256 = tpu.vector_load_idx %arg12[%parallel_loop3A_255, %parallel_loop3A_199] : memref<8x2048xf32, #tpu.memory_space<vmem>>[vector<16xi32>, vector<16xi32>], vector<16xf32>,
      %parallel_loop3A_257 = arith.constant 16 : i32
      %parallel_loop3A_258 = arith.muli %parallel_loop3A_195, %parallel_loop3A_257 : i32
      %parallel_loop3A_259 = arith.constant 6 : i32
      %parallel_loop3A_260 = arith.index_cast %parallel_loop3A_259 : i32 to index
      %parallel_loop3A_261 = arith.index_cast %parallel_loop3A_258 : i32 to index
      %parallel_loop3A_262 = tpu.vector_load %arg14[%parallel_loop3A_260, %parallel_loop3A_261] {strides = array<i32>} : memref<8x1024xf32, #tpu.memory_space<vmem>>, vector<16xf32>,
      tpu.vector_store %arg14[%parallel_loop3A_260, %parallel_loop3A_261], %parallel_loop3A_256 {strides = array<i32>} : memref<8x1024xf32, #tpu.memory_space<vmem>>, vector<16xf32>,
      %parallel_loop3A_263 = arith.constant 7 : i32
      %parallel_loop3A_264 = vector.broadcast %parallel_loop3A_263 : i32 to vector<16xi32>
      %parallel_loop3A_265 = tpu.vector_load_idx %arg12[%parallel_loop3A_264, %parallel_loop3A_199] : memref<8x2048xf32, #tpu.memory_space<vmem>>[vector<16xi32>, vector<16xi32>], vector<16xf32>,
      %parallel_loop3A_266 = arith.constant 16 : i32
      %parallel_loop3A_267 = arith.muli %parallel_loop3A_195, %parallel_loop3A_266 : i32
      %parallel_loop3A_268 = arith.constant 7 : i32
      %parallel_loop3A_269 = arith.index_cast %parallel_loop3A_268 : i32 to index
      %parallel_loop3A_270 = arith.index_cast %parallel_loop3A_267 : i32 to index
      %parallel_loop3A_271 = tpu.vector_load %arg14[%parallel_loop3A_269, %parallel_loop3A_270] {strides = array<i32>} : memref<8x1024xf32, #tpu.memory_space<vmem>>, vector<16xf32>,
      tpu.vector_store %arg14[%parallel_loop3A_269, %parallel_loop3A_270], %parallel_loop3A_265 {strides = array<i32>} : memref<8x1024xf32, #tpu.memory_space<vmem>>, vector<16xf32>,
    } {sc.loop_unroll_factor = 4 : i64, sc.parallel_access}
    %add3A_107 = arith.constant 0 : i32
    %add3A_108 = arith.addi %add3A_42, %add3A_107 : i32
    %dma_start3A_109 = arith.constant 0 : i32
    %dma_start3A_110 = tpu.memref_slice %arg6[%add3A_108, %dma_start3A_109] : memref<8192x1024xf32, #tpu.memory_space<hbm>> -> memref<8x1024xf32, #tpu.memory_space<hbm>>
    %dma_start3A_111 = arith.constant 0 : i32
    %dma_start3A_112 = tpu.memref_slice %arg6[%add3A_108, %dma_start3A_111] : memref<8192x1024xf32, #tpu.memory_space<hbm>> -> memref<8x1024xf32, #tpu.memory_space<hbm>>
    tpu.enqueue_dma source(%arg14 : memref<8x1024xf32, #tpu.memory_space<vmem>>) target(%dma_start3A_112 : memref<8x1024xf32, #tpu.memory_space<hbm>>) target_semaphore(%arg20 : memref<!tpu.dma_semaphore, #tpu.memory_space<semaphore_mem>>)
    %dma_start3A_113 = arith.constant 16 : i32
    %dma_start3A_114 = tpu.memref_slice %arg9[%dma_start3A_113] : memref<256xi32, #tpu.memory_space<vmem>> -> memref<8xi32, #tpu.memory_space<vmem>>
    %dma_start3A_115 = arith.constant 0 : i32
    %dma_start3A_116 = arith.constant 0 : i32
    %dma_start3A_117 = tpu.memref_slice %arg4[%dma_start3A_115, %dma_start3A_116] : memref<16384x2048xf32, #tpu.memory_space<hbm>> -> memref<16384x2048xf32, #tpu.memory_space<hbm>>
    tpu.enqueue_indirect_dma source(%dma_start3A_117 : memref<16384x2048xf32, #tpu.memory_space<hbm>>) target(%arg12 : memref<8x2048xf32, #tpu.memory_space<vmem>>) offsets(%dma_start3A_114 : memref<8xi32, #tpu.memory_space<vmem>>) semaphore(%arg18 : memref<!tpu.dma_semaphore, #tpu.memory_space<semaphore_mem>>)
    %dma_wait3A_118 = arith.constant 8 : i32
    %dma_wait3A_119 = tpu.memref_slice %arg9[%dma_wait3A_118] : memref<256xi32, #tpu.memory_space<vmem>> -> memref<8xi32, #tpu.memory_space<vmem>>
    %dma_wait3A_120 = arith.constant 0 : i32
    %dma_wait3A_121 = arith.constant 0 : i32
    %dma_wait3A_122 = tpu.memref_slice %arg4[%dma_wait3A_120, %dma_wait3A_121] : memref<16384x2048xf32, #tpu.memory_space<hbm>> -> memref<16384x2048xf32, #tpu.memory_space<hbm>>
    tpu.wait_indirect_dma semaphore(%arg19 : memref<!tpu.dma_semaphore, #tpu.memory_space<semaphore_mem>>) src(%dma_wait3A_122 : memref<16384x2048xf32, #tpu.memory_space<hbm>>) dst(%arg13 : memref<8x2048xf32, #tpu.memory_space<vmem>>)
    %parallel_loop3A_123 = arith.constant 0 : i32
    %parallel_loop3A_124 = arith.constant 64 : i32
    %parallel_loop3A_125 = arith.constant 1 : i32
    scf.for %parallel_loop3A_195 = %parallel_loop3A_123 to %parallel_loop3A_124 step %parallel_loop3A_125  : i32 {
      %parallel_loop3A_196 = arith.constant 16 : i32
      %parallel_loop3A_197 = arith.muli %parallel_loop3A_195, %parallel_loop3A_196 : i32
      %parallel_loop3A_198 = arith.index_cast %parallel_loop3A_197 : i32 to index
      %parallel_loop3A_199 = tpu.vector_load %arg8[%parallel_loop3A_198] {strides = array<i32>} : memref<1024xi32, #tpu.memory_space<vmem>>, vector<16xi32>,
      %parallel_loop3A_200 = arith.constant 0 : i32
      %parallel_loop3A_201 = vector.broadcast %parallel_loop3A_200 : i32 to vector<16xi32>
      %parallel_loop3A_202 = tpu.vector_load_idx %arg13[%parallel_loop3A_201, %parallel_loop3A_199] : memref<8x2048xf32, #tpu.memory_space<vmem>>[vector<16xi32>, vector<16xi32>], vector<16xf32>,
      %parallel_loop3A_203 = arith.constant 16 : i32
      %parallel_loop3A_204 = arith.muli %parallel_loop3A_195, %parallel_loop3A_203 : i32
      %parallel_loop3A_205 = arith.constant 0 : i32
      %parallel_loop3A_206 = arith.index_cast %parallel_loop3A_205 : i32 to index
      %parallel_loop3A_207 = arith.index_cast %parallel_loop3A_204 : i32 to index
      %parallel_loop3A_208 = tpu.vector_load %arg15[%parallel_loop3A_206, %parallel_loop3A_207] {strides = array<i32>} : memref<8x1024xf32, #tpu.memory_space<vmem>>, vector<16xf32>,
      tpu.vector_store %arg15[%parallel_loop3A_206, %parallel_loop3A_207], %parallel_loop3A_202 {strides = array<i32>} : memref<8x1024xf32, #tpu.memory_space<vmem>>, vector<16xf32>,
      %parallel_loop3A_209 = arith.constant 1 : i32
      %parallel_loop3A_210 = vector.broadcast %parallel_loop3A_209 : i32 to vector<16xi32>
      %parallel_loop3A_211 = tpu.vector_load_idx %arg13[%parallel_loop3A_210, %parallel_loop3A_199] : memref<8x2048xf32, #tpu.memory_space<vmem>>[vector<16xi32>, vector<16xi32>], vector<16xf32>,
      %parallel_loop3A_212 = arith.constant 16 : i32
      %parallel_loop3A_213 = arith.muli %parallel_loop3A_195, %parallel_loop3A_212 : i32
      %parallel_loop3A_214 = arith.constant 1 : i32
      %parallel_loop3A_215 = arith.index_cast %parallel_loop3A_214 : i32 to index
      %parallel_loop3A_216 = arith.index_cast %parallel_loop3A_213 : i32 to index
      %parallel_loop3A_217 = tpu.vector_load %arg15[%parallel_loop3A_215, %parallel_loop3A_216] {strides = array<i32>} : memref<8x1024xf32, #tpu.memory_space<vmem>>, vector<16xf32>,
      tpu.vector_store %arg15[%parallel_loop3A_215, %parallel_loop3A_216], %parallel_loop3A_211 {strides = array<i32>} : memref<8x1024xf32, #tpu.memory_space<vmem>>, vector<16xf32>,
      %parallel_loop3A_218 = arith.constant 2 : i32
      %parallel_loop3A_219 = vector.broadcast %parallel_loop3A_218 : i32 to vector<16xi32>
      %parallel_loop3A_220 = tpu.vector_load_idx %arg13[%parallel_loop3A_219, %parallel_loop3A_199] : memref<8x2048xf32, #tpu.memory_space<vmem>>[vector<16xi32>, vector<16xi32>], vector<16xf32>,
      %parallel_loop3A_221 = arith.constant 16 : i32
      %parallel_loop3A_222 = arith.muli %parallel_loop3A_195, %parallel_loop3A_221 : i32
      %parallel_loop3A_223 = arith.constant 2 : i32
      %parallel_loop3A_224 = arith.index_cast %parallel_loop3A_223 : i32 to index
      %parallel_loop3A_225 = arith.index_cast %parallel_loop3A_222 : i32 to index
      %parallel_loop3A_226 = tpu.vector_load %arg15[%parallel_loop3A_224, %parallel_loop3A_225] {strides = array<i32>} : memref<8x1024xf32, #tpu.memory_space<vmem>>, vector<16xf32>,
      tpu.vector_store %arg15[%parallel_loop3A_224, %parallel_loop3A_225], %parallel_loop3A_220 {strides = array<i32>} : memref<8x1024xf32, #tpu.memory_space<vmem>>, vector<16xf32>,
      %parallel_loop3A_227 = arith.constant 3 : i32
      %parallel_loop3A_228 = vector.broadcast %parallel_loop3A_227 : i32 to vector<16xi32>
      %parallel_loop3A_229 = tpu.vector_load_idx %arg13[%parallel_loop3A_228, %parallel_loop3A_199] : memref<8x2048xf32, #tpu.memory_space<vmem>>[vector<16xi32>, vector<16xi32>], vector<16xf32>,
      %parallel_loop3A_230 = arith.constant 16 : i32
      %parallel_loop3A_231 = arith.muli %parallel_loop3A_195, %parallel_loop3A_230 : i32
      %parallel_loop3A_232 = arith.constant 3 : i32
      %parallel_loop3A_233 = arith.index_cast %parallel_loop3A_232 : i32 to index
      %parallel_loop3A_234 = arith.index_cast %parallel_loop3A_231 : i32 to index
      %parallel_loop3A_235 = tpu.vector_load %arg15[%parallel_loop3A_233, %parallel_loop3A_234] {strides = array<i32>} : memref<8x1024xf32, #tpu.memory_space<vmem>>, vector<16xf32>,
      tpu.vector_store %arg15[%parallel_loop3A_233, %parallel_loop3A_234], %parallel_loop3A_229 {strides = array<i32>} : memref<8x1024xf32, #tpu.memory_space<vmem>>, vector<16xf32>,
      %parallel_loop3A_236 = arith.constant 4 : i32
      %parallel_loop3A_237 = vector.broadcast %parallel_loop3A_236 : i32 to vector<16xi32>
      %parallel_loop3A_238 = tpu.vector_load_idx %arg13[%parallel_loop3A_237, %parallel_loop3A_199] : memref<8x2048xf32, #tpu.memory_space<vmem>>[vector<16xi32>, vector<16xi32>], vector<16xf32>,
      %parallel_loop3A_239 = arith.constant 16 : i32
      %parallel_loop3A_240 = arith.muli %parallel_loop3A_195, %parallel_loop3A_239 : i32
      %parallel_loop3A_241 = arith.constant 4 : i32
      %parallel_loop3A_242 = arith.index_cast %parallel_loop3A_241 : i32 to index
      %parallel_loop3A_243 = arith.index_cast %parallel_loop3A_240 : i32 to index
      %parallel_loop3A_244 = tpu.vector_load %arg15[%parallel_loop3A_242, %parallel_loop3A_243] {strides = array<i32>} : memref<8x1024xf32, #tpu.memory_space<vmem>>, vector<16xf32>,
      tpu.vector_store %arg15[%parallel_loop3A_242, %parallel_loop3A_243], %parallel_loop3A_238 {strides = array<i32>} : memref<8x1024xf32, #tpu.memory_space<vmem>>, vector<16xf32>,
      %parallel_loop3A_245 = arith.constant 5 : i32
      %parallel_loop3A_246 = vector.broadcast %parallel_loop3A_245 : i32 to vector<16xi32>
      %parallel_loop3A_247 = tpu.vector_load_idx %arg13[%parallel_loop3A_246, %parallel_loop3A_199] : memref<8x2048xf32, #tpu.memory_space<vmem>>[vector<16xi32>, vector<16xi32>], vector<16xf32>,
      %parallel_loop3A_248 = arith.constant 16 : i32
      %parallel_loop3A_249 = arith.muli %parallel_loop3A_195, %parallel_loop3A_248 : i32
      %parallel_loop3A_250 = arith.constant 5 : i32
      %parallel_loop3A_251 = arith.index_cast %parallel_loop3A_250 : i32 to index
      %parallel_loop3A_252 = arith.index_cast %parallel_loop3A_249 : i32 to index
      %parallel_loop3A_253 = tpu.vector_load %arg15[%parallel_loop3A_251, %parallel_loop3A_252] {strides = array<i32>} : memref<8x1024xf32, #tpu.memory_space<vmem>>, vector<16xf32>,
      tpu.vector_store %arg15[%parallel_loop3A_251, %parallel_loop3A_252], %parallel_loop3A_247 {strides = array<i32>} : memref<8x1024xf32, #tpu.memory_space<vmem>>, vector<16xf32>,
      %parallel_loop3A_254 = arith.constant 6 : i32
      %parallel_loop3A_255 = vector.broadcast %parallel_loop3A_254 : i32 to vector<16xi32>
      %parallel_loop3A_256 = tpu.vector_load_idx %arg13[%parallel_loop3A_255, %parallel_loop3A_199] : memref<8x2048xf32, #tpu.memory_space<vmem>>[vector<16xi32>, vector<16xi32>], vector<16xf32>,
      %parallel_loop3A_257 = arith.constant 16 : i32
      %parallel_loop3A_258 = arith.muli %parallel_loop3A_195, %parallel_loop3A_257 : i32
      %parallel_loop3A_259 = arith.constant 6 : i32
      %parallel_loop3A_260 = arith.index_cast %parallel_loop3A_259 : i32 to index
      %parallel_loop3A_261 = arith.index_cast %parallel_loop3A_258 : i32 to index
      %parallel_loop3A_262 = tpu.vector_load %arg15[%parallel_loop3A_260, %parallel_loop3A_261] {strides = array<i32>} : memref<8x1024xf32, #tpu.memory_space<vmem>>, vector<16xf32>,
      tpu.vector_store %arg15[%parallel_loop3A_260, %parallel_loop3A_261], %parallel_loop3A_256 {strides = array<i32>} : memref<8x1024xf32, #tpu.memory_space<vmem>>, vector<16xf32>,
      %parallel_loop3A_263 = arith.constant 7 : i32
      %parallel_loop3A_264 = vector.broadcast %parallel_loop3A_263 : i32 to vector<16xi32>
      %parallel_loop3A_265 = tpu.vector_load_idx %arg13[%parallel_loop3A_264, %parallel_loop3A_199] : memref<8x2048xf32, #tpu.memory_space<vmem>>[vector<16xi32>, vector<16xi32>], vector<16xf32>,
      %parallel_loop3A_266 = arith.constant 16 : i32
      %parallel_loop3A_267 = arith.muli %parallel_loop3A_195, %parallel_loop3A_266 : i32
      %parallel_loop3A_268 = arith.constant 7 : i32
      %parallel_loop3A_269 = arith.index_cast %parallel_loop3A_268 : i32 to index
      %parallel_loop3A_270 = arith.index_cast %parallel_loop3A_267 : i32 to index
      %parallel_loop3A_271 = tpu.vector_load %arg15[%parallel_loop3A_269, %parallel_loop3A_270] {strides = array<i32>} : memref<8x1024xf32, #tpu.memory_space<vmem>>, vector<16xf32>,
      tpu.vector_store %arg15[%parallel_loop3A_269, %parallel_loop3A_270], %parallel_loop3A_265 {strides = array<i32>} : memref<8x1024xf32, #tpu.memory_space<vmem>>, vector<16xf32>,
    } {sc.loop_unroll_factor = 4 : i64, sc.parallel_access}
    %add3A_126 = arith.constant 8 : i32
    %add3A_127 = arith.addi %add3A_42, %add3A_126 : i32
    %dma_start3A_128 = arith.constant 0 : i32
    %dma_start3A_129 = tpu.memref_slice %arg6[%add3A_127, %dma_start3A_128] : memref<8192x1024xf32, #tpu.memory_space<hbm>> -> memref<8x1024xf32, #tpu.memory_space<hbm>>
    %dma_start3A_130 = arith.constant 0 : i32
    %dma_start3A_131 = tpu.memref_slice %arg6[%add3A_127, %dma_start3A_130] : memref<8192x1024xf32, #tpu.memory_space<hbm>> -> memref<8x1024xf32, #tpu.memory_space<hbm>>
    tpu.enqueue_dma source(%arg15 : memref<8x1024xf32, #tpu.memory_space<vmem>>) target(%dma_start3A_131 : memref<8x1024xf32, #tpu.memory_space<hbm>>) target_semaphore(%arg21 : memref<!tpu.dma_semaphore, #tpu.memory_space<semaphore_mem>>)
    %dma_start3A_132 = arith.constant 24 : i32
    %dma_start3A_133 = tpu.memref_slice %arg9[%dma_start3A_132] : memref<256xi32, #tpu.memory_space<vmem>> -> memref<8xi32, #tpu.memory_space<vmem>>
    %dma_start3A_134 = arith.constant 0 : i32
    %dma_start3A_135 = arith.constant 0 : i32
    %dma_start3A_136 = tpu.memref_slice %arg4[%dma_start3A_134, %dma_start3A_135] : memref<16384x2048xf32, #tpu.memory_space<hbm>> -> memref<16384x2048xf32, #tpu.memory_space<hbm>>
    tpu.enqueue_indirect_dma source(%dma_start3A_136 : memref<16384x2048xf32, #tpu.memory_space<hbm>>) target(%arg13 : memref<8x2048xf32, #tpu.memory_space<vmem>>) offsets(%dma_start3A_133 : memref<8xi32, #tpu.memory_space<vmem>>) semaphore(%arg19 : memref<!tpu.dma_semaphore, #tpu.memory_space<semaphore_mem>>)
    "tpu.trace_stop"() : () -> ()
    "tpu.trace_start"() <{level = 10 : i32, message = "b2_main"}> : () -> ()
    %scan3A = arith.constant 0 : i32
    %scan3A_137 = arith.constant 1 : i32
    %scan3A_138 = arith.constant 14 : i32
    %scan3A_139 = arith.addi %scan3A_137, %scan3A_138 : i32
    %scan3A_140 = arith.constant 1 : i32
    %scan3A_141 = scf.for %scan3A_195 = %scan3A_137 to %scan3A_139 step %scan3A_140 iter_args(%scan3A_196 = %scan3A) -> (i32)  : i32 {
      %mul3A_197 = arith.constant 2 : i32
      %mul3A_198 = arith.muli %mul3A_197, %scan3A_195 : i32
      %add3A_199 = arith.constant 0 : i32
      %add3A_200 = arith.addi %mul3A_198, %add3A_199 : i32
      %mul3A_201 = arith.constant 8 : i32
      %mul3A_202 = arith.muli %add3A_200, %mul3A_201 : i32
      %dma_wait3A_203 = tpu.memref_slice %arg9[%mul3A_202] : memref<256xi32, #tpu.memory_space<vmem>> -> memref<8xi32, #tpu.memory_space<vmem>>
      %dma_wait3A_204 = arith.constant 0 : i32
      %dma_wait3A_205 = arith.constant 0 : i32
      %dma_wait3A_206 = tpu.memref_slice %arg4[%dma_wait3A_204, %dma_wait3A_205] : memref<16384x2048xf32, #tpu.memory_space<hbm>> -> memref<16384x2048xf32, #tpu.memory_space<hbm>>
      tpu.wait_indirect_dma semaphore(%arg18 : memref<!tpu.dma_semaphore, #tpu.memory_space<semaphore_mem>>) src(%dma_wait3A_206 : memref<16384x2048xf32, #tpu.memory_space<hbm>>) dst(%arg12 : memref<8x2048xf32, #tpu.memory_space<vmem>>)
      %sub3A_207 = arith.constant 2 : i32
      %sub3A_208 = arith.subi %add3A_200, %sub3A_207 : i32
      %mul3A_209 = arith.constant 8 : i32
      %mul3A_210 = arith.muli %sub3A_208, %mul3A_209 : i32
      %add3A_211 = arith.addi %add3A_42, %mul3A_210 : i32
      %dma_wait3A_212 = arith.constant 0 : i32
      %dma_wait3A_213 = tpu.memref_slice %arg6[%add3A_211, %dma_wait3A_212] : memref<8192x1024xf32, #tpu.memory_space<hbm>> -> memref<8x1024xf32, #tpu.memory_space<hbm>>
      %dma_wait3A_214 = arith.constant 0 : i32
      %dma_wait3A_215 = tpu.memref_slice %arg6[%add3A_211, %dma_wait3A_214] : memref<8192x1024xf32, #tpu.memory_space<hbm>> -> memref<8x1024xf32, #tpu.memory_space<hbm>>
      tpu.wait_dma2 semaphore(%arg20 : memref<!tpu.dma_semaphore, #tpu.memory_space<semaphore_mem>>) src(%arg14 : memref<8x1024xf32, #tpu.memory_space<vmem>>) dst(%dma_wait3A_215 : memref<8x1024xf32, #tpu.memory_space<hbm>>)
      %parallel_loop3A_216 = arith.constant 0 : i32
      %parallel_loop3A_217 = arith.constant 64 : i32
      %parallel_loop3A_218 = arith.constant 1 : i32
      scf.for %parallel_loop3A_272 = %parallel_loop3A_216 to %parallel_loop3A_217 step %parallel_loop3A_218  : i32 {
        %parallel_loop3A_273 = arith.constant 16 : i32
        %parallel_loop3A_274 = arith.muli %parallel_loop3A_272, %parallel_loop3A_273 : i32
        %parallel_loop3A_275 = arith.index_cast %parallel_loop3A_274 : i32 to index
        %parallel_loop3A_276 = tpu.vector_load %arg8[%parallel_loop3A_275] {strides = array<i32>} : memref<1024xi32, #tpu.memory_space<vmem>>, vector<16xi32>,
        %parallel_loop3A_277 = arith.constant 0 : i32
        %parallel_loop3A_278 = vector.broadcast %parallel_loop3A_277 : i32 to vector<16xi32>
        %parallel_loop3A_279 = tpu.vector_load_idx %arg12[%parallel_loop3A_278, %parallel_loop3A_276] : memref<8x2048xf32, #tpu.memory_space<vmem>>[vector<16xi32>, vector<16xi32>], vector<16xf32>,
        %parallel_loop3A_280 = arith.constant 16 : i32
        %parallel_loop3A_281 = arith.muli %parallel_loop3A_272, %parallel_loop3A_280 : i32
        %parallel_loop3A_282 = arith.constant 0 : i32
        %parallel_loop3A_283 = arith.index_cast %parallel_loop3A_282 : i32 to index
        %parallel_loop3A_284 = arith.index_cast %parallel_loop3A_281 : i32 to index
        %parallel_loop3A_285 = tpu.vector_load %arg14[%parallel_loop3A_283, %parallel_loop3A_284] {strides = array<i32>} : memref<8x1024xf32, #tpu.memory_space<vmem>>, vector<16xf32>,
        tpu.vector_store %arg14[%parallel_loop3A_283, %parallel_loop3A_284], %parallel_loop3A_279 {strides = array<i32>} : memref<8x1024xf32, #tpu.memory_space<vmem>>, vector<16xf32>,
        %parallel_loop3A_286 = arith.constant 1 : i32
        %parallel_loop3A_287 = vector.broadcast %parallel_loop3A_286 : i32 to vector<16xi32>
        %parallel_loop3A_288 = tpu.vector_load_idx %arg12[%parallel_loop3A_287, %parallel_loop3A_276] : memref<8x2048xf32, #tpu.memory_space<vmem>>[vector<16xi32>, vector<16xi32>], vector<16xf32>,
        %parallel_loop3A_289 = arith.constant 16 : i32
        %parallel_loop3A_290 = arith.muli %parallel_loop3A_272, %parallel_loop3A_289 : i32
        %parallel_loop3A_291 = arith.constant 1 : i32
        %parallel_loop3A_292 = arith.index_cast %parallel_loop3A_291 : i32 to index
        %parallel_loop3A_293 = arith.index_cast %parallel_loop3A_290 : i32 to index
        %parallel_loop3A_294 = tpu.vector_load %arg14[%parallel_loop3A_292, %parallel_loop3A_293] {strides = array<i32>} : memref<8x1024xf32, #tpu.memory_space<vmem>>, vector<16xf32>,
        tpu.vector_store %arg14[%parallel_loop3A_292, %parallel_loop3A_293], %parallel_loop3A_288 {strides = array<i32>} : memref<8x1024xf32, #tpu.memory_space<vmem>>, vector<16xf32>,
        %parallel_loop3A_295 = arith.constant 2 : i32
        %parallel_loop3A_296 = vector.broadcast %parallel_loop3A_295 : i32 to vector<16xi32>
        %parallel_loop3A_297 = tpu.vector_load_idx %arg12[%parallel_loop3A_296, %parallel_loop3A_276] : memref<8x2048xf32, #tpu.memory_space<vmem>>[vector<16xi32>, vector<16xi32>], vector<16xf32>,
        %parallel_loop3A_298 = arith.constant 16 : i32
        %parallel_loop3A_299 = arith.muli %parallel_loop3A_272, %parallel_loop3A_298 : i32
        %parallel_loop3A_300 = arith.constant 2 : i32
        %parallel_loop3A_301 = arith.index_cast %parallel_loop3A_300 : i32 to index
        %parallel_loop3A_302 = arith.index_cast %parallel_loop3A_299 : i32 to index
        %parallel_loop3A_303 = tpu.vector_load %arg14[%parallel_loop3A_301, %parallel_loop3A_302] {strides = array<i32>} : memref<8x1024xf32, #tpu.memory_space<vmem>>, vector<16xf32>,
        tpu.vector_store %arg14[%parallel_loop3A_301, %parallel_loop3A_302], %parallel_loop3A_297 {strides = array<i32>} : memref<8x1024xf32, #tpu.memory_space<vmem>>, vector<16xf32>,
        %parallel_loop3A_304 = arith.constant 3 : i32
        %parallel_loop3A_305 = vector.broadcast %parallel_loop3A_304 : i32 to vector<16xi32>
        %parallel_loop3A_306 = tpu.vector_load_idx %arg12[%parallel_loop3A_305, %parallel_loop3A_276] : memref<8x2048xf32, #tpu.memory_space<vmem>>[vector<16xi32>, vector<16xi32>], vector<16xf32>,
        %parallel_loop3A_307 = arith.constant 16 : i32
        %parallel_loop3A_308 = arith.muli %parallel_loop3A_272, %parallel_loop3A_307 : i32
        %parallel_loop3A_309 = arith.constant 3 : i32
        %parallel_loop3A_310 = arith.index_cast %parallel_loop3A_309 : i32 to index
        %parallel_loop3A_311 = arith.index_cast %parallel_loop3A_308 : i32 to index
        %parallel_loop3A_312 = tpu.vector_load %arg14[%parallel_loop3A_310, %parallel_loop3A_311] {strides = array<i32>} : memref<8x1024xf32, #tpu.memory_space<vmem>>, vector<16xf32>,
        tpu.vector_store %arg14[%parallel_loop3A_310, %parallel_loop3A_311], %parallel_loop3A_306 {strides = array<i32>} : memref<8x1024xf32, #tpu.memory_space<vmem>>, vector<16xf32>,
        %parallel_loop3A_313 = arith.constant 4 : i32
        %parallel_loop3A_314 = vector.broadcast %parallel_loop3A_313 : i32 to vector<16xi32>
        %parallel_loop3A_315 = tpu.vector_load_idx %arg12[%parallel_loop3A_314, %parallel_loop3A_276] : memref<8x2048xf32, #tpu.memory_space<vmem>>[vector<16xi32>, vector<16xi32>], vector<16xf32>,
        %parallel_loop3A_316 = arith.constant 16 : i32
        %parallel_loop3A_317 = arith.muli %parallel_loop3A_272, %parallel_loop3A_316 : i32
        %parallel_loop3A_318 = arith.constant 4 : i32
        %parallel_loop3A_319 = arith.index_cast %parallel_loop3A_318 : i32 to index
        %parallel_loop3A_320 = arith.index_cast %parallel_loop3A_317 : i32 to index
        %parallel_loop3A_321 = tpu.vector_load %arg14[%parallel_loop3A_319, %parallel_loop3A_320] {strides = array<i32>} : memref<8x1024xf32, #tpu.memory_space<vmem>>, vector<16xf32>,
        tpu.vector_store %arg14[%parallel_loop3A_319, %parallel_loop3A_320], %parallel_loop3A_315 {strides = array<i32>} : memref<8x1024xf32, #tpu.memory_space<vmem>>, vector<16xf32>,
        %parallel_loop3A_322 = arith.constant 5 : i32
        %parallel_loop3A_323 = vector.broadcast %parallel_loop3A_322 : i32 to vector<16xi32>
        %parallel_loop3A_324 = tpu.vector_load_idx %arg12[%parallel_loop3A_323, %parallel_loop3A_276] : memref<8x2048xf32, #tpu.memory_space<vmem>>[vector<16xi32>, vector<16xi32>], vector<16xf32>,
        %parallel_loop3A_325 = arith.constant 16 : i32
        %parallel_loop3A_326 = arith.muli %parallel_loop3A_272, %parallel_loop3A_325 : i32
        %parallel_loop3A_327 = arith.constant 5 : i32
        %parallel_loop3A_328 = arith.index_cast %parallel_loop3A_327 : i32 to index
        %parallel_loop3A_329 = arith.index_cast %parallel_loop3A_326 : i32 to index
        %parallel_loop3A_330 = tpu.vector_load %arg14[%parallel_loop3A_328, %parallel_loop3A_329] {strides = array<i32>} : memref<8x1024xf32, #tpu.memory_space<vmem>>, vector<16xf32>,
        tpu.vector_store %arg14[%parallel_loop3A_328, %parallel_loop3A_329], %parallel_loop3A_324 {strides = array<i32>} : memref<8x1024xf32, #tpu.memory_space<vmem>>, vector<16xf32>,
        %parallel_loop3A_331 = arith.constant 6 : i32
        %parallel_loop3A_332 = vector.broadcast %parallel_loop3A_331 : i32 to vector<16xi32>
        %parallel_loop3A_333 = tpu.vector_load_idx %arg12[%parallel_loop3A_332, %parallel_loop3A_276] : memref<8x2048xf32, #tpu.memory_space<vmem>>[vector<16xi32>, vector<16xi32>], vector<16xf32>,
        %parallel_loop3A_334 = arith.constant 16 : i32
        %parallel_loop3A_335 = arith.muli %parallel_loop3A_272, %parallel_loop3A_334 : i32
        %parallel_loop3A_336 = arith.constant 6 : i32
        %parallel_loop3A_337 = arith.index_cast %parallel_loop3A_336 : i32 to index
        %parallel_loop3A_338 = arith.index_cast %parallel_loop3A_335 : i32 to index
        %parallel_loop3A_339 = tpu.vector_load %arg14[%parallel_loop3A_337, %parallel_loop3A_338] {strides = array<i32>} : memref<8x1024xf32, #tpu.memory_space<vmem>>, vector<16xf32>,
        tpu.vector_store %arg14[%parallel_loop3A_337, %parallel_loop3A_338], %parallel_loop3A_333 {strides = array<i32>} : memref<8x1024xf32, #tpu.memory_space<vmem>>, vector<16xf32>,
        %parallel_loop3A_340 = arith.constant 7 : i32
        %parallel_loop3A_341 = vector.broadcast %parallel_loop3A_340 : i32 to vector<16xi32>
        %parallel_loop3A_342 = tpu.vector_load_idx %arg12[%parallel_loop3A_341, %parallel_loop3A_276] : memref<8x2048xf32, #tpu.memory_space<vmem>>[vector<16xi32>, vector<16xi32>], vector<16xf32>,
        %parallel_loop3A_343 = arith.constant 16 : i32
        %parallel_loop3A_344 = arith.muli %parallel_loop3A_272, %parallel_loop3A_343 : i32
        %parallel_loop3A_345 = arith.constant 7 : i32
        %parallel_loop3A_346 = arith.index_cast %parallel_loop3A_345 : i32 to index
        %parallel_loop3A_347 = arith.index_cast %parallel_loop3A_344 : i32 to index
        %parallel_loop3A_348 = tpu.vector_load %arg14[%parallel_loop3A_346, %parallel_loop3A_347] {strides = array<i32>} : memref<8x1024xf32, #tpu.memory_space<vmem>>, vector<16xf32>,
        tpu.vector_store %arg14[%parallel_loop3A_346, %parallel_loop3A_347], %parallel_loop3A_342 {strides = array<i32>} : memref<8x1024xf32, #tpu.memory_space<vmem>>, vector<16xf32>,
      } {sc.loop_unroll_factor = 4 : i64, sc.parallel_access}
      %mul3A_219 = arith.constant 8 : i32
      %mul3A_220 = arith.muli %add3A_200, %mul3A_219 : i32
      %add3A_221 = arith.addi %add3A_42, %mul3A_220 : i32
      %dma_start3A_222 = arith.constant 0 : i32
      %dma_start3A_223 = tpu.memref_slice %arg6[%add3A_221, %dma_start3A_222] : memref<8192x1024xf32, #tpu.memory_space<hbm>> -> memref<8x1024xf32, #tpu.memory_space<hbm>>
      %dma_start3A_224 = arith.constant 0 : i32
      %dma_start3A_225 = tpu.memref_slice %arg6[%add3A_221, %dma_start3A_224] : memref<8192x1024xf32, #tpu.memory_space<hbm>> -> memref<8x1024xf32, #tpu.memory_space<hbm>>
      tpu.enqueue_dma source(%arg14 : memref<8x1024xf32, #tpu.memory_space<vmem>>) target(%dma_start3A_225 : memref<8x1024xf32, #tpu.memory_space<hbm>>) target_semaphore(%arg20 : memref<!tpu.dma_semaphore, #tpu.memory_space<semaphore_mem>>)
      %add3A_226 = arith.constant 2 : i32
      %add3A_227 = arith.addi %add3A_200, %add3A_226 : i32
      %mul3A_228 = arith.constant 8 : i32
      %mul3A_229 = arith.muli %add3A_227, %mul3A_228 : i32
      %dma_start3A_230 = tpu.memref_slice %arg9[%mul3A_229] : memref<256xi32, #tpu.memory_space<vmem>> -> memref<8xi32, #tpu.memory_space<vmem>>
      %dma_start3A_231 = arith.constant 0 : i32
      %dma_start3A_232 = arith.constant 0 : i32
      %dma_start3A_233 = tpu.memref_slice %arg4[%dma_start3A_231, %dma_start3A_232] : memref<16384x2048xf32, #tpu.memory_space<hbm>> -> memref<16384x2048xf32, #tpu.memory_space<hbm>>
      tpu.enqueue_indirect_dma source(%dma_start3A_233 : memref<16384x2048xf32, #tpu.memory_space<hbm>>) target(%arg12 : memref<8x2048xf32, #tpu.memory_space<vmem>>) offsets(%dma_start3A_230 : memref<8xi32, #tpu.memory_space<vmem>>) semaphore(%arg18 : memref<!tpu.dma_semaphore, #tpu.memory_space<semaphore_mem>>)
      %mul3A_234 = arith.constant 2 : i32
      %mul3A_235 = arith.muli %mul3A_234, %scan3A_195 : i32
      %add3A_236 = arith.constant 1 : i32
      %add3A_237 = arith.addi %mul3A_235, %add3A_236 : i32
      %mul3A_238 = arith.constant 8 : i32
      %mul3A_239 = arith.muli %add3A_237, %mul3A_238 : i32
      %dma_wait3A_240 = tpu.memref_slice %arg9[%mul3A_239] : memref<256xi32, #tpu.memory_space<vmem>> -> memref<8xi32, #tpu.memory_space<vmem>>
      %dma_wait3A_241 = arith.constant 0 : i32
      %dma_wait3A_242 = arith.constant 0 : i32
      %dma_wait3A_243 = tpu.memref_slice %arg4[%dma_wait3A_241, %dma_wait3A_242] : memref<16384x2048xf32, #tpu.memory_space<hbm>> -> memref<16384x2048xf32, #tpu.memory_space<hbm>>
      tpu.wait_indirect_dma semaphore(%arg19 : memref<!tpu.dma_semaphore, #tpu.memory_space<semaphore_mem>>) src(%dma_wait3A_243 : memref<16384x2048xf32, #tpu.memory_space<hbm>>) dst(%arg13 : memref<8x2048xf32, #tpu.memory_space<vmem>>)
      %sub3A_244 = arith.constant 2 : i32
      %sub3A_245 = arith.subi %add3A_237, %sub3A_244 : i32
      %mul3A_246 = arith.constant 8 : i32
      %mul3A_247 = arith.muli %sub3A_245, %mul3A_246 : i32
      %add3A_248 = arith.addi %add3A_42, %mul3A_247 : i32
      %dma_wait3A_249 = arith.constant 0 : i32
      %dma_wait3A_250 = tpu.memref_slice %arg6[%add3A_248, %dma_wait3A_249] : memref<8192x1024xf32, #tpu.memory_space<hbm>> -> memref<8x1024xf32, #tpu.memory_space<hbm>>
      %dma_wait3A_251 = arith.constant 0 : i32
      %dma_wait3A_252 = tpu.memref_slice %arg6[%add3A_248, %dma_wait3A_251] : memref<8192x1024xf32, #tpu.memory_space<hbm>> -> memref<8x1024xf32, #tpu.memory_space<hbm>>
      tpu.wait_dma2 semaphore(%arg21 : memref<!tpu.dma_semaphore, #tpu.memory_space<semaphore_mem>>) src(%arg15 : memref<8x1024xf32, #tpu.memory_space<vmem>>) dst(%dma_wait3A_252 : memref<8x1024xf32, #tpu.memory_space<hbm>>)
      %parallel_loop3A_253 = arith.constant 0 : i32
      %parallel_loop3A_254 = arith.constant 64 : i32
      %parallel_loop3A_255 = arith.constant 1 : i32
      scf.for %parallel_loop3A_272 = %parallel_loop3A_253 to %parallel_loop3A_254 step %parallel_loop3A_255  : i32 {
        %parallel_loop3A_273 = arith.constant 16 : i32
        %parallel_loop3A_274 = arith.muli %parallel_loop3A_272, %parallel_loop3A_273 : i32
        %parallel_loop3A_275 = arith.index_cast %parallel_loop3A_274 : i32 to index
        %parallel_loop3A_276 = tpu.vector_load %arg8[%parallel_loop3A_275] {strides = array<i32>} : memref<1024xi32, #tpu.memory_space<vmem>>, vector<16xi32>,
        %parallel_loop3A_277 = arith.constant 0 : i32
        %parallel_loop3A_278 = vector.broadcast %parallel_loop3A_277 : i32 to vector<16xi32>
        %parallel_loop3A_279 = tpu.vector_load_idx %arg13[%parallel_loop3A_278, %parallel_loop3A_276] : memref<8x2048xf32, #tpu.memory_space<vmem>>[vector<16xi32>, vector<16xi32>], vector<16xf32>,
        %parallel_loop3A_280 = arith.constant 16 : i32
        %parallel_loop3A_281 = arith.muli %parallel_loop3A_272, %parallel_loop3A_280 : i32
        %parallel_loop3A_282 = arith.constant 0 : i32
        %parallel_loop3A_283 = arith.index_cast %parallel_loop3A_282 : i32 to index
        %parallel_loop3A_284 = arith.index_cast %parallel_loop3A_281 : i32 to index
        %parallel_loop3A_285 = tpu.vector_load %arg15[%parallel_loop3A_283, %parallel_loop3A_284] {strides = array<i32>} : memref<8x1024xf32, #tpu.memory_space<vmem>>, vector<16xf32>,
        tpu.vector_store %arg15[%parallel_loop3A_283, %parallel_loop3A_284], %parallel_loop3A_279 {strides = array<i32>} : memref<8x1024xf32, #tpu.memory_space<vmem>>, vector<16xf32>,
        %parallel_loop3A_286 = arith.constant 1 : i32
        %parallel_loop3A_287 = vector.broadcast %parallel_loop3A_286 : i32 to vector<16xi32>
        %parallel_loop3A_288 = tpu.vector_load_idx %arg13[%parallel_loop3A_287, %parallel_loop3A_276] : memref<8x2048xf32, #tpu.memory_space<vmem>>[vector<16xi32>, vector<16xi32>], vector<16xf32>,
        %parallel_loop3A_289 = arith.constant 16 : i32
        %parallel_loop3A_290 = arith.muli %parallel_loop3A_272, %parallel_loop3A_289 : i32
        %parallel_loop3A_291 = arith.constant 1 : i32
        %parallel_loop3A_292 = arith.index_cast %parallel_loop3A_291 : i32 to index
        %parallel_loop3A_293 = arith.index_cast %parallel_loop3A_290 : i32 to index
        %parallel_loop3A_294 = tpu.vector_load %arg15[%parallel_loop3A_292, %parallel_loop3A_293] {strides = array<i32>} : memref<8x1024xf32, #tpu.memory_space<vmem>>, vector<16xf32>,
        tpu.vector_store %arg15[%parallel_loop3A_292, %parallel_loop3A_293], %parallel_loop3A_288 {strides = array<i32>} : memref<8x1024xf32, #tpu.memory_space<vmem>>, vector<16xf32>,
        %parallel_loop3A_295 = arith.constant 2 : i32
        %parallel_loop3A_296 = vector.broadcast %parallel_loop3A_295 : i32 to vector<16xi32>
        %parallel_loop3A_297 = tpu.vector_load_idx %arg13[%parallel_loop3A_296, %parallel_loop3A_276] : memref<8x2048xf32, #tpu.memory_space<vmem>>[vector<16xi32>, vector<16xi32>], vector<16xf32>,
        %parallel_loop3A_298 = arith.constant 16 : i32
        %parallel_loop3A_299 = arith.muli %parallel_loop3A_272, %parallel_loop3A_298 : i32
        %parallel_loop3A_300 = arith.constant 2 : i32
        %parallel_loop3A_301 = arith.index_cast %parallel_loop3A_300 : i32 to index
        %parallel_loop3A_302 = arith.index_cast %parallel_loop3A_299 : i32 to index
        %parallel_loop3A_303 = tpu.vector_load %arg15[%parallel_loop3A_301, %parallel_loop3A_302] {strides = array<i32>} : memref<8x1024xf32, #tpu.memory_space<vmem>>, vector<16xf32>,
        tpu.vector_store %arg15[%parallel_loop3A_301, %parallel_loop3A_302], %parallel_loop3A_297 {strides = array<i32>} : memref<8x1024xf32, #tpu.memory_space<vmem>>, vector<16xf32>,
        %parallel_loop3A_304 = arith.constant 3 : i32
        %parallel_loop3A_305 = vector.broadcast %parallel_loop3A_304 : i32 to vector<16xi32>
        %parallel_loop3A_306 = tpu.vector_load_idx %arg13[%parallel_loop3A_305, %parallel_loop3A_276] : memref<8x2048xf32, #tpu.memory_space<vmem>>[vector<16xi32>, vector<16xi32>], vector<16xf32>,
        %parallel_loop3A_307 = arith.constant 16 : i32
        %parallel_loop3A_308 = arith.muli %parallel_loop3A_272, %parallel_loop3A_307 : i32
        %parallel_loop3A_309 = arith.constant 3 : i32
        %parallel_loop3A_310 = arith.index_cast %parallel_loop3A_309 : i32 to index
        %parallel_loop3A_311 = arith.index_cast %parallel_loop3A_308 : i32 to index
        %parallel_loop3A_312 = tpu.vector_load %arg15[%parallel_loop3A_310, %parallel_loop3A_311] {strides = array<i32>} : memref<8x1024xf32, #tpu.memory_space<vmem>>, vector<16xf32>,
        tpu.vector_store %arg15[%parallel_loop3A_310, %parallel_loop3A_311], %parallel_loop3A_306 {strides = array<i32>} : memref<8x1024xf32, #tpu.memory_space<vmem>>, vector<16xf32>,
        %parallel_loop3A_313 = arith.constant 4 : i32
        %parallel_loop3A_314 = vector.broadcast %parallel_loop3A_313 : i32 to vector<16xi32>
        %parallel_loop3A_315 = tpu.vector_load_idx %arg13[%parallel_loop3A_314, %parallel_loop3A_276] : memref<8x2048xf32, #tpu.memory_space<vmem>>[vector<16xi32>, vector<16xi32>], vector<16xf32>,
        %parallel_loop3A_316 = arith.constant 16 : i32
        %parallel_loop3A_317 = arith.muli %parallel_loop3A_272, %parallel_loop3A_316 : i32
        %parallel_loop3A_318 = arith.constant 4 : i32
        %parallel_loop3A_319 = arith.index_cast %parallel_loop3A_318 : i32 to index
        %parallel_loop3A_320 = arith.index_cast %parallel_loop3A_317 : i32 to index
        %parallel_loop3A_321 = tpu.vector_load %arg15[%parallel_loop3A_319, %parallel_loop3A_320] {strides = array<i32>} : memref<8x1024xf32, #tpu.memory_space<vmem>>, vector<16xf32>,
        tpu.vector_store %arg15[%parallel_loop3A_319, %parallel_loop3A_320], %parallel_loop3A_315 {strides = array<i32>} : memref<8x1024xf32, #tpu.memory_space<vmem>>, vector<16xf32>,
        %parallel_loop3A_322 = arith.constant 5 : i32
        %parallel_loop3A_323 = vector.broadcast %parallel_loop3A_322 : i32 to vector<16xi32>
        %parallel_loop3A_324 = tpu.vector_load_idx %arg13[%parallel_loop3A_323, %parallel_loop3A_276] : memref<8x2048xf32, #tpu.memory_space<vmem>>[vector<16xi32>, vector<16xi32>], vector<16xf32>,
        %parallel_loop3A_325 = arith.constant 16 : i32
        %parallel_loop3A_326 = arith.muli %parallel_loop3A_272, %parallel_loop3A_325 : i32
        %parallel_loop3A_327 = arith.constant 5 : i32
        %parallel_loop3A_328 = arith.index_cast %parallel_loop3A_327 : i32 to index
        %parallel_loop3A_329 = arith.index_cast %parallel_loop3A_326 : i32 to index
        %parallel_loop3A_330 = tpu.vector_load %arg15[%parallel_loop3A_328, %parallel_loop3A_329] {strides = array<i32>} : memref<8x1024xf32, #tpu.memory_space<vmem>>, vector<16xf32>,
        tpu.vector_store %arg15[%parallel_loop3A_328, %parallel_loop3A_329], %parallel_loop3A_324 {strides = array<i32>} : memref<8x1024xf32, #tpu.memory_space<vmem>>, vector<16xf32>,
        %parallel_loop3A_331 = arith.constant 6 : i32
        %parallel_loop3A_332 = vector.broadcast %parallel_loop3A_331 : i32 to vector<16xi32>
        %parallel_loop3A_333 = tpu.vector_load_idx %arg13[%parallel_loop3A_332, %parallel_loop3A_276] : memref<8x2048xf32, #tpu.memory_space<vmem>>[vector<16xi32>, vector<16xi32>], vector<16xf32>,
        %parallel_loop3A_334 = arith.constant 16 : i32
        %parallel_loop3A_335 = arith.muli %parallel_loop3A_272, %parallel_loop3A_334 : i32
        %parallel_loop3A_336 = arith.constant 6 : i32
        %parallel_loop3A_337 = arith.index_cast %parallel_loop3A_336 : i32 to index
        %parallel_loop3A_338 = arith.index_cast %parallel_loop3A_335 : i32 to index
        %parallel_loop3A_339 = tpu.vector_load %arg15[%parallel_loop3A_337, %parallel_loop3A_338] {strides = array<i32>} : memref<8x1024xf32, #tpu.memory_space<vmem>>, vector<16xf32>,
        tpu.vector_store %arg15[%parallel_loop3A_337, %parallel_loop3A_338], %parallel_loop3A_333 {strides = array<i32>} : memref<8x1024xf32, #tpu.memory_space<vmem>>, vector<16xf32>,
        %parallel_loop3A_340 = arith.constant 7 : i32
        %parallel_loop3A_341 = vector.broadcast %parallel_loop3A_340 : i32 to vector<16xi32>
        %parallel_loop3A_342 = tpu.vector_load_idx %arg13[%parallel_loop3A_341, %parallel_loop3A_276] : memref<8x2048xf32, #tpu.memory_space<vmem>>[vector<16xi32>, vector<16xi32>], vector<16xf32>,
        %parallel_loop3A_343 = arith.constant 16 : i32
        %parallel_loop3A_344 = arith.muli %parallel_loop3A_272, %parallel_loop3A_343 : i32
        %parallel_loop3A_345 = arith.constant 7 : i32
        %parallel_loop3A_346 = arith.index_cast %parallel_loop3A_345 : i32 to index
        %parallel_loop3A_347 = arith.index_cast %parallel_loop3A_344 : i32 to index
        %parallel_loop3A_348 = tpu.vector_load %arg15[%parallel_loop3A_346, %parallel_loop3A_347] {strides = array<i32>} : memref<8x1024xf32, #tpu.memory_space<vmem>>, vector<16xf32>,
        tpu.vector_store %arg15[%parallel_loop3A_346, %parallel_loop3A_347], %parallel_loop3A_342 {strides = array<i32>} : memref<8x1024xf32, #tpu.memory_space<vmem>>, vector<16xf32>,
      } {sc.loop_unroll_factor = 4 : i64, sc.parallel_access}
      %mul3A_256 = arith.constant 8 : i32
      %mul3A_257 = arith.muli %add3A_237, %mul3A_256 : i32
      %add3A_258 = arith.addi %add3A_42, %mul3A_257 : i32
      %dma_start3A_259 = arith.constant 0 : i32
      %dma_start3A_260 = tpu.memref_slice %arg6[%add3A_258, %dma_start3A_259] : memref<8192x1024xf32, #tpu.memory_space<hbm>> -> memref<8x1024xf32, #tpu.memory_space<hbm>>
      %dma_start3A_261 = arith.constant 0 : i32
      %dma_start3A_262 = tpu.memref_slice %arg6[%add3A_258, %dma_start3A_261] : memref<8192x1024xf32, #tpu.memory_space<hbm>> -> memref<8x1024xf32, #tpu.memory_space<hbm>>
      tpu.enqueue_dma source(%arg15 : memref<8x1024xf32, #tpu.memory_space<vmem>>) target(%dma_start3A_262 : memref<8x1024xf32, #tpu.memory_space<hbm>>) target_semaphore(%arg21 : memref<!tpu.dma_semaphore, #tpu.memory_space<semaphore_mem>>)
      %add3A_263 = arith.constant 2 : i32
      %add3A_264 = arith.addi %add3A_237, %add3A_263 : i32
      %mul3A_265 = arith.constant 8 : i32
      %mul3A_266 = arith.muli %add3A_264, %mul3A_265 : i32
      %dma_start3A_267 = tpu.memref_slice %arg9[%mul3A_266] : memref<256xi32, #tpu.memory_space<vmem>> -> memref<8xi32, #tpu.memory_space<vmem>>
      %dma_start3A_268 = arith.constant 0 : i32
      %dma_start3A_269 = arith.constant 0 : i32
      %dma_start3A_270 = tpu.memref_slice %arg4[%dma_start3A_268, %dma_start3A_269] : memref<16384x2048xf32, #tpu.memory_space<hbm>> -> memref<16384x2048xf32, #tpu.memory_space<hbm>>
      tpu.enqueue_indirect_dma source(%dma_start3A_270 : memref<16384x2048xf32, #tpu.memory_space<hbm>>) target(%arg13 : memref<8x2048xf32, #tpu.memory_space<vmem>>) offsets(%dma_start3A_267 : memref<8xi32, #tpu.memory_space<vmem>>) semaphore(%arg19 : memref<!tpu.dma_semaphore, #tpu.memory_space<semaphore_mem>>)
      %scan3A_271 = arith.constant 0 : i32
      scf.yield %scan3A_271 : i32
    }
    %scan3A_142 = arith.constant 14 : i32
    "tpu.trace_stop"() : () -> ()
    "tpu.trace_start"() <{level = 10 : i32, message = "b2_tail"}> : () -> ()
    %dma_wait3A_143 = arith.constant 240 : i32
    %dma_wait3A_144 = tpu.memref_slice %arg9[%dma_wait3A_143] : memref<256xi32, #tpu.memory_space<vmem>> -> memref<8xi32, #tpu.memory_space<vmem>>
    %dma_wait3A_145 = arith.constant 0 : i32
    %dma_wait3A_146 = arith.constant 0 : i32
    %dma_wait3A_147 = tpu.memref_slice %arg4[%dma_wait3A_145, %dma_wait3A_146] : memref<16384x2048xf32, #tpu.memory_space<hbm>> -> memref<16384x2048xf32, #tpu.memory_space<hbm>>
    tpu.wait_indirect_dma semaphore(%arg18 : memref<!tpu.dma_semaphore, #tpu.memory_space<semaphore_mem>>) src(%dma_wait3A_147 : memref<16384x2048xf32, #tpu.memory_space<hbm>>) dst(%arg12 : memref<8x2048xf32, #tpu.memory_space<vmem>>)
    %add3A_148 = arith.constant 224 : i32
    %add3A_149 = arith.addi %add3A_42, %add3A_148 : i32
    %dma_wait3A_150 = arith.constant 0 : i32
    %dma_wait3A_151 = tpu.memref_slice %arg6[%add3A_149, %dma_wait3A_150] : memref<8192x1024xf32, #tpu.memory_space<hbm>> -> memref<8x1024xf32, #tpu.memory_space<hbm>>
    %dma_wait3A_152 = arith.constant 0 : i32
    %dma_wait3A_153 = tpu.memref_slice %arg6[%add3A_149, %dma_wait3A_152] : memref<8192x1024xf32, #tpu.memory_space<hbm>> -> memref<8x1024xf32, #tpu.memory_space<hbm>>
    tpu.wait_dma2 semaphore(%arg20 : memref<!tpu.dma_semaphore, #tpu.memory_space<semaphore_mem>>) src(%arg14 : memref<8x1024xf32, #tpu.memory_space<vmem>>) dst(%dma_wait3A_153 : memref<8x1024xf32, #tpu.memory_space<hbm>>)
    %parallel_loop3A_154 = arith.constant 0 : i32
    %parallel_loop3A_155 = arith.constant 64 : i32
    %parallel_loop3A_156 = arith.constant 1 : i32
    scf.for %parallel_loop3A_195 = %parallel_loop3A_154 to %parallel_loop3A_155 step %parallel_loop3A_156  : i32 {
      %parallel_loop3A_196 = arith.constant 16 : i32
      %parallel_loop3A_197 = arith.muli %parallel_loop3A_195, %parallel_loop3A_196 : i32
      %parallel_loop3A_198 = arith.index_cast %parallel_loop3A_197 : i32 to index
      %parallel_loop3A_199 = tpu.vector_load %arg8[%parallel_loop3A_198] {strides = array<i32>} : memref<1024xi32, #tpu.memory_space<vmem>>, vector<16xi32>,
      %parallel_loop3A_200 = arith.constant 0 : i32
      %parallel_loop3A_201 = vector.broadcast %parallel_loop3A_200 : i32 to vector<16xi32>
      %parallel_loop3A_202 = tpu.vector_load_idx %arg12[%parallel_loop3A_201, %parallel_loop3A_199] : memref<8x2048xf32, #tpu.memory_space<vmem>>[vector<16xi32>, vector<16xi32>], vector<16xf32>,
      %parallel_loop3A_203 = arith.constant 16 : i32
      %parallel_loop3A_204 = arith.muli %parallel_loop3A_195, %parallel_loop3A_203 : i32
      %parallel_loop3A_205 = arith.constant 0 : i32
      %parallel_loop3A_206 = arith.index_cast %parallel_loop3A_205 : i32 to index
      %parallel_loop3A_207 = arith.index_cast %parallel_loop3A_204 : i32 to index
      %parallel_loop3A_208 = tpu.vector_load %arg14[%parallel_loop3A_206, %parallel_loop3A_207] {strides = array<i32>} : memref<8x1024xf32, #tpu.memory_space<vmem>>, vector<16xf32>,
      tpu.vector_store %arg14[%parallel_loop3A_206, %parallel_loop3A_207], %parallel_loop3A_202 {strides = array<i32>} : memref<8x1024xf32, #tpu.memory_space<vmem>>, vector<16xf32>,
      %parallel_loop3A_209 = arith.constant 1 : i32
      %parallel_loop3A_210 = vector.broadcast %parallel_loop3A_209 : i32 to vector<16xi32>
      %parallel_loop3A_211 = tpu.vector_load_idx %arg12[%parallel_loop3A_210, %parallel_loop3A_199] : memref<8x2048xf32, #tpu.memory_space<vmem>>[vector<16xi32>, vector<16xi32>], vector<16xf32>,
      %parallel_loop3A_212 = arith.constant 16 : i32
      %parallel_loop3A_213 = arith.muli %parallel_loop3A_195, %parallel_loop3A_212 : i32
      %parallel_loop3A_214 = arith.constant 1 : i32
      %parallel_loop3A_215 = arith.index_cast %parallel_loop3A_214 : i32 to index
      %parallel_loop3A_216 = arith.index_cast %parallel_loop3A_213 : i32 to index
      %parallel_loop3A_217 = tpu.vector_load %arg14[%parallel_loop3A_215, %parallel_loop3A_216] {strides = array<i32>} : memref<8x1024xf32, #tpu.memory_space<vmem>>, vector<16xf32>,
      tpu.vector_store %arg14[%parallel_loop3A_215, %parallel_loop3A_216], %parallel_loop3A_211 {strides = array<i32>} : memref<8x1024xf32, #tpu.memory_space<vmem>>, vector<16xf32>,
      %parallel_loop3A_218 = arith.constant 2 : i32
      %parallel_loop3A_219 = vector.broadcast %parallel_loop3A_218 : i32 to vector<16xi32>
      %parallel_loop3A_220 = tpu.vector_load_idx %arg12[%parallel_loop3A_219, %parallel_loop3A_199] : memref<8x2048xf32, #tpu.memory_space<vmem>>[vector<16xi32>, vector<16xi32>], vector<16xf32>,
      %parallel_loop3A_221 = arith.constant 16 : i32
      %parallel_loop3A_222 = arith.muli %parallel_loop3A_195, %parallel_loop3A_221 : i32
      %parallel_loop3A_223 = arith.constant 2 : i32
      %parallel_loop3A_224 = arith.index_cast %parallel_loop3A_223 : i32 to index
      %parallel_loop3A_225 = arith.index_cast %parallel_loop3A_222 : i32 to index
      %parallel_loop3A_226 = tpu.vector_load %arg14[%parallel_loop3A_224, %parallel_loop3A_225] {strides = array<i32>} : memref<8x1024xf32, #tpu.memory_space<vmem>>, vector<16xf32>,
      tpu.vector_store %arg14[%parallel_loop3A_224, %parallel_loop3A_225], %parallel_loop3A_220 {strides = array<i32>} : memref<8x1024xf32, #tpu.memory_space<vmem>>, vector<16xf32>,
      %parallel_loop3A_227 = arith.constant 3 : i32
      %parallel_loop3A_228 = vector.broadcast %parallel_loop3A_227 : i32 to vector<16xi32>
      %parallel_loop3A_229 = tpu.vector_load_idx %arg12[%parallel_loop3A_228, %parallel_loop3A_199] : memref<8x2048xf32, #tpu.memory_space<vmem>>[vector<16xi32>, vector<16xi32>], vector<16xf32>,
      %parallel_loop3A_230 = arith.constant 16 : i32
      %parallel_loop3A_231 = arith.muli %parallel_loop3A_195, %parallel_loop3A_230 : i32
      %parallel_loop3A_232 = arith.constant 3 : i32
      %parallel_loop3A_233 = arith.index_cast %parallel_loop3A_232 : i32 to index
      %parallel_loop3A_234 = arith.index_cast %parallel_loop3A_231 : i32 to index
      %parallel_loop3A_235 = tpu.vector_load %arg14[%parallel_loop3A_233, %parallel_loop3A_234] {strides = array<i32>} : memref<8x1024xf32, #tpu.memory_space<vmem>>, vector<16xf32>,
      tpu.vector_store %arg14[%parallel_loop3A_233, %parallel_loop3A_234], %parallel_loop3A_229 {strides = array<i32>} : memref<8x1024xf32, #tpu.memory_space<vmem>>, vector<16xf32>,
      %parallel_loop3A_236 = arith.constant 4 : i32
      %parallel_loop3A_237 = vector.broadcast %parallel_loop3A_236 : i32 to vector<16xi32>
      %parallel_loop3A_238 = tpu.vector_load_idx %arg12[%parallel_loop3A_237, %parallel_loop3A_199] : memref<8x2048xf32, #tpu.memory_space<vmem>>[vector<16xi32>, vector<16xi32>], vector<16xf32>,
      %parallel_loop3A_239 = arith.constant 16 : i32
      %parallel_loop3A_240 = arith.muli %parallel_loop3A_195, %parallel_loop3A_239 : i32
      %parallel_loop3A_241 = arith.constant 4 : i32
      %parallel_loop3A_242 = arith.index_cast %parallel_loop3A_241 : i32 to index
      %parallel_loop3A_243 = arith.index_cast %parallel_loop3A_240 : i32 to index
      %parallel_loop3A_244 = tpu.vector_load %arg14[%parallel_loop3A_242, %parallel_loop3A_243] {strides = array<i32>} : memref<8x1024xf32, #tpu.memory_space<vmem>>, vector<16xf32>,
      tpu.vector_store %arg14[%parallel_loop3A_242, %parallel_loop3A_243], %parallel_loop3A_238 {strides = array<i32>} : memref<8x1024xf32, #tpu.memory_space<vmem>>, vector<16xf32>,
      %parallel_loop3A_245 = arith.constant 5 : i32
      %parallel_loop3A_246 = vector.broadcast %parallel_loop3A_245 : i32 to vector<16xi32>
      %parallel_loop3A_247 = tpu.vector_load_idx %arg12[%parallel_loop3A_246, %parallel_loop3A_199] : memref<8x2048xf32, #tpu.memory_space<vmem>>[vector<16xi32>, vector<16xi32>], vector<16xf32>,
      %parallel_loop3A_248 = arith.constant 16 : i32
      %parallel_loop3A_249 = arith.muli %parallel_loop3A_195, %parallel_loop3A_248 : i32
      %parallel_loop3A_250 = arith.constant 5 : i32
      %parallel_loop3A_251 = arith.index_cast %parallel_loop3A_250 : i32 to index
      %parallel_loop3A_252 = arith.index_cast %parallel_loop3A_249 : i32 to index
      %parallel_loop3A_253 = tpu.vector_load %arg14[%parallel_loop3A_251, %parallel_loop3A_252] {strides = array<i32>} : memref<8x1024xf32, #tpu.memory_space<vmem>>, vector<16xf32>,
      tpu.vector_store %arg14[%parallel_loop3A_251, %parallel_loop3A_252], %parallel_loop3A_247 {strides = array<i32>} : memref<8x1024xf32, #tpu.memory_space<vmem>>, vector<16xf32>,
      %parallel_loop3A_254 = arith.constant 6 : i32
      %parallel_loop3A_255 = vector.broadcast %parallel_loop3A_254 : i32 to vector<16xi32>
      %parallel_loop3A_256 = tpu.vector_load_idx %arg12[%parallel_loop3A_255, %parallel_loop3A_199] : memref<8x2048xf32, #tpu.memory_space<vmem>>[vector<16xi32>, vector<16xi32>], vector<16xf32>,
      %parallel_loop3A_257 = arith.constant 16 : i32
      %parallel_loop3A_258 = arith.muli %parallel_loop3A_195, %parallel_loop3A_257 : i32
      %parallel_loop3A_259 = arith.constant 6 : i32
      %parallel_loop3A_260 = arith.index_cast %parallel_loop3A_259 : i32 to index
      %parallel_loop3A_261 = arith.index_cast %parallel_loop3A_258 : i32 to index
      %parallel_loop3A_262 = tpu.vector_load %arg14[%parallel_loop3A_260, %parallel_loop3A_261] {strides = array<i32>} : memref<8x1024xf32, #tpu.memory_space<vmem>>, vector<16xf32>,
      tpu.vector_store %arg14[%parallel_loop3A_260, %parallel_loop3A_261], %parallel_loop3A_256 {strides = array<i32>} : memref<8x1024xf32, #tpu.memory_space<vmem>>, vector<16xf32>,
      %parallel_loop3A_263 = arith.constant 7 : i32
      %parallel_loop3A_264 = vector.broadcast %parallel_loop3A_263 : i32 to vector<16xi32>
      %parallel_loop3A_265 = tpu.vector_load_idx %arg12[%parallel_loop3A_264, %parallel_loop3A_199] : memref<8x2048xf32, #tpu.memory_space<vmem>>[vector<16xi32>, vector<16xi32>], vector<16xf32>,
      %parallel_loop3A_266 = arith.constant 16 : i32
      %parallel_loop3A_267 = arith.muli %parallel_loop3A_195, %parallel_loop3A_266 : i32
      %parallel_loop3A_268 = arith.constant 7 : i32
      %parallel_loop3A_269 = arith.index_cast %parallel_loop3A_268 : i32 to index
      %parallel_loop3A_270 = arith.index_cast %parallel_loop3A_267 : i32 to index
      %parallel_loop3A_271 = tpu.vector_load %arg14[%parallel_loop3A_269, %parallel_loop3A_270] {strides = array<i32>} : memref<8x1024xf32, #tpu.memory_space<vmem>>, vector<16xf32>,
      tpu.vector_store %arg14[%parallel_loop3A_269, %parallel_loop3A_270], %parallel_loop3A_265 {strides = array<i32>} : memref<8x1024xf32, #tpu.memory_space<vmem>>, vector<16xf32>,
    } {sc.loop_unroll_factor = 4 : i64, sc.parallel_access}
    %add3A_157 = arith.constant 240 : i32
    %add3A_158 = arith.addi %add3A_42, %add3A_157 : i32
    %dma_start3A_159 = arith.constant 0 : i32
    %dma_start3A_160 = tpu.memref_slice %arg6[%add3A_158, %dma_start3A_159] : memref<8192x1024xf32, #tpu.memory_space<hbm>> -> memref<8x1024xf32, #tpu.memory_space<hbm>>
    %dma_start3A_161 = arith.constant 0 : i32
    %dma_start3A_162 = tpu.memref_slice %arg6[%add3A_158, %dma_start3A_161] : memref<8192x1024xf32, #tpu.memory_space<hbm>> -> memref<8x1024xf32, #tpu.memory_space<hbm>>
    tpu.enqueue_dma source(%arg14 : memref<8x1024xf32, #tpu.memory_space<vmem>>) target(%dma_start3A_162 : memref<8x1024xf32, #tpu.memory_space<hbm>>) target_semaphore(%arg20 : memref<!tpu.dma_semaphore, #tpu.memory_space<semaphore_mem>>)
    %dma_wait3A_163 = arith.constant 248 : i32
    %dma_wait3A_164 = tpu.memref_slice %arg9[%dma_wait3A_163] : memref<256xi32, #tpu.memory_space<vmem>> -> memref<8xi32, #tpu.memory_space<vmem>>
    %dma_wait3A_165 = arith.constant 0 : i32
    %dma_wait3A_166 = arith.constant 0 : i32
    %dma_wait3A_167 = tpu.memref_slice %arg4[%dma_wait3A_165, %dma_wait3A_166] : memref<16384x2048xf32, #tpu.memory_space<hbm>> -> memref<16384x2048xf32, #tpu.memory_space<hbm>>
    tpu.wait_indirect_dma semaphore(%arg19 : memref<!tpu.dma_semaphore, #tpu.memory_space<semaphore_mem>>) src(%dma_wait3A_167 : memref<16384x2048xf32, #tpu.memory_space<hbm>>) dst(%arg13 : memref<8x2048xf32, #tpu.memory_space<vmem>>)
    %add3A_168 = arith.constant 232 : i32
    %add3A_169 = arith.addi %add3A_42, %add3A_168 : i32
    %dma_wait3A_170 = arith.constant 0 : i32
    %dma_wait3A_171 = tpu.memref_slice %arg6[%add3A_169, %dma_wait3A_170] : memref<8192x1024xf32, #tpu.memory_space<hbm>> -> memref<8x1024xf32, #tpu.memory_space<hbm>>
    %dma_wait3A_172 = arith.constant 0 : i32
    %dma_wait3A_173 = tpu.memref_slice %arg6[%add3A_169, %dma_wait3A_172] : memref<8192x1024xf32, #tpu.memory_space<hbm>> -> memref<8x1024xf32, #tpu.memory_space<hbm>>
    tpu.wait_dma2 semaphore(%arg21 : memref<!tpu.dma_semaphore, #tpu.memory_space<semaphore_mem>>) src(%arg15 : memref<8x1024xf32, #tpu.memory_space<vmem>>) dst(%dma_wait3A_173 : memref<8x1024xf32, #tpu.memory_space<hbm>>)
    %parallel_loop3A_174 = arith.constant 0 : i32
    %parallel_loop3A_175 = arith.constant 64 : i32
    %parallel_loop3A_176 = arith.constant 1 : i32
    scf.for %parallel_loop3A_195 = %parallel_loop3A_174 to %parallel_loop3A_175 step %parallel_loop3A_176  : i32 {
      %parallel_loop3A_196 = arith.constant 16 : i32
      %parallel_loop3A_197 = arith.muli %parallel_loop3A_195, %parallel_loop3A_196 : i32
      %parallel_loop3A_198 = arith.index_cast %parallel_loop3A_197 : i32 to index
      %parallel_loop3A_199 = tpu.vector_load %arg8[%parallel_loop3A_198] {strides = array<i32>} : memref<1024xi32, #tpu.memory_space<vmem>>, vector<16xi32>,
      %parallel_loop3A_200 = arith.constant 0 : i32
      %parallel_loop3A_201 = vector.broadcast %parallel_loop3A_200 : i32 to vector<16xi32>
      %parallel_loop3A_202 = tpu.vector_load_idx %arg13[%parallel_loop3A_201, %parallel_loop3A_199] : memref<8x2048xf32, #tpu.memory_space<vmem>>[vector<16xi32>, vector<16xi32>], vector<16xf32>,
      %parallel_loop3A_203 = arith.constant 16 : i32
      %parallel_loop3A_204 = arith.muli %parallel_loop3A_195, %parallel_loop3A_203 : i32
      %parallel_loop3A_205 = arith.constant 0 : i32
      %parallel_loop3A_206 = arith.index_cast %parallel_loop3A_205 : i32 to index
      %parallel_loop3A_207 = arith.index_cast %parallel_loop3A_204 : i32 to index
      %parallel_loop3A_208 = tpu.vector_load %arg15[%parallel_loop3A_206, %parallel_loop3A_207] {strides = array<i32>} : memref<8x1024xf32, #tpu.memory_space<vmem>>, vector<16xf32>,
      tpu.vector_store %arg15[%parallel_loop3A_206, %parallel_loop3A_207], %parallel_loop3A_202 {strides = array<i32>} : memref<8x1024xf32, #tpu.memory_space<vmem>>, vector<16xf32>,
      %parallel_loop3A_209 = arith.constant 1 : i32
      %parallel_loop3A_210 = vector.broadcast %parallel_loop3A_209 : i32 to vector<16xi32>
      %parallel_loop3A_211 = tpu.vector_load_idx %arg13[%parallel_loop3A_210, %parallel_loop3A_199] : memref<8x2048xf32, #tpu.memory_space<vmem>>[vector<16xi32>, vector<16xi32>], vector<16xf32>,
      %parallel_loop3A_212 = arith.constant 16 : i32
      %parallel_loop3A_213 = arith.muli %parallel_loop3A_195, %parallel_loop3A_212 : i32
      %parallel_loop3A_214 = arith.constant 1 : i32
      %parallel_loop3A_215 = arith.index_cast %parallel_loop3A_214 : i32 to index
      %parallel_loop3A_216 = arith.index_cast %parallel_loop3A_213 : i32 to index
      %parallel_loop3A_217 = tpu.vector_load %arg15[%parallel_loop3A_215, %parallel_loop3A_216] {strides = array<i32>} : memref<8x1024xf32, #tpu.memory_space<vmem>>, vector<16xf32>,
      tpu.vector_store %arg15[%parallel_loop3A_215, %parallel_loop3A_216], %parallel_loop3A_211 {strides = array<i32>} : memref<8x1024xf32, #tpu.memory_space<vmem>>, vector<16xf32>,
      %parallel_loop3A_218 = arith.constant 2 : i32
      %parallel_loop3A_219 = vector.broadcast %parallel_loop3A_218 : i32 to vector<16xi32>
      %parallel_loop3A_220 = tpu.vector_load_idx %arg13[%parallel_loop3A_219, %parallel_loop3A_199] : memref<8x2048xf32, #tpu.memory_space<vmem>>[vector<16xi32>, vector<16xi32>], vector<16xf32>,
      %parallel_loop3A_221 = arith.constant 16 : i32
      %parallel_loop3A_222 = arith.muli %parallel_loop3A_195, %parallel_loop3A_221 : i32
      %parallel_loop3A_223 = arith.constant 2 : i32
      %parallel_loop3A_224 = arith.index_cast %parallel_loop3A_223 : i32 to index
      %parallel_loop3A_225 = arith.index_cast %parallel_loop3A_222 : i32 to index
      %parallel_loop3A_226 = tpu.vector_load %arg15[%parallel_loop3A_224, %parallel_loop3A_225] {strides = array<i32>} : memref<8x1024xf32, #tpu.memory_space<vmem>>, vector<16xf32>,
      tpu.vector_store %arg15[%parallel_loop3A_224, %parallel_loop3A_225], %parallel_loop3A_220 {strides = array<i32>} : memref<8x1024xf32, #tpu.memory_space<vmem>>, vector<16xf32>,
      %parallel_loop3A_227 = arith.constant 3 : i32
      %parallel_loop3A_228 = vector.broadcast %parallel_loop3A_227 : i32 to vector<16xi32>
      %parallel_loop3A_229 = tpu.vector_load_idx %arg13[%parallel_loop3A_228, %parallel_loop3A_199] : memref<8x2048xf32, #tpu.memory_space<vmem>>[vector<16xi32>, vector<16xi32>], vector<16xf32>,
      %parallel_loop3A_230 = arith.constant 16 : i32
      %parallel_loop3A_231 = arith.muli %parallel_loop3A_195, %parallel_loop3A_230 : i32
      %parallel_loop3A_232 = arith.constant 3 : i32
      %parallel_loop3A_233 = arith.index_cast %parallel_loop3A_232 : i32 to index
      %parallel_loop3A_234 = arith.index_cast %parallel_loop3A_231 : i32 to index
      %parallel_loop3A_235 = tpu.vector_load %arg15[%parallel_loop3A_233, %parallel_loop3A_234] {strides = array<i32>} : memref<8x1024xf32, #tpu.memory_space<vmem>>, vector<16xf32>,
      tpu.vector_store %arg15[%parallel_loop3A_233, %parallel_loop3A_234], %parallel_loop3A_229 {strides = array<i32>} : memref<8x1024xf32, #tpu.memory_space<vmem>>, vector<16xf32>,
      %parallel_loop3A_236 = arith.constant 4 : i32
      %parallel_loop3A_237 = vector.broadcast %parallel_loop3A_236 : i32 to vector<16xi32>
      %parallel_loop3A_238 = tpu.vector_load_idx %arg13[%parallel_loop3A_237, %parallel_loop3A_199] : memref<8x2048xf32, #tpu.memory_space<vmem>>[vector<16xi32>, vector<16xi32>], vector<16xf32>,
      %parallel_loop3A_239 = arith.constant 16 : i32
      %parallel_loop3A_240 = arith.muli %parallel_loop3A_195, %parallel_loop3A_239 : i32
      %parallel_loop3A_241 = arith.constant 4 : i32
      %parallel_loop3A_242 = arith.index_cast %parallel_loop3A_241 : i32 to index
      %parallel_loop3A_243 = arith.index_cast %parallel_loop3A_240 : i32 to index
      %parallel_loop3A_244 = tpu.vector_load %arg15[%parallel_loop3A_242, %parallel_loop3A_243] {strides = array<i32>} : memref<8x1024xf32, #tpu.memory_space<vmem>>, vector<16xf32>,
      tpu.vector_store %arg15[%parallel_loop3A_242, %parallel_loop3A_243], %parallel_loop3A_238 {strides = array<i32>} : memref<8x1024xf32, #tpu.memory_space<vmem>>, vector<16xf32>,
      %parallel_loop3A_245 = arith.constant 5 : i32
      %parallel_loop3A_246 = vector.broadcast %parallel_loop3A_245 : i32 to vector<16xi32>
      %parallel_loop3A_247 = tpu.vector_load_idx %arg13[%parallel_loop3A_246, %parallel_loop3A_199] : memref<8x2048xf32, #tpu.memory_space<vmem>>[vector<16xi32>, vector<16xi32>], vector<16xf32>,
      %parallel_loop3A_248 = arith.constant 16 : i32
      %parallel_loop3A_249 = arith.muli %parallel_loop3A_195, %parallel_loop3A_248 : i32
      %parallel_loop3A_250 = arith.constant 5 : i32
      %parallel_loop3A_251 = arith.index_cast %parallel_loop3A_250 : i32 to index
      %parallel_loop3A_252 = arith.index_cast %parallel_loop3A_249 : i32 to index
      %parallel_loop3A_253 = tpu.vector_load %arg15[%parallel_loop3A_251, %parallel_loop3A_252] {strides = array<i32>} : memref<8x1024xf32, #tpu.memory_space<vmem>>, vector<16xf32>,
      tpu.vector_store %arg15[%parallel_loop3A_251, %parallel_loop3A_252], %parallel_loop3A_247 {strides = array<i32>} : memref<8x1024xf32, #tpu.memory_space<vmem>>, vector<16xf32>,
      %parallel_loop3A_254 = arith.constant 6 : i32
      %parallel_loop3A_255 = vector.broadcast %parallel_loop3A_254 : i32 to vector<16xi32>
      %parallel_loop3A_256 = tpu.vector_load_idx %arg13[%parallel_loop3A_255, %parallel_loop3A_199] : memref<8x2048xf32, #tpu.memory_space<vmem>>[vector<16xi32>, vector<16xi32>], vector<16xf32>,
      %parallel_loop3A_257 = arith.constant 16 : i32
      %parallel_loop3A_258 = arith.muli %parallel_loop3A_195, %parallel_loop3A_257 : i32
      %parallel_loop3A_259 = arith.constant 6 : i32
      %parallel_loop3A_260 = arith.index_cast %parallel_loop3A_259 : i32 to index
      %parallel_loop3A_261 = arith.index_cast %parallel_loop3A_258 : i32 to index
      %parallel_loop3A_262 = tpu.vector_load %arg15[%parallel_loop3A_260, %parallel_loop3A_261] {strides = array<i32>} : memref<8x1024xf32, #tpu.memory_space<vmem>>, vector<16xf32>,
      tpu.vector_store %arg15[%parallel_loop3A_260, %parallel_loop3A_261], %parallel_loop3A_256 {strides = array<i32>} : memref<8x1024xf32, #tpu.memory_space<vmem>>, vector<16xf32>,
      %parallel_loop3A_263 = arith.constant 7 : i32
      %parallel_loop3A_264 = vector.broadcast %parallel_loop3A_263 : i32 to vector<16xi32>
      %parallel_loop3A_265 = tpu.vector_load_idx %arg13[%parallel_loop3A_264, %parallel_loop3A_199] : memref<8x2048xf32, #tpu.memory_space<vmem>>[vector<16xi32>, vector<16xi32>], vector<16xf32>,
      %parallel_loop3A_266 = arith.constant 16 : i32
      %parallel_loop3A_267 = arith.muli %parallel_loop3A_195, %parallel_loop3A_266 : i32
      %parallel_loop3A_268 = arith.constant 7 : i32
      %parallel_loop3A_269 = arith.index_cast %parallel_loop3A_268 : i32 to index
      %parallel_loop3A_270 = arith.index_cast %parallel_loop3A_267 : i32 to index
      %parallel_loop3A_271 = tpu.vector_load %arg15[%parallel_loop3A_269, %parallel_loop3A_270] {strides = array<i32>} : memref<8x1024xf32, #tpu.memory_space<vmem>>, vector<16xf32>,
      tpu.vector_store %arg15[%parallel_loop3A_269, %parallel_loop3A_270], %parallel_loop3A_265 {strides = array<i32>} : memref<8x1024xf32, #tpu.memory_space<vmem>>, vector<16xf32>,
    } {sc.loop_unroll_factor = 4 : i64, sc.parallel_access}
    %add3A_177 = arith.constant 248 : i32
    %add3A_178 = arith.addi %add3A_42, %add3A_177 : i32
    %dma_start3A_179 = arith.constant 0 : i32
    %dma_start3A_180 = tpu.memref_slice %arg6[%add3A_178, %dma_start3A_179] : memref<8192x1024xf32, #tpu.memory_space<hbm>> -> memref<8x1024xf32, #tpu.memory_space<hbm>>
    %dma_start3A_181 = arith.constant 0 : i32
    %dma_start3A_182 = tpu.memref_slice %arg6[%add3A_178, %dma_start3A_181] : memref<8192x1024xf32, #tpu.memory_space<hbm>> -> memref<8x1024xf32, #tpu.memory_space<hbm>>
    tpu.enqueue_dma source(%arg15 : memref<8x1024xf32, #tpu.memory_space<vmem>>) target(%dma_start3A_182 : memref<8x1024xf32, #tpu.memory_space<hbm>>) target_semaphore(%arg21 : memref<!tpu.dma_semaphore, #tpu.memory_space<semaphore_mem>>)
    %add3A_183 = arith.constant 240 : i32
    %add3A_184 = arith.addi %add3A_42, %add3A_183 : i32
    %dma_wait3A_185 = arith.constant 0 : i32
    %dma_wait3A_186 = tpu.memref_slice %arg6[%add3A_184, %dma_wait3A_185] : memref<8192x1024xf32, #tpu.memory_space<hbm>> -> memref<8x1024xf32, #tpu.memory_space<hbm>>
    %dma_wait3A_187 = arith.constant 0 : i32
    %dma_wait3A_188 = tpu.memref_slice %arg6[%add3A_184, %dma_wait3A_187] : memref<8192x1024xf32, #tpu.memory_space<hbm>> -> memref<8x1024xf32, #tpu.memory_space<hbm>>
    tpu.wait_dma2 semaphore(%arg20 : memref<!tpu.dma_semaphore, #tpu.memory_space<semaphore_mem>>) src(%arg14 : memref<8x1024xf32, #tpu.memory_space<vmem>>) dst(%dma_wait3A_188 : memref<8x1024xf32, #tpu.memory_space<hbm>>)
    %add3A_189 = arith.constant 248 : i32
    %add3A_190 = arith.addi %add3A_42, %add3A_189 : i32
    %dma_wait3A_191 = arith.constant 0 : i32
    %dma_wait3A_192 = tpu.memref_slice %arg6[%add3A_190, %dma_wait3A_191] : memref<8192x1024xf32, #tpu.memory_space<hbm>> -> memref<8x1024xf32, #tpu.memory_space<hbm>>
    %dma_wait3A_193 = arith.constant 0 : i32
    %dma_wait3A_194 = tpu.memref_slice %arg6[%add3A_190, %dma_wait3A_193] : memref<8192x1024xf32, #tpu.memory_space<hbm>> -> memref<8x1024xf32, #tpu.memory_space<hbm>>
    tpu.wait_dma2 semaphore(%arg21 : memref<!tpu.dma_semaphore, #tpu.memory_space<semaphore_mem>>) src(%arg15 : memref<8x1024xf32, #tpu.memory_space<vmem>>) dst(%dma_wait3A_194 : memref<8x1024xf32, #tpu.memory_space<hbm>>)
    "tpu.trace_stop"() : () -> ()
    return
  }
}

module attributes {stable_mosaic.version = 14 : i64} {
  func.func @_score_rank_body(%arg0: i32, %arg1: memref<1x2048x512xf32, #tpu.memory_space<vmem>>, %arg2: memref<1x512xf32, #tpu.memory_space<vmem>>, %arg3: memref<1xf32, #tpu.memory_space<vmem>>, %arg4: memref<1x1x2048xf32, #tpu.memory_space<vmem>>, %arg5: memref<1x1x2048xf32, #tpu.memory_space<vmem>>, %arg6: memref<1x1x2048xi32, #tpu.memory_space<vmem>>) attributes {dimension_semantics = [#tpu.dimension_semantics<arbitrary>], iteration_bounds = array<i64: 8>, scalar_prefetch = 0 : i64, scratch_operands = 0 : i64, tpu.core_type = #tpu.core_type<tc>, window_params = [{transform_indices = @transform_0, window_bounds = array<i64: 1, 2048, 512>}, {pipeline_mode = #tpu.pipeline_mode<synchronous>, transform_indices = @transform_1, window_bounds = array<i64: 1, 512>}, {pipeline_mode = #tpu.pipeline_mode<synchronous>, transform_indices = @transform_2, window_bounds = array<i64: 1>}, {transform_indices = @transform_3, window_bounds = array<i64: 1, 1, 2048>}, {transform_indices = @transform_4, window_bounds = array<i64: 1, 1, 2048>}, {transform_indices = @transform_5, window_bounds = array<i64: 1, 1, 2048>}]} {
    %get3A = arith.constant 0 : index
    %get3A_0 = arith.constant 0 : index
    %get3A_1 = arith.constant 0 : index
    %get3A_2 = vector.load %arg1[%get3A, %get3A_0, %get3A_1] : memref<1x2048x512xf32, #tpu.memory_space<vmem>>, vector<1x2048x512xf32>
    %get3A_3 = vector.shape_cast %get3A_2 : vector<1x2048x512xf32> to vector<2048x512xf32>
    %get3A_4 = arith.constant 0 : index
    %get3A_5 = arith.constant 0 : index
    %get3A_6 = vector.load %arg2[%get3A_4, %get3A_5] : memref<1x512xf32, #tpu.memory_space<vmem>>, vector<1x512xf32>
    %get3A_7 = vector.shape_cast %get3A_6 : vector<1x512xf32> to vector<512xf32>
    %broadcast_in_dim3A = vector.shape_cast %get3A_7 : vector<512xf32> to vector<1x512xf32>
    %mul3A = vector.broadcast %broadcast_in_dim3A : vector<1x512xf32> to vector<2048x512xf32>
    %mul3A_8 = arith.mulf %get3A_3, %mul3A : vector<2048x512xf32>
    %reduce_sum3A = arith.constant dense<0.000000e+00> : vector<2048xf32>
    %reduce_sum3A_9 = vector.multi_reduction <add>, %mul3A_8, %reduce_sum3A [1] : vector<2048x512xf32> to vector<2048xf32>
    %get3A_10 = arith.constant 0 : index
    %get3A_11 = vector.load %arg3[%get3A_10] : memref<1xf32, #tpu.memory_space<vmem>>, vector<1xf32>
    %get3A_12 = vector.extract %get3A_11[0] : f32 from vector<1xf32>
    %add3A = vector.broadcast %get3A_12 : f32 to vector<2048xf32>
    %add3A_13 = arith.addf %reduce_sum3A_9, %add3A : vector<2048xf32>
    %swap3A = arith.constant 0 : index
    %swap3A_14 = arith.constant 0 : index
    %swap3A_15 = arith.constant 0 : index
    %swap3A_16 = vector.load %arg5[%swap3A, %swap3A_14, %swap3A_15] : memref<1x1x2048xf32, #tpu.memory_space<vmem>>, vector<1x1x2048xf32>
    %swap3A_17 = vector.shape_cast %swap3A_16 : vector<1x1x2048xf32> to vector<2048xf32>
    %swap3A_18 = vector.shape_cast %add3A_13 : vector<2048xf32> to vector<1x1x2048xf32>
    tpu.vector_store %arg5[%swap3A, %swap3A_14, %swap3A_15], %swap3A_18 {strides = array<i32>} : memref<1x1x2048xf32, #tpu.memory_space<vmem>>, vector<1x1x2048xf32>,
    %get3A_19 = arith.constant 0 : index
    %get3A_20 = arith.constant 0 : index
    %get3A_21 = arith.constant 0 : index
    %get3A_22 = vector.load %arg4[%get3A_19, %get3A_20, %get3A_21] : memref<1x1x2048xf32, #tpu.memory_space<vmem>>, vector<1x1x2048xf32>
    %get3A_23 = vector.shape_cast %get3A_22 : vector<1x1x2048xf32> to vector<2048xf32>
    %iota3A = tpu.iota {dimensions = array<i32: 1>} : vector<1x2048xi32>
    %iota3A_24 = vector.shape_cast %iota3A : vector<1x2048xi32> to vector<2048xi32>
    %broadcast_in_dim3A_25 = arith.constant 1.000000e+00 : f32
    %broadcast_in_dim3A_26 = vector.broadcast %broadcast_in_dim3A_25 : f32 to vector<2048x1xf32>
    %slice3A = vector.extract_strided_slice %get3A_23 {offsets = [0], sizes = [256], strides = [1]} : vector<2048xf32> to vector<256xf32>
    %slice3A_27 = vector.extract_strided_slice %iota3A_24 {offsets = [0], sizes = [256], strides = [1]} : vector<2048xi32> to vector<256xi32>
    %broadcast_in_dim3A_28 = vector.shape_cast %get3A_23 : vector<2048xf32> to vector<1x2048xf32>
    %broadcast_in_dim3A_29 = vector.shape_cast %slice3A : vector<256xf32> to vector<256x1xf32>
    %ge3A = vector.broadcast %broadcast_in_dim3A_28 : vector<1x2048xf32> to vector<256x2048xf32>
    %ge3A_30 = vector.broadcast %broadcast_in_dim3A_29 : vector<256x1xf32> to vector<256x2048xf32>
    %ge3A_31 = arith.cmpf oge, %ge3A, %ge3A_30 : vector<256x2048xf32>
    %broadcast_in_dim3A_32 = vector.shape_cast %get3A_23 : vector<2048xf32> to vector<1x2048xf32>
    %broadcast_in_dim3A_33 = vector.shape_cast %slice3A : vector<256xf32> to vector<256x1xf32>
    %gt3A = vector.broadcast %broadcast_in_dim3A_32 : vector<1x2048xf32> to vector<256x2048xf32>
    %gt3A_34 = vector.broadcast %broadcast_in_dim3A_33 : vector<256x1xf32> to vector<256x2048xf32>
    %gt3A_35 = arith.cmpf ogt, %gt3A, %gt3A_34 : vector<256x2048xf32>
    %broadcast_in_dim3A_36 = vector.shape_cast %iota3A_24 : vector<2048xi32> to vector<1x2048xi32>
    %broadcast_in_dim3A_37 = vector.shape_cast %slice3A_27 : vector<256xi32> to vector<256x1xi32>
    %lt3A = vector.broadcast %broadcast_in_dim3A_36 : vector<1x2048xi32> to vector<256x2048xi32>
    %lt3A_38 = vector.broadcast %broadcast_in_dim3A_37 : vector<256x1xi32> to vector<256x2048xi32>
    %lt3A_39 = arith.cmpi slt, %lt3A, %lt3A_38 : vector<256x2048xi32>
    %convert_element_type3A = arith.extui %ge3A_31 : vector<256x2048xi1> to vector<256x2048xi32>
    %convert_element_type3A_40 = arith.sitofp %convert_element_type3A : vector<256x2048xi32> to vector<256x2048xf32>
    %convert_element_type3A_41 = arith.extui %gt3A_35 : vector<256x2048xi1> to vector<256x2048xi32>
    %convert_element_type3A_42 = arith.sitofp %convert_element_type3A_41 : vector<256x2048xi32> to vector<256x2048xf32>
    %select_n3A = arith.select %lt3A_39, %convert_element_type3A_40, %convert_element_type3A_42 : vector<256x2048xi1>, vector<256x2048xf32>
    %dot_general3A = arith.constant dense<0.000000e+00> : vector<256x1xf32>
    %dot_general3A_43 = tpu.matmul %select_n3A, %broadcast_in_dim3A_26, %dot_general3A {dimension_numbers = #tpu.dot_dimension_numbers<[1], [0], [0], [1], [0, 0, 1, 1], [], []>, transpose_lhs_hint = false} : vector<256x2048xf32>, vector<2048x1xf32>, vector<256x1xf32> -> vector<256x1xf32>
    %squeeze3A = vector.shape_cast %dot_general3A_43 : vector<256x1xf32> to vector<256xf32>
    %convert_element_type3A_44 = arith.fptosi %squeeze3A : vector<256xf32> to vector<256xi32>
    %swap3A_45 = arith.constant 0 : index
    %swap3A_46 = arith.constant 0 : index
    %swap3A_47 = arith.constant 0 : index
    %swap3A_48 = vector.load %arg6[%swap3A_45, %swap3A_46, %swap3A_47] : memref<1x1x2048xi32, #tpu.memory_space<vmem>>, vector<1x1x256xi32>
    %swap3A_49 = vector.shape_cast %swap3A_48 : vector<1x1x256xi32> to vector<256xi32>
    %swap3A_50 = vector.shape_cast %convert_element_type3A_44 : vector<256xi32> to vector<1x1x256xi32>
    tpu.vector_store %arg6[%swap3A_45, %swap3A_46, %swap3A_47], %swap3A_50 {strides = array<i32>} : memref<1x1x2048xi32, #tpu.memory_space<vmem>>, vector<1x1x256xi32>,
    %slice3A_51 = vector.extract_strided_slice %get3A_23 {offsets = [256], sizes = [256], strides = [1]} : vector<2048xf32> to vector<256xf32>
    %slice3A_52 = vector.extract_strided_slice %iota3A_24 {offsets = [256], sizes = [256], strides = [1]} : vector<2048xi32> to vector<256xi32>
    %broadcast_in_dim3A_53 = vector.shape_cast %get3A_23 : vector<2048xf32> to vector<1x2048xf32>
    %broadcast_in_dim3A_54 = vector.shape_cast %slice3A_51 : vector<256xf32> to vector<256x1xf32>
    %ge3A_55 = vector.broadcast %broadcast_in_dim3A_53 : vector<1x2048xf32> to vector<256x2048xf32>
    %ge3A_56 = vector.broadcast %broadcast_in_dim3A_54 : vector<256x1xf32> to vector<256x2048xf32>
    %ge3A_57 = arith.cmpf oge, %ge3A_55, %ge3A_56 : vector<256x2048xf32>
    %broadcast_in_dim3A_58 = vector.shape_cast %get3A_23 : vector<2048xf32> to vector<1x2048xf32>
    %broadcast_in_dim3A_59 = vector.shape_cast %slice3A_51 : vector<256xf32> to vector<256x1xf32>
    %gt3A_60 = vector.broadcast %broadcast_in_dim3A_58 : vector<1x2048xf32> to vector<256x2048xf32>
    %gt3A_61 = vector.broadcast %broadcast_in_dim3A_59 : vector<256x1xf32> to vector<256x2048xf32>
    %gt3A_62 = arith.cmpf ogt, %gt3A_60, %gt3A_61 : vector<256x2048xf32>
    %broadcast_in_dim3A_63 = vector.shape_cast %iota3A_24 : vector<2048xi32> to vector<1x2048xi32>
    %broadcast_in_dim3A_64 = vector.shape_cast %slice3A_52 : vector<256xi32> to vector<256x1xi32>
    %lt3A_65 = vector.broadcast %broadcast_in_dim3A_63 : vector<1x2048xi32> to vector<256x2048xi32>
    %lt3A_66 = vector.broadcast %broadcast_in_dim3A_64 : vector<256x1xi32> to vector<256x2048xi32>
    %lt3A_67 = arith.cmpi slt, %lt3A_65, %lt3A_66 : vector<256x2048xi32>
    %convert_element_type3A_68 = arith.extui %ge3A_57 : vector<256x2048xi1> to vector<256x2048xi32>
    %convert_element_type3A_69 = arith.sitofp %convert_element_type3A_68 : vector<256x2048xi32> to vector<256x2048xf32>
    %convert_element_type3A_70 = arith.extui %gt3A_62 : vector<256x2048xi1> to vector<256x2048xi32>
    %convert_element_type3A_71 = arith.sitofp %convert_element_type3A_70 : vector<256x2048xi32> to vector<256x2048xf32>
    %select_n3A_72 = arith.select %lt3A_67, %convert_element_type3A_69, %convert_element_type3A_71 : vector<256x2048xi1>, vector<256x2048xf32>
    %dot_general3A_73 = arith.constant dense<0.000000e+00> : vector<256x1xf32>
    %dot_general3A_74 = tpu.matmul %select_n3A_72, %broadcast_in_dim3A_26, %dot_general3A_73 {dimension_numbers = #tpu.dot_dimension_numbers<[1], [0], [0], [1], [0, 0, 1, 1], [], []>, transpose_lhs_hint = false} : vector<256x2048xf32>, vector<2048x1xf32>, vector<256x1xf32> -> vector<256x1xf32>
    %squeeze3A_75 = vector.shape_cast %dot_general3A_74 : vector<256x1xf32> to vector<256xf32>
    %convert_element_type3A_76 = arith.fptosi %squeeze3A_75 : vector<256xf32> to vector<256xi32>
    %swap3A_77 = arith.constant 0 : index
    %swap3A_78 = arith.constant 0 : index
    %swap3A_79 = arith.constant 256 : index
    %swap3A_80 = vector.load %arg6[%swap3A_77, %swap3A_78, %swap3A_79] : memref<1x1x2048xi32, #tpu.memory_space<vmem>>, vector<1x1x256xi32>
    %swap3A_81 = vector.shape_cast %swap3A_80 : vector<1x1x256xi32> to vector<256xi32>
    %swap3A_82 = vector.shape_cast %convert_element_type3A_76 : vector<256xi32> to vector<1x1x256xi32>
    tpu.vector_store %arg6[%swap3A_77, %swap3A_78, %swap3A_79], %swap3A_82 {strides = array<i32>} : memref<1x1x2048xi32, #tpu.memory_space<vmem>>, vector<1x1x256xi32>,
    %slice3A_83 = vector.extract_strided_slice %get3A_23 {offsets = [512], sizes = [256], strides = [1]} : vector<2048xf32> to vector<256xf32>
    %slice3A_84 = vector.extract_strided_slice %iota3A_24 {offsets = [512], sizes = [256], strides = [1]} : vector<2048xi32> to vector<256xi32>
    %broadcast_in_dim3A_85 = vector.shape_cast %get3A_23 : vector<2048xf32> to vector<1x2048xf32>
    %broadcast_in_dim3A_86 = vector.shape_cast %slice3A_83 : vector<256xf32> to vector<256x1xf32>
    %ge3A_87 = vector.broadcast %broadcast_in_dim3A_85 : vector<1x2048xf32> to vector<256x2048xf32>
    %ge3A_88 = vector.broadcast %broadcast_in_dim3A_86 : vector<256x1xf32> to vector<256x2048xf32>
    %ge3A_89 = arith.cmpf oge, %ge3A_87, %ge3A_88 : vector<256x2048xf32>
    %broadcast_in_dim3A_90 = vector.shape_cast %get3A_23 : vector<2048xf32> to vector<1x2048xf32>
    %broadcast_in_dim3A_91 = vector.shape_cast %slice3A_83 : vector<256xf32> to vector<256x1xf32>
    %gt3A_92 = vector.broadcast %broadcast_in_dim3A_90 : vector<1x2048xf32> to vector<256x2048xf32>
    %gt3A_93 = vector.broadcast %broadcast_in_dim3A_91 : vector<256x1xf32> to vector<256x2048xf32>
    %gt3A_94 = arith.cmpf ogt, %gt3A_92, %gt3A_93 : vector<256x2048xf32>
    %broadcast_in_dim3A_95 = vector.shape_cast %iota3A_24 : vector<2048xi32> to vector<1x2048xi32>
    %broadcast_in_dim3A_96 = vector.shape_cast %slice3A_84 : vector<256xi32> to vector<256x1xi32>
    %lt3A_97 = vector.broadcast %broadcast_in_dim3A_95 : vector<1x2048xi32> to vector<256x2048xi32>
    %lt3A_98 = vector.broadcast %broadcast_in_dim3A_96 : vector<256x1xi32> to vector<256x2048xi32>
    %lt3A_99 = arith.cmpi slt, %lt3A_97, %lt3A_98 : vector<256x2048xi32>
    %convert_element_type3A_100 = arith.extui %ge3A_89 : vector<256x2048xi1> to vector<256x2048xi32>
    %convert_element_type3A_101 = arith.sitofp %convert_element_type3A_100 : vector<256x2048xi32> to vector<256x2048xf32>
    %convert_element_type3A_102 = arith.extui %gt3A_94 : vector<256x2048xi1> to vector<256x2048xi32>
    %convert_element_type3A_103 = arith.sitofp %convert_element_type3A_102 : vector<256x2048xi32> to vector<256x2048xf32>
    %select_n3A_104 = arith.select %lt3A_99, %convert_element_type3A_101, %convert_element_type3A_103 : vector<256x2048xi1>, vector<256x2048xf32>
    %dot_general3A_105 = arith.constant dense<0.000000e+00> : vector<256x1xf32>
    %dot_general3A_106 = tpu.matmul %select_n3A_104, %broadcast_in_dim3A_26, %dot_general3A_105 {dimension_numbers = #tpu.dot_dimension_numbers<[1], [0], [0], [1], [0, 0, 1, 1], [], []>, transpose_lhs_hint = false} : vector<256x2048xf32>, vector<2048x1xf32>, vector<256x1xf32> -> vector<256x1xf32>
    %squeeze3A_107 = vector.shape_cast %dot_general3A_106 : vector<256x1xf32> to vector<256xf32>
    %convert_element_type3A_108 = arith.fptosi %squeeze3A_107 : vector<256xf32> to vector<256xi32>
    %swap3A_109 = arith.constant 0 : index
    %swap3A_110 = arith.constant 0 : index
    %swap3A_111 = arith.constant 512 : index
    %swap3A_112 = vector.load %arg6[%swap3A_109, %swap3A_110, %swap3A_111] : memref<1x1x2048xi32, #tpu.memory_space<vmem>>, vector<1x1x256xi32>
    %swap3A_113 = vector.shape_cast %swap3A_112 : vector<1x1x256xi32> to vector<256xi32>
    %swap3A_114 = vector.shape_cast %convert_element_type3A_108 : vector<256xi32> to vector<1x1x256xi32>
    tpu.vector_store %arg6[%swap3A_109, %swap3A_110, %swap3A_111], %swap3A_114 {strides = array<i32>} : memref<1x1x2048xi32, #tpu.memory_space<vmem>>, vector<1x1x256xi32>,
    %slice3A_115 = vector.extract_strided_slice %get3A_23 {offsets = [768], sizes = [256], strides = [1]} : vector<2048xf32> to vector<256xf32>
    %slice3A_116 = vector.extract_strided_slice %iota3A_24 {offsets = [768], sizes = [256], strides = [1]} : vector<2048xi32> to vector<256xi32>
    %broadcast_in_dim3A_117 = vector.shape_cast %get3A_23 : vector<2048xf32> to vector<1x2048xf32>
    %broadcast_in_dim3A_118 = vector.shape_cast %slice3A_115 : vector<256xf32> to vector<256x1xf32>
    %ge3A_119 = vector.broadcast %broadcast_in_dim3A_117 : vector<1x2048xf32> to vector<256x2048xf32>
    %ge3A_120 = vector.broadcast %broadcast_in_dim3A_118 : vector<256x1xf32> to vector<256x2048xf32>
    %ge3A_121 = arith.cmpf oge, %ge3A_119, %ge3A_120 : vector<256x2048xf32>
    %broadcast_in_dim3A_122 = vector.shape_cast %get3A_23 : vector<2048xf32> to vector<1x2048xf32>
    %broadcast_in_dim3A_123 = vector.shape_cast %slice3A_115 : vector<256xf32> to vector<256x1xf32>
    %gt3A_124 = vector.broadcast %broadcast_in_dim3A_122 : vector<1x2048xf32> to vector<256x2048xf32>
    %gt3A_125 = vector.broadcast %broadcast_in_dim3A_123 : vector<256x1xf32> to vector<256x2048xf32>
    %gt3A_126 = arith.cmpf ogt, %gt3A_124, %gt3A_125 : vector<256x2048xf32>
    %broadcast_in_dim3A_127 = vector.shape_cast %iota3A_24 : vector<2048xi32> to vector<1x2048xi32>
    %broadcast_in_dim3A_128 = vector.shape_cast %slice3A_116 : vector<256xi32> to vector<256x1xi32>
    %lt3A_129 = vector.broadcast %broadcast_in_dim3A_127 : vector<1x2048xi32> to vector<256x2048xi32>
    %lt3A_130 = vector.broadcast %broadcast_in_dim3A_128 : vector<256x1xi32> to vector<256x2048xi32>
    %lt3A_131 = arith.cmpi slt, %lt3A_129, %lt3A_130 : vector<256x2048xi32>
    %convert_element_type3A_132 = arith.extui %ge3A_121 : vector<256x2048xi1> to vector<256x2048xi32>
    %convert_element_type3A_133 = arith.sitofp %convert_element_type3A_132 : vector<256x2048xi32> to vector<256x2048xf32>
    %convert_element_type3A_134 = arith.extui %gt3A_126 : vector<256x2048xi1> to vector<256x2048xi32>
    %convert_element_type3A_135 = arith.sitofp %convert_element_type3A_134 : vector<256x2048xi32> to vector<256x2048xf32>
    %select_n3A_136 = arith.select %lt3A_131, %convert_element_type3A_133, %convert_element_type3A_135 : vector<256x2048xi1>, vector<256x2048xf32>
    %dot_general3A_137 = arith.constant dense<0.000000e+00> : vector<256x1xf32>
    %dot_general3A_138 = tpu.matmul %select_n3A_136, %broadcast_in_dim3A_26, %dot_general3A_137 {dimension_numbers = #tpu.dot_dimension_numbers<[1], [0], [0], [1], [0, 0, 1, 1], [], []>, transpose_lhs_hint = false} : vector<256x2048xf32>, vector<2048x1xf32>, vector<256x1xf32> -> vector<256x1xf32>
    %squeeze3A_139 = vector.shape_cast %dot_general3A_138 : vector<256x1xf32> to vector<256xf32>
    %convert_element_type3A_140 = arith.fptosi %squeeze3A_139 : vector<256xf32> to vector<256xi32>
    %swap3A_141 = arith.constant 0 : index
    %swap3A_142 = arith.constant 0 : index
    %swap3A_143 = arith.constant 768 : index
    %swap3A_144 = vector.load %arg6[%swap3A_141, %swap3A_142, %swap3A_143] : memref<1x1x2048xi32, #tpu.memory_space<vmem>>, vector<1x1x256xi32>
    %swap3A_145 = vector.shape_cast %swap3A_144 : vector<1x1x256xi32> to vector<256xi32>
    %swap3A_146 = vector.shape_cast %convert_element_type3A_140 : vector<256xi32> to vector<1x1x256xi32>
    tpu.vector_store %arg6[%swap3A_141, %swap3A_142, %swap3A_143], %swap3A_146 {strides = array<i32>} : memref<1x1x2048xi32, #tpu.memory_space<vmem>>, vector<1x1x256xi32>,
    %slice3A_147 = vector.extract_strided_slice %get3A_23 {offsets = [1024], sizes = [256], strides = [1]} : vector<2048xf32> to vector<256xf32>
    %slice3A_148 = vector.extract_strided_slice %iota3A_24 {offsets = [1024], sizes = [256], strides = [1]} : vector<2048xi32> to vector<256xi32>
    %broadcast_in_dim3A_149 = vector.shape_cast %get3A_23 : vector<2048xf32> to vector<1x2048xf32>
    %broadcast_in_dim3A_150 = vector.shape_cast %slice3A_147 : vector<256xf32> to vector<256x1xf32>
    %ge3A_151 = vector.broadcast %broadcast_in_dim3A_149 : vector<1x2048xf32> to vector<256x2048xf32>
    %ge3A_152 = vector.broadcast %broadcast_in_dim3A_150 : vector<256x1xf32> to vector<256x2048xf32>
    %ge3A_153 = arith.cmpf oge, %ge3A_151, %ge3A_152 : vector<256x2048xf32>
    %broadcast_in_dim3A_154 = vector.shape_cast %get3A_23 : vector<2048xf32> to vector<1x2048xf32>
    %broadcast_in_dim3A_155 = vector.shape_cast %slice3A_147 : vector<256xf32> to vector<256x1xf32>
    %gt3A_156 = vector.broadcast %broadcast_in_dim3A_154 : vector<1x2048xf32> to vector<256x2048xf32>
    %gt3A_157 = vector.broadcast %broadcast_in_dim3A_155 : vector<256x1xf32> to vector<256x2048xf32>
    %gt3A_158 = arith.cmpf ogt, %gt3A_156, %gt3A_157 : vector<256x2048xf32>
    %broadcast_in_dim3A_159 = vector.shape_cast %iota3A_24 : vector<2048xi32> to vector<1x2048xi32>
    %broadcast_in_dim3A_160 = vector.shape_cast %slice3A_148 : vector<256xi32> to vector<256x1xi32>
    %lt3A_161 = vector.broadcast %broadcast_in_dim3A_159 : vector<1x2048xi32> to vector<256x2048xi32>
    %lt3A_162 = vector.broadcast %broadcast_in_dim3A_160 : vector<256x1xi32> to vector<256x2048xi32>
    %lt3A_163 = arith.cmpi slt, %lt3A_161, %lt3A_162 : vector<256x2048xi32>
    %convert_element_type3A_164 = arith.extui %ge3A_153 : vector<256x2048xi1> to vector<256x2048xi32>
    %convert_element_type3A_165 = arith.sitofp %convert_element_type3A_164 : vector<256x2048xi32> to vector<256x2048xf32>
    %convert_element_type3A_166 = arith.extui %gt3A_158 : vector<256x2048xi1> to vector<256x2048xi32>
    %convert_element_type3A_167 = arith.sitofp %convert_element_type3A_166 : vector<256x2048xi32> to vector<256x2048xf32>
    %select_n3A_168 = arith.select %lt3A_163, %convert_element_type3A_165, %convert_element_type3A_167 : vector<256x2048xi1>, vector<256x2048xf32>
    %dot_general3A_169 = arith.constant dense<0.000000e+00> : vector<256x1xf32>
    %dot_general3A_170 = tpu.matmul %select_n3A_168, %broadcast_in_dim3A_26, %dot_general3A_169 {dimension_numbers = #tpu.dot_dimension_numbers<[1], [0], [0], [1], [0, 0, 1, 1], [], []>, transpose_lhs_hint = false} : vector<256x2048xf32>, vector<2048x1xf32>, vector<256x1xf32> -> vector<256x1xf32>
    %squeeze3A_171 = vector.shape_cast %dot_general3A_170 : vector<256x1xf32> to vector<256xf32>
    %convert_element_type3A_172 = arith.fptosi %squeeze3A_171 : vector<256xf32> to vector<256xi32>
    %swap3A_173 = arith.constant 0 : index
    %swap3A_174 = arith.constant 0 : index
    %swap3A_175 = arith.constant 1024 : index
    %swap3A_176 = vector.load %arg6[%swap3A_173, %swap3A_174, %swap3A_175] : memref<1x1x2048xi32, #tpu.memory_space<vmem>>, vector<1x1x256xi32>
    %swap3A_177 = vector.shape_cast %swap3A_176 : vector<1x1x256xi32> to vector<256xi32>
    %swap3A_178 = vector.shape_cast %convert_element_type3A_172 : vector<256xi32> to vector<1x1x256xi32>
    tpu.vector_store %arg6[%swap3A_173, %swap3A_174, %swap3A_175], %swap3A_178 {strides = array<i32>} : memref<1x1x2048xi32, #tpu.memory_space<vmem>>, vector<1x1x256xi32>,
    %slice3A_179 = vector.extract_strided_slice %get3A_23 {offsets = [1280], sizes = [256], strides = [1]} : vector<2048xf32> to vector<256xf32>
    %slice3A_180 = vector.extract_strided_slice %iota3A_24 {offsets = [1280], sizes = [256], strides = [1]} : vector<2048xi32> to vector<256xi32>
    %broadcast_in_dim3A_181 = vector.shape_cast %get3A_23 : vector<2048xf32> to vector<1x2048xf32>
    %broadcast_in_dim3A_182 = vector.shape_cast %slice3A_179 : vector<256xf32> to vector<256x1xf32>
    %ge3A_183 = vector.broadcast %broadcast_in_dim3A_181 : vector<1x2048xf32> to vector<256x2048xf32>
    %ge3A_184 = vector.broadcast %broadcast_in_dim3A_182 : vector<256x1xf32> to vector<256x2048xf32>
    %ge3A_185 = arith.cmpf oge, %ge3A_183, %ge3A_184 : vector<256x2048xf32>
    %broadcast_in_dim3A_186 = vector.shape_cast %get3A_23 : vector<2048xf32> to vector<1x2048xf32>
    %broadcast_in_dim3A_187 = vector.shape_cast %slice3A_179 : vector<256xf32> to vector<256x1xf32>
    %gt3A_188 = vector.broadcast %broadcast_in_dim3A_186 : vector<1x2048xf32> to vector<256x2048xf32>
    %gt3A_189 = vector.broadcast %broadcast_in_dim3A_187 : vector<256x1xf32> to vector<256x2048xf32>
    %gt3A_190 = arith.cmpf ogt, %gt3A_188, %gt3A_189 : vector<256x2048xf32>
    %broadcast_in_dim3A_191 = vector.shape_cast %iota3A_24 : vector<2048xi32> to vector<1x2048xi32>
    %broadcast_in_dim3A_192 = vector.shape_cast %slice3A_180 : vector<256xi32> to vector<256x1xi32>
    %lt3A_193 = vector.broadcast %broadcast_in_dim3A_191 : vector<1x2048xi32> to vector<256x2048xi32>
    %lt3A_194 = vector.broadcast %broadcast_in_dim3A_192 : vector<256x1xi32> to vector<256x2048xi32>
    %lt3A_195 = arith.cmpi slt, %lt3A_193, %lt3A_194 : vector<256x2048xi32>
    %convert_element_type3A_196 = arith.extui %ge3A_185 : vector<256x2048xi1> to vector<256x2048xi32>
    %convert_element_type3A_197 = arith.sitofp %convert_element_type3A_196 : vector<256x2048xi32> to vector<256x2048xf32>
    %convert_element_type3A_198 = arith.extui %gt3A_190 : vector<256x2048xi1> to vector<256x2048xi32>
    %convert_element_type3A_199 = arith.sitofp %convert_element_type3A_198 : vector<256x2048xi32> to vector<256x2048xf32>
    %select_n3A_200 = arith.select %lt3A_195, %convert_element_type3A_197, %convert_element_type3A_199 : vector<256x2048xi1>, vector<256x2048xf32>
    %dot_general3A_201 = arith.constant dense<0.000000e+00> : vector<256x1xf32>
    %dot_general3A_202 = tpu.matmul %select_n3A_200, %broadcast_in_dim3A_26, %dot_general3A_201 {dimension_numbers = #tpu.dot_dimension_numbers<[1], [0], [0], [1], [0, 0, 1, 1], [], []>, transpose_lhs_hint = false} : vector<256x2048xf32>, vector<2048x1xf32>, vector<256x1xf32> -> vector<256x1xf32>
    %squeeze3A_203 = vector.shape_cast %dot_general3A_202 : vector<256x1xf32> to vector<256xf32>
    %convert_element_type3A_204 = arith.fptosi %squeeze3A_203 : vector<256xf32> to vector<256xi32>
    %swap3A_205 = arith.constant 0 : index
    %swap3A_206 = arith.constant 0 : index
    %swap3A_207 = arith.constant 1280 : index
    %swap3A_208 = vector.load %arg6[%swap3A_205, %swap3A_206, %swap3A_207] : memref<1x1x2048xi32, #tpu.memory_space<vmem>>, vector<1x1x256xi32>
    %swap3A_209 = vector.shape_cast %swap3A_208 : vector<1x1x256xi32> to vector<256xi32>
    %swap3A_210 = vector.shape_cast %convert_element_type3A_204 : vector<256xi32> to vector<1x1x256xi32>
    tpu.vector_store %arg6[%swap3A_205, %swap3A_206, %swap3A_207], %swap3A_210 {strides = array<i32>} : memref<1x1x2048xi32, #tpu.memory_space<vmem>>, vector<1x1x256xi32>,
    %slice3A_211 = vector.extract_strided_slice %get3A_23 {offsets = [1536], sizes = [256], strides = [1]} : vector<2048xf32> to vector<256xf32>
    %slice3A_212 = vector.extract_strided_slice %iota3A_24 {offsets = [1536], sizes = [256], strides = [1]} : vector<2048xi32> to vector<256xi32>
    %broadcast_in_dim3A_213 = vector.shape_cast %get3A_23 : vector<2048xf32> to vector<1x2048xf32>
    %broadcast_in_dim3A_214 = vector.shape_cast %slice3A_211 : vector<256xf32> to vector<256x1xf32>
    %ge3A_215 = vector.broadcast %broadcast_in_dim3A_213 : vector<1x2048xf32> to vector<256x2048xf32>
    %ge3A_216 = vector.broadcast %broadcast_in_dim3A_214 : vector<256x1xf32> to vector<256x2048xf32>
    %ge3A_217 = arith.cmpf oge, %ge3A_215, %ge3A_216 : vector<256x2048xf32>
    %broadcast_in_dim3A_218 = vector.shape_cast %get3A_23 : vector<2048xf32> to vector<1x2048xf32>
    %broadcast_in_dim3A_219 = vector.shape_cast %slice3A_211 : vector<256xf32> to vector<256x1xf32>
    %gt3A_220 = vector.broadcast %broadcast_in_dim3A_218 : vector<1x2048xf32> to vector<256x2048xf32>
    %gt3A_221 = vector.broadcast %broadcast_in_dim3A_219 : vector<256x1xf32> to vector<256x2048xf32>
    %gt3A_222 = arith.cmpf ogt, %gt3A_220, %gt3A_221 : vector<256x2048xf32>
    %broadcast_in_dim3A_223 = vector.shape_cast %iota3A_24 : vector<2048xi32> to vector<1x2048xi32>
    %broadcast_in_dim3A_224 = vector.shape_cast %slice3A_212 : vector<256xi32> to vector<256x1xi32>
    %lt3A_225 = vector.broadcast %broadcast_in_dim3A_223 : vector<1x2048xi32> to vector<256x2048xi32>
    %lt3A_226 = vector.broadcast %broadcast_in_dim3A_224 : vector<256x1xi32> to vector<256x2048xi32>
    %lt3A_227 = arith.cmpi slt, %lt3A_225, %lt3A_226 : vector<256x2048xi32>
    %convert_element_type3A_228 = arith.extui %ge3A_217 : vector<256x2048xi1> to vector<256x2048xi32>
    %convert_element_type3A_229 = arith.sitofp %convert_element_type3A_228 : vector<256x2048xi32> to vector<256x2048xf32>
    %convert_element_type3A_230 = arith.extui %gt3A_222 : vector<256x2048xi1> to vector<256x2048xi32>
    %convert_element_type3A_231 = arith.sitofp %convert_element_type3A_230 : vector<256x2048xi32> to vector<256x2048xf32>
    %select_n3A_232 = arith.select %lt3A_227, %convert_element_type3A_229, %convert_element_type3A_231 : vector<256x2048xi1>, vector<256x2048xf32>
    %dot_general3A_233 = arith.constant dense<0.000000e+00> : vector<256x1xf32>
    %dot_general3A_234 = tpu.matmul %select_n3A_232, %broadcast_in_dim3A_26, %dot_general3A_233 {dimension_numbers = #tpu.dot_dimension_numbers<[1], [0], [0], [1], [0, 0, 1, 1], [], []>, transpose_lhs_hint = false} : vector<256x2048xf32>, vector<2048x1xf32>, vector<256x1xf32> -> vector<256x1xf32>
    %squeeze3A_235 = vector.shape_cast %dot_general3A_234 : vector<256x1xf32> to vector<256xf32>
    %convert_element_type3A_236 = arith.fptosi %squeeze3A_235 : vector<256xf32> to vector<256xi32>
    %swap3A_237 = arith.constant 0 : index
    %swap3A_238 = arith.constant 0 : index
    %swap3A_239 = arith.constant 1536 : index
    %swap3A_240 = vector.load %arg6[%swap3A_237, %swap3A_238, %swap3A_239] : memref<1x1x2048xi32, #tpu.memory_space<vmem>>, vector<1x1x256xi32>
    %swap3A_241 = vector.shape_cast %swap3A_240 : vector<1x1x256xi32> to vector<256xi32>
    %swap3A_242 = vector.shape_cast %convert_element_type3A_236 : vector<256xi32> to vector<1x1x256xi32>
    tpu.vector_store %arg6[%swap3A_237, %swap3A_238, %swap3A_239], %swap3A_242 {strides = array<i32>} : memref<1x1x2048xi32, #tpu.memory_space<vmem>>, vector<1x1x256xi32>,
    %slice3A_243 = vector.extract_strided_slice %get3A_23 {offsets = [1792], sizes = [256], strides = [1]} : vector<2048xf32> to vector<256xf32>
    %slice3A_244 = vector.extract_strided_slice %iota3A_24 {offsets = [1792], sizes = [256], strides = [1]} : vector<2048xi32> to vector<256xi32>
    %broadcast_in_dim3A_245 = vector.shape_cast %get3A_23 : vector<2048xf32> to vector<1x2048xf32>
    %broadcast_in_dim3A_246 = vector.shape_cast %slice3A_243 : vector<256xf32> to vector<256x1xf32>
    %ge3A_247 = vector.broadcast %broadcast_in_dim3A_245 : vector<1x2048xf32> to vector<256x2048xf32>
    %ge3A_248 = vector.broadcast %broadcast_in_dim3A_246 : vector<256x1xf32> to vector<256x2048xf32>
    %ge3A_249 = arith.cmpf oge, %ge3A_247, %ge3A_248 : vector<256x2048xf32>
    %broadcast_in_dim3A_250 = vector.shape_cast %get3A_23 : vector<2048xf32> to vector<1x2048xf32>
    %broadcast_in_dim3A_251 = vector.shape_cast %slice3A_243 : vector<256xf32> to vector<256x1xf32>
    %gt3A_252 = vector.broadcast %broadcast_in_dim3A_250 : vector<1x2048xf32> to vector<256x2048xf32>
    %gt3A_253 = vector.broadcast %broadcast_in_dim3A_251 : vector<256x1xf32> to vector<256x2048xf32>
    %gt3A_254 = arith.cmpf ogt, %gt3A_252, %gt3A_253 : vector<256x2048xf32>
    %broadcast_in_dim3A_255 = vector.shape_cast %iota3A_24 : vector<2048xi32> to vector<1x2048xi32>
    %broadcast_in_dim3A_256 = vector.shape_cast %slice3A_244 : vector<256xi32> to vector<256x1xi32>
    %lt3A_257 = vector.broadcast %broadcast_in_dim3A_255 : vector<1x2048xi32> to vector<256x2048xi32>
    %lt3A_258 = vector.broadcast %broadcast_in_dim3A_256 : vector<256x1xi32> to vector<256x2048xi32>
    %lt3A_259 = arith.cmpi slt, %lt3A_257, %lt3A_258 : vector<256x2048xi32>
    %convert_element_type3A_260 = arith.extui %ge3A_249 : vector<256x2048xi1> to vector<256x2048xi32>
    %convert_element_type3A_261 = arith.sitofp %convert_element_type3A_260 : vector<256x2048xi32> to vector<256x2048xf32>
    %convert_element_type3A_262 = arith.extui %gt3A_254 : vector<256x2048xi1> to vector<256x2048xi32>
    %convert_element_type3A_263 = arith.sitofp %convert_element_type3A_262 : vector<256x2048xi32> to vector<256x2048xf32>
    %select_n3A_264 = arith.select %lt3A_259, %convert_element_type3A_261, %convert_element_type3A_263 : vector<256x2048xi1>, vector<256x2048xf32>
    %dot_general3A_265 = arith.constant dense<0.000000e+00> : vector<256x1xf32>
    %dot_general3A_266 = tpu.matmul %select_n3A_264, %broadcast_in_dim3A_26, %dot_general3A_265 {dimension_numbers = #tpu.dot_dimension_numbers<[1], [0], [0], [1], [0, 0, 1, 1], [], []>, transpose_lhs_hint = false} : vector<256x2048xf32>, vector<2048x1xf32>, vector<256x1xf32> -> vector<256x1xf32>
    %squeeze3A_267 = vector.shape_cast %dot_general3A_266 : vector<256x1xf32> to vector<256xf32>
    %convert_element_type3A_268 = arith.fptosi %squeeze3A_267 : vector<256xf32> to vector<256xi32>
    %swap3A_269 = arith.constant 0 : index
    %swap3A_270 = arith.constant 0 : index
    %swap3A_271 = arith.constant 1792 : index
    %swap3A_272 = vector.load %arg6[%swap3A_269, %swap3A_270, %swap3A_271] : memref<1x1x2048xi32, #tpu.memory_space<vmem>>, vector<1x1x256xi32>
    %swap3A_273 = vector.shape_cast %swap3A_272 : vector<1x1x256xi32> to vector<256xi32>
    %swap3A_274 = vector.shape_cast %convert_element_type3A_268 : vector<256xi32> to vector<1x1x256xi32>
    tpu.vector_store %arg6[%swap3A_269, %swap3A_270, %swap3A_271], %swap3A_274 {strides = array<i32>} : memref<1x1x2048xi32, #tpu.memory_space<vmem>>, vector<1x1x256xi32>,
    return
  }
  func.func @transform_0(%arg0: i32) -> (i32, i32, i32) {
    %add3A = arith.constant 0 : i32
    %add3A_0 = arith.addi %arg0, %add3A : i32
    %c0_i32 = arith.constant 0 : i32
    %c0_i32_1 = arith.constant 0 : i32
    %c0_i32_2 = arith.constant 0 : i32
    return %add3A_0, %c0_i32, %c0_i32_1 : i32, i32, i32
  }
  func.func @transform_1(%arg0: i32) -> (i32, i32) {
    %c0_i32 = arith.constant 0 : i32
    %c0_i32_0 = arith.constant 0 : i32
    %c0_i32_1 = arith.constant 0 : i32
    return %c0_i32, %c0_i32_0 : i32, i32
  }
  func.func @transform_2(%arg0: i32) -> i32 {
    %c0_i32 = arith.constant 0 : i32
    %c0_i32_0 = arith.constant 0 : i32
    return %c0_i32 : i32
  }
  func.func @transform_3(%arg0: i32) -> (i32, i32, i32) {
    %add3A = arith.constant 0 : i32
    %add3A_0 = arith.addi %arg0, %add3A : i32
    %c0_i32 = arith.constant 0 : i32
    %c0_i32_1 = arith.constant 0 : i32
    %c0_i32_2 = arith.constant 0 : i32
    return %add3A_0, %c0_i32, %c0_i32_1 : i32, i32, i32
  }
  func.func @transform_4(%arg0: i32) -> (i32, i32, i32) {
    %c0_i32 = arith.constant 0 : i32
    %c0_i32_0 = arith.constant 0 : i32
    %c0_i32_1 = arith.constant 0 : i32
    return %arg0, %c0_i32, %c0_i32_0 : i32, i32, i32
  }
  func.func @transform_5(%arg0: i32) -> (i32, i32, i32) {
    %c0_i32 = arith.constant 0 : i32
    %c0_i32_0 = arith.constant 0 : i32
    %c0_i32_1 = arith.constant 0 : i32
    return %arg0, %c0_i32, %c0_i32_0 : i32, i32, i32
  }
}

</mosaic_0001>

<sc_bundles>
// kernel: kernel.4.cloned.1.call-start
scs
__scs_entry_jumppad:
0x0: {  	(pc) =	sbr.rel $0x88, $3  }
0x1: {  	(tag) =	ssettag $0x0;
	lr =	simm.s32 $0x1  }
0x2: {  	[smem:$0x3F9D] =	sst lr;
	_ =	strace $0xD0000000  }
0x3: {  	_ = 	snop  }
0x4: {  	_ = 	snop  }
0x5: {  	_ = 	snop  }
0x6: {  	_ = 	snop  }
0x7: {  	_ = 	snop  }
__scs_overlays_trampoline_lowered:
0x8: {  	[smem:$0x3FAC] =	sst s0  }
0x9: {  	[smem:$0x3FAD] =	sst s1  }
0xa: {  	[smem:$0x3FAE] =	sst s2  }
0xb: {  	[smem:$0x3FAF] =	sst s3  }
0xc: {  	[smem:$0x3FB0] =	sst s4  }
0xd: {  	[smem:$0x3FB1] =	sst s5  }
0xe: {  	[smem:$0x3FB2] =	sst s6  }
0xf: {  	[smem:$0x3FB3] =	sst s7  }
0x10: {  	[smem:$0x3FB4] =	sst s8  }
0x11: {  	[smem:$0x3FB5] =	sst s9;
	s0 =	simm.s32 @!p0 $0x0  }
0x12: {  	s1 =	sld [smem:$0x3F9B];
	s0 =	simm.s32 @p0 $0x1  }
0x13: {  	[smem:$0x3FB6] =	sst s0;
	s0 =	simm.s32 @!p1 $0x0  }
0x14: {  	s2 =	sld [smem:$0x3F9A];
	s0 =	simm.s32 @p1 $0x1  }
0x15: {  	[smem:$0x3FB7] =	sst s0;
	s0 =	simm.s32 @!p2 $0x0  }
0x16: {  	s3 =	sld [smem:$0x3FDB];
	s0 =	simm.s32 @p2 $0x1  }
0x17: {  	s4 =	simm.s32 $0x1BF5;
	[smem:$0x3FB9] =	sst s0  }
0x18: {  	s0 =	sld [smem:$0x3F9C];
	_ =	swait.ge [sflag:s4], $0x0  }
0x19: {  	s7 =	sld [smem:$0x3F9D]  }
0x1a: {  	s8 =	sadd.s32 $0xFFFFE003, lr  }
0x1b: {  	s9 =	sadd.s32 $0xFFFFFEF7, lr;
	s5 =	simm.s32 $0xFFFFFFFF;
	p2 =	slt.u32 s8, $0xFFFFF086  }
0x1c: {  	p1 =	slt.u32 s9, $0xF7A;
	s5 =	simm.s32 @!p2 $0x0  }
0x1d: {  	s5 =	simm.s32 @p1 $0x1;
	p0 =	seq.s32 s7, s2  }
0x1e: {  	s7 =	smul.u32 @!p0 $0xF7A, s2;
	p2 =	seq.s32 @!p0 s5, $0x0  }
0x1f: {  	s9 =	smul.u32 $0xF7A, s1;
	s8 =	simm.s32 @!p0 $0x1BF5;
	p2 =	por !p2, p0  }
0x20: {  	[sflag:s8] =	ssyncset.s32 @!p0 $0xFFFFF086;
	s6 =	sadd.s32 @!p0 s3, s7;
	s7 =	simm.s32 @!p0 $0x108  }
0x21: {  	s3 =	sadd.s32 s3, s9;
	s6 =	sadd.s32 @!p0 $0x88, s6;
	s7 =	simm.s32 @p2 $0x1082  }
0x22: {  	[simem:s7], [sflag:s8] =	dma.local @!p0 [hbm:s6], $0xF7A  }
0x23: {  	s9 =	sor.u32 $0xD0000000, s2;
	s6 =	simm.s32 $0x108;
	_ =	swait.ge @!p0 [sflag:s8], $0x0  }
0x24: {  	s3 =	sadd.s32 $0x88, s3;
	s6 =	simm.s32 @!p1 $0x1082;
	[sflag:s4] =	ssyncset.s32 $0xFFFFF086  }
0x25: {  	[simem:s6], [sflag:s4] =	dma.local [hbm:s3], $0xF7A  }
0x26: {  	[smem:$0x3F9D] =	sst s1;
	(tag) =	ssettag s2;
	_ =	strace s9  }
0x27: {  	s1 =	sld [smem:$0x3FAD]  }
0x28: {  	s2 =	sld [smem:$0x3FAE]  }
0x29: {  	s4 =	sld [smem:$0x3FB0]  }
0x2a: {  	p0 =	seq.s32 s5, $0x0;
	s5 =	sld [smem:$0x3FB1]  }
0x2b: {  	s6 =	sld [smem:$0x3FB2]  }
0x2c: {  	s7 =	sld [smem:$0x3FB3]  }
0x2d: {  	s3 =	simm.s32 $0x108;
	s8 =	sld [smem:$0x3FB4]  }
0x2e: {  	s3 =	simm.s32 @!p0 $0x1082;
	s9 =	sld [smem:$0x3FB5]  }
0x2f: {  	lr =	sadd.s32 s0, s3;
	s0 =	sld [smem:$0x3FAC]  }
0x30: {  	s3 =	sld [smem:$0x3FAF]  }
0x31: {  	[smem:$0x3FB8] =	sst s10  }
0x32: {  	s10 =	sld [smem:$0x3FB6];
	_ =	sdelay $0x3  }
0x33: {  	p0 =	seq.s32 s10, $0x1;
	s10 =	sld [smem:$0x3FB8];
	_ =	sdelay $0x3  }
0x34: {  	[smem:$0x3FB8] =	sst s10  }
0x35: {  	s10 =	sld [smem:$0x3FB7];
	_ =	sdelay $0x3  }
0x36: {  	p1 =	seq.s32 s10, $0x1;
	s10 =	sld [smem:$0x3FB8];
	_ =	sdelay $0x3  }
0x37: {  	[smem:$0x3FB8] =	sst s10  }
0x38: {  	s10 =	sld [smem:$0x3FB9]  }
0x39: {  	_ = 	snop;
	(pc) =	sbr.ind lr, $3  }
0x3a: {  	_ = 	snop  }
0x3b: {  	_ = 	snop  }
0x3c: {  	p2 =	seq.s32 s10, $0x1;
	s10 =	sld [smem:$0x3FB8]  }
0x3d: {  	_ =	shalt  }
0x3e: {  	_ =	shalt  }
0x3f: {  	_ =	shalt  }
0x40: {  	_ =	shalt  }
0x41: {  	_ =	shalt  }
0x42: {  	_ =	shalt  }
0x43: {  	_ =	shalt  }
0x44: {  	_ =	shalt  }
0x45: {  	_ =	shalt  }
0x46: {  	_ =	shalt  }
0x47: {  	_ =	shalt  }
0x48: {  	_ =	shalt  }
0x49: {  	_ =	shalt  }
0x4a: {  	_ =	shalt  }
0x4b: {  	_ =	shalt  }
0x4c: {  	_ =	shalt  }
0x4d: {  	_ =	shalt  }
0x4e: {  	_ =	shalt  }
0x4f: {  	_ =	shalt  }
0x50: {  	_ =	shalt  }
0x51: {  	_ =	shalt  }
0x52: {  	_ =	shalt  }
0x53: {  	_ =	shalt  }
0x54: {  	_ =	shalt  }
0x55: {  	_ =	shalt  }
0x56: {  	_ =	shalt  }
0x57: {  	_ =	shalt  }
0x58: {  	_ =	shalt  }
0x59: {  	_ =	shalt  }
0x5a: {  	_ =	shalt  }
0x5b: {  	_ =	shalt  }
0x5c: {  	_ =	shalt  }
0x5d: {  	_ =	shalt  }
0x5e: {  	_ =	shalt  }
0x5f: {  	_ =	shalt  }
0x60: {  	_ =	shalt  }
0x61: {  	_ =	shalt  }
0x62: {  	_ =	shalt  }
0x63: {  	_ =	shalt  }
0x64: {  	_ =	shalt  }
0x65: {  	_ =	shalt  }
0x66: {  	_ =	shalt  }
0x67: {  	_ =	shalt  }
0x68: {  	_ =	shalt  }
0x69: {  	_ =	shalt  }
0x6a: {  	_ =	shalt  }
0x6b: {  	_ =	shalt  }
0x6c: {  	_ =	shalt  }
0x6d: {  	_ =	shalt  }
0x6e: {  	_ =	shalt  }
0x6f: {  	_ =	shalt  }
0x70: {  	_ =	shalt  }
0x71: {  	_ =	shalt  }
0x72: {  	_ =	shalt  }
0x73: {  	_ =	shalt  }
0x74: {  	_ =	shalt  }
0x75: {  	_ =	shalt  }
0x76: {  	_ =	shalt  }
0x77: {  	_ =	shalt  }
0x78: {  	_ =	shalt  }
0x79: {  	_ =	shalt  }
0x7a: {  	_ =	shalt  }
0x7b: {  	_ =	shalt  }
0x7c: {  	_ =	shalt  }
0x7d: {  	_ =	shalt  }
0x7e: {  	_ =	shalt  }
0x7f: {  	_ =	shalt  }
0x80: {  	_ =	shalt  }
0x81: {  	_ =	shalt  }
0x82: {  	_ =	shalt  }
0x83: {  	_ =	shalt  }
0x84: {  	_ =	shalt  }
0x85: {  	_ =	shalt  }
0x86: {  	_ =	shalt  }
0x87: {  	_ =	shalt  }
.Lfunc_end0:
.L_simem_size_0:
called_computation_lowered:
.L_overlay_start_0:
0x88: {  	s2 =	sld [smem:$0x3FD9]  }
0x89: {  	s3 =	sld [smem:$0x3FFE];
	_ =	sdelay $0x1  }
0x8a: {  	s1 =	srdreg.scid  }
0x8b: {  	s0 =	sand.u32 $0x1, s1  }
0x8c: {  	s14 =	sshll.u32 s0, $0xA;
	s2 =	sadd.s32 s3, s2  }
0x8d: {  	s2 =	sadd.s32 s2, s14  }
0x8e: {  	[smem:$0x3FC4] =	sst s2  }
0x8f: {  	_ = 	snop  }
0x90: {  	s2 =	sld [smem:$0x3FD0];
	_ =	sdelay $0x1  }
0x91: {  	s15 =	sld [smem:$0x3FC9]  }
0x92: {  	s5 =	simm.s32 $0xA;
	s6 =	simm.s32 $0x10;
	s4 =	sld [smem:$0x3FC8]  }
0x93: {  	[smem:s6], [sflag:s5] =	dma.local [hbm:s2], $0x1  }
0x94: {  	_ =	swait.eq [sflag:s5], $0x1  }
0x95: {  	[sflag:s5] =	ssyncset.done $0x0  }
0x96: {  	s16 =	sld [smem:$0x10];
	[sflag:s5] =	ssyncadd.s32 $0xFFFFFFFF  }
0x97: {  	s17 =	sld [smem:$0x11];
	(tm) =	ssettm $0x1  }
0x98: {  	s18 =	sld [smem:$0x3FFB];
	_ =	sdelay $0x3  }
0x99: {  	_ =	strace s18  }
0x9a: {  	s6 =	sld [smem:$0x3FFC];
	_ =	sdelay $0x3  }
0x9b: {  	_ =	strace s6  }
0x9c: {  	s6 =	sld [smem:$0x3FFD];
	_ =	sdelay $0x3  }
0x9d: {  	_ =	strace s6  }
0x9e: {  	_ =	strace $0x8FFFFFFF  }
0x9f: {  	s19 =	sld [smem:$0x3FDB];
	_ =	sdelay $0x1  }
0xa0: {  	s7 =	simm.s32 $_scs_section_size  }
0xa1: {  	s8 =	simm.s32 $_size__tile_overlayer_lowered;
	s9 =	simm.s32 $_tile_overlayer_lowered  }
0xa2: {  	s22 =	simm.s32 $0x1BFF;
	s21 =	sshll.u32 s9, $0x1;
	s6 =	sadd.s32 s7, s19  }
0xa3: {  	s10 =	simm.s32 $0x0;
	s20 =	sshll.u32 s8, $0x1;
	s8 =	sadd.s32 s21, s6  }
0xa4: {  	[timem:s10], [sflag:s22] =	dma.local [hbm:s8], s20  }
0xa5: {  	_ =	swait.ge [sflag:s22], s20  }
0xa6: {  	s7 =	ssub.s32 $0x0, s20;
	[sflag:s22] =	ssyncset.done $0x0  }
0xa7: {  	[sflag:s22] =	ssyncadd.s32 s7;
	_ =	sdelay $0x1  }
0xa8: {  	s23 =	simm.s32 $0x1B8B  }
0xa9: {  	_ =	swait.ge [sflag:s23], $0x1  }
0xaa: {  	[sflag:s23] =	ssyncset.done $0x0  }
0xab: {  	s25 =	simm.s32 $0x1B8E;
	s24 =	sld [smem:$0x3FFE];
	[sflag:s23] =	ssyncadd.s32 $0xFFFFFFFF  }
0xac: {  	s26 =	simm.s32 $execute0_lowered;
	[smem:$0x3FD2] =	sst s25  }
0xad: {  	s8 =	sshll.u32 s26, $0x1;
	_ =	strace $0x80000046;
	[dreg:$0x1] =	wrdreg $0xFFFFFFFF  }
0xae: {  	s28 =	simm.s32 $_size_execute0_lowered;
	s6 =	sadd.s32 s6, s8;
	[dreg:$0x0] =	wrdreg $0x0  }
0xaf: {  	s8 =	sshll.u32 s28, $0x1;
	[dreg:$0x2] =	wrdreg s6  }
0xb0: {  	[dreg:$0x3] =	wrdreg s8  }
0xb1: {  	[dreg:$0x4] =	wrdreg $0xC0  }
0xb2: {  	_ =	task [dreg:s10], $0x5FFFF  }
0xb3: {  	[dreg:$0x1] =	wrdreg $0xFFFFFFFF  }
0xb4: {  	[dreg:$0x0] =	wrdreg $0x60  }
0xb5: {  	[dreg:$0x2] =	wrdreg s24  }
0xb6: {  	[dreg:$0x3] =	wrdreg s15  }
0xb7: {  	[dreg:$0x4] =	wrdreg s4  }
0xb8: {  	[dreg:$0x5] =	wrdreg s16  }
0xb9: {  	[dreg:$0x6] =	wrdreg s17  }
0xba: {  	[dreg:$0x7] =	wrdreg $0x9  }
0xbb: {  	_ =	task.clear_ibuf [dreg:s10], $0x8FFFF;
	_ =	strace $0x90000046  }
0xbc: {  	s29 =	simm.s32 $0x9;
	_ =	strace $0x8000004D  }
0xbd: {  	_ =	swait.ge [sflag:s29], $0x1  }
0xbe: {  	[sflag:s29] =	ssyncadd.s32 $0xFFFFFFFF  }
0xbf: {  	_ =	strace $0x9000004D  }
0xc0: {  	_ =	sfence  }
0xc1: {  	s30 =	sld [smem:$0x0];
	_ =	sdelay $0x2  }
0xc2: {  	s31 =	sshll.u32 s1, $0xD;
	s1 =	sshrl.u32 s1, $0x2  }
0xc3: {  	s3 =	sand.u32 $0x4000, s31;
	s1 =	sadd.s32 s1, s30  }
0xc4: {  	s0 =	sor.u32 s3, s0;
	s1 =	sshll.u32 s1, $0x11  }
0xc5: {  	s0 =	sor.u32 s1, s0  }
0xc6: {  	s0 =	sadd.s32 $0x8F2B, s0  }
0xc7: {  	[sflag:s0] =	ssyncadd.remote.s32 $0x1  }
0xc8: {  	_ =	sfence.sel $0xFFFF  }
0xc9: {  	[dreg:$0x0] =	wrdreg $0xFFFFFFFF;
	(pc) =	sbr.abs _section_cstart, $3  }
0xca: {  	[dreg:$0x1] =	wrdreg $0xFFFFFFFF  }
0xcb: {  	_ =	task.clear_ibuf [dreg:s10], $0x2FFFF;
	_ =	strace $0x9FFFFFFF  }
0xcc: {  	(tm) =	ssettm $0x7FFFFFFF  }
0xcd: {  	_ =	shalt  }
tec
execute0_lowered:
.L_overlay_start_1:
0x0: {  	(tag) =	ssettag $0x1  }
0x1: {  	s0 =	rddreg [dreg:$0x0]  }
0x2: {  	s4 =	rddreg [dreg:$0x1]  }
0x3: {  	s31 =	rddreg [dreg:$0x2]  }
0x4: {  	s1 =	rddreg [dreg:$0x3]  }
0x5: {  	s2 =	rddreg [dreg:$0x4];
	s30 =	simm.s32 $0x0;
	s6 =	stileid.u32  }
0x6: {  	s3 =	srdreg.scid;
	[smem:$0x7FF] =	sst s30  }
0x7: {  	s5 =	sshrl.u32 s6, $0x1;
	s3 =	sand.u32 $0x1, s3;
	s11 =	sadd.s32 $0x100, s31  }
0x8: {  	s12 =	sadd.s32 $0x200, s31;
	_ =	strace $0x80000047;
	[dreg:$0x7] =	wrdreg s11  }
0x9: {  	s6 =	sshll.u32 s6, $0x1;
	s13 =	sadd.s32 $0x300, s31;
	[dreg:$0x8] =	wrdreg s12  }
0xa: {  	s14 =	sadd.s32 $0x400, s31;
	s15 =	sadd.s32 $0x500, s31;
	[dreg:$0x9] =	wrdreg s13  }
0xb: {  	s16 =	sadd.s32 $0x600, s31;
	s17 =	sadd.s32 $0x700, s31;
	[dreg:$0xa] =	wrdreg s14  }
0xc: {  	s4 =	sadd.s32 $0x100, s4;
	s7 =	sshll.u32 s5, $0x4;
	[dreg:$0xb] =	wrdreg s15  }
0xd: {  	s8 =	ssub.s32 $0x2, s3;
	s6 =	sand.u32 $0x2, s6;
	[dreg:$0xc] =	wrdreg s16  }
0xe: {  	s10 =	sshll.u32 s5, $0xB;
	s5 =	sshll.u32 s5, $0xA;
	[dreg:$0xd] =	wrdreg s17  }
0xf: {  	[dreg:$0xe] =	wrdreg s4;
	s9 =	sshrl.u32 s8, $0x1;
	s3 =	sor.u32 s3, s6  }
0x10: {  	s0 =	sadd.s32 s7, s0;
	s7 =	ssub.s32 s8, s9;
	s3 =	sshll.u32 s3, $0x8  }
0x11: {  	s0 =	sadd.s32 $0xC00, s0;
	s6 =	sor.u32 $0x800, s3;
	s3 =	sor.u32 s5, s3  }
0x12: {  	[dreg:$0x6] =	wrdreg s0;
	s26 =	smax.u32 s7, $0x1;
	s18 =	sshll.u32 s3, $0x6  }
0x13: {  	s20 =	sshll.u32 s3, $0x7;
	[dreg:$0x17] =	wrdreg s26;
	s19 =	sadd.s32 s1, s18  }
0x14: {  	s1 =	sadd.s32 s2, s20;
	[dreg:$0xf] =	wrdreg s19  }
0x15: {  	s21 =	sadd.s32 $0x1000, s19;
	[dreg:$0x12] =	wrdreg s1  }
0x16: {  	s22 =	sadd.s32 $0x2000, s19;
	[dreg:$0x10] =	wrdreg s21  }
0x17: {  	s23 =	sadd.s32 $0x3000, s19;
	[dreg:$0x11] =	wrdreg s22  }
0x18: {  	s28 =	simm.s32 $0x800;
	s24 =	sadd.s32 $0x400, s1;
	[dreg:$0x13] =	wrdreg s23  }
0x19: {  	s29 =	simm.s32 $0x10D00;
	v0 =	vlaneseq.u32;
	s25 =	sadd.s32 $0x7800, s1;
	[dreg:$0x14] =	wrdreg s24  }
0x1a: {  	vm0 =	vmmov $0xffff;
	v2 =	vand.u32 $0x7, v0;
	v3 =	vshrl.u32 v0, $0x3;
	s13 =	simm.s32 $0x7;
	s1 =	sadd.s32 $0x7C00, s1;
	[dreg:$0x15] =	wrdreg s25  }
0x1b: {  	v4 =	vor.u32 $0x8, v0;
	s16 =	simm.s32 $0x14D00;
	v3 =	vmul.u32 $0x8, v3;
	v1 =	vmov s10;
	[dreg:$0x16] =	wrdreg s1;
	s1 =	simm.s32 $0x0  }
.LBB2_1:
0x1c: {  	[dreg:$0x18] =	wrdreg s1  }
0x1d: {  	_ =	strace $0x80000048  }
0x1e: {  	s23 =	simm.s32 $0x80;
	s2 =	simm.s32 $0x400;
	s0 =	rddreg [dreg:$0x6]  }
0x1f: {  	[tilespmem:s30], [sflag:$0x7] =	stream.strided.gather [hbm4b:s0+s23], $0x800, s2, s23, $0x200038;
	[tilespmem:$0x1CD00] =	vst v63  }
0x20: {  	_ =	swait.ge [sflag:s13], $0x800  }
0x21: {  	[sflag:s13] =	ssyncset.done $0x0  }
0x22: {  	s24 =	simm.s32 $0x20;
	[sflag:s13] =	ssyncadd.s32 $0xFFFFF800  }
0x23: {  	v6 =	vld [tilespmem:s24+$0x0];
	_ =	sdelay $0x1  }
0x24: {  	v7 =	vld [tilespmem:s24+$0xFFFFFFE0]  }
0x25: {  	v9 =	vld [tilespmem:s24+$0xFFFFFFF0]  }
0x26: {  	v10 =	vld [tilespmem:s24+$0x10]  }
0x27: {  	s25 =	simm.s32 $0x60;
	vm5 =	vlt.s32 v6, $0x400  }
0x28: {  	v5 =	vld [tilespmem:s25+$0x0];
	v13 =	vnsel vm5, $0x0, v6  }
0x29: {  	vm4 =	vlt.s32 v7, $0x400  }
0x2a: {  	v8 =	vld [tilespmem:s25+$0xFFFFFFE0];
	vm1 =	vlt.s32 v9, $0x400;
	v11 =	vnsel vm4, $0x0, v7  }
0x2b: {  	s26 =	simm.s32 $0x20;
	vm3 =	vlt.s32 v10, $0x400;
	v7 =	vld [tilespmem:s25+$0xFFFFFFF0];
	v9 =	vnsel vm1, $0x0, v9  }
0x2c: {  	s3 =	simm.s32 $0x10;
	v14 =	vor.u32 s26, v0;
	v6 =	vld [tilespmem:s25+$0x10];
	v10 =	vnsel vm3, $0x0, v10  }
0x2d: {  	v12 =	vor.u32 s30, v0;
	s1 =	simm.s32 $0x0;
	s0 =	simm.s32 $0x4;
	s2 =	simm.s32 $0xA0;
	vm2 =	vlt.s32 v5, $0x400;
	[tilespmem:v13+s28+$0x0] =	vst.idx.msk vm5, v14  }
.LBB2_2:
0x2e: {  	s0 =	sadd.s32 $0x4, s0  }
0x2f: {  	v13 =	vnsel vm2, $0x0, v5;
	v5 =	vld [tilespmem:s2+$0x0];
	[tilespmem:v11+s28+$0x0] =	vst.idx.msk vm4, v12;
	vm4 =	vlt.s32 v8, $0x400;
	v12 =	vor.u32 s3, v0;
	s3 =	sadd.s32 $0x30, s1;
	s1 =	sadd.s32 $0x40, s1;
	p0 =	slt.u32 s0, $0x7C  }
.Ltmp0:
0x30: {  	v11 =	vnsel vm4, $0x0, v8;
	v8 =	vld [tilespmem:s2+$0xFFFFFFE0];
	[tilespmem:v9+s28+$0x0] =	vst.idx.msk vm1, v12;
	vm1 =	vlt.s32 v7, $0x400;
	v12 =	vor.u32 s3, v0;
	(pc) =	sbr.rel @p0 .LBB2_2-.Ltmp0, $4  }
0x31: {  	v9 =	vnsel vm1, $0x0, v7;
	v7 =	vld [tilespmem:s2+$0xFFFFFFF0];
	[tilespmem:v10+s28+$0x0] =	vst.idx.msk vm3, v12;
	vm3 =	vlt.s32 v6, $0x400  }
0x32: {  	s3 =	sadd.s32 $0x20, s1;
	v10 =	vnsel vm3, $0x0, v6;
	v6 =	vld [tilespmem:s2+$0x10]  }
0x33: {  	v14 =	vor.u32 s3, v0  }
0x34: {  	v12 =	vor.u32 s1, v0;
	s3 =	sadd.s32 $0x10, s1;
	s2 =	sadd.s32 $0x40, s2;
	[tilespmem:v13+s28+$0x0] =	vst.idx.msk vm2, v14;
	vm2 =	vlt.s32 v5, $0x400  }
0x35: {  	_ =	sdelay $0x2  }
0x36: {  	vm5 =	vlt.s32 v8, $0x400;
	v5 =	vnsel vm2, $0x0, v5  }
0x37: {  	v8 =	vnsel vm5, $0x0, v8;
	vm6 =	vlt.s32 v7, $0x400  }
0x38: {  	[tilespmem:v11+s28+$0x0] =	vst.idx.msk vm4, v12;
	v11 =	vor.u32 s3, v0;
	s0 =	sadd.s32 $0x30, s1;
	s15 =	sadd.s32 $0x40, s1;
	v7 =	vnsel vm6, $0x0, v7;
	vm15 =	vlt.s32 v6, $0x400  }
0x39: {  	[tilespmem:v9+s28+$0x0] =	vst.idx.msk vm1, v11;
	v9 =	vor.u32 s0, v0;
	s17 =	sadd.s32 $0x20, s15;
	v6 =	vnsel vm15, $0x0, v6  }
0x3a: {  	[tilespmem:v10+s28+$0x0] =	vst.idx.msk vm3, v9;
	v9 =	vor.u32 s17, v0  }
0x3b: {  	s20 =	simm.s32 $0x0;
	s21 =	simm.s32 $0x20;
	s18 =	sadd.s32 $0x10, s15;
	v10 =	vor.u32 s15, v0;
	[tilespmem:v5+s28+$0x0] =	vst.idx.msk vm2, v9  }
0x3c: {  	s5 =	simm.s32 $0x10;
	s23 =	simm.s32 $0x30;
	s19 =	sadd.s32 $0x30, s15;
	v5 =	vor.u32 s18, v0;
	[tilespmem:v8+s28+$0x0] =	vst.idx.msk vm5, v10  }
0x3d: {  	s25 =	simm.s32 $0x50;
	s11 =	simm.s32 $0x60;
	s2 =	sand.u32 $0x80, s20;
	[tilespmem:v7+s28+$0x0] =	vst.idx.msk vm6, v5;
	v5 =	vor.u32 s19, v0  }
0x3e: {  	s12 =	simm.s32 $0x70;
	s22 =	sand.u32 $0x60, s21;
	s7 =	sadd.s32 s2, s6;
	[tilespmem:v6+s28+$0x0] =	vst.idx.msk vm15, v5  }
0x3f: {  	s0 =	simm.s32 $0xC20;
	s8 =	sadd.s32 s22, s7;
	_ =	strace $0x90000048  }
0x40: {  	s1 =	sand.u32 $0x40, s20;
	s5 =	sand.u32 $0x50, s5;
	s3 =	sand.u32 $0x70, s23;
	v8 =	vld [tilespmem:s8+$0x0]  }
0x41: {  	s26 =	sand.u32 $0x60, s11;
	s2 =	simm.s32 $0x4;
	s9 =	sadd.s32 s5, s7  }
0x42: {  	s24 =	sadd.s32 s1, s7;
	s7 =	sadd.s32 s3, s7;
	s3 =	simm.s32 $0x40;
	v5 =	vld [tilespmem:s9+$0x0]  }
0x43: {  	s1 =	simm.s32 $0xC60;
	s10 =	sand.u32 $0x80, s3;
	s5 =	sand.u32 $0x40, s3;
	v7 =	vld [tilespmem:s24+$0x0]  }
0x44: {  	s8 =	sadd.s32 s10, s6;
	s9 =	sand.u32 $0x50, s25;
	v6 =	vld [tilespmem:s7+$0x0];
	s10 =	sand.u32 $0x70, s12  }
0x45: {  	s4 =	rddreg [dreg:$0x7];
	s7 =	sadd.s32 s9, s8;
	s9 =	sadd.s32 s26, s8;
	v8 =	vadd.s32 v1, v8  }
.LBB2_4:
0x46: {  	s2 =	sadd.s32 $0x4, s2;
	s11 =	sadd.s32 s5, s8;
	s8 =	sadd.s32 s10, s8  }
0x47: {  	v9 =	vld [tilespmem:s9+$0x0];
	[tilespmem:s0+$0x0] =	vst v8;
	s9 =	smov.u32 s0;
	s0 =	smov.u32 s1;
	p0 =	slt.u32 s2, $0xC  }
.Ltmp1:
0x48: {  	s3 =	sadd.s32 $0x40, s3;
	v10 =	vadd.s32 v1, v5;
	v8 =	vadd.s32 v1, v7;
	v5 =	vld [tilespmem:s7+$0x0];
	(pc) =	sbr.rel @p0 .LBB2_4-.Ltmp1, $4  }
0x49: {  	s1 =	sadd.s32 $0x40, s1;
	s7 =	sand.u32 $0x80, s3;
	s5 =	sand.u32 $0x40, s3;
	v7 =	vld [tilespmem:s11+$0x0];
	[tilespmem:s9+$0xFFFFFFE0] =	vst v8;
	v8 =	vadd.s32 v1, v6  }
0x4a: {  	s10 =	sadd.s32 $0x10, s3;
	s12 =	sadd.s32 $0x30, s3;
	s11 =	sadd.s32 $0x20, s3;
	v6 =	vld [tilespmem:s8+$0x0];
	[tilespmem:s9+$0x10] =	vst v8  }
0x4b: {  	s8 =	sadd.s32 s7, s6;
	s7 =	sand.u32 $0x50, s10;
	s10 =	sand.u32 $0x60, s11;
	[tilespmem:s9+$0xFFFFFFF0] =	vst v10  }
0x4c: {  	s7 =	sadd.s32 s7, s8;
	s9 =	sadd.s32 s10, s8;
	s10 =	sand.u32 $0x70, s12;
	v8 =	vadd.s32 v1, v9  }
0x4d: {  	v9 =	vld [tilespmem:s9+$0x0]  }
0x4e: {  	s2 =	sadd.s32 s5, s8;
	v11 =	vld [tilespmem:s7+$0x0]  }
0x4f: {  	s3 =	sadd.s32 s10, s8;
	[tilespmem:s0+$0x0] =	vst v8;
	v5 =	vadd.s32 v1, v5;
	v10 =	vld [tilespmem:s2+$0x0]  }
0x50: {  	v7 =	vadd.s32 v1, v7;
	v8 =	vld [tilespmem:s3+$0x0];
	[tilespmem:s0+$0xFFFFFFF0] =	vst v5  }
0x51: {  	[tilespmem:s0+$0xFFFFFFE0] =	vst v7;
	v6 =	vadd.s32 v1, v6  }
0x52: {  	[tilespmem:s0+$0x10] =	vst v6;
	v5 =	vadd.s32 v1, v9  }
0x53: {  	v6 =	vadd.s32 v1, v11;
	[tilespmem:s1+$0x0] =	vst v5  }
0x54: {  	v5 =	vadd.s32 v1, v10;
	[tilespmem:s1+$0xFFFFFFF0] =	vst v6  }
0x55: {  	[tilespmem:s1+$0xFFFFFFE0] =	vst v5;
	v5 =	vadd.s32 v1, v8  }
0x56: {  	[tilespmem:s1+$0x10] =	vst v5  }
0x57: {  	v5 =	vld.msk [tilespmem:$0xC00], $0xff;
	_ =	sdelay $0x4  }
0x58: {  	v6 =	vshll.u32 v5, $0x4  }
0x59: {  	v5 =	vand.u32 $0x7, v5;
	v6 =	vand.u32 $0xFFFFFF80, v6  }
0x5a: {  	v5 =	vor.u32 v5, v6  }
0x5b: {  	v5 =	vperm.xlane v5, v2;
	_ =	sdelay $0x1  }
0x5c: {  	v5 =	vadd.s32 v3, v5;
	_ =	sdelay $0x3  }
0x5d: {  	s5 =	simm.s32 $0x0  }
0x5e: {  	[tilespmem:s29], [sflag:$0x3] =	stream.indirect_vreg.gather [hbm4b:s31+s5], $0x80, v5, vm0, $0xb8;
	[tilespmem:$0x1CD00] =	vst v63  }
0x5f: {  	s23 =	simm.s32 $0x11500  }
0x60: {  	[tilespmem:s23], [sflag:$0x3] =	stream.indirect_vreg.gather [hbm4b:s4+s5], $0x80, v5, vm0, $0xb8;
	[tilespmem:$0x1CD00] =	vst v63  }
0x61: {  	s25 =	simm.s32 $0x11D00;
	s24 =	rddreg [dreg:$0x8]  }
0x62: {  	[tilespmem:s25], [sflag:$0x3] =	stream.indirect_vreg.gather [hbm4b:s24+s5], $0x80, v5, vm0, $0xb8;
	[tilespmem:$0x1CD00] =	vst v63  }
0x63: {  	s10 =	simm.s32 $0x12500;
	s26 =	rddreg [dreg:$0x9]  }
0x64: {  	[tilespmem:s10], [sflag:$0x3] =	stream.indirect_vreg.gather [hbm4b:s26+s5], $0x80, v5, vm0, $0xb8;
	[tilespmem:$0x1CD00] =	vst v63  }
0x65: {  	s12 =	simm.s32 $0x12D00;
	s11 =	rddreg [dreg:$0xa]  }
0x66: {  	[tilespmem:s12], [sflag:$0x3] =	stream.indirect_vreg.gather [hbm4b:s11+s5], $0x80, v5, vm0, $0xb8;
	[tilespmem:$0x1CD00] =	vst v63  }
0x67: {  	s15 =	simm.s32 $0x13500;
	s14 =	rddreg [dreg:$0xb]  }
0x68: {  	[tilespmem:s15], [sflag:$0x3] =	stream.indirect_vreg.gather [hbm4b:s14+s5], $0x80, v5, vm0, $0xb8;
	[tilespmem:$0x1CD00] =	vst v63  }
0x69: {  	s18 =	simm.s32 $0x13D00;
	s17 =	rddreg [dreg:$0xc]  }
0x6a: {  	[tilespmem:s18], [sflag:$0x3] =	stream.indirect_vreg.gather [hbm4b:s17+s5], $0x80, v5, vm0, $0xb8;
	[tilespmem:$0x1CD00] =	vst v63  }
0x6b: {  	s20 =	simm.s32 $0x14500;
	s19 =	rddreg [dreg:$0xd]  }
0x6c: {  	[tilespmem:s20], [sflag:$0x3] =	stream.indirect_vreg.gather [hbm4b:s19+s5], $0x80, v5, vm0, $0xb8;
	[tilespmem:$0x1CD00] =	vst v63  }
0x6d: {  	v5 =	vld.msk [tilespmem:$0xC08], $0xff;
	_ =	sdelay $0x4  }
0x6e: {  	v6 =	vshll.u32 v5, $0x4  }
0x6f: {  	v5 =	vand.u32 $0x7, v5;
	v6 =	vand.u32 $0xFFFFFF80, v6  }
0x70: {  	v5 =	vor.u32 v5, v6  }
0x71: {  	v5 =	vperm.xlane v5, v2;
	_ =	sdelay $0x1  }
0x72: {  	v5 =	vadd.s32 v3, v5;
	_ =	sdelay $0x4  }
0x73: {  	[tilespmem:s16], [sflag:$0x4] =	stream.indirect_vreg.gather [hbm4b:s31+s5], $0x80, v5, vm0, $0xb8;
	[tilespmem:$0x1CD00] =	vst v63  }
0x74: {  	s21 =	simm.s32 $0x15500  }
0x75: {  	[tilespmem:s21], [sflag:$0x4] =	stream.indirect_vreg.gather [hbm4b:s4+s5], $0x80, v5, vm0, $0xb8;
	[tilespmem:$0x1CD00] =	vst v63  }
0x76: {  	s22 =	simm.s32 $0x15D00  }
0x77: {  	[tilespmem:s22], [sflag:$0x4] =	stream.indirect_vreg.gather [hbm4b:s24+s5], $0x80, v5, vm0, $0xb8;
	[tilespmem:$0x1CD00] =	vst v63  }
0x78: {  	s23 =	simm.s32 $0x16500  }
0x79: {  	[tilespmem:s23], [sflag:$0x4] =	stream.indirect_vreg.gather [hbm4b:s26+s5], $0x80, v5, vm0, $0xb8;
	[tilespmem:$0x1CD00] =	vst v63  }
0x7a: {  	s24 =	simm.s32 $0x16D00  }
0x7b: {  	[tilespmem:s24], [sflag:$0x4] =	stream.indirect_vreg.gather [hbm4b:s11+s5], $0x80, v5, vm0, $0xb8;
	[tilespmem:$0x1CD00] =	vst v63  }
0x7c: {  	s25 =	simm.s32 $0x17500  }
0x7d: {  	[tilespmem:s25], [sflag:$0x4] =	stream.indirect_vreg.gather [hbm4b:s14+s5], $0x80, v5, vm0, $0xb8;
	[tilespmem:$0x1CD00] =	vst v63  }
0x7e: {  	s26 =	simm.s32 $0x17D00  }
0x7f: {  	[tilespmem:s26], [sflag:$0x4] =	stream.indirect_vreg.gather [hbm4b:s17+s5], $0x80, v5, vm0, $0xb8;
	[tilespmem:$0x1CD00] =	vst v63  }
0x80: {  	s1 =	simm.s32 $0x18500  }
0x81: {  	[tilespmem:s1], [sflag:$0x4] =	stream.indirect_vreg.gather [hbm4b:s19+s5], $0x80, v5, vm0, $0xb8;
	[tilespmem:$0x1CD00] =	vst v63  }
0x82: {  	_ =	strace $0x80000049  }
0x83: {  	v5 =	vld [tilespmem:$0xC00];
	_ =	sdelay $0x4  }
0x84: {  	v6 =	vshll.u32 v5, $0x2  }
0x85: {  	v5 =	vand.u32 $0x7, v5;
	v6 =	vand.u32 $0xFFFFFFE0, v6  }
0x86: {  	v5 =	vor.u32 v5, v6  }
0x87: {  	v6 =	vperm.xlane v5, v2;
	_ =	sdelay $0x1  }
0x88: {  	v6 =	vadd.s32 v3, v6;
	_ =	sdelay $0x1  }
0x89: {  	v5 =	vperm.xlane v5, v4;
	_ =	sdelay $0x1  }
0x8a: {  	s2 =	simm.s32 $0xD00;
	s0 =	rddreg [dreg:$0x1];
	v5 =	vadd.s32 v3, v5  }
0x8b: {  	[tilespmem:s2], [sflag:$0x1] =	stream.indirect_vreg.gather [hbm4b:s0+s5], $0x80, v6, vm0, $0x2000b8;
	[tilespmem:$0x1CD00] =	vst v63  }
0x8c: {  	s7 =	simm.s32 $0x1500;
	s1 =	rddreg [dreg:$0xe]  }
0x8d: {  	[tilespmem:s7], [sflag:$0x1] =	stream.indirect_vreg.gather [hbm4b:s1+s5], $0x80, v6, vm0, $0x2000b8;
	[tilespmem:$0x1CD00] =	vst v63  }
0x8e: {  	s25 =	simm.s32 $0x1D00  }
0x8f: {  	[tilespmem:s25], [sflag:$0x1] =	stream.indirect_vreg.gather [hbm4b:s0+s5], $0x80, v5, vm0, $0x2000b8;
	[tilespmem:$0x1CD00] =	vst v63  }
0x90: {  	s9 =	simm.s32 $0x2500  }
0x91: {  	[tilespmem:s9], [sflag:$0x1] =	stream.indirect_vreg.gather [hbm4b:s1+s5], $0x80, v5, vm0, $0x2000b8;
	[tilespmem:$0x1CD00] =	vst v63  }
0x92: {  	v5 =	vld [tilespmem:$0xC10];
	_ =	sdelay $0x4  }
0x93: {  	v6 =	vshll.u32 v5, $0x2  }
0x94: {  	v5 =	vand.u32 $0x7, v5;
	v6 =	vand.u32 $0xFFFFFFE0, v6  }
0x95: {  	v5 =	vor.u32 v5, v6  }
0x96: {  	v6 =	vperm.xlane v5, v2;
	_ =	sdelay $0x1  }
0x97: {  	v6 =	vadd.s32 v3, v6;
	_ =	sdelay $0x1  }
0x98: {  	v5 =	vperm.xlane v5, v4;
	_ =	sdelay $0x1  }
0x99: {  	s10 =	simm.s32 $0x2D00;
	v5 =	vadd.s32 v3, v5  }
0x9a: {  	[tilespmem:s10], [sflag:$0x1] =	stream.indirect_vreg.gather [hbm4b:s0+s5], $0x80, v6, vm0, $0x2000b8;
	[tilespmem:$0x1CD00] =	vst v63  }
0x9b: {  	s11 =	simm.s32 $0x3500  }
0x9c: {  	[tilespmem:s11], [sflag:$0x1] =	stream.indirect_vreg.gather [hbm4b:s1+s5], $0x80, v6, vm0, $0x2000b8;
	[tilespmem:$0x1CD00] =	vst v63  }
0x9d: {  	s12 =	simm.s32 $0x3D00  }
0x9e: {  	[tilespmem:s12], [sflag:$0x1] =	stream.indirect_vreg.gather [hbm4b:s0+s5], $0x80, v5, vm0, $0x2000b8;
	[tilespmem:$0x1CD00] =	vst v63  }
0x9f: {  	s14 =	simm.s32 $0x4500  }
0xa0: {  	[tilespmem:s14], [sflag:$0x1] =	stream.indirect_vreg.gather [hbm4b:s1+s5], $0x80, v5, vm0, $0x2000b8;
	[tilespmem:$0x1CD00] =	vst v63  }
0xa1: {  	v5 =	vld [tilespmem:$0xC20];
	_ =	sdelay $0x4  }
0xa2: {  	v6 =	vshll.u32 v5, $0x2  }
0xa3: {  	v5 =	vand.u32 $0x7, v5;
	v6 =	vand.u32 $0xFFFFFFE0, v6  }
0xa4: {  	v5 =	vor.u32 v5, v6  }
0xa5: {  	v6 =	vperm.xlane v5, v2;
	_ =	sdelay $0x1  }
0xa6: {  	v6 =	vadd.s32 v3, v6;
	_ =	sdelay $0x1  }
0xa7: {  	v5 =	vperm.xlane v5, v4;
	_ =	sdelay $0x1  }
0xa8: {  	s15 =	simm.s32 $0x4D00;
	v5 =	vadd.s32 v3, v5  }
0xa9: {  	[tilespmem:s15], [sflag:$0x1] =	stream.indirect_vreg.gather [hbm4b:s0+s5], $0x80, v6, vm0, $0x2000b8;
	[tilespmem:$0x1CD00] =	vst v63  }
0xaa: {  	s17 =	simm.s32 $0x5500  }
0xab: {  	[tilespmem:s17], [sflag:$0x1] =	stream.indirect_vreg.gather [hbm4b:s1+s5], $0x80, v6, vm0, $0x2000b8;
	[tilespmem:$0x1CD00] =	vst v63  }
0xac: {  	s18 =	simm.s32 $0x5D00  }
0xad: {  	[tilespmem:s18], [sflag:$0x1] =	stream.indirect_vreg.gather [hbm4b:s0+s5], $0x80, v5, vm0, $0x2000b8;
	[tilespmem:$0x1CD00] =	vst v63  }
0xae: {  	s19 =	simm.s32 $0x6500  }
0xaf: {  	[tilespmem:s19], [sflag:$0x1] =	stream.indirect_vreg.gather [hbm4b:s1+s5], $0x80, v5, vm0, $0x2000b8;
	[tilespmem:$0x1CD00] =	vst v63  }
0xb0: {  	v5 =	vld [tilespmem:$0xC30];
	_ =	sdelay $0x4  }
0xb1: {  	v6 =	vshll.u32 v5, $0x2  }
0xb2: {  	v5 =	vand.u32 $0x7, v5;
	v6 =	vand.u32 $0xFFFFFFE0, v6  }
0xb3: {  	v5 =	vor.u32 v5, v6  }
0xb4: {  	v6 =	vperm.xlane v5, v2;
	_ =	sdelay $0x1  }
0xb5: {  	v6 =	vadd.s32 v3, v6;
	_ =	sdelay $0x1  }
0xb6: {  	v5 =	vperm.xlane v5, v4;
	_ =	sdelay $0x1  }
0xb7: {  	s20 =	simm.s32 $0x6D00;
	v5 =	vadd.s32 v3, v5  }
0xb8: {  	[tilespmem:s20], [sflag:$0x1] =	stream.indirect_vreg.gather [hbm4b:s0+s5], $0x80, v6, vm0, $0x2000b8;
	[tilespmem:$0x1CD00] =	vst v63  }
0xb9: {  	s21 =	simm.s32 $0x7500  }
0xba: {  	[tilespmem:s21], [sflag:$0x1] =	stream.indirect_vreg.gather [hbm4b:s1+s5], $0x80, v6, vm0, $0x2000b8;
	[tilespmem:$0x1CD00] =	vst v63  }
0xbb: {  	s22 =	simm.s32 $0x7D00  }
0xbc: {  	[tilespmem:s22], [sflag:$0x1] =	stream.indirect_vreg.gather [hbm4b:s0+s5], $0x80, v5, vm0, $0x2000b8;
	[tilespmem:$0x1CD00] =	vst v63  }
0xbd: {  	s23 =	simm.s32 $0x8500  }
0xbe: {  	[tilespmem:s23], [sflag:$0x1] =	stream.indirect_vreg.gather [hbm4b:s1+s5], $0x80, v5, vm0, $0x2000b8;
	[tilespmem:$0x1CD00] =	vst v63  }
0xbf: {  	v5 =	vld [tilespmem:$0xC40];
	_ =	sdelay $0x4  }
0xc0: {  	v6 =	vshll.u32 v5, $0x2  }
0xc1: {  	v5 =	vand.u32 $0x7, v5;
	v6 =	vand.u32 $0xFFFFFFE0, v6  }
0xc2: {  	v5 =	vor.u32 v5, v6  }
0xc3: {  	v6 =	vperm.xlane v5, v2;
	_ =	sdelay $0x1  }
0xc4: {  	v6 =	vadd.s32 v3, v6;
	_ =	sdelay $0x1  }
0xc5: {  	v5 =	vperm.xlane v5, v4;
	_ =	sdelay $0x1  }
0xc6: {  	s24 =	simm.s32 $0x8D00;
	v5 =	vadd.s32 v3, v5  }
0xc7: {  	[tilespmem:s24], [sflag:$0x2] =	stream.indirect_vreg.gather [hbm4b:s0+s5], $0x80, v6, vm0, $0x2000b8;
	[tilespmem:$0x1CD00] =	vst v63  }
0xc8: {  	s3 =	simm.s32 $0x9500  }
0xc9: {  	[tilespmem:s3], [sflag:$0x2] =	stream.indirect_vreg.gather [hbm4b:s1+s5], $0x80, v6, vm0, $0x2000b8;
	[tilespmem:$0x1CD00] =	vst v63  }
0xca: {  	s26 =	simm.s32 $0x9D00  }
0xcb: {  	[tilespmem:s26], [sflag:$0x2] =	stream.indirect_vreg.gather [hbm4b:s0+s5], $0x80, v5, vm0, $0x2000b8;
	[tilespmem:$0x1CD00] =	vst v63  }
0xcc: {  	s8 =	simm.s32 $0xA500  }
0xcd: {  	[tilespmem:s8], [sflag:$0x2] =	stream.indirect_vreg.gather [hbm4b:s1+s5], $0x80, v5, vm0, $0x2000b8;
	[tilespmem:$0x1CD00] =	vst v63  }
0xce: {  	v5 =	vld [tilespmem:$0xC50];
	_ =	sdelay $0x4  }
0xcf: {  	v6 =	vshll.u32 v5, $0x2  }
0xd0: {  	v5 =	vand.u32 $0x7, v5;
	v6 =	vand.u32 $0xFFFFFFE0, v6  }
0xd1: {  	v5 =	vor.u32 v5, v6  }
0xd2: {  	v6 =	vperm.xlane v5, v2;
	_ =	sdelay $0x1  }
0xd3: {  	v6 =	vadd.s32 v3, v6;
	_ =	sdelay $0x1  }
0xd4: {  	v5 =	vperm.xlane v5, v4;
	_ =	sdelay $0x1  }
0xd5: {  	s3 =	simm.s32 $0xAD00;
	v5 =	vadd.s32 v3, v5  }
0xd6: {  	[tilespmem:s3], [sflag:$0x2] =	stream.indirect_vreg.gather [hbm4b:s0+s5], $0x80, v6, vm0, $0x2000b8;
	[tilespmem:$0x1CD00] =	vst v63  }
0xd7: {  	s8 =	simm.s32 $0xB500  }
0xd8: {  	[tilespmem:s8], [sflag:$0x2] =	stream.indirect_vreg.gather [hbm4b:s1+s5], $0x80, v6, vm0, $0x2000b8;
	[tilespmem:$0x1CD00] =	vst v63  }
0xd9: {  	s3 =	simm.s32 $0xBD00  }
0xda: {  	[tilespmem:s3], [sflag:$0x2] =	stream.indirect_vreg.gather [hbm4b:s0+s5], $0x80, v5, vm0, $0x2000b8;
	[tilespmem:$0x1CD00] =	vst v63  }
0xdb: {  	s8 =	simm.s32 $0xC500  }
0xdc: {  	[tilespmem:s8], [sflag:$0x2] =	stream.indirect_vreg.gather [hbm4b:s1+s5], $0x80, v5, vm0, $0x2000b8;
	[tilespmem:$0x1CD00] =	vst v63  }
0xdd: {  	v5 =	vld [tilespmem:$0xC60];
	_ =	sdelay $0x4  }
0xde: {  	v6 =	vshll.u32 v5, $0x2  }
0xdf: {  	v5 =	vand.u32 $0x7, v5;
	v6 =	vand.u32 $0xFFFFFFE0, v6  }
0xe0: {  	v5 =	vor.u32 v5, v6  }
0xe1: {  	v6 =	vperm.xlane v5, v2;
	_ =	sdelay $0x1  }
0xe2: {  	v6 =	vadd.s32 v3, v6;
	_ =	sdelay $0x1  }
0xe3: {  	v5 =	vperm.xlane v5, v4;
	_ =	sdelay $0x1  }
0xe4: {  	s3 =	simm.s32 $0xCD00;
	v5 =	vadd.s32 v3, v5  }
0xe5: {  	[tilespmem:s3], [sflag:$0x2] =	stream.indirect_vreg.gather [hbm4b:s0+s5], $0x80, v6, vm0, $0x2000b8;
	[tilespmem:$0x1CD00] =	vst v63  }
0xe6: {  	s8 =	simm.s32 $0xD500  }
0xe7: {  	[tilespmem:s8], [sflag:$0x2] =	stream.indirect_vreg.gather [hbm4b:s1+s5], $0x80, v6, vm0, $0x2000b8;
	[tilespmem:$0x1CD00] =	vst v63  }
0xe8: {  	s3 =	simm.s32 $0xDD00  }
0xe9: {  	[tilespmem:s3], [sflag:$0x2] =	stream.indirect_vreg.gather [hbm4b:s0+s5], $0x80, v5, vm0, $0x2000b8;
	[tilespmem:$0x1CD00] =	vst v63  }
0xea: {  	s8 =	simm.s32 $0xE500  }
0xeb: {  	[tilespmem:s8], [sflag:$0x2] =	stream.indirect_vreg.gather [hbm4b:s1+s5], $0x80, v5, vm0, $0x2000b8;
	[tilespmem:$0x1CD00] =	vst v63  }
0xec: {  	v5 =	vld [tilespmem:$0xC70];
	_ =	sdelay $0x4  }
0xed: {  	v6 =	vshll.u32 v5, $0x2  }
0xee: {  	v5 =	vand.u32 $0x7, v5;
	v6 =	vand.u32 $0xFFFFFFE0, v6  }
0xef: {  	v5 =	vor.u32 v5, v6  }
0xf0: {  	v6 =	vperm.xlane v5, v2;
	_ =	sdelay $0x1  }
0xf1: {  	v6 =	vadd.s32 v3, v6;
	_ =	sdelay $0x1  }
0xf2: {  	v5 =	vperm.xlane v5, v4;
	_ =	sdelay $0x1  }
0xf3: {  	s3 =	simm.s32 $0xED00;
	v5 =	vadd.s32 v3, v5  }
0xf4: {  	[tilespmem:s3], [sflag:$0x2] =	stream.indirect_vreg.gather [hbm4b:s0+s5], $0x80, v6, vm0, $0x2000b8;
	[tilespmem:$0x1CD00] =	vst v63  }
0xf5: {  	s8 =	simm.s32 $0xF500  }
0xf6: {  	[tilespmem:s8], [sflag:$0x2] =	stream.indirect_vreg.gather [hbm4b:s1+s5], $0x80, v6, vm0, $0x2000b8;
	[tilespmem:$0x1CD00] =	vst v63  }
0xf7: {  	s3 =	simm.s32 $0xFD00  }
0xf8: {  	[tilespmem:s3], [sflag:$0x2] =	stream.indirect_vreg.gather [hbm4b:s0+s5], $0x80, v5, vm0, $0x2000b8;
	[tilespmem:$0x1CD00] =	vst v63  }
0xf9: {  	s8 =	simm.s32 $0x10500  }
0xfa: {  	[tilespmem:s8], [sflag:$0x2] =	stream.indirect_vreg.gather [hbm4b:s1+s5], $0x80, v5, vm0, $0x2000b8;
	[tilespmem:$0x1CD00] =	vst v63  }
0xfb: {  	s8 =	simm.s32 $0x1  }
0xfc: {  	_ =	swait.ge [sflag:s8], $0x8000  }
0xfd: {  	[sflag:s8] =	ssyncset.done $0x0  }
0xfe: {  	s3 =	simm.s32 $0xD00;
	s2 =	rddreg [dreg:$0xf];
	[sflag:s8] =	ssyncadd.s32 $0xFFFF8000  }
0xff: {  	[hbm4b:s2+s5] =	stream.linear.scatter [tilespmem:s3], [sflag:$0x7], $0x8000, $0x200038;
	[tilespmem:$0x1CD00] =	vst v63  }
0x100: {  	_ =	swait.ge [sflag:s13], $0x8000  }
0x101: {  	[sflag:s13] =	ssyncset.done $0x0  }
0x102: {  	[sflag:s13] =	ssyncadd.s32 $0xFFFF8000  }
0x103: {  	v5 =	vld [tilespmem:$0xC80];
	_ =	sdelay $0x4  }
0x104: {  	v6 =	vshll.u32 v5, $0x2  }
0x105: {  	v5 =	vand.u32 $0x7, v5;
	v6 =	vand.u32 $0xFFFFFFE0, v6  }
0x106: {  	v5 =	vor.u32 v5, v6  }
0x107: {  	v6 =	vperm.xlane v5, v2;
	_ =	sdelay $0x1  }
0x108: {  	v6 =	vadd.s32 v3, v6;
	_ =	sdelay $0x1  }
0x109: {  	v5 =	vperm.xlane v5, v4;
	_ =	sdelay $0x1  }
0x10a: {  	v5 =	vadd.s32 v3, v5  }
0x10b: {  	[tilespmem:s3], [sflag:$0x1] =	stream.indirect_vreg.gather [hbm4b:s0+s5], $0x80, v6, vm0, $0x2000b8;
	[tilespmem:$0x1CD00] =	vst v63  }
0x10c: {  	_ = 	snop  }
0x10d: {  	[tilespmem:s7], [sflag:$0x1] =	stream.indirect_vreg.gather [hbm4b:s1+s5], $0x80, v6, vm0, $0x2000b8;
	[tilespmem:$0x1CD00] =	vst v63  }
0x10e: {  	_ = 	snop  }
0x10f: {  	[tilespmem:s25], [sflag:$0x1] =	stream.indirect_vreg.gather [hbm4b:s0+s5], $0x80, v5, vm0, $0x2000b8;
	[tilespmem:$0x1CD00] =	vst v63  }
0x110: {  	_ = 	snop  }
0x111: {  	[tilespmem:s9], [sflag:$0x1] =	stream.indirect_vreg.gather [hbm4b:s1+s5], $0x80, v5, vm0, $0x2000b8;
	[tilespmem:$0x1CD00] =	vst v63  }
0x112: {  	v5 =	vld [tilespmem:$0xC90];
	_ =	sdelay $0x4  }
0x113: {  	v6 =	vshll.u32 v5, $0x2  }
0x114: {  	v5 =	vand.u32 $0x7, v5;
	v6 =	vand.u32 $0xFFFFFFE0, v6  }
0x115: {  	v5 =	vor.u32 v5, v6  }
0x116: {  	v6 =	vperm.xlane v5, v2;
	_ =	sdelay $0x1  }
0x117: {  	v6 =	vadd.s32 v3, v6;
	_ =	sdelay $0x1  }
0x118: {  	v5 =	vperm.xlane v5, v4;
	_ =	sdelay $0x1  }
0x119: {  	v5 =	vadd.s32 v3, v5  }
0x11a: {  	[tilespmem:s10], [sflag:$0x1] =	stream.indirect_vreg.gather [hbm4b:s0+s5], $0x80, v6, vm0, $0x2000b8;
	[tilespmem:$0x1CD00] =	vst v63  }
0x11b: {  	_ = 	snop  }
0x11c: {  	[tilespmem:s11], [sflag:$0x1] =	stream.indirect_vreg.gather [hbm4b:s1+s5], $0x80, v6, vm0, $0x2000b8;
	[tilespmem:$0x1CD00] =	vst v63  }
0x11d: {  	_ = 	snop  }
0x11e: {  	[tilespmem:s12], [sflag:$0x1] =	stream.indirect_vreg.gather [hbm4b:s0+s5], $0x80, v5, vm0, $0x2000b8;
	[tilespmem:$0x1CD00] =	vst v63  }
0x11f: {  	_ = 	snop  }
0x120: {  	[tilespmem:s14], [sflag:$0x1] =	stream.indirect_vreg.gather [hbm4b:s1+s5], $0x80, v5, vm0, $0x2000b8;
	[tilespmem:$0x1CD00] =	vst v63  }
0x121: {  	v5 =	vld [tilespmem:$0xCA0];
	_ =	sdelay $0x4  }
0x122: {  	v6 =	vshll.u32 v5, $0x2  }
0x123: {  	v5 =	vand.u32 $0x7, v5;
	v6 =	vand.u32 $0xFFFFFFE0, v6  }
0x124: {  	v5 =	vor.u32 v5, v6  }
0x125: {  	v6 =	vperm.xlane v5, v2;
	_ =	sdelay $0x1  }
0x126: {  	v6 =	vadd.s32 v3, v6;
	_ =	sdelay $0x1  }
0x127: {  	v5 =	vperm.xlane v5, v4;
	_ =	sdelay $0x1  }
0x128: {  	v5 =	vadd.s32 v3, v5  }
0x129: {  	[tilespmem:s15], [sflag:$0x1] =	stream.indirect_vreg.gather [hbm4b:s0+s5], $0x80, v6, vm0, $0x2000b8;
	[tilespmem:$0x1CD00] =	vst v63  }
0x12a: {  	_ = 	snop  }
0x12b: {  	[tilespmem:s17], [sflag:$0x1] =	stream.indirect_vreg.gather [hbm4b:s1+s5], $0x80, v6, vm0, $0x2000b8;
	[tilespmem:$0x1CD00] =	vst v63  }
0x12c: {  	_ = 	snop  }
0x12d: {  	[tilespmem:s18], [sflag:$0x1] =	stream.indirect_vreg.gather [hbm4b:s0+s5], $0x80, v5, vm0, $0x2000b8;
	[tilespmem:$0x1CD00] =	vst v63  }
0x12e: {  	_ = 	snop  }
0x12f: {  	[tilespmem:s19], [sflag:$0x1] =	stream.indirect_vreg.gather [hbm4b:s1+s5], $0x80, v5, vm0, $0x2000b8;
	[tilespmem:$0x1CD00] =	vst v63  }
0x130: {  	v5 =	vld [tilespmem:$0xCB0];
	_ =	sdelay $0x4  }
0x131: {  	v6 =	vshll.u32 v5, $0x2  }
0x132: {  	v5 =	vand.u32 $0x7, v5;
	v6 =	vand.u32 $0xFFFFFFE0, v6  }
0x133: {  	v5 =	vor.u32 v5, v6  }
0x134: {  	v6 =	vperm.xlane v5, v2;
	_ =	sdelay $0x1  }
0x135: {  	v6 =	vadd.s32 v3, v6;
	_ =	sdelay $0x1  }
0x136: {  	v5 =	vperm.xlane v5, v4;
	_ =	sdelay $0x1  }
0x137: {  	v5 =	vadd.s32 v3, v5  }
0x138: {  	[tilespmem:s20], [sflag:$0x1] =	stream.indirect_vreg.gather [hbm4b:s0+s5], $0x80, v6, vm0, $0x2000b8;
	[tilespmem:$0x1CD00] =	vst v63  }
0x139: {  	_ = 	snop  }
0x13a: {  	[tilespmem:s21], [sflag:$0x1] =	stream.indirect_vreg.gather [hbm4b:s1+s5], $0x80, v6, vm0, $0x2000b8;
	[tilespmem:$0x1CD00] =	vst v63  }
0x13b: {  	_ = 	snop  }
0x13c: {  	[tilespmem:s22], [sflag:$0x1] =	stream.indirect_vreg.gather [hbm4b:s0+s5], $0x80, v5, vm0, $0x2000b8;
	[tilespmem:$0x1CD00] =	vst v63  }
0x13d: {  	s7 =	simm.s32 $0x2  }
0x13e: {  	[tilespmem:s23], [sflag:$0x1] =	stream.indirect_vreg.gather [hbm4b:s1+s5], $0x80, v5, vm0, $0x2000b8;
	[tilespmem:$0x1CD00] =	vst v63  }
0x13f: {  	_ =	swait.ge [sflag:s7], $0x8000  }
0x140: {  	[sflag:s7] =	ssyncset.done $0x0  }
0x141: {  	s21 =	rddreg [dreg:$0x10];
	[sflag:s7] =	ssyncadd.s32 $0xFFFF8000  }
0x142: {  	[hbm4b:s21+s5] =	stream.linear.scatter [tilespmem:s24], [sflag:$0x7], $0x8000, $0x200038;
	[tilespmem:$0x1CD00] =	vst v63  }
0x143: {  	_ =	swait.ge [sflag:s13], $0x8000  }
0x144: {  	[sflag:s13] =	ssyncset.done $0x0  }
0x145: {  	[sflag:s13] =	ssyncadd.s32 $0xFFFF8000  }
0x146: {  	v5 =	vld [tilespmem:$0xCC0];
	_ =	sdelay $0x4  }
0x147: {  	v6 =	vshll.u32 v5, $0x2  }
0x148: {  	v5 =	vand.u32 $0x7, v5;
	v6 =	vand.u32 $0xFFFFFFE0, v6  }
0x149: {  	v5 =	vor.u32 v5, v6  }
0x14a: {  	v6 =	vperm.xlane v5, v2;
	_ =	sdelay $0x1  }
0x14b: {  	v6 =	vadd.s32 v3, v6;
	_ =	sdelay $0x1  }
0x14c: {  	v5 =	vperm.xlane v5, v4;
	_ =	sdelay $0x1  }
0x14d: {  	v5 =	vadd.s32 v3, v5  }
0x14e: {  	[tilespmem:s24], [sflag:$0x2] =	stream.indirect_vreg.gather [hbm4b:s0+s5], $0x80, v6, vm0, $0x2000b8;
	[tilespmem:$0x1CD00] =	vst v63  }
0x14f: {  	s22 =	simm.s32 $0x9500  }
0x150: {  	[tilespmem:s22], [sflag:$0x2] =	stream.indirect_vreg.gather [hbm4b:s1+s5], $0x80, v6, vm0, $0x2000b8;
	[tilespmem:$0x1CD00] =	vst v63  }
0x151: {  	_ = 	snop  }
0x152: {  	[tilespmem:s26], [sflag:$0x2] =	stream.indirect_vreg.gather [hbm4b:s0+s5], $0x80, v5, vm0, $0x2000b8;
	[tilespmem:$0x1CD00] =	vst v63  }
0x153: {  	s23 =	simm.s32 $0xA500  }
0x154: {  	[tilespmem:s23], [sflag:$0x2] =	stream.indirect_vreg.gather [hbm4b:s1+s5], $0x80, v5, vm0, $0x2000b8;
	[tilespmem:$0x1CD00] =	vst v63  }
0x155: {  	v5 =	vld [tilespmem:$0xCD0];
	_ =	sdelay $0x4  }
0x156: {  	v6 =	vshll.u32 v5, $0x2  }
0x157: {  	v5 =	vand.u32 $0x7, v5;
	v6 =	vand.u32 $0xFFFFFFE0, v6  }
0x158: {  	v5 =	vor.u32 v5, v6  }
0x159: {  	v6 =	vperm.xlane v5, v2;
	_ =	sdelay $0x1  }
0x15a: {  	v6 =	vadd.s32 v3, v6;
	_ =	sdelay $0x1  }
0x15b: {  	v5 =	vperm.xlane v5, v4;
	_ =	sdelay $0x1  }
0x15c: {  	s25 =	simm.s32 $0xAD00;
	v5 =	vadd.s32 v3, v5  }
0x15d: {  	[tilespmem:s25], [sflag:$0x2] =	stream.indirect_vreg.gather [hbm4b:s0+s5], $0x80, v6, vm0, $0x2000b8;
	[tilespmem:$0x1CD00] =	vst v63  }
0x15e: {  	s26 =	simm.s32 $0xB500  }
0x15f: {  	[tilespmem:s26], [sflag:$0x2] =	stream.indirect_vreg.gather [hbm4b:s1+s5], $0x80, v6, vm0, $0x2000b8;
	[tilespmem:$0x1CD00] =	vst v63  }
0x160: {  	s9 =	simm.s32 $0xBD00  }
0x161: {  	[tilespmem:s9], [sflag:$0x2] =	stream.indirect_vreg.gather [hbm4b:s0+s5], $0x80, v5, vm0, $0x2000b8;
	[tilespmem:$0x1CD00] =	vst v63  }
0x162: {  	s10 =	simm.s32 $0xC500  }
0x163: {  	[tilespmem:s10], [sflag:$0x2] =	stream.indirect_vreg.gather [hbm4b:s1+s5], $0x80, v5, vm0, $0x2000b8;
	[tilespmem:$0x1CD00] =	vst v63  }
0x164: {  	v5 =	vld [tilespmem:$0xCE0];
	_ =	sdelay $0x4  }
0x165: {  	v6 =	vshll.u32 v5, $0x2  }
0x166: {  	v5 =	vand.u32 $0x7, v5;
	v6 =	vand.u32 $0xFFFFFFE0, v6  }
0x167: {  	v5 =	vor.u32 v5, v6  }
0x168: {  	v6 =	vperm.xlane v5, v2;
	_ =	sdelay $0x1  }
0x169: {  	v6 =	vadd.s32 v3, v6;
	_ =	sdelay $0x1  }
0x16a: {  	v5 =	vperm.xlane v5, v4;
	_ =	sdelay $0x1  }
0x16b: {  	s11 =	simm.s32 $0xCD00;
	v5 =	vadd.s32 v3, v5  }
0x16c: {  	[tilespmem:s11], [sflag:$0x2] =	stream.indirect_vreg.gather [hbm4b:s0+s5], $0x80, v6, vm0, $0x2000b8;
	[tilespmem:$0x1CD00] =	vst v63  }
0x16d: {  	s12 =	simm.s32 $0xD500  }
0x16e: {  	[tilespmem:s12], [sflag:$0x2] =	stream.indirect_vreg.gather [hbm4b:s1+s5], $0x80, v6, vm0, $0x2000b8;
	[tilespmem:$0x1CD00] =	vst v63  }
0x16f: {  	s14 =	simm.s32 $0xDD00  }
0x170: {  	[tilespmem:s14], [sflag:$0x2] =	stream.indirect_vreg.gather [hbm4b:s0+s5], $0x80, v5, vm0, $0x2000b8;
	[tilespmem:$0x1CD00] =	vst v63  }
0x171: {  	s15 =	simm.s32 $0xE500  }
0x172: {  	[tilespmem:s15], [sflag:$0x2] =	stream.indirect_vreg.gather [hbm4b:s1+s5], $0x80, v5, vm0, $0x2000b8;
	[tilespmem:$0x1CD00] =	vst v63  }
0x173: {  	v5 =	vld [tilespmem:$0xCF0];
	_ =	sdelay $0x4  }
0x174: {  	v6 =	vshll.u32 v5, $0x2  }
0x175: {  	v5 =	vand.u32 $0x7, v5;
	v6 =	vand.u32 $0xFFFFFFE0, v6  }
0x176: {  	v5 =	vor.u32 v5, v6  }
0x177: {  	v6 =	vperm.xlane v5, v2;
	_ =	sdelay $0x1  }
0x178: {  	v6 =	vadd.s32 v3, v6;
	_ =	sdelay $0x1  }
0x179: {  	v5 =	vperm.xlane v5, v4;
	_ =	sdelay $0x1  }
0x17a: {  	s17 =	simm.s32 $0xED00;
	v5 =	vadd.s32 v3, v5  }
0x17b: {  	[tilespmem:s17], [sflag:$0x2] =	stream.indirect_vreg.gather [hbm4b:s0+s5], $0x80, v6, vm0, $0x2000b8;
	[tilespmem:$0x1CD00] =	vst v63  }
0x17c: {  	s18 =	simm.s32 $0xF500  }
0x17d: {  	[tilespmem:s18], [sflag:$0x2] =	stream.indirect_vreg.gather [hbm4b:s1+s5], $0x80, v6, vm0, $0x2000b8;
	[tilespmem:$0x1CD00] =	vst v63  }
0x17e: {  	s19 =	simm.s32 $0xFD00  }
0x17f: {  	[tilespmem:s19], [sflag:$0x2] =	stream.indirect_vreg.gather [hbm4b:s0+s5], $0x80, v5, vm0, $0x2000b8;
	[tilespmem:$0x1CD00] =	vst v63  }
0x180: {  	s20 =	simm.s32 $0x10500  }
0x181: {  	[tilespmem:s20], [sflag:$0x2] =	stream.indirect_vreg.gather [hbm4b:s1+s5], $0x80, v5, vm0, $0x2000b8;
	[tilespmem:$0x1CD00] =	vst v63  }
0x182: {  	_ =	swait.ge [sflag:s8], $0x8000  }
0x183: {  	[sflag:s8] =	ssyncset.done $0x0  }
0x184: {  	s3 =	simm.s32 $0xD00;
	s21 =	rddreg [dreg:$0x11];
	[sflag:s8] =	ssyncadd.s32 $0xFFFF8000  }
0x185: {  	[hbm4b:s21+s5] =	stream.linear.scatter [tilespmem:s3], [sflag:$0x7], $0x8000, $0x200038;
	[tilespmem:$0x1CD00] =	vst v63  }
0x186: {  	_ =	swait.ge [sflag:s13], $0x8000  }
0x187: {  	[sflag:s13] =	ssyncset.done $0x0  }
0x188: {  	[sflag:s13] =	ssyncadd.s32 $0xFFFF8000  }
0x189: {  	_ =	swait.ge [sflag:s7], $0x8000  }
0x18a: {  	[sflag:s7] =	ssyncset.done $0x0  }
0x18b: {  	s22 =	rddreg [dreg:$0x13];
	[sflag:s7] =	ssyncadd.s32 $0xFFFF8000  }
0x18c: {  	[hbm4b:s22+s5] =	stream.linear.scatter [tilespmem:s24], [sflag:$0x7], $0x8000, $0x200038;
	[tilespmem:$0x1CD00] =	vst v63  }
0x18d: {  	_ =	swait.ge [sflag:s13], $0x8000  }
0x18e: {  	[sflag:s13] =	ssyncset.done $0x0  }
0x18f: {  	[sflag:s13] =	ssyncadd.s32 $0xFFFF8000  }
0x190: {  	_ =	strace $0x90000049  }
0x191: {  	s23 =	simm.s32 $0x3;
	_ =	strace $0x8000004A  }
0x192: {  	s25 =	sand.u32 $0x380, s5;
	s24 =	sand.u32 $0x40, s5;
	_ =	swait.ge [sflag:s23], $0x4000  }
0x193: {  	s1 =	sor.u32 $0x800, s25;
	s26 =	sor.u32 $0x30, s24;
	[sflag:s23] =	ssyncset.done $0x0  }
0x194: {  	s8 =	sor.u32 s26, s1;
	[sflag:s23] =	ssyncadd.s32 $0xFFFFC000  }
0x195: {  	s9 =	simm.s32 $0x800;
	v5 =	vld [tilespmem:s8+$0x0]  }
0x196: {  	s10 =	sor.u32 $0x10, s24;
	v6 =	vld [tilespmem:s9+$0x0]  }
0x197: {  	s11 =	sor.u32 $0x20, s24;
	s12 =	sor.u32 s10, s1  }
0x198: {  	s1 =	sor.u32 s11, s1;
	v7 =	vld [tilespmem:s12+$0x0]  }
0x199: {  	v8 =	vld [tilespmem:s1+$0x0]  }
0x19a: {  	v9 =	vshll.u32 v5, $0x3  }
0x19b: {  	v10 =	vshll.u32 v6, $0x3;
	v5 =	vand.u32 $0x7F, v5;
	v9 =	vand.u32 $0xFFFFFC00, v9  }
0x19c: {  	v6 =	vand.u32 $0x7F, v6;
	v11 =	vand.u32 $0xFFFFFC00, v10;
	v10 =	vor.u32 v5, v9  }
0x19d: {  	v5 =	vor.u32 v6, v11;
	v6 =	vshll.u32 v7, $0x3  }
0x19e: {  	v9 =	vshll.u32 v8, $0x3;
	v7 =	vand.u32 $0x7F, v7;
	v6 =	vand.u32 $0xFFFFFC00, v6  }
0x19f: {  	v11 =	vand.u32 $0xFFFFFC00, v9;
	v9 =	vor.u32 v7, v6;
	v6 =	vand.u32 $0x7F, v8  }
0x1a0: {  	v8 =	vor.u32 v6, v11  }
0x1a1: {  	v6 =	vld.idx.msk [tilespmem:v10+s29+$0x0], $0xffff  }
0x1a2: {  	v11 =	vor.u32 $0x80, v10;
	v7 =	vld.idx.msk [tilespmem:v5+s29+$0x0], $0xffff  }
0x1a3: {  	s13 =	sand.u32 $0x1C00, s5;
	v12 =	vor.u32 $0x80, v5  }
0x1a4: {  	s1 =	sadd.s32 $0x18D00, s13;
	v13 =	vld.idx.msk [tilespmem:v9+s29+$0x0], $0xffff  }
0x1a5: {  	s2 =	sor.u32 s26, s1;
	v14 =	vor.u32 $0x80, v9;
	v15 =	vld.idx.msk [tilespmem:v8+s29+$0x0], $0xffff  }
0x1a6: {  	s0 =	sor.u32 s24, s1;
	v16 =	vor.u32 $0x80, v8;
	[tilespmem:s2+$0x0] =	vst v6  }
0x1a7: {  	[tilespmem:s0+$0x0] =	vst v7;
	v6 =	vld.idx.msk [tilespmem:v11+s29+$0x0], $0xffff  }
0x1a8: {  	s14 =	sor.u32 s10, s1;
	v7 =	vld.idx.msk [tilespmem:v12+s29+$0x0], $0xffff;
	v11 =	vor.u32 $0x100, v10  }
0x1a9: {  	s7 =	sor.u32 s11, s1;
	v12 =	vor.u32 $0x100, v5;
	[tilespmem:s14+$0x0] =	vst v13  }
0x1aa: {  	v13 =	vld.idx.msk [tilespmem:v14+s29+$0x0], $0xffff;
	[tilespmem:s7+$0x0] =	vst v15  }
0x1ab: {  	v14 =	vor.u32 $0x100, v9;
	v15 =	vld.idx.msk [tilespmem:v16+s29+$0x0], $0xffff  }
0x1ac: {  	v16 =	vor.u32 $0x100, v8;
	[tilespmem:s2+$0x80] =	vst v6  }
0x1ad: {  	[tilespmem:s0+$0x80] =	vst v7;
	v6 =	vld.idx.msk [tilespmem:v11+s29+$0x0], $0xffff  }
0x1ae: {  	v7 =	vld.idx.msk [tilespmem:v12+s29+$0x0], $0xffff;
	v11 =	vor.u32 $0x180, v10  }
0x1af: {  	v12 =	vor.u32 $0x180, v5;
	[tilespmem:s14+$0x80] =	vst v13  }
0x1b0: {  	v13 =	vld.idx.msk [tilespmem:v14+s29+$0x0], $0xffff;
	[tilespmem:s7+$0x80] =	vst v15  }
0x1b1: {  	s15 =	simm.s32 $0x840;
	s17 =	simm.s32 $0x40;
	v14 =	vor.u32 $0x180, v9;
	v15 =	vld.idx.msk [tilespmem:v16+s29+$0x0], $0xffff  }
0x1b2: {  	s18 =	sand.u32 $0x40, s17;
	s26 =	sand.u32 $0x380, s17;
	v16 =	vld [tilespmem:s15+$0x0];
	[tilespmem:s2+$0x100] =	vst v6  }
0x1b3: {  	s8 =	sor.u32 $0x30, s18;
	s1 =	sor.u32 $0x800, s26;
	[tilespmem:s0+$0x100] =	vst v7;
	v6 =	vld.idx.msk [tilespmem:v11+s29+$0x0], $0xffff  }
0x1b4: {  	s12 =	sor.u32 s8, s1;
	v7 =	vor.u32 $0x180, v8;
	v11 =	vld.idx.msk [tilespmem:v12+s29+$0x0], $0xffff  }
0x1b5: {  	s13 =	sor.u32 $0x10, s18;
	v12 =	vor.u32 $0x200, v10;
	[tilespmem:s14+$0x100] =	vst v13;
	v13 =	vld [tilespmem:s12+$0x0]  }
0x1b6: {  	s20 =	sor.u32 s13, s1;
	s15 =	sor.u32 $0x20, s18;
	v14 =	vld.idx.msk [tilespmem:v14+s29+$0x0], $0xffff  }
0x1b7: {  	v18 =	vld [tilespmem:s20+$0x0];
	v17 =	vor.u32 $0x200, v9;
	s11 =	sor.u32 s15, s1;
	v19 =	vshll.u32 v16, $0x3  }
0x1b8: {  	v20 =	vld [tilespmem:s11+$0x0];
	[tilespmem:s7+$0x100] =	vst v15;
	v15 =	vor.u32 $0x200, v5;
	v16 =	vand.u32 $0x7F, v16;
	v19 =	vand.u32 $0xFFFFFC00, v19  }
0x1b9: {  	p0 =	por $0x0, $0x0;
	v21 =	vld.idx.msk [tilespmem:v7+s29+$0x0], $0xffff;
	[tilespmem:s2+$0x180] =	vst v6;
	v6 =	vor.u32 v16, v19;
	s2 =	simm.s32 $0x1  }
0x1ba: {  	v16 =	vor.u32 $0x200, v8;
	v12 =	vld.idx.msk [tilespmem:v12+s29+$0x0], $0xffff;
	v7 =	vshll.u32 v13, $0x3;
	s2 =	simm.s32 @!p0 $0x0  }
0x1bb: {  	v13 =	vand.u32 $0x7F, v13;
	[tilespmem:s14+$0x180] =	vst v14;
	v7 =	vand.u32 $0xFFFFFC00, v7;
	s2 =	sshll.u32 s2, $0x6;
	v14 =	vor.u32 $0x280, v10  }
0x1bc: {  	v19 =	vor.u32 $0x280, v9;
	[tilespmem:s0+$0x180] =	vst v11;
	v11 =	vld.idx.msk [tilespmem:v17+s29+$0x0], $0xffff;
	v17 =	vshll.u32 v18, $0x3;
	v7 =	vor.u32 v13, v7;
	s0 =	sadd.s32 $0x0, s2  }
0x1bd: {  	v13 =	vld.idx.msk [tilespmem:v15+s29+$0x0], $0xffff;
	v15 =	vshll.u32 v20, $0x3;
	v18 =	vand.u32 $0x7F, v18;
	v17 =	vand.u32 $0xFFFFFC00, v17;
	s2 =	sadd.s32 $0x30, s0  }
0x1be: {  	v15 =	vand.u32 $0xFFFFFC00, v15;
	[tilespmem:s7+$0x180] =	vst v21;
	v22 =	vld.idx.msk [tilespmem:v6+s29+$0x0], $0xffff;
	v26 =	vor.u32 v18, v17;
	v17 =	vand.u32 $0x7F, v20;
	s21 =	sor.u32 $0x200, s2  }
0x1bf: {  	s7 =	sadd.s32 $0x10, s0;
	v16 =	vld.idx.msk [tilespmem:v16+s29+$0x0], $0xffff;
	v15 =	vor.u32 v17, v15;
	[tilespmem:s21+$0x18D00] =	vst v12  }
0x1c0: {  	s22 =	sor.u32 $0x200, s7;
	v12 =	vor.u32 $0x280, v5;
	v14 =	vld.idx.msk [tilespmem:v14+s29+$0x0], $0xffff  }
0x1c1: {  	s19 =	simm.s32 $0x200;
	s23 =	sor.u32 $0x200, s0;
	v17 =	vor.u32 $0x280, v8;
	v18 =	vld.idx.msk [tilespmem:v7+s29+$0x0], $0xffff;
	[tilespmem:s22+$0x18D00] =	vst v11  }
0x1c2: {  	s25 =	sand.u32 $0x1C00, s19;
	s10 =	sadd.s32 $0x20, s0;
	[tilespmem:s23+$0x18D00] =	vst v13;
	v13 =	vor.u32 $0x80, v6;
	v11 =	vld.idx.msk [tilespmem:v19+s29+$0x0], $0xffff  }
0x1c3: {  	s11 =	sadd.s32 $0x18D00, s25;
	s24 =	sor.u32 $0x200, s10;
	v19 =	vor.u32 $0x300, v10;
	v20 =	vld.idx.msk [tilespmem:v26+s29+$0x0], $0xffff  }
0x1c4: {  	s14 =	sor.u32 s18, s11;
	v21 =	vor.u32 $0x80, v7;
	[tilespmem:s24+$0x18D00] =	vst v16;
	v23 =	vld.idx.msk [tilespmem:v15+s29+$0x0], $0xffff  }
0x1c5: {  	s26 =	sor.u32 $0x280, s2;
	v24 =	vor.u32 $0x80, v26;
	[tilespmem:s14+$0x0] =	vst v22;
	v12 =	vld.idx.msk [tilespmem:v12+s29+$0x0], $0xffff  }
0x1c6: {  	s1 =	sor.u32 s8, s11;
	v16 =	vor.u32 $0x80, v15;
	v17 =	vld.idx.msk [tilespmem:v17+s29+$0x0], $0xffff;
	[tilespmem:s26+$0x18D00] =	vst v14  }
0x1c7: {  	s18 =	sor.u32 s13, s11;
	s13 =	sor.u32 $0x280, s7;
	v14 =	vor.u32 $0x300, v9;
	[tilespmem:s1+$0x0] =	vst v18;
	v13 =	vld.idx.msk [tilespmem:v13+s29+$0x0], $0xffff  }
0x1c8: {  	v18 =	vld.idx.msk [tilespmem:v19+s29+$0x0], $0xffff;
	v19 =	vor.u32 $0x300, v8;
	[tilespmem:s13+$0x18D00] =	vst v11  }
0x1c9: {  	s23 =	sor.u32 s15, s11;
	v10 =	vor.u32 $0x380, v10;
	v21 =	vld.idx.msk [tilespmem:v21+s29+$0x0], $0xffff;
	[tilespmem:s18+$0x0] =	vst v20  }
0x1ca: {  	s15 =	sor.u32 $0x280, s10;
	v22 =	vor.u32 $0x100, v7;
	v20 =	vld.idx.msk [tilespmem:v24+s29+$0x0], $0xffff;
	[tilespmem:s23+$0x0] =	vst v23  }
0x1cb: {  	v24 =	vor.u32 $0x100, v6;
	[tilespmem:s15+$0x18D00] =	vst v17;
	v25 =	vld.idx.msk [tilespmem:v16+s29+$0x0], $0xffff  }
0x1cc: {  	s20 =	sor.u32 $0x300, s2;
	v11 =	vor.u32 $0x100, v26;
	v27 =	vld.idx.msk [tilespmem:v14+s29+$0x0], $0xffff;
	[tilespmem:s14+$0x80] =	vst v13  }
0x1cd: {  	v28 =	vor.u32 $0x100, v15;
	v19 =	vld.idx.msk [tilespmem:v19+s29+$0x0], $0xffff;
	[tilespmem:s20+$0x18D00] =	vst v18  }
0x1ce: {  	[tilespmem:s1+$0x80] =	vst v21;
	v21 =	vor.u32 $0x300, v5;
	v29 =	vld.idx.msk [tilespmem:v10+s29+$0x0], $0xffff  }
0x1cf: {  	v30 =	vor.u32 $0x380, v9;
	v23 =	vld.idx.msk [tilespmem:v22+s29+$0x0], $0xffff;
	[tilespmem:s18+$0x80] =	vst v20  }
0x1d0: {  	s24 =	sor.u32 $0x300, s7;
	v9 =	vor.u32 $0x380, v26;
	v22 =	vld.idx.msk [tilespmem:v24+s29+$0x0], $0xffff;
	[tilespmem:s23+$0x80] =	vst v25  }
0x1d1: {  	s25 =	sor.u32 s19, s17;
	s21 =	sor.u32 s5, s5;
	s22 =	sor.u32 $0x280, s0;
	v16 =	vor.u32 $0x200, v26;
	v13 =	vor.u32 $0x280, v26;
	v24 =	vld.idx.msk [tilespmem:v11+s29+$0x0], $0xffff;
	[tilespmem:s24+$0x18D00] =	vst v27;
	v27 =	vor.u32 $0x180, v7  }
0x1d2: {  	s2 =	sor.u32 $0x380, s2;
	s5 =	sor.u32 $0x380, s21;
	s21 =	sor.u32 $0x380, s10;
	[tilespmem:s22+$0x18D00] =	vst v12;
	v18 =	vor.u32 $0x180, v26;
	v11 =	vor.u32 $0x300, v26;
	v26 =	vor.u32 $0x180, v6;
	v25 =	vld.idx.msk [tilespmem:v28+s29+$0x0], $0xffff  }
0x1d3: {  	s0 =	sor.u32 $0x300, s0;
	s26 =	sor.u32 $0x380, s7;
	v8 =	vor.u32 $0x380, v8;
	s15 =	simm.s32 $0x4;
	v17 =	vor.u32 $0x180, v15;
	v12 =	vor.u32 $0x280, v15;
	v20 =	vld.idx.msk [tilespmem:v21+s29+$0x0], $0xffff  }
0x1d4: {  	s22 =	sor.u32 $0x380, s25;
	s25 =	simm.s32 $0x880;
	v14 =	vor.u32 $0x200, v15;
	s20 =	sor.u32 $0x300, s10;
	v10 =	vor.u32 $0x300, v15;
	v15 =	vor.u32 $0x380, v15;
	v21 =	vld.idx.msk [tilespmem:v30+s29+$0x0], $0xffff;
	[tilespmem:s2+$0x18D00] =	vst v29  }
.LBB2_6:
0x1d5: {  	v28 =	vld [tilespmem:s25+$0x0];
	[tilespmem:s1+$0x100] =	vst v23;
	s17 =	sadd.s32 $0x40, s17  }
0x1d6: {  	s15 =	sadd.s32 $0x4, s15;
	s2 =	sand.u32 $0x40, s17;
	s3 =	sand.u32 $0x380, s17;
	[tilespmem:s14+$0x100] =	vst v22;
	v22 =	vld.idx.msk [tilespmem:v27+s29+$0x0], $0xffff  }
0x1d7: {  	p1 =	slt.u32 s15, $0x3C;
	s8 =	sor.u32 $0x800, s3;
	s3 =	sor.u32 $0x30, s2;
	v23 =	vld.idx.msk [tilespmem:v26+s29+$0x0], $0xffff;
	[tilespmem:s18+$0x100] =	vst v24  }
0x1d8: {  	s7 =	sor.u32 $0x10, s2;
	s24 =	sor.u32 $0x20, s2;
	v24 =	vor.u32 $0x200, v7;
	s9 =	sor.u32 s3, s8;
	v18 =	vld.idx.msk [tilespmem:v18+s29+$0x0], $0xffff;
	[tilespmem:s23+$0x100] =	vst v25  }
0x1d9: {  	v26 =	vor.u32 $0x200, v6;
	s10 =	sor.u32 s7, s8;
	s8 =	sor.u32 s24, s8;
	v25 =	vld [tilespmem:s9+$0x0];
	[tilespmem:s20+$0x18D00] =	vst v19  }
0x1da: {  	v19 =	vld [tilespmem:s10+$0x0];
	[tilespmem:s0+$0x18D00] =	vst v20  }
0x1db: {  	v20 =	vshll.u32 v28, $0x3;
	v27 =	vld [tilespmem:s8+$0x0];
	[tilespmem:s26+$0x18D00] =	vst v21  }
0x1dc: {  	v21 =	vand.u32 $0x7F, v28;
	v20 =	vand.u32 $0xFFFFFC00, v20;
	v17 =	vld.idx.msk [tilespmem:v17+s29+$0x0], $0xffff;
	[tilespmem:s1+$0x180] =	vst v22;
	v22 =	vor.u32 $0x380, v5;
	v5 =	vmovc v6  }
0x1dd: {  	p0 =	por !p0, !p0;
	s0 =	simm.s32 $0x1;
	v6 =	vor.u32 v21, v20;
	[tilespmem:s14+$0x180] =	vst v23;
	v20 =	vld.idx.msk [tilespmem:v24+s29+$0x0], $0xffff  }
0x1de: {  	s0 =	simm.s32 @!p0 $0x0;
	v21 =	vshll.u32 v25, $0x3;
	v23 =	vld.idx.msk [tilespmem:v26+s29+$0x0], $0xffff;
	[tilespmem:s18+$0x180] =	vst v18  }
0x1df: {  	s0 =	sshll.u32 s0, $0x6;
	v18 =	vand.u32 $0x7F, v25;
	v21 =	vand.u32 $0xFFFFFC00, v21;
	v24 =	vld.idx.msk [tilespmem:v16+s29+$0x0], $0xffff;
	v16 =	vor.u32 $0x280, v7  }
0x1e0: {  	s0 =	sadd.s32 s0, s19;
	v25 =	vshll.u32 v19, $0x3;
	v26 =	vshll.u32 v27, $0x3;
	v21 =	vor.u32 v18, v21;
	v28 =	vld.idx.msk [tilespmem:v8+s29+$0x0], $0xffff;
	v8 =	vmovc v15  }
0x1e1: {  	s1 =	sadd.s32 $0x10, s0;
	s13 =	sadd.s32 $0x20, s0;
	s8 =	sadd.s32 $0x30, s0;
	v15 =	vand.u32 $0x7F, v19;
	v18 =	vand.u32 $0xFFFFFC00, v25;
	v19 =	vand.u32 $0xFFFFFC00, v26;
	v22 =	vld.idx.msk [tilespmem:v22+s29+$0x0], $0xffff  }
0x1e2: {  	s14 =	sor.u32 $0x200, s1;
	s18 =	sor.u32 $0x200, s13;
	s9 =	sor.u32 $0x200, s8;
	v15 =	vor.u32 v15, v18;
	v18 =	vand.u32 $0x7F, v27;
	v26 =	vor.u32 $0x280, v5;
	v25 =	vld.idx.msk [tilespmem:v6+s29+$0x0], $0xffff;
	[tilespmem:s23+$0x180] =	vst v17  }
0x1e3: {  	s10 =	sor.u32 $0x200, s0;
	s12 =	sor.u32 $0x280, s1;
	s11 =	sor.u32 $0x280, s13;
	v27 =	vor.u32 $0x80, v15;
	v29 =	vor.u32 $0x100, v15;
	v19 =	vor.u32 v18, v19;
	v30 =	vld.idx.msk [tilespmem:v14+s29+$0x0], $0xffff;
	[tilespmem:s9+$0x18D00] =	vst v20  }
0x1e4: {  	s20 =	sor.u32 $0x300, s13;
	v18 =	vor.u32 $0x180, v15;
	v20 =	vor.u32 $0x80, v19;
	v31 =	vor.u32 $0x100, v19;
	s9 =	sor.u32 $0x300, s1;
	[tilespmem:s10+$0x18D00] =	vst v23;
	s10 =	sor.u32 $0x280, s0;
	v23 =	vld.idx.msk [tilespmem:v16+s29+$0x0], $0xffff  }
0x1e5: {  	s26 =	sor.u32 $0x380, s1;
	v17 =	vor.u32 $0x180, v19;
	v14 =	vor.u32 $0x200, v19;
	s1 =	sor.u32 $0x380, s13;
	v16 =	vor.u32 $0x200, v15;
	s0 =	sor.u32 $0x300, s0;
	v32 =	vld.idx.msk [tilespmem:v21+s29+$0x0], $0xffff;
	[tilespmem:s14+$0x18D00] =	vst v24  }
0x1e6: {  	v34 =	vor.u32 $0x300, v7;
	v24 =	vor.u32 $0x280, v19;
	v33 =	vld.idx.msk [tilespmem:v13+s29+$0x0], $0xffff;
	v13 =	vor.u32 $0x280, v15;
	[tilespmem:s21+$0x18D00] =	vst v28;
	s21 =	smov.u32 s1  }
0x1e7: {  	s19 =	sadd.s32 $0x200, s19;
	v37 =	vor.u32 $0x80, v21;
	v35 =	vor.u32 $0x300, v15;
	v36 =	vor.u32 $0x300, v19;
	v28 =	vld.idx.msk [tilespmem:v15+s29+$0x0], $0xffff;
	[tilespmem:s5+$0x18D00] =	vst v22;
	s5 =	smov.u32 s22  }
0x1e8: {  	v38 =	vor.u32 $0x380, v15;
	s13 =	sor.u32 s19, s17;
	s1 =	sand.u32 $0x1C00, s19;
	v22 =	vor.u32 $0x80, v6;
	v15 =	vor.u32 $0x380, v19;
	v39 =	vld.idx.msk [tilespmem:v19+s29+$0x0], $0xffff  }
0x1e9: {  	s23 =	sadd.s32 $0x18D00, s1;
	s22 =	sor.u32 $0x380, s13;
	s13 =	sor.u32 $0x280, s8;
	v40 =	vld.idx.msk [tilespmem:v26+s29+$0x0], $0xffff;
	[tilespmem:s18+$0x18D00] =	vst v30  }
0x1ea: {  	s14 =	sor.u32 s2, s23;
	s1 =	sor.u32 s3, s23;
	s18 =	sor.u32 s7, s23;
	v19 =	vld.idx.msk [tilespmem:v12+s29+$0x0], $0xffff;
	[tilespmem:s13+$0x18D00] =	vst v23;
	v12 =	vmov v24  }
0x1eb: {  	s23 =	sor.u32 s24, s23;
	[tilespmem:s1+$0x0] =	vst v32;
	v23 =	vld.idx.msk [tilespmem:v34+s29+$0x0], $0xffff  }
0x1ec: {  	[tilespmem:s14+$0x0] =	vst v25;
	v24 =	vld.idx.msk [tilespmem:v37+s29+$0x0], $0xffff  }
0x1ed: {  	v25 =	vor.u32 $0x380, v7;
	v7 =	vmov v21;
	v22 =	vld.idx.msk [tilespmem:v22+s29+$0x0], $0xffff;
	[tilespmem:s18+$0x0] =	vst v28  }
0x1ee: {  	v26 =	vor.u32 $0x100, v7;
	v21 =	vld.idx.msk [tilespmem:v27+s29+$0x0], $0xffff;
	[tilespmem:s23+$0x0] =	vst v39  }
0x1ef: {  	v27 =	vor.u32 $0x100, v6;
	v20 =	vld.idx.msk [tilespmem:v20+s29+$0x0], $0xffff;
	[tilespmem:s12+$0x18D00] =	vst v33  }
0x1f0: {  	s2 =	sor.u32 $0x300, s8;
	v28 =	vld.idx.msk [tilespmem:v11+s29+$0x0], $0xffff;
	[tilespmem:s11+$0x18D00] =	vst v19;
	v11 =	vmov v35  }
0x1f1: {  	v19 =	vld.idx.msk [tilespmem:v10+s29+$0x0], $0xffff;
	[tilespmem:s2+$0x18D00] =	vst v23;
	v10 =	vmov v36  }
0x1f2: {  	v30 =	vor.u32 $0x300, v5;
	[tilespmem:s1+$0x80] =	vst v24;
	v32 =	vld.idx.msk [tilespmem:v25+s29+$0x0], $0xffff  }
0x1f3: {  	[tilespmem:s14+$0x80] =	vst v22;
	v23 =	vld.idx.msk [tilespmem:v26+s29+$0x0], $0xffff  }
.Ltmp2:
0x1f4: {  	v22 =	vld.idx.msk [tilespmem:v27+s29+$0x0], $0xffff;
	[tilespmem:s18+$0x80] =	vst v21;
	(pc) =	sbr.rel @p1 .LBB2_6-.Ltmp2, $4  }
0x1f5: {  	v27 =	vor.u32 $0x180, v7;
	v24 =	vld.idx.msk [tilespmem:v29+s29+$0x0], $0xffff;
	[tilespmem:s23+$0x80] =	vst v20  }
0x1f6: {  	v26 =	vor.u32 $0x180, v6;
	v25 =	vld.idx.msk [tilespmem:v31+s29+$0x0], $0xffff;
	[tilespmem:s10+$0x18D00] =	vst v40  }
0x1f7: {  	s2 =	sor.u32 $0x380, s8;
	v20 =	vld.idx.msk [tilespmem:v30+s29+$0x0], $0xffff;
	[tilespmem:s9+$0x18D00] =	vst v28  }
0x1f8: {  	s25 =	sadd.s32 $0x40, s25;
	v21 =	vld.idx.msk [tilespmem:v9+s29+$0x0], $0xffff;
	[tilespmem:s2+$0x18D00] =	vst v32;
	v9 =	vmov v38  }
0x1f9: {  	_ =	sdelay $0x2  }
0x1fa: {  	[tilespmem:s1+$0x100] =	vst v23  }
0x1fb: {  	v23 =	vld.idx.msk [tilespmem:v27+s29+$0x0], $0xffff;
	[tilespmem:s18+$0x100] =	vst v24  }
0x1fc: {  	[tilespmem:s14+$0x100] =	vst v22;
	v24 =	vor.u32 $0x200, v7;
	v18 =	vld.idx.msk [tilespmem:v18+s29+$0x0], $0xffff  }
0x1fd: {  	v22 =	vld.idx.msk [tilespmem:v26+s29+$0x0], $0xffff;
	[tilespmem:s23+$0x100] =	vst v25  }
0x1fe: {  	v25 =	vor.u32 $0x200, v6;
	v17 =	vld.idx.msk [tilespmem:v17+s29+$0x0], $0xffff;
	_ =	sdelay $0x1  }
0x1ff: {  	p0 =	por !p0, !p0;
	[tilespmem:s1+$0x180] =	vst v23;
	s1 =	simm.s32 $0x1  }
0x200: {  	v23 =	vld.idx.msk [tilespmem:v24+s29+$0x0], $0xffff;
	s1 =	simm.s32 @!p0 $0x0;
	[tilespmem:s18+$0x180] =	vst v18  }
0x201: {  	[tilespmem:s14+$0x180] =	vst v22;
	v18 =	vor.u32 $0x280, v7;
	s1 =	sshll.u32 s1, $0x6;
	v16 =	vld.idx.msk [tilespmem:v16+s29+$0x0], $0xffff  }
0x202: {  	[tilespmem:s23+$0x180] =	vst v17;
	v17 =	vld.idx.msk [tilespmem:v25+s29+$0x0], $0xffff;
	s1 =	sadd.s32 s1, s19  }
0x203: {  	v22 =	vor.u32 $0x280, v6;
	v14 =	vld.idx.msk [tilespmem:v14+s29+$0x0], $0xffff;
	s2 =	sadd.s32 $0x30, s1  }
0x204: {  	s3 =	sadd.s32 $0x10, s1;
	s7 =	sor.u32 $0x200, s2  }
0x205: {  	s9 =	sor.u32 $0x200, s3;
	[tilespmem:s7+$0x18D00] =	vst v23  }
0x206: {  	s8 =	sadd.s32 $0x20, s1;
	s10 =	sor.u32 $0x200, s1;
	v18 =	vld.idx.msk [tilespmem:v18+s29+$0x0], $0xffff;
	[tilespmem:s9+$0x18D00] =	vst v16  }
0x207: {  	s25 =	sor.u32 $0x200, s8;
	v16 =	vor.u32 $0x300, v7;
	[tilespmem:s10+$0x18D00] =	vst v17;
	v13 =	vld.idx.msk [tilespmem:v13+s29+$0x0], $0xffff  }
0x208: {  	[tilespmem:s25+$0x18D00] =	vst v14;
	v14 =	vld.idx.msk [tilespmem:v22+s29+$0x0], $0xffff  }
0x209: {  	v17 =	vor.u32 $0x300, v6;
	v12 =	vld.idx.msk [tilespmem:v12+s29+$0x0], $0xffff  }
0x20a: {  	[tilespmem:s20+$0x18D00] =	vst v19;
	s11 =	sor.u32 $0x280, s2  }
0x20b: {  	s12 =	sor.u32 $0x280, s3;
	[tilespmem:s11+$0x18D00] =	vst v18  }
0x20c: {  	v5 =	vor.u32 $0x380, v5;
	s14 =	sor.u32 $0x280, s1;
	v16 =	vld.idx.msk [tilespmem:v16+s29+$0x0], $0xffff;
	[tilespmem:s12+$0x18D00] =	vst v13  }
0x20d: {  	s13 =	sor.u32 $0x280, s8;
	v7 =	vor.u32 $0x380, v7;
	[tilespmem:s14+$0x18D00] =	vst v14;
	v11 =	vld.idx.msk [tilespmem:v11+s29+$0x0], $0xffff  }
0x20e: {  	[tilespmem:s13+$0x18D00] =	vst v12;
	v12 =	vld.idx.msk [tilespmem:v17+s29+$0x0], $0xffff  }
0x20f: {  	[tilespmem:s0+$0x18D00] =	vst v20;
	v6 =	vor.u32 $0x380, v6;
	v10 =	vld.idx.msk [tilespmem:v10+s29+$0x0], $0xffff  }
0x210: {  	v8 =	vld.idx.msk [tilespmem:v8+s29+$0x0], $0xffff;
	[tilespmem:s26+$0x18D00] =	vst v21;
	s15 =	sor.u32 $0x300, s2  }
0x211: {  	v5 =	vld.idx.msk [tilespmem:v5+s29+$0x0], $0xffff;
	s17 =	sor.u32 $0x300, s3;
	[tilespmem:s15+$0x18D00] =	vst v16  }
0x212: {  	s1 =	sor.u32 $0x300, s1;
	v7 =	vld.idx.msk [tilespmem:v7+s29+$0x0], $0xffff;
	[tilespmem:s17+$0x18D00] =	vst v11  }
0x213: {  	s18 =	sor.u32 $0x300, s8;
	[tilespmem:s1+$0x18D00] =	vst v12;
	v9 =	vld.idx.msk [tilespmem:v9+s29+$0x0], $0xffff  }
0x214: {  	[tilespmem:s18+$0x18D00] =	vst v10;
	v6 =	vld.idx.msk [tilespmem:v6+s29+$0x0], $0xffff  }
0x215: {  	[tilespmem:s21+$0x18D00] =	vst v8;
	v10 =	vld.idx.msk [tilespmem:v15+s29+$0x0], $0xffff  }
0x216: {  	[tilespmem:s5+$0x18D00] =	vst v5;
	s19 =	sor.u32 $0x380, s2  }
0x217: {  	s20 =	sor.u32 $0x380, s3;
	[tilespmem:s19+$0x18D00] =	vst v7  }
0x218: {  	[tilespmem:s20+$0x18D00] =	vst v9  }
0x219: {  	s21 =	sor.u32 $0x380, s8;
	[tilespmem:s22+$0x18D00] =	vst v6  }
0x21a: {  	[tilespmem:s21+$0x18D00] =	vst v10  }
0x21b: {  	s23 =	simm.s32 $0x18D00;
	s15 =	simm.s32 $0x0;
	s0 =	rddreg [dreg:$0x12]  }
0x21c: {  	[hbm4b:s0+s15] =	stream.linear.scatter [tilespmem:s23], [sflag:$0x5], $0x2000, $0x200038;
	[tilespmem:$0x1CD00] =	vst v63  }
0x21d: {  	v5 =	vld.msk [tilespmem:$0xC10], $0xff;
	_ =	sdelay $0x4  }
0x21e: {  	v6 =	vshll.u32 v5, $0x4  }
0x21f: {  	v5 =	vand.u32 $0x7, v5;
	v6 =	vand.u32 $0xFFFFFF80, v6  }
0x220: {  	v5 =	vor.u32 v5, v6  }
0x221: {  	v5 =	vperm.xlane v5, v2;
	_ =	sdelay $0x1  }
0x222: {  	v5 =	vadd.s32 v3, v5;
	_ =	sdelay $0x4  }
0x223: {  	[tilespmem:s29], [sflag:$0x3] =	stream.indirect_vreg.gather [hbm4b:s31+s15], $0x80, v5, vm0, $0x2000b8;
	[tilespmem:$0x1CD00] =	vst v63  }
0x224: {  	s24 =	simm.s32 $0x11500  }
0x225: {  	[tilespmem:s24], [sflag:$0x3] =	stream.indirect_vreg.gather [hbm4b:s4+s15], $0x80, v5, vm0, $0x2000b8;
	[tilespmem:$0x1CD00] =	vst v63  }
0x226: {  	s26 =	simm.s32 $0x11D00;
	s25 =	rddreg [dreg:$0x8]  }
0x227: {  	[tilespmem:s26], [sflag:$0x3] =	stream.indirect_vreg.gather [hbm4b:s25+s15], $0x80, v5, vm0, $0x2000b8;
	[tilespmem:$0x1CD00] =	vst v63  }
0x228: {  	s3 =	simm.s32 $0x12500;
	s2 =	rddreg [dreg:$0x9]  }
0x229: {  	[tilespmem:s3], [sflag:$0x3] =	stream.indirect_vreg.gather [hbm4b:s2+s15], $0x80, v5, vm0, $0x2000b8;
	[tilespmem:$0x1CD00] =	vst v63  }
0x22a: {  	s7 =	simm.s32 $0x12D00;
	s5 =	rddreg [dreg:$0xa]  }
0x22b: {  	[tilespmem:s7], [sflag:$0x3] =	stream.indirect_vreg.gather [hbm4b:s5+s15], $0x80, v5, vm0, $0x2000b8;
	[tilespmem:$0x1CD00] =	vst v63  }
0x22c: {  	s9 =	simm.s32 $0x13500;
	s8 =	rddreg [dreg:$0xb]  }
0x22d: {  	[tilespmem:s9], [sflag:$0x3] =	stream.indirect_vreg.gather [hbm4b:s8+s15], $0x80, v5, vm0, $0x2000b8;
	[tilespmem:$0x1CD00] =	vst v63  }
0x22e: {  	s11 =	simm.s32 $0x13D00;
	s10 =	rddreg [dreg:$0xc]  }
0x22f: {  	[tilespmem:s11], [sflag:$0x3] =	stream.indirect_vreg.gather [hbm4b:s10+s15], $0x80, v5, vm0, $0x2000b8;
	[tilespmem:$0x1CD00] =	vst v63  }
0x230: {  	s14 =	simm.s32 $0x4;
	s13 =	simm.s32 $0x14500;
	s12 =	rddreg [dreg:$0xd]  }
0x231: {  	[tilespmem:s13], [sflag:$0x3] =	stream.indirect_vreg.gather [hbm4b:s12+s15], $0x80, v5, vm0, $0x2000b8;
	[tilespmem:$0x1CD00] =	vst v63  }
0x232: {  	s17 =	sand.u32 $0x40, s15;
	s18 =	sand.u32 $0x380, s15;
	_ =	swait.ge [sflag:s14], $0x4000  }
0x233: {  	s1 =	sor.u32 $0x800, s18;
	s19 =	sor.u32 $0x30, s17;
	[sflag:s14] =	ssyncset.done $0x0  }
0x234: {  	s20 =	sor.u32 s19, s1;
	[sflag:s14] =	ssyncadd.s32 $0xFFFFC000  }
0x235: {  	s21 =	simm.s32 $0x800;
	v5 =	vld [tilespmem:s20+$0x0]  }
0x236: {  	s22 =	sor.u32 $0x10, s17;
	v6 =	vld [tilespmem:s21+$0x0]  }
0x237: {  	s23 =	sor.u32 $0x20, s17;
	s24 =	sor.u32 s22, s1  }
0x238: {  	s1 =	sor.u32 s23, s1;
	v7 =	vld [tilespmem:s24+$0x0]  }
0x239: {  	v8 =	vld [tilespmem:s1+$0x0]  }
0x23a: {  	v9 =	vshll.u32 v5, $0x3  }
0x23b: {  	v10 =	vshll.u32 v6, $0x3;
	v5 =	vand.u32 $0x7F, v5;
	v9 =	vand.u32 $0xFFFFFC00, v9  }
0x23c: {  	v6 =	vand.u32 $0x7F, v6;
	v11 =	vand.u32 $0xFFFFFC00, v10;
	v10 =	vor.u32 v5, v9  }
0x23d: {  	v5 =	vor.u32 v6, v11;
	v6 =	vshll.u32 v7, $0x3  }
0x23e: {  	v9 =	vshll.u32 v8, $0x3;
	v7 =	vand.u32 $0x7F, v7;
	v6 =	vand.u32 $0xFFFFFC00, v6  }
0x23f: {  	v11 =	vand.u32 $0xFFFFFC00, v9;
	v9 =	vor.u32 v7, v6;
	v6 =	vand.u32 $0x7F, v8  }
0x240: {  	v8 =	vor.u32 v6, v11  }
0x241: {  	v6 =	vld.idx.msk [tilespmem:v10+s16+$0x0], $0xffff  }
0x242: {  	v11 =	vor.u32 $0x80, v10;
	v7 =	vld.idx.msk [tilespmem:v5+s16+$0x0], $0xffff  }
0x243: {  	s25 =	sand.u32 $0x1C00, s15;
	v12 =	vor.u32 $0x80, v5  }
0x244: {  	s1 =	sadd.s32 $0x1AD00, s25;
	v13 =	vld.idx.msk [tilespmem:v9+s16+$0x0], $0xffff  }
0x245: {  	s2 =	sor.u32 s19, s1;
	v14 =	vor.u32 $0x80, v9;
	v15 =	vld.idx.msk [tilespmem:v8+s16+$0x0], $0xffff  }
0x246: {  	s0 =	sor.u32 s17, s1;
	v16 =	vor.u32 $0x80, v8;
	[tilespmem:s2+$0x0] =	vst v6  }
0x247: {  	[tilespmem:s0+$0x0] =	vst v7;
	v6 =	vld.idx.msk [tilespmem:v11+s16+$0x0], $0xffff  }
0x248: {  	s10 =	sor.u32 s22, s1;
	v7 =	vld.idx.msk [tilespmem:v12+s16+$0x0], $0xffff;
	v11 =	vor.u32 $0x100, v10  }
0x249: {  	s26 =	sor.u32 s23, s1;
	v12 =	vor.u32 $0x100, v5;
	[tilespmem:s10+$0x0] =	vst v13  }
0x24a: {  	v13 =	vld.idx.msk [tilespmem:v14+s16+$0x0], $0xffff;
	[tilespmem:s26+$0x0] =	vst v15  }
0x24b: {  	v14 =	vor.u32 $0x100, v9;
	v15 =	vld.idx.msk [tilespmem:v16+s16+$0x0], $0xffff  }
0x24c: {  	v16 =	vor.u32 $0x100, v8;
	[tilespmem:s2+$0x80] =	vst v6  }
0x24d: {  	[tilespmem:s0+$0x80] =	vst v7;
	v6 =	vld.idx.msk [tilespmem:v11+s16+$0x0], $0xffff  }
0x24e: {  	v7 =	vld.idx.msk [tilespmem:v12+s16+$0x0], $0xffff;
	v11 =	vor.u32 $0x180, v10  }
0x24f: {  	v12 =	vor.u32 $0x180, v5;
	[tilespmem:s10+$0x80] =	vst v13  }
0x250: {  	v13 =	vld.idx.msk [tilespmem:v14+s16+$0x0], $0xffff;
	[tilespmem:s26+$0x80] =	vst v15  }
0x251: {  	s3 =	simm.s32 $0x840;
	s5 =	simm.s32 $0x40;
	v14 =	vor.u32 $0x180, v9;
	v15 =	vld.idx.msk [tilespmem:v16+s16+$0x0], $0xffff  }
0x252: {  	s8 =	sand.u32 $0x40, s5;
	s13 =	sand.u32 $0x380, s5;
	v16 =	vld [tilespmem:s3+$0x0];
	[tilespmem:s2+$0x100] =	vst v6  }
0x253: {  	s11 =	sor.u32 $0x800, s13;
	s14 =	sor.u32 $0x30, s8;
	[tilespmem:s0+$0x100] =	vst v7;
	v6 =	vld.idx.msk [tilespmem:v11+s16+$0x0], $0xffff  }
0x254: {  	s17 =	sor.u32 s14, s11;
	v7 =	vor.u32 $0x180, v8;
	v11 =	vld.idx.msk [tilespmem:v12+s16+$0x0], $0xffff  }
0x255: {  	s18 =	sor.u32 $0x10, s8;
	v12 =	vor.u32 $0x200, v10;
	[tilespmem:s10+$0x100] =	vst v13;
	v13 =	vld [tilespmem:s17+$0x0]  }
0x256: {  	s12 =	sor.u32 s18, s11;
	s20 =	sor.u32 $0x20, s8;
	v14 =	vld.idx.msk [tilespmem:v14+s16+$0x0], $0xffff  }
0x257: {  	v18 =	vld [tilespmem:s12+$0x0];
	s11 =	sor.u32 s20, s11;
	v17 =	vor.u32 $0x200, v9;
	v19 =	vshll.u32 v16, $0x3  }
0x258: {  	v20 =	vld [tilespmem:s11+$0x0];
	[tilespmem:s26+$0x100] =	vst v15;
	v15 =	vor.u32 $0x200, v5;
	v16 =	vand.u32 $0x7F, v16;
	v19 =	vand.u32 $0xFFFFFC00, v19  }
0x259: {  	p0 =	por $0x0, $0x0;
	v21 =	vld.idx.msk [tilespmem:v7+s16+$0x0], $0xffff;
	[tilespmem:s2+$0x180] =	vst v6;
	v6 =	vor.u32 v16, v19;
	s2 =	simm.s32 $0x1  }
0x25a: {  	v16 =	vor.u32 $0x200, v8;
	v12 =	vld.idx.msk [tilespmem:v12+s16+$0x0], $0xffff;
	v7 =	vshll.u32 v13, $0x3;
	s2 =	simm.s32 @!p0 $0x0  }
0x25b: {  	v13 =	vand.u32 $0x7F, v13;
	[tilespmem:s10+$0x180] =	vst v14;
	v7 =	vand.u32 $0xFFFFFC00, v7;
	s2 =	sshll.u32 s2, $0x6;
	v14 =	vor.u32 $0x280, v10  }
0x25c: {  	v19 =	vor.u32 $0x280, v9;
	[tilespmem:s0+$0x180] =	vst v11;
	v11 =	vld.idx.msk [tilespmem:v17+s16+$0x0], $0xffff;
	v17 =	vshll.u32 v18, $0x3;
	v7 =	vor.u32 v13, v7;
	s0 =	sadd.s32 $0x0, s2  }
0x25d: {  	v13 =	vld.idx.msk [tilespmem:v15+s16+$0x0], $0xffff;
	v15 =	vshll.u32 v20, $0x3;
	v18 =	vand.u32 $0x7F, v18;
	v17 =	vand.u32 $0xFFFFFC00, v17;
	s2 =	sadd.s32 $0x30, s0  }
0x25e: {  	v15 =	vand.u32 $0xFFFFFC00, v15;
	[tilespmem:s26+$0x180] =	vst v21;
	v22 =	vld.idx.msk [tilespmem:v6+s16+$0x0], $0xffff;
	v26 =	vor.u32 v18, v17;
	v17 =	vand.u32 $0x7F, v20;
	s21 =	sor.u32 $0x200, s2  }
0x25f: {  	s7 =	sadd.s32 $0x10, s0;
	v16 =	vld.idx.msk [tilespmem:v16+s16+$0x0], $0xffff;
	v15 =	vor.u32 v17, v15;
	[tilespmem:s21+$0x1AD00] =	vst v12  }
0x260: {  	s22 =	sor.u32 $0x200, s7;
	v12 =	vor.u32 $0x280, v5;
	v14 =	vld.idx.msk [tilespmem:v14+s16+$0x0], $0xffff  }
0x261: {  	s19 =	simm.s32 $0x200;
	s23 =	sor.u32 $0x200, s0;
	v17 =	vor.u32 $0x280, v8;
	v18 =	vld.idx.msk [tilespmem:v7+s16+$0x0], $0xffff;
	[tilespmem:s22+$0x1AD00] =	vst v11  }
0x262: {  	s25 =	sand.u32 $0x1C00, s19;
	s10 =	sadd.s32 $0x20, s0;
	[tilespmem:s23+$0x1AD00] =	vst v13;
	v13 =	vor.u32 $0x80, v6;
	v11 =	vld.idx.msk [tilespmem:v19+s16+$0x0], $0xffff  }
0x263: {  	s11 =	sadd.s32 $0x1AD00, s25;
	s24 =	sor.u32 $0x200, s10;
	v19 =	vor.u32 $0x300, v10;
	v20 =	vld.idx.msk [tilespmem:v26+s16+$0x0], $0xffff  }
0x264: {  	s1 =	sor.u32 s14, s11;
	s14 =	sor.u32 s8, s11;
	v21 =	vor.u32 $0x80, v7;
	[tilespmem:s24+$0x1AD00] =	vst v16;
	v23 =	vld.idx.msk [tilespmem:v15+s16+$0x0], $0xffff  }
0x265: {  	s26 =	sor.u32 $0x280, s2;
	v24 =	vor.u32 $0x80, v26;
	[tilespmem:s14+$0x0] =	vst v22;
	v12 =	vld.idx.msk [tilespmem:v12+s16+$0x0], $0xffff  }
0x266: {  	v16 =	vor.u32 $0x80, v15;
	v17 =	vld.idx.msk [tilespmem:v17+s16+$0x0], $0xffff;
	[tilespmem:s26+$0x1AD00] =	vst v14  }
0x267: {  	s13 =	sor.u32 $0x280, s7;
	v14 =	vor.u32 $0x300, v9;
	[tilespmem:s1+$0x0] =	vst v18;
	v13 =	vld.idx.msk [tilespmem:v13+s16+$0x0], $0xffff  }
0x268: {  	s18 =	sor.u32 s18, s11;
	v18 =	vld.idx.msk [tilespmem:v19+s16+$0x0], $0xffff;
	v19 =	vor.u32 $0x300, v8;
	[tilespmem:s13+$0x1AD00] =	vst v11  }
0x269: {  	s23 =	sor.u32 s20, s11;
	v10 =	vor.u32 $0x380, v10;
	v21 =	vld.idx.msk [tilespmem:v21+s16+$0x0], $0xffff;
	[tilespmem:s18+$0x0] =	vst v20  }
0x26a: {  	s17 =	sor.u32 $0x280, s10;
	v22 =	vor.u32 $0x100, v7;
	v20 =	vld.idx.msk [tilespmem:v24+s16+$0x0], $0xffff;
	[tilespmem:s23+$0x0] =	vst v23  }
0x26b: {  	v24 =	vor.u32 $0x100, v6;
	[tilespmem:s17+$0x1AD00] =	vst v17;
	v25 =	vld.idx.msk [tilespmem:v16+s16+$0x0], $0xffff  }
0x26c: {  	s20 =	sor.u32 $0x300, s2;
	v11 =	vor.u32 $0x100, v26;
	v27 =	vld.idx.msk [tilespmem:v14+s16+$0x0], $0xffff;
	[tilespmem:s14+$0x80] =	vst v13  }
0x26d: {  	v28 =	vor.u32 $0x100, v15;
	v19 =	vld.idx.msk [tilespmem:v19+s16+$0x0], $0xffff;
	[tilespmem:s20+$0x1AD00] =	vst v18  }
0x26e: {  	[tilespmem:s1+$0x80] =	vst v21;
	v21 =	vor.u32 $0x300, v5;
	v29 =	vld.idx.msk [tilespmem:v10+s16+$0x0], $0xffff  }
0x26f: {  	v30 =	vor.u32 $0x380, v9;
	v23 =	vld.idx.msk [tilespmem:v22+s16+$0x0], $0xffff;
	[tilespmem:s18+$0x80] =	vst v20  }
0x270: {  	s24 =	sor.u32 $0x300, s7;
	v9 =	vor.u32 $0x380, v26;
	v22 =	vld.idx.msk [tilespmem:v24+s16+$0x0], $0xffff;
	[tilespmem:s23+$0x80] =	vst v25  }
0x271: {  	s25 =	sor.u32 s19, s5;
	s21 =	sor.u32 s15, s15;
	s22 =	sor.u32 $0x280, s0;
	v16 =	vor.u32 $0x200, v26;
	v13 =	vor.u32 $0x280, v26;
	v24 =	vld.idx.msk [tilespmem:v11+s16+$0x0], $0xffff;
	[tilespmem:s24+$0x1AD00] =	vst v27;
	v27 =	vor.u32 $0x180, v7  }
0x272: {  	s15 =	simm.s32 $0x4;
	s0 =	sor.u32 $0x300, s0;
	s2 =	sor.u32 $0x380, s2;
	[tilespmem:s22+$0x1AD00] =	vst v12;
	v18 =	vor.u32 $0x180, v26;
	v11 =	vor.u32 $0x300, v26;
	v26 =	vor.u32 $0x180, v6;
	v25 =	vld.idx.msk [tilespmem:v28+s16+$0x0], $0xffff  }
0x273: {  	s26 =	sor.u32 $0x380, s7;
	v8 =	vor.u32 $0x380, v8;
	s17 =	sor.u32 $0x380, s21;
	v17 =	vor.u32 $0x180, v15;
	v12 =	vor.u32 $0x280, v15;
	s21 =	sor.u32 $0x380, s10;
	v20 =	vld.idx.msk [tilespmem:v21+s16+$0x0], $0xffff  }
0x274: {  	s22 =	sor.u32 $0x380, s25;
	s25 =	simm.s32 $0x880;
	v14 =	vor.u32 $0x200, v15;
	s20 =	sor.u32 $0x300, s10;
	v10 =	vor.u32 $0x300, v15;
	v15 =	vor.u32 $0x380, v15;
	v21 =	vld.idx.msk [tilespmem:v30+s16+$0x0], $0xffff;
	[tilespmem:s2+$0x1AD00] =	vst v29  }
.LBB2_8:
0x275: {  	v28 =	vld [tilespmem:s25+$0x0];
	[tilespmem:s1+$0x100] =	vst v23;
	s5 =	sadd.s32 $0x40, s5  }
0x276: {  	s15 =	sadd.s32 $0x4, s15;
	s2 =	sand.u32 $0x40, s5;
	s3 =	sand.u32 $0x380, s5;
	[tilespmem:s14+$0x100] =	vst v22;
	v22 =	vld.idx.msk [tilespmem:v27+s16+$0x0], $0xffff  }
0x277: {  	p1 =	slt.u32 s15, $0x3C;
	s8 =	sor.u32 $0x800, s3;
	s3 =	sor.u32 $0x30, s2;
	v23 =	vld.idx.msk [tilespmem:v26+s16+$0x0], $0xffff;
	[tilespmem:s18+$0x100] =	vst v24  }
0x278: {  	s7 =	sor.u32 $0x10, s2;
	s24 =	sor.u32 $0x20, s2;
	v24 =	vor.u32 $0x200, v7;
	s9 =	sor.u32 s3, s8;
	v18 =	vld.idx.msk [tilespmem:v18+s16+$0x0], $0xffff;
	[tilespmem:s23+$0x100] =	vst v25  }
0x279: {  	v26 =	vor.u32 $0x200, v6;
	s10 =	sor.u32 s7, s8;
	s8 =	sor.u32 s24, s8;
	v25 =	vld [tilespmem:s9+$0x0];
	[tilespmem:s20+$0x1AD00] =	vst v19  }
0x27a: {  	v19 =	vld [tilespmem:s10+$0x0];
	[tilespmem:s0+$0x1AD00] =	vst v20  }
0x27b: {  	v20 =	vshll.u32 v28, $0x3;
	v27 =	vld [tilespmem:s8+$0x0];
	[tilespmem:s26+$0x1AD00] =	vst v21  }
0x27c: {  	v21 =	vand.u32 $0x7F, v28;
	v20 =	vand.u32 $0xFFFFFC00, v20;
	v17 =	vld.idx.msk [tilespmem:v17+s16+$0x0], $0xffff;
	[tilespmem:s1+$0x180] =	vst v22;
	v22 =	vor.u32 $0x380, v5;
	v5 =	vmovc v6  }
0x27d: {  	p0 =	por !p0, !p0;
	s0 =	simm.s32 $0x1;
	v6 =	vor.u32 v21, v20;
	[tilespmem:s14+$0x180] =	vst v23;
	v20 =	vld.idx.msk [tilespmem:v24+s16+$0x0], $0xffff  }
0x27e: {  	s0 =	simm.s32 @!p0 $0x0;
	v21 =	vshll.u32 v25, $0x3;
	v23 =	vld.idx.msk [tilespmem:v26+s16+$0x0], $0xffff;
	[tilespmem:s18+$0x180] =	vst v18  }
0x27f: {  	s0 =	sshll.u32 s0, $0x6;
	v18 =	vand.u32 $0x7F, v25;
	v21 =	vand.u32 $0xFFFFFC00, v21;
	v24 =	vld.idx.msk [tilespmem:v16+s16+$0x0], $0xffff;
	v16 =	vor.u32 $0x280, v7  }
0x280: {  	s0 =	sadd.s32 s0, s19;
	v25 =	vshll.u32 v19, $0x3;
	v26 =	vshll.u32 v27, $0x3;
	v21 =	vor.u32 v18, v21;
	v28 =	vld.idx.msk [tilespmem:v8+s16+$0x0], $0xffff;
	v8 =	vmovc v15  }
0x281: {  	s1 =	sadd.s32 $0x10, s0;
	s13 =	sadd.s32 $0x20, s0;
	s8 =	sadd.s32 $0x30, s0;
	v15 =	vand.u32 $0x7F, v19;
	v18 =	vand.u32 $0xFFFFFC00, v25;
	v19 =	vand.u32 $0xFFFFFC00, v26;
	v22 =	vld.idx.msk [tilespmem:v22+s16+$0x0], $0xffff  }
0x282: {  	s14 =	sor.u32 $0x200, s1;
	s18 =	sor.u32 $0x200, s13;
	s9 =	sor.u32 $0x200, s8;
	v15 =	vor.u32 v15, v18;
	v18 =	vand.u32 $0x7F, v27;
	v26 =	vor.u32 $0x280, v5;
	v25 =	vld.idx.msk [tilespmem:v6+s16+$0x0], $0xffff;
	[tilespmem:s23+$0x180] =	vst v17  }
0x283: {  	s10 =	sor.u32 $0x200, s0;
	s12 =	sor.u32 $0x280, s1;
	s11 =	sor.u32 $0x280, s13;
	v27 =	vor.u32 $0x80, v15;
	v29 =	vor.u32 $0x100, v15;
	v19 =	vor.u32 v18, v19;
	v30 =	vld.idx.msk [tilespmem:v14+s16+$0x0], $0xffff;
	[tilespmem:s9+$0x1AD00] =	vst v20  }
0x284: {  	s20 =	sor.u32 $0x300, s13;
	v18 =	vor.u32 $0x180, v15;
	v20 =	vor.u32 $0x80, v19;
	v31 =	vor.u32 $0x100, v19;
	s9 =	sor.u32 $0x300, s1;
	[tilespmem:s10+$0x1AD00] =	vst v23;
	s10 =	sor.u32 $0x280, s0;
	v23 =	vld.idx.msk [tilespmem:v16+s16+$0x0], $0xffff  }
0x285: {  	s26 =	sor.u32 $0x380, s1;
	v17 =	vor.u32 $0x180, v19;
	v14 =	vor.u32 $0x200, v19;
	s1 =	sor.u32 $0x380, s13;
	v16 =	vor.u32 $0x200, v15;
	s0 =	sor.u32 $0x300, s0;
	v32 =	vld.idx.msk [tilespmem:v21+s16+$0x0], $0xffff;
	[tilespmem:s14+$0x1AD00] =	vst v24  }
0x286: {  	v34 =	vor.u32 $0x300, v7;
	v24 =	vor.u32 $0x280, v19;
	v33 =	vld.idx.msk [tilespmem:v13+s16+$0x0], $0xffff;
	v13 =	vor.u32 $0x280, v15;
	[tilespmem:s21+$0x1AD00] =	vst v28;
	s21 =	smov.u32 s1  }
0x287: {  	s19 =	sadd.s32 $0x200, s19;
	v37 =	vor.u32 $0x80, v21;
	v35 =	vor.u32 $0x300, v15;
	v36 =	vor.u32 $0x300, v19;
	v28 =	vld.idx.msk [tilespmem:v15+s16+$0x0], $0xffff;
	[tilespmem:s17+$0x1AD00] =	vst v22;
	s17 =	smov.u32 s22  }
0x288: {  	v38 =	vor.u32 $0x380, v15;
	s13 =	sor.u32 s19, s5;
	s1 =	sand.u32 $0x1C00, s19;
	v22 =	vor.u32 $0x80, v6;
	v15 =	vor.u32 $0x380, v19;
	v39 =	vld.idx.msk [tilespmem:v19+s16+$0x0], $0xffff  }
0x289: {  	s23 =	sadd.s32 $0x1AD00, s1;
	s22 =	sor.u32 $0x380, s13;
	s13 =	sor.u32 $0x280, s8;
	v40 =	vld.idx.msk [tilespmem:v26+s16+$0x0], $0xffff;
	[tilespmem:s18+$0x1AD00] =	vst v30  }
0x28a: {  	s14 =	sor.u32 s2, s23;
	s1 =	sor.u32 s3, s23;
	s18 =	sor.u32 s7, s23;
	v19 =	vld.idx.msk [tilespmem:v12+s16+$0x0], $0xffff;
	[tilespmem:s13+$0x1AD00] =	vst v23;
	v12 =	vmov v24  }
0x28b: {  	s23 =	sor.u32 s24, s23;
	[tilespmem:s1+$0x0] =	vst v32;
	v23 =	vld.idx.msk [tilespmem:v34+s16+$0x0], $0xffff  }
0x28c: {  	[tilespmem:s14+$0x0] =	vst v25;
	v24 =	vld.idx.msk [tilespmem:v37+s16+$0x0], $0xffff  }
0x28d: {  	v25 =	vor.u32 $0x380, v7;
	v7 =	vmov v21;
	v22 =	vld.idx.msk [tilespmem:v22+s16+$0x0], $0xffff;
	[tilespmem:s18+$0x0] =	vst v28  }
0x28e: {  	v26 =	vor.u32 $0x100, v7;
	v21 =	vld.idx.msk [tilespmem:v27+s16+$0x0], $0xffff;
	[tilespmem:s23+$0x0] =	vst v39  }
0x28f: {  	v27 =	vor.u32 $0x100, v6;
	v20 =	vld.idx.msk [tilespmem:v20+s16+$0x0], $0xffff;
	[tilespmem:s12+$0x1AD00] =	vst v33  }
0x290: {  	s2 =	sor.u32 $0x300, s8;
	v28 =	vld.idx.msk [tilespmem:v11+s16+$0x0], $0xffff;
	[tilespmem:s11+$0x1AD00] =	vst v19;
	v11 =	vmov v35  }
0x291: {  	v19 =	vld.idx.msk [tilespmem:v10+s16+$0x0], $0xffff;
	[tilespmem:s2+$0x1AD00] =	vst v23;
	v10 =	vmov v36  }
0x292: {  	v30 =	vor.u32 $0x300, v5;
	[tilespmem:s1+$0x80] =	vst v24;
	v32 =	vld.idx.msk [tilespmem:v25+s16+$0x0], $0xffff  }
0x293: {  	[tilespmem:s14+$0x80] =	vst v22;
	v23 =	vld.idx.msk [tilespmem:v26+s16+$0x0], $0xffff  }
.Ltmp3:
0x294: {  	v22 =	vld.idx.msk [tilespmem:v27+s16+$0x0], $0xffff;
	[tilespmem:s18+$0x80] =	vst v21;
	(pc) =	sbr.rel @p1 .LBB2_8-.Ltmp3, $4  }
0x295: {  	v27 =	vor.u32 $0x180, v7;
	v24 =	vld.idx.msk [tilespmem:v29+s16+$0x0], $0xffff;
	[tilespmem:s23+$0x80] =	vst v20  }
0x296: {  	v26 =	vor.u32 $0x180, v6;
	v25 =	vld.idx.msk [tilespmem:v31+s16+$0x0], $0xffff;
	[tilespmem:s10+$0x1AD00] =	vst v40  }
0x297: {  	s2 =	sor.u32 $0x380, s8;
	v20 =	vld.idx.msk [tilespmem:v30+s16+$0x0], $0xffff;
	[tilespmem:s9+$0x1AD00] =	vst v28  }
0x298: {  	s25 =	sadd.s32 $0x40, s25;
	v21 =	vld.idx.msk [tilespmem:v9+s16+$0x0], $0xffff;
	[tilespmem:s2+$0x1AD00] =	vst v32;
	v9 =	vmov v38  }
0x299: {  	_ =	sdelay $0x2  }
0x29a: {  	[tilespmem:s1+$0x100] =	vst v23  }
0x29b: {  	[tilespmem:s14+$0x100] =	vst v22;
	v23 =	vld.idx.msk [tilespmem:v27+s16+$0x0], $0xffff  }
0x29c: {  	v54 =	vor.u32 $0x200, v7;
	[tilespmem:s18+$0x100] =	vst v24;
	v22 =	vld.idx.msk [tilespmem:v26+s16+$0x0], $0xffff  }
0x29d: {  	v55 =	vor.u32 $0x200, v6;
	v18 =	vld.idx.msk [tilespmem:v18+s16+$0x0], $0xffff;
	[tilespmem:s23+$0x100] =	vst v25  }
0x29e: {  	v17 =	vld.idx.msk [tilespmem:v17+s16+$0x0], $0xffff;
	_ =	sdelay $0x1  }
0x29f: {  	p0 =	por !p0, !p0;
	[tilespmem:s1+$0x180] =	vst v23;
	s1 =	simm.s32 $0x1  }
0x2a0: {  	[tilespmem:s14+$0x180] =	vst v22;
	v23 =	vld.idx.msk [tilespmem:v54+s16+$0x0], $0xffff;
	s1 =	simm.s32 @!p0 $0x0  }
0x2a1: {  	v56 =	vor.u32 $0x280, v7;
	[tilespmem:s18+$0x180] =	vst v18;
	v57 =	vld.idx.msk [tilespmem:v55+s16+$0x0], $0xffff;
	s1 =	sshll.u32 s1, $0x6  }
0x2a2: {  	v58 =	vor.u32 $0x280, v6;
	v16 =	vld.idx.msk [tilespmem:v16+s16+$0x0], $0xffff;
	[tilespmem:s23+$0x180] =	vst v17;
	s1 =	sadd.s32 s1, s19  }
0x2a3: {  	v14 =	vld.idx.msk [tilespmem:v14+s16+$0x0], $0xffff;
	s2 =	sadd.s32 $0x30, s1  }
0x2a4: {  	s5 =	sor.u32 $0x200, s2  }
0x2a5: {  	s3 =	sadd.s32 $0x10, s1;
	s18 =	sor.u32 $0x200, s1;
	[tilespmem:s5+$0x1AD00] =	vst v23  }
0x2a6: {  	s7 =	sadd.s32 $0x20, s1;
	s14 =	sor.u32 $0x200, s3;
	[tilespmem:s18+$0x1AD00] =	vst v57;
	v59 =	vld.idx.msk [tilespmem:v56+s16+$0x0], $0xffff  }
0x2a7: {  	v60 =	vor.u32 $0x300, v7;
	s15 =	sor.u32 $0x200, s7;
	[tilespmem:s14+$0x1AD00] =	vst v16;
	v17 =	vld.idx.msk [tilespmem:v58+s16+$0x0], $0xffff  }
0x2a8: {  	v61 =	vor.u32 $0x300, v6;
	[tilespmem:s15+$0x1AD00] =	vst v14;
	v13 =	vld.idx.msk [tilespmem:v13+s16+$0x0], $0xffff  }
0x2a9: {  	v12 =	vld.idx.msk [tilespmem:v12+s16+$0x0], $0xffff  }
0x2aa: {  	[tilespmem:s20+$0x1AD00] =	vst v19;
	s19 =	sor.u32 $0x280, s2  }
0x2ab: {  	s24 =	sor.u32 $0x280, s1;
	[tilespmem:s19+$0x1AD00] =	vst v59  }
0x2ac: {  	v5 =	vor.u32 $0x380, v5;
	s20 =	sor.u32 $0x280, s3;
	[tilespmem:s24+$0x1AD00] =	vst v17;
	v62 =	vld.idx.msk [tilespmem:v60+s16+$0x0], $0xffff  }
0x2ad: {  	v7 =	vor.u32 $0x380, v7;
	s23 =	sor.u32 $0x280, s7;
	[tilespmem:s20+$0x1AD00] =	vst v13;
	v63 =	vld.idx.msk [tilespmem:v61+s16+$0x0], $0xffff  }
0x2ae: {  	v6 =	vor.u32 $0x380, v6;
	[tilespmem:s23+$0x1AD00] =	vst v12;
	v11 =	vld.idx.msk [tilespmem:v11+s16+$0x0], $0xffff  }
0x2af: {  	[tilespmem:s0+$0x1AD00] =	vst v20;
	v10 =	vld.idx.msk [tilespmem:v10+s16+$0x0], $0xffff  }
0x2b0: {  	v8 =	vld.idx.msk [tilespmem:v8+s16+$0x0], $0xffff;
	[tilespmem:s26+$0x1AD00] =	vst v21;
	s25 =	sor.u32 $0x300, s2  }
0x2b1: {  	v5 =	vld.idx.msk [tilespmem:v5+s16+$0x0], $0xffff;
	s8 =	sor.u32 $0x300, s1;
	[tilespmem:s25+$0x1AD00] =	vst v62  }
0x2b2: {  	s26 =	sor.u32 $0x300, s3;
	[tilespmem:s8+$0x1AD00] =	vst v63;
	v7 =	vld.idx.msk [tilespmem:v7+s16+$0x0], $0xffff  }
0x2b3: {  	s5 =	sor.u32 $0x300, s7;
	[tilespmem:s26+$0x1AD00] =	vst v11;
	v6 =	vld.idx.msk [tilespmem:v6+s16+$0x0], $0xffff  }
0x2b4: {  	[tilespmem:s5+$0x1AD00] =	vst v10;
	v9 =	vld.idx.msk [tilespmem:v9+s16+$0x0], $0xffff  }
0x2b5: {  	[tilespmem:s21+$0x1AD00] =	vst v8;
	v10 =	vld.idx.msk [tilespmem:v15+s16+$0x0], $0xffff  }
0x2b6: {  	[tilespmem:s17+$0x1AD00] =	vst v5;
	s9 =	sor.u32 $0x380, s2  }
0x2b7: {  	[tilespmem:s9+$0x1AD00] =	vst v7  }
0x2b8: {  	s10 =	sor.u32 $0x380, s3;
	[tilespmem:s22+$0x1AD00] =	vst v6  }
0x2b9: {  	s11 =	sor.u32 $0x380, s7;
	[tilespmem:s10+$0x1AD00] =	vst v9  }
0x2ba: {  	[tilespmem:s11+$0x1AD00] =	vst v10  }
0x2bb: {  	s12 =	simm.s32 $0x1AD00;
	s0 =	rddreg [dreg:$0x14]  }
0x2bc: {  	[hbm4b:s0+s30] =	stream.linear.scatter [tilespmem:s12], [sflag:$0x6], $0x2000, $0x200038;
	[tilespmem:$0x1CD00] =	vst v63  }
0x2bd: {  	v5 =	vld.msk [tilespmem:$0xC18], $0xff;
	_ =	sdelay $0x4  }
0x2be: {  	v6 =	vshll.u32 v5, $0x4  }
0x2bf: {  	v5 =	vand.u32 $0x7, v5;
	v6 =	vand.u32 $0xFFFFFF80, v6  }
0x2c0: {  	v5 =	vor.u32 v5, v6  }
0x2c1: {  	v5 =	vperm.xlane v5, v2;
	_ =	sdelay $0x1  }
0x2c2: {  	v5 =	vadd.s32 v3, v5;
	_ =	sdelay $0x4  }
0x2c3: {  	[tilespmem:s16], [sflag:$0x4] =	stream.indirect_vreg.gather [hbm4b:s31+s30], $0x80, v5, vm0, $0x2000b8;
	[tilespmem:$0x1CD00] =	vst v63  }
0x2c4: {  	s13 =	simm.s32 $0x15500  }
0x2c5: {  	[tilespmem:s13], [sflag:$0x4] =	stream.indirect_vreg.gather [hbm4b:s4+s30], $0x80, v5, vm0, $0x2000b8;
	[tilespmem:$0x1CD00] =	vst v63  }
0x2c6: {  	s15 =	simm.s32 $0x15D00;
	s14 =	rddreg [dreg:$0x8]  }
0x2c7: {  	[tilespmem:s15], [sflag:$0x4] =	stream.indirect_vreg.gather [hbm4b:s14+s30], $0x80, v5, vm0, $0x2000b8;
	[tilespmem:$0x1CD00] =	vst v63  }
0x2c8: {  	s18 =	simm.s32 $0x16500;
	s17 =	rddreg [dreg:$0x9]  }
0x2c9: {  	[tilespmem:s18], [sflag:$0x4] =	stream.indirect_vreg.gather [hbm4b:s17+s30], $0x80, v5, vm0, $0x2000b8;
	[tilespmem:$0x1CD00] =	vst v63  }
0x2ca: {  	s20 =	simm.s32 $0x16D00;
	s19 =	rddreg [dreg:$0xa]  }
0x2cb: {  	[tilespmem:s20], [sflag:$0x4] =	stream.indirect_vreg.gather [hbm4b:s19+s30], $0x80, v5, vm0, $0x2000b8;
	[tilespmem:$0x1CD00] =	vst v63  }
0x2cc: {  	s22 =	simm.s32 $0x17500;
	s21 =	rddreg [dreg:$0xb]  }
0x2cd: {  	[tilespmem:s22], [sflag:$0x4] =	stream.indirect_vreg.gather [hbm4b:s21+s30], $0x80, v5, vm0, $0x2000b8;
	[tilespmem:$0x1CD00] =	vst v63  }
0x2ce: {  	s24 =	simm.s32 $0x17D00;
	s23 =	rddreg [dreg:$0xc]  }
0x2cf: {  	[tilespmem:s24], [sflag:$0x4] =	stream.indirect_vreg.gather [hbm4b:s23+s30], $0x80, v5, vm0, $0x2000b8;
	[tilespmem:$0x1CD00] =	vst v63  }
0x2d0: {  	s26 =	simm.s32 $0x18500;
	s25 =	rddreg [dreg:$0xd]  }
0x2d1: {  	[tilespmem:s26], [sflag:$0x4] =	stream.indirect_vreg.gather [hbm4b:s25+s30], $0x80, v5, vm0, $0x2000b8;
	[tilespmem:$0x1CD00] =	vst v63  }
0x2d2: {  	_ =	strace $0x9000004A  }
0x2d3: {  	s25 =	simm.s32 $0x1;
	_ =	strace $0x8000004B  }
.LBB2_10:
0x2d4: {  	s0 =	simm.s32 $0x3  }
0x2d5: {  	_ =	swait.ge [sflag:s0], $0x4000  }
0x2d6: {  	[sflag:s0] =	ssyncset.done $0x0  }
0x2d7: {  	s5 =	simm.s32 $0x5;
	[sflag:s0] =	ssyncadd.s32 $0xFFFFC000;
	s0 =	simm.s32 $0x0  }
0x2d8: {  	_ =	swait.ge [sflag:s5], $0x2000;
	s1 =	sand.u32 $0x40, s0;
	s2 =	sand.u32 $0x380, s0  }
0x2d9: {  	[sflag:s5] =	ssyncset.done $0x0;
	s2 =	sor.u32 $0x800, s2;
	s3 =	sor.u32 $0x30, s1  }
0x2da: {  	[sflag:s5] =	ssyncadd.s32 $0xFFFFE000;
	s11 =	sor.u32 s3, s2  }
0x2db: {  	s7 =	simm.s32 $0x800;
	v5 =	vld [tilespmem:s11+$0x0]  }
0x2dc: {  	s12 =	sor.u32 $0x10, s1;
	v6 =	vld [tilespmem:s7+$0x0]  }
0x2dd: {  	s13 =	sor.u32 $0x20, s1;
	s8 =	sor.u32 s12, s2  }
0x2de: {  	s2 =	sor.u32 s13, s2;
	v7 =	vld [tilespmem:s8+$0x0]  }
0x2df: {  	v8 =	vld [tilespmem:s2+$0x0]  }
0x2e0: {  	v9 =	vshll.u32 v5, $0x3  }
0x2e1: {  	v10 =	vshll.u32 v6, $0x3;
	v5 =	vand.u32 $0x7F, v5;
	v9 =	vand.u32 $0xFFFFFC00, v9  }
0x2e2: {  	v6 =	vand.u32 $0x7F, v6;
	v11 =	vand.u32 $0xFFFFFC00, v10;
	v10 =	vor.u32 v5, v9  }
0x2e3: {  	v5 =	vor.u32 v6, v11;
	v6 =	vshll.u32 v7, $0x3  }
0x2e4: {  	v9 =	vshll.u32 v8, $0x3;
	v7 =	vand.u32 $0x7F, v7;
	v6 =	vand.u32 $0xFFFFFC00, v6  }
0x2e5: {  	v11 =	vand.u32 $0xFFFFFC00, v9;
	v9 =	vor.u32 v7, v6;
	v6 =	vand.u32 $0x7F, v8  }
0x2e6: {  	v8 =	vor.u32 v6, v11  }
0x2e7: {  	v6 =	vld.idx.msk [tilespmem:v10+s29+$0x0], $0xffff  }
0x2e8: {  	v11 =	vor.u32 $0x80, v10;
	v7 =	vld.idx.msk [tilespmem:v5+s29+$0x0], $0xffff  }
0x2e9: {  	s14 =	sand.u32 $0x1C00, s0;
	v12 =	vor.u32 $0x80, v5  }
0x2ea: {  	s15 =	sadd.s32 $0x18D00, s14;
	v13 =	vld.idx.msk [tilespmem:v9+s29+$0x0], $0xffff  }
0x2eb: {  	s3 =	sor.u32 s3, s15;
	v14 =	vor.u32 $0x80, v9;
	v15 =	vld.idx.msk [tilespmem:v8+s29+$0x0], $0xffff  }
0x2ec: {  	s2 =	sor.u32 s1, s15;
	v16 =	vor.u32 $0x80, v8;
	[tilespmem:s3+$0x0] =	vst v6  }
0x2ed: {  	[tilespmem:s2+$0x0] =	vst v7;
	v6 =	vld.idx.msk [tilespmem:v11+s29+$0x0], $0xffff  }
0x2ee: {  	s11 =	sor.u32 s12, s15;
	v7 =	vld.idx.msk [tilespmem:v12+s29+$0x0], $0xffff;
	v11 =	vor.u32 $0x100, v10  }
0x2ef: {  	s8 =	sor.u32 s13, s15;
	v12 =	vor.u32 $0x100, v5;
	[tilespmem:s11+$0x0] =	vst v13  }
0x2f0: {  	v13 =	vld.idx.msk [tilespmem:v14+s29+$0x0], $0xffff;
	[tilespmem:s8+$0x0] =	vst v15  }
0x2f1: {  	v14 =	vor.u32 $0x100, v9;
	v15 =	vld.idx.msk [tilespmem:v16+s29+$0x0], $0xffff  }
0x2f2: {  	v16 =	vor.u32 $0x100, v8;
	[tilespmem:s3+$0x80] =	vst v6  }
0x2f3: {  	[tilespmem:s2+$0x80] =	vst v7;
	v6 =	vld.idx.msk [tilespmem:v11+s29+$0x0], $0xffff  }
0x2f4: {  	v7 =	vld.idx.msk [tilespmem:v12+s29+$0x0], $0xffff;
	v11 =	vor.u32 $0x180, v10  }
0x2f5: {  	v12 =	vor.u32 $0x180, v5;
	[tilespmem:s11+$0x80] =	vst v13  }
0x2f6: {  	v13 =	vld.idx.msk [tilespmem:v14+s29+$0x0], $0xffff;
	[tilespmem:s8+$0x80] =	vst v15  }
0x2f7: {  	s17 =	simm.s32 $0x840;
	s5 =	simm.s32 $0x40;
	v14 =	vor.u32 $0x180, v9;
	v15 =	vld.idx.msk [tilespmem:v16+s29+$0x0], $0xffff  }
0x2f8: {  	s18 =	sand.u32 $0x40, s5;
	s19 =	sand.u32 $0x380, s5;
	v16 =	vld [tilespmem:s17+$0x0];
	[tilespmem:s3+$0x100] =	vst v6  }
0x2f9: {  	s12 =	sor.u32 $0x800, s19;
	s20 =	sor.u32 $0x30, s18;
	[tilespmem:s2+$0x100] =	vst v7;
	v6 =	vld.idx.msk [tilespmem:v11+s29+$0x0], $0xffff  }
0x2fa: {  	s10 =	sor.u32 s20, s12;
	v7 =	vor.u32 $0x180, v8;
	v11 =	vld.idx.msk [tilespmem:v12+s29+$0x0], $0xffff  }
0x2fb: {  	s9 =	sor.u32 $0x10, s18;
	v12 =	vor.u32 $0x200, v10;
	[tilespmem:s11+$0x100] =	vst v13;
	v13 =	vld [tilespmem:s10+$0x0]  }
0x2fc: {  	s21 =	sor.u32 $0x20, s18;
	s13 =	sor.u32 s9, s12;
	v14 =	vld.idx.msk [tilespmem:v14+s29+$0x0], $0xffff  }
0x2fd: {  	s12 =	sor.u32 s21, s12;
	v18 =	vld [tilespmem:s13+$0x0];
	v17 =	vor.u32 $0x200, v9;
	v19 =	vshll.u32 v16, $0x3  }
0x2fe: {  	v20 =	vld [tilespmem:s12+$0x0];
	[tilespmem:s8+$0x100] =	vst v15;
	v15 =	vor.u32 $0x200, v5;
	v16 =	vand.u32 $0x7F, v16;
	v19 =	vand.u32 $0xFFFFFC00, v19  }
0x2ff: {  	p0 =	por $0x0, $0x0;
	v21 =	vld.idx.msk [tilespmem:v7+s29+$0x0], $0xffff;
	[tilespmem:s3+$0x180] =	vst v6;
	v6 =	vor.u32 v16, v19;
	s3 =	simm.s32 $0x1  }
0x300: {  	v16 =	vor.u32 $0x200, v8;
	v12 =	vld.idx.msk [tilespmem:v12+s29+$0x0], $0xffff;
	v7 =	vshll.u32 v13, $0x3;
	s3 =	simm.s32 @!p0 $0x0  }
0x301: {  	v13 =	vand.u32 $0x7F, v13;
	[tilespmem:s11+$0x180] =	vst v14;
	v7 =	vand.u32 $0xFFFFFC00, v7;
	s3 =	sshll.u32 s3, $0x6;
	v14 =	vor.u32 $0x280, v10  }
0x302: {  	v19 =	vor.u32 $0x280, v9;
	[tilespmem:s2+$0x180] =	vst v11;
	v11 =	vld.idx.msk [tilespmem:v17+s29+$0x0], $0xffff;
	v17 =	vshll.u32 v18, $0x3;
	v7 =	vor.u32 v13, v7;
	s3 =	sadd.s32 $0x0, s3  }
0x303: {  	v13 =	vld.idx.msk [tilespmem:v15+s29+$0x0], $0xffff;
	v15 =	vshll.u32 v20, $0x3;
	v18 =	vand.u32 $0x7F, v18;
	v17 =	vand.u32 $0xFFFFFC00, v17;
	s2 =	sadd.s32 $0x30, s3  }
0x304: {  	v15 =	vand.u32 $0xFFFFFC00, v15;
	[tilespmem:s8+$0x180] =	vst v21;
	v22 =	vld.idx.msk [tilespmem:v6+s29+$0x0], $0xffff;
	v26 =	vor.u32 v18, v17;
	v17 =	vand.u32 $0x7F, v20;
	s22 =	sor.u32 $0x200, s2  }
0x305: {  	s8 =	sadd.s32 $0x10, s3;
	v16 =	vld.idx.msk [tilespmem:v16+s29+$0x0], $0xffff;
	v15 =	vor.u32 v17, v15;
	[tilespmem:s22+$0x18D00] =	vst v12  }
0x306: {  	s23 =	sor.u32 $0x200, s8;
	v12 =	vor.u32 $0x280, v5;
	v14 =	vld.idx.msk [tilespmem:v14+s29+$0x0], $0xffff  }
0x307: {  	s19 =	simm.s32 $0x200;
	s24 =	sor.u32 $0x200, s3;
	v17 =	vor.u32 $0x280, v8;
	v18 =	vld.idx.msk [tilespmem:v7+s29+$0x0], $0xffff;
	[tilespmem:s23+$0x18D00] =	vst v11  }
0x308: {  	s14 =	sand.u32 $0x1C00, s19;
	s11 =	sadd.s32 $0x20, s3;
	[tilespmem:s24+$0x18D00] =	vst v13;
	v13 =	vor.u32 $0x80, v6;
	v11 =	vld.idx.msk [tilespmem:v19+s29+$0x0], $0xffff  }
0x309: {  	s12 =	sadd.s32 $0x18D00, s14;
	s26 =	sor.u32 $0x200, s11;
	v19 =	vor.u32 $0x300, v10;
	v20 =	vld.idx.msk [tilespmem:v26+s29+$0x0], $0xffff  }
0x30a: {  	s14 =	sor.u32 s18, s12;
	v21 =	vor.u32 $0x80, v7;
	[tilespmem:s26+$0x18D00] =	vst v16;
	v23 =	vld.idx.msk [tilespmem:v15+s29+$0x0], $0xffff  }
0x30b: {  	s15 =	sor.u32 $0x280, s2;
	v24 =	vor.u32 $0x80, v26;
	[tilespmem:s14+$0x0] =	vst v22;
	v27 =	vld.idx.msk [tilespmem:v12+s29+$0x0], $0xffff  }
0x30c: {  	s1 =	sor.u32 s20, s12;
	v12 =	vor.u32 $0x80, v15;
	v16 =	vld.idx.msk [tilespmem:v17+s29+$0x0], $0xffff;
	[tilespmem:s15+$0x18D00] =	vst v14  }
0x30d: {  	s17 =	sor.u32 $0x280, s8;
	v14 =	vor.u32 $0x300, v9;
	[tilespmem:s1+$0x0] =	vst v18;
	v13 =	vld.idx.msk [tilespmem:v13+s29+$0x0], $0xffff  }
0x30e: {  	s20 =	sor.u32 s9, s12;
	v18 =	vor.u32 $0x300, v8;
	v17 =	vld.idx.msk [tilespmem:v19+s29+$0x0], $0xffff;
	[tilespmem:s17+$0x18D00] =	vst v11  }
0x30f: {  	s23 =	sor.u32 s21, s12;
	v10 =	vor.u32 $0x380, v10;
	v21 =	vld.idx.msk [tilespmem:v21+s29+$0x0], $0xffff;
	[tilespmem:s20+$0x0] =	vst v20  }
0x310: {  	s18 =	sor.u32 $0x280, s11;
	v22 =	vor.u32 $0x100, v7;
	v20 =	vld.idx.msk [tilespmem:v24+s29+$0x0], $0xffff;
	[tilespmem:s23+$0x0] =	vst v23  }
0x311: {  	s22 =	sor.u32 $0x280, s3;
	v24 =	vor.u32 $0x100, v6;
	[tilespmem:s18+$0x18D00] =	vst v16;
	v12 =	vld.idx.msk [tilespmem:v12+s29+$0x0], $0xffff  }
0x312: {  	s21 =	sor.u32 $0x300, s2;
	v11 =	vor.u32 $0x100, v26;
	[tilespmem:s22+$0x18D00] =	vst v27;
	v28 =	vld.idx.msk [tilespmem:v14+s29+$0x0], $0xffff  }
0x313: {  	v25 =	vor.u32 $0x100, v15;
	v19 =	vld.idx.msk [tilespmem:v18+s29+$0x0], $0xffff;
	[tilespmem:s21+$0x18D00] =	vst v17  }
0x314: {  	[tilespmem:s1+$0x80] =	vst v21;
	v21 =	vor.u32 $0x300, v5;
	v29 =	vld.idx.msk [tilespmem:v10+s29+$0x0], $0xffff  }
0x315: {  	v30 =	vor.u32 $0x380, v9;
	[tilespmem:s14+$0x80] =	vst v13;
	v23 =	vld.idx.msk [tilespmem:v22+s29+$0x0], $0xffff  }
0x316: {  	v9 =	vor.u32 $0x380, v26;
	v22 =	vld.idx.msk [tilespmem:v24+s29+$0x0], $0xffff;
	[tilespmem:s20+$0x80] =	vst v20  }
0x317: {  	s0 =	sor.u32 s0, s0;
	s30 =	sor.u32 $0x300, s3;
	s24 =	sor.u32 $0x300, s8;
	v16 =	vor.u32 $0x200, v26;
	v27 =	vor.u32 $0x180, v7;
	v18 =	vor.u32 $0x180, v26;
	v24 =	vld.idx.msk [tilespmem:v11+s29+$0x0], $0xffff;
	[tilespmem:s23+$0x80] =	vst v12  }
0x318: {  	s2 =	sor.u32 $0x380, s2;
	s26 =	sor.u32 s19, s5;
	s15 =	simm.s32 $0x4;
	v13 =	vor.u32 $0x280, v26;
	v11 =	vor.u32 $0x300, v26;
	v26 =	vor.u32 $0x180, v6;
	v25 =	vld.idx.msk [tilespmem:v25+s29+$0x0], $0xffff  }
0x319: {  	v8 =	vor.u32 $0x380, v8;
	s17 =	sor.u32 $0x380, s0;
	s0 =	sor.u32 $0x380, s8;
	s18 =	sor.u32 $0x300, s11;
	v14 =	vor.u32 $0x200, v15;
	v17 =	vor.u32 $0x180, v15;
	[tilespmem:s24+$0x18D00] =	vst v28;
	v20 =	vld.idx.msk [tilespmem:v21+s29+$0x0], $0xffff  }
0x31a: {  	s22 =	sor.u32 $0x380, s26;
	s26 =	simm.s32 $0x880;
	s21 =	sor.u32 $0x380, s11;
	v10 =	vor.u32 $0x300, v15;
	v12 =	vor.u32 $0x280, v15;
	v15 =	vor.u32 $0x380, v15;
	v21 =	vld.idx.msk [tilespmem:v30+s29+$0x0], $0xffff;
	[tilespmem:s2+$0x18D00] =	vst v29  }
.LBB2_11:
0x31b: {  	v28 =	vld [tilespmem:s26+$0x0];
	[tilespmem:s1+$0x100] =	vst v23;
	s5 =	sadd.s32 $0x40, s5  }
0x31c: {  	s15 =	sadd.s32 $0x4, s15;
	s2 =	sand.u32 $0x40, s5;
	s3 =	sand.u32 $0x380, s5;
	[tilespmem:s14+$0x100] =	vst v22;
	v22 =	vld.idx.msk [tilespmem:v27+s29+$0x0], $0xffff  }
0x31d: {  	p1 =	slt.u32 s15, $0x3C;
	s8 =	sor.u32 $0x800, s3;
	s3 =	sor.u32 $0x30, s2;
	v23 =	vld.idx.msk [tilespmem:v26+s29+$0x0], $0xffff;
	[tilespmem:s20+$0x100] =	vst v24  }
0x31e: {  	s7 =	sor.u32 $0x10, s2;
	s24 =	sor.u32 $0x20, s2;
	v24 =	vor.u32 $0x200, v7;
	s9 =	sor.u32 s3, s8;
	v18 =	vld.idx.msk [tilespmem:v18+s29+$0x0], $0xffff;
	[tilespmem:s23+$0x100] =	vst v25  }
0x31f: {  	v26 =	vor.u32 $0x200, v6;
	s10 =	sor.u32 s7, s8;
	s8 =	sor.u32 s24, s8;
	v25 =	vld [tilespmem:s9+$0x0];
	[tilespmem:s18+$0x18D00] =	vst v19  }
0x320: {  	v19 =	vld [tilespmem:s10+$0x0];
	[tilespmem:s30+$0x18D00] =	vst v20  }
0x321: {  	v20 =	vshll.u32 v28, $0x3;
	v27 =	vld [tilespmem:s8+$0x0];
	[tilespmem:s0+$0x18D00] =	vst v21  }
0x322: {  	v21 =	vand.u32 $0x7F, v28;
	v20 =	vand.u32 $0xFFFFFC00, v20;
	v17 =	vld.idx.msk [tilespmem:v17+s29+$0x0], $0xffff;
	[tilespmem:s1+$0x180] =	vst v22;
	v22 =	vor.u32 $0x380, v5;
	v5 =	vmovc v6  }
0x323: {  	p0 =	por !p0, !p0;
	s0 =	simm.s32 $0x1;
	v6 =	vor.u32 v21, v20;
	[tilespmem:s14+$0x180] =	vst v23;
	v20 =	vld.idx.msk [tilespmem:v24+s29+$0x0], $0xffff  }
0x324: {  	s0 =	simm.s32 @!p0 $0x0;
	v21 =	vshll.u32 v25, $0x3;
	v23 =	vld.idx.msk [tilespmem:v26+s29+$0x0], $0xffff;
	[tilespmem:s20+$0x180] =	vst v18  }
0x325: {  	s0 =	sshll.u32 s0, $0x6;
	v18 =	vand.u32 $0x7F, v25;
	v21 =	vand.u32 $0xFFFFFC00, v21;
	v24 =	vld.idx.msk [tilespmem:v16+s29+$0x0], $0xffff;
	v16 =	vor.u32 $0x280, v7  }
0x326: {  	s0 =	sadd.s32 s0, s19;
	v25 =	vshll.u32 v19, $0x3;
	v26 =	vshll.u32 v27, $0x3;
	v21 =	vor.u32 v18, v21;
	v28 =	vld.idx.msk [tilespmem:v8+s29+$0x0], $0xffff;
	v8 =	vmovc v15  }
0x327: {  	s1 =	sadd.s32 $0x10, s0;
	s13 =	sadd.s32 $0x20, s0;
	s8 =	sadd.s32 $0x30, s0;
	v15 =	vand.u32 $0x7F, v19;
	v18 =	vand.u32 $0xFFFFFC00, v25;
	v19 =	vand.u32 $0xFFFFFC00, v26;
	v22 =	vld.idx.msk [tilespmem:v22+s29+$0x0], $0xffff  }
0x328: {  	s14 =	sor.u32 $0x200, s1;
	s20 =	sor.u32 $0x200, s13;
	s9 =	sor.u32 $0x200, s8;
	v15 =	vor.u32 v15, v18;
	v18 =	vand.u32 $0x7F, v27;
	v26 =	vor.u32 $0x280, v5;
	v25 =	vld.idx.msk [tilespmem:v6+s29+$0x0], $0xffff;
	[tilespmem:s23+$0x180] =	vst v17  }
0x329: {  	s10 =	sor.u32 $0x200, s0;
	s12 =	sor.u32 $0x280, s1;
	s11 =	sor.u32 $0x280, s13;
	v27 =	vor.u32 $0x80, v15;
	v29 =	vor.u32 $0x100, v15;
	v19 =	vor.u32 v18, v19;
	v30 =	vld.idx.msk [tilespmem:v14+s29+$0x0], $0xffff;
	[tilespmem:s9+$0x18D00] =	vst v20  }
0x32a: {  	s18 =	sor.u32 $0x300, s13;
	v18 =	vor.u32 $0x180, v15;
	v20 =	vor.u32 $0x80, v19;
	v31 =	vor.u32 $0x100, v19;
	s9 =	sor.u32 $0x300, s1;
	[tilespmem:s10+$0x18D00] =	vst v23;
	s10 =	sor.u32 $0x280, s0;
	v23 =	vld.idx.msk [tilespmem:v16+s29+$0x0], $0xffff  }
0x32b: {  	s30 =	sor.u32 $0x300, s0;
	v17 =	vor.u32 $0x180, v19;
	v14 =	vor.u32 $0x200, v19;
	v16 =	vor.u32 $0x200, v15;
	s0 =	sor.u32 $0x380, s1;
	s1 =	sor.u32 $0x380, s13;
	v32 =	vld.idx.msk [tilespmem:v21+s29+$0x0], $0xffff;
	[tilespmem:s14+$0x18D00] =	vst v24  }
0x32c: {  	v34 =	vor.u32 $0x300, v7;
	v24 =	vor.u32 $0x280, v19;
	v33 =	vld.idx.msk [tilespmem:v13+s29+$0x0], $0xffff;
	v13 =	vor.u32 $0x280, v15;
	[tilespmem:s21+$0x18D00] =	vst v28;
	s21 =	smov.u32 s1  }
0x32d: {  	s19 =	sadd.s32 $0x200, s19;
	v37 =	vor.u32 $0x80, v21;
	v35 =	vor.u32 $0x300, v15;
	v36 =	vor.u32 $0x300, v19;
	v28 =	vld.idx.msk [tilespmem:v15+s29+$0x0], $0xffff;
	[tilespmem:s17+$0x18D00] =	vst v22;
	s17 =	smov.u32 s22  }
0x32e: {  	v38 =	vor.u32 $0x380, v15;
	s13 =	sor.u32 s19, s5;
	s1 =	sand.u32 $0x1C00, s19;
	v22 =	vor.u32 $0x80, v6;
	v15 =	vor.u32 $0x380, v19;
	v39 =	vld.idx.msk [tilespmem:v19+s29+$0x0], $0xffff  }
0x32f: {  	s23 =	sadd.s32 $0x18D00, s1;
	s22 =	sor.u32 $0x380, s13;
	s13 =	sor.u32 $0x280, s8;
	v40 =	vld.idx.msk [tilespmem:v26+s29+$0x0], $0xffff;
	[tilespmem:s20+$0x18D00] =	vst v30  }
0x330: {  	s14 =	sor.u32 s2, s23;
	s1 =	sor.u32 s3, s23;
	s20 =	sor.u32 s7, s23;
	v19 =	vld.idx.msk [tilespmem:v12+s29+$0x0], $0xffff;
	[tilespmem:s13+$0x18D00] =	vst v23;
	v12 =	vmov v24  }
0x331: {  	s23 =	sor.u32 s24, s23;
	[tilespmem:s1+$0x0] =	vst v32;
	v23 =	vld.idx.msk [tilespmem:v34+s29+$0x0], $0xffff  }
0x332: {  	[tilespmem:s14+$0x0] =	vst v25;
	v24 =	vld.idx.msk [tilespmem:v37+s29+$0x0], $0xffff  }
0x333: {  	v25 =	vor.u32 $0x380, v7;
	v7 =	vmov v21;
	v22 =	vld.idx.msk [tilespmem:v22+s29+$0x0], $0xffff;
	[tilespmem:s20+$0x0] =	vst v28  }
0x334: {  	v26 =	vor.u32 $0x100, v7;
	v21 =	vld.idx.msk [tilespmem:v27+s29+$0x0], $0xffff;
	[tilespmem:s23+$0x0] =	vst v39  }
0x335: {  	v27 =	vor.u32 $0x100, v6;
	v20 =	vld.idx.msk [tilespmem:v20+s29+$0x0], $0xffff;
	[tilespmem:s12+$0x18D00] =	vst v33  }
0x336: {  	s2 =	sor.u32 $0x300, s8;
	v28 =	vld.idx.msk [tilespmem:v11+s29+$0x0], $0xffff;
	[tilespmem:s11+$0x18D00] =	vst v19;
	v11 =	vmov v35  }
0x337: {  	v19 =	vld.idx.msk [tilespmem:v10+s29+$0x0], $0xffff;
	[tilespmem:s2+$0x18D00] =	vst v23;
	v10 =	vmov v36  }
0x338: {  	v30 =	vor.u32 $0x300, v5;
	[tilespmem:s1+$0x80] =	vst v24;
	v32 =	vld.idx.msk [tilespmem:v25+s29+$0x0], $0xffff  }
0x339: {  	[tilespmem:s14+$0x80] =	vst v22;
	v23 =	vld.idx.msk [tilespmem:v26+s29+$0x0], $0xffff  }
.Ltmp4:
0x33a: {  	v22 =	vld.idx.msk [tilespmem:v27+s29+$0x0], $0xffff;
	[tilespmem:s20+$0x80] =	vst v21;
	(pc) =	sbr.rel @p1 .LBB2_11-.Ltmp4, $4  }
0x33b: {  	v27 =	vor.u32 $0x180, v7;
	v24 =	vld.idx.msk [tilespmem:v29+s29+$0x0], $0xffff;
	[tilespmem:s23+$0x80] =	vst v20  }
0x33c: {  	v26 =	vor.u32 $0x180, v6;
	v25 =	vld.idx.msk [tilespmem:v31+s29+$0x0], $0xffff;
	[tilespmem:s10+$0x18D00] =	vst v40  }
0x33d: {  	s2 =	sor.u32 $0x380, s8;
	v20 =	vld.idx.msk [tilespmem:v30+s29+$0x0], $0xffff;
	[tilespmem:s9+$0x18D00] =	vst v28  }
0x33e: {  	s26 =	sadd.s32 $0x40, s26;
	v21 =	vld.idx.msk [tilespmem:v9+s29+$0x0], $0xffff;
	[tilespmem:s2+$0x18D00] =	vst v32;
	v9 =	vmov v38  }
0x33f: {  	_ =	sdelay $0x2  }
0x340: {  	[tilespmem:s1+$0x100] =	vst v23  }
0x341: {  	v23 =	vld.idx.msk [tilespmem:v27+s29+$0x0], $0xffff;
	[tilespmem:s20+$0x100] =	vst v24  }
0x342: {  	[tilespmem:s14+$0x100] =	vst v22;
	v24 =	vor.u32 $0x200, v7;
	v18 =	vld.idx.msk [tilespmem:v18+s29+$0x0], $0xffff  }
0x343: {  	v22 =	vld.idx.msk [tilespmem:v26+s29+$0x0], $0xffff;
	[tilespmem:s23+$0x100] =	vst v25  }
0x344: {  	v25 =	vor.u32 $0x200, v6;
	v17 =	vld.idx.msk [tilespmem:v17+s29+$0x0], $0xffff;
	_ =	sdelay $0x1  }
0x345: {  	p0 =	por !p0, !p0;
	[tilespmem:s1+$0x180] =	vst v23;
	s1 =	simm.s32 $0x1  }
0x346: {  	v23 =	vld.idx.msk [tilespmem:v24+s29+$0x0], $0xffff;
	s1 =	simm.s32 @!p0 $0x0;
	[tilespmem:s20+$0x180] =	vst v18  }
0x347: {  	[tilespmem:s14+$0x180] =	vst v22;
	v18 =	vor.u32 $0x280, v7;
	s1 =	sshll.u32 s1, $0x6;
	v16 =	vld.idx.msk [tilespmem:v16+s29+$0x0], $0xffff  }
0x348: {  	[tilespmem:s23+$0x180] =	vst v17;
	v17 =	vld.idx.msk [tilespmem:v25+s29+$0x0], $0xffff;
	s1 =	sadd.s32 s1, s19  }
0x349: {  	v22 =	vor.u32 $0x280, v6;
	v14 =	vld.idx.msk [tilespmem:v14+s29+$0x0], $0xffff;
	s2 =	sadd.s32 $0x30, s1  }
0x34a: {  	s3 =	sadd.s32 $0x10, s1;
	s5 =	sor.u32 $0x200, s2  }
0x34b: {  	s8 =	sor.u32 $0x200, s3;
	[tilespmem:s5+$0x18D00] =	vst v23  }
0x34c: {  	s7 =	sadd.s32 $0x20, s1;
	s11 =	sor.u32 $0x200, s1;
	v18 =	vld.idx.msk [tilespmem:v18+s29+$0x0], $0xffff;
	[tilespmem:s8+$0x18D00] =	vst v16  }
0x34d: {  	s10 =	sor.u32 $0x200, s7;
	v16 =	vor.u32 $0x300, v7;
	[tilespmem:s11+$0x18D00] =	vst v17;
	v13 =	vld.idx.msk [tilespmem:v13+s29+$0x0], $0xffff  }
0x34e: {  	[tilespmem:s10+$0x18D00] =	vst v14;
	v14 =	vld.idx.msk [tilespmem:v22+s29+$0x0], $0xffff  }
0x34f: {  	v17 =	vor.u32 $0x300, v6;
	v12 =	vld.idx.msk [tilespmem:v12+s29+$0x0], $0xffff  }
0x350: {  	[tilespmem:s18+$0x18D00] =	vst v19;
	s12 =	sor.u32 $0x280, s2  }
0x351: {  	s13 =	sor.u32 $0x280, s3;
	[tilespmem:s12+$0x18D00] =	vst v18  }
0x352: {  	v5 =	vor.u32 $0x380, v5;
	s15 =	sor.u32 $0x280, s1;
	v16 =	vld.idx.msk [tilespmem:v16+s29+$0x0], $0xffff;
	[tilespmem:s13+$0x18D00] =	vst v13  }
0x353: {  	s14 =	sor.u32 $0x280, s7;
	v7 =	vor.u32 $0x380, v7;
	[tilespmem:s15+$0x18D00] =	vst v14;
	v11 =	vld.idx.msk [tilespmem:v11+s29+$0x0], $0xffff  }
0x354: {  	[tilespmem:s14+$0x18D00] =	vst v12;
	v12 =	vld.idx.msk [tilespmem:v17+s29+$0x0], $0xffff  }
0x355: {  	[tilespmem:s30+$0x18D00] =	vst v20;
	v6 =	vor.u32 $0x380, v6;
	v10 =	vld.idx.msk [tilespmem:v10+s29+$0x0], $0xffff  }
0x356: {  	v8 =	vld.idx.msk [tilespmem:v8+s29+$0x0], $0xffff;
	[tilespmem:s0+$0x18D00] =	vst v21;
	s18 =	sor.u32 $0x300, s2  }
0x357: {  	v5 =	vld.idx.msk [tilespmem:v5+s29+$0x0], $0xffff;
	s19 =	sor.u32 $0x300, s3;
	[tilespmem:s18+$0x18D00] =	vst v16  }
0x358: {  	s1 =	sor.u32 $0x300, s1;
	v7 =	vld.idx.msk [tilespmem:v7+s29+$0x0], $0xffff;
	[tilespmem:s19+$0x18D00] =	vst v11  }
0x359: {  	s20 =	sor.u32 $0x300, s7;
	[tilespmem:s1+$0x18D00] =	vst v12;
	v9 =	vld.idx.msk [tilespmem:v9+s29+$0x0], $0xffff  }
0x35a: {  	[tilespmem:s20+$0x18D00] =	vst v10;
	v6 =	vld.idx.msk [tilespmem:v6+s29+$0x0], $0xffff  }
0x35b: {  	[tilespmem:s21+$0x18D00] =	vst v8;
	v10 =	vld.idx.msk [tilespmem:v15+s29+$0x0], $0xffff  }
0x35c: {  	[tilespmem:s17+$0x18D00] =	vst v5;
	s23 =	sor.u32 $0x380, s2  }
0x35d: {  	s24 =	sor.u32 $0x380, s3;
	[tilespmem:s23+$0x18D00] =	vst v7  }
0x35e: {  	[tilespmem:s24+$0x18D00] =	vst v9  }
0x35f: {  	s26 =	sor.u32 $0x380, s7;
	[tilespmem:s22+$0x18D00] =	vst v6  }
0x360: {  	s2 =	simm.s32 $0x18D00;
	[tilespmem:s26+$0x18D00] =	vst v10  }
0x361: {  	s3 =	sshll.u32 s25, $0x4;
	s5 =	sshll.u32 s25, $0xB;
	s0 =	rddreg [dreg:$0x12]  }
0x362: {  	s17 =	sand.u32 $0x3FFFFFF0, s3;
	s15 =	simm.s32 $0x0;
	s0 =	sadd.s32 s5, s0  }
0x363: {  	[hbm4b:s0+s15] =	stream.linear.scatter [tilespmem:s2], [sflag:$0x5], $0x2000, $0x200038;
	[tilespmem:$0x1CD00] =	vst v63  }
0x364: {  	v5 =	vld.msk [tilespmem:s17+$0xC10], $0xff;
	_ =	sdelay $0x4  }
0x365: {  	v6 =	vshll.u32 v5, $0x4  }
0x366: {  	v5 =	vand.u32 $0x7, v5;
	v6 =	vand.u32 $0xFFFFFF80, v6  }
0x367: {  	v5 =	vor.u32 v5, v6  }
0x368: {  	v5 =	vperm.xlane v5, v2;
	_ =	sdelay $0x1  }
0x369: {  	v5 =	vadd.s32 v3, v5;
	_ =	sdelay $0x4  }
0x36a: {  	[tilespmem:s29], [sflag:$0x3] =	stream.indirect_vreg.gather [hbm4b:s31+s15], $0x80, v5, vm0, $0x2000b8;
	[tilespmem:$0x1CD00] =	vst v63  }
0x36b: {  	s7 =	simm.s32 $0x11500  }
0x36c: {  	[tilespmem:s7], [sflag:$0x3] =	stream.indirect_vreg.gather [hbm4b:s4+s15], $0x80, v5, vm0, $0x2000b8;
	[tilespmem:$0x1CD00] =	vst v63  }
0x36d: {  	s9 =	simm.s32 $0x11D00;
	s8 =	rddreg [dreg:$0x8]  }
0x36e: {  	[tilespmem:s9], [sflag:$0x3] =	stream.indirect_vreg.gather [hbm4b:s8+s15], $0x80, v5, vm0, $0x2000b8;
	[tilespmem:$0x1CD00] =	vst v63  }
0x36f: {  	s11 =	simm.s32 $0x12500;
	s10 =	rddreg [dreg:$0x9]  }
0x370: {  	[tilespmem:s11], [sflag:$0x3] =	stream.indirect_vreg.gather [hbm4b:s10+s15], $0x80, v5, vm0, $0x2000b8;
	[tilespmem:$0x1CD00] =	vst v63  }
0x371: {  	s13 =	simm.s32 $0x12D00;
	s12 =	rddreg [dreg:$0xa]  }
0x372: {  	[tilespmem:s13], [sflag:$0x3] =	stream.indirect_vreg.gather [hbm4b:s12+s15], $0x80, v5, vm0, $0x2000b8;
	[tilespmem:$0x1CD00] =	vst v63  }
0x373: {  	s18 =	simm.s32 $0x13500;
	s14 =	rddreg [dreg:$0xb]  }
0x374: {  	[tilespmem:s18], [sflag:$0x3] =	stream.indirect_vreg.gather [hbm4b:s14+s15], $0x80, v5, vm0, $0x2000b8;
	[tilespmem:$0x1CD00] =	vst v63  }
0x375: {  	s20 =	simm.s32 $0x13D00;
	s19 =	rddreg [dreg:$0xc]  }
0x376: {  	[tilespmem:s20], [sflag:$0x3] =	stream.indirect_vreg.gather [hbm4b:s19+s15], $0x80, v5, vm0, $0x2000b8;
	[tilespmem:$0x1CD00] =	vst v63  }
0x377: {  	s23 =	simm.s32 $0x4;
	s22 =	simm.s32 $0x14500;
	s21 =	rddreg [dreg:$0xd]  }
0x378: {  	[tilespmem:s22], [sflag:$0x3] =	stream.indirect_vreg.gather [hbm4b:s21+s15], $0x80, v5, vm0, $0x2000b8;
	[tilespmem:$0x1CD00] =	vst v63  }
0x379: {  	_ =	swait.ge [sflag:s23], $0x4000  }
0x37a: {  	[sflag:s23] =	ssyncset.done $0x0  }
0x37b: {  	s24 =	simm.s32 $0x6;
	[sflag:s23] =	ssyncadd.s32 $0xFFFFC000  }
0x37c: {  	s26 =	sand.u32 $0x40, s15;
	s2 =	sand.u32 $0x380, s15;
	_ =	swait.ge [sflag:s24], $0x2000  }
0x37d: {  	s1 =	sor.u32 $0x800, s2;
	s4 =	sor.u32 $0x30, s26;
	[sflag:s24] =	ssyncset.done $0x0  }
0x37e: {  	s8 =	sor.u32 s4, s1;
	[sflag:s24] =	ssyncadd.s32 $0xFFFFE000  }
0x37f: {  	s9 =	simm.s32 $0x800;
	v5 =	vld [tilespmem:s8+$0x0]  }
0x380: {  	s10 =	sor.u32 $0x10, s26;
	v6 =	vld [tilespmem:s9+$0x0]  }
0x381: {  	s11 =	sor.u32 $0x20, s26;
	s12 =	sor.u32 s10, s1  }
0x382: {  	s1 =	sor.u32 s11, s1;
	v7 =	vld [tilespmem:s12+$0x0]  }
0x383: {  	v8 =	vld [tilespmem:s1+$0x0]  }
0x384: {  	v9 =	vshll.u32 v5, $0x3  }
0x385: {  	v10 =	vshll.u32 v6, $0x3;
	v5 =	vand.u32 $0x7F, v5;
	v9 =	vand.u32 $0xFFFFFC00, v9  }
0x386: {  	v6 =	vand.u32 $0x7F, v6;
	v11 =	vand.u32 $0xFFFFFC00, v10;
	v10 =	vor.u32 v5, v9  }
0x387: {  	v5 =	vor.u32 v6, v11;
	v6 =	vshll.u32 v7, $0x3  }
0x388: {  	v9 =	vshll.u32 v8, $0x3;
	v7 =	vand.u32 $0x7F, v7;
	v6 =	vand.u32 $0xFFFFFC00, v6  }
0x389: {  	v11 =	vand.u32 $0xFFFFFC00, v9;
	v9 =	vor.u32 v7, v6;
	v6 =	vand.u32 $0x7F, v8  }
0x38a: {  	v8 =	vor.u32 v6, v11  }
0x38b: {  	v6 =	vld.idx.msk [tilespmem:v10+s16+$0x0], $0xffff  }
0x38c: {  	v11 =	vor.u32 $0x80, v10;
	v7 =	vld.idx.msk [tilespmem:v5+s16+$0x0], $0xffff  }
0x38d: {  	s13 =	sand.u32 $0x1C00, s15;
	v12 =	vor.u32 $0x80, v5  }
0x38e: {  	s1 =	sadd.s32 $0x1AD00, s13;
	v13 =	vld.idx.msk [tilespmem:v9+s16+$0x0], $0xffff  }
0x38f: {  	s9 =	sor.u32 s4, s1;
	v14 =	vor.u32 $0x80, v9;
	v15 =	vld.idx.msk [tilespmem:v8+s16+$0x0], $0xffff  }
0x390: {  	s0 =	sor.u32 s26, s1;
	v16 =	vor.u32 $0x80, v8;
	[tilespmem:s9+$0x0] =	vst v6  }
0x391: {  	[tilespmem:s0+$0x0] =	vst v7;
	v6 =	vld.idx.msk [tilespmem:v11+s16+$0x0], $0xffff  }
0x392: {  	s3 =	sor.u32 s10, s1;
	v7 =	vld.idx.msk [tilespmem:v12+s16+$0x0], $0xffff;
	v11 =	vor.u32 $0x100, v10  }
0x393: {  	s7 =	sor.u32 s11, s1;
	v12 =	vor.u32 $0x100, v5;
	[tilespmem:s3+$0x0] =	vst v13  }
0x394: {  	v13 =	vld.idx.msk [tilespmem:v14+s16+$0x0], $0xffff;
	[tilespmem:s7+$0x0] =	vst v15  }
0x395: {  	v14 =	vor.u32 $0x100, v9;
	v15 =	vld.idx.msk [tilespmem:v16+s16+$0x0], $0xffff  }
0x396: {  	v16 =	vor.u32 $0x100, v8;
	[tilespmem:s9+$0x80] =	vst v6  }
0x397: {  	[tilespmem:s0+$0x80] =	vst v7;
	v6 =	vld.idx.msk [tilespmem:v11+s16+$0x0], $0xffff  }
0x398: {  	v7 =	vld.idx.msk [tilespmem:v12+s16+$0x0], $0xffff;
	v11 =	vor.u32 $0x180, v10  }
0x399: {  	v12 =	vor.u32 $0x180, v5;
	[tilespmem:s3+$0x80] =	vst v13  }
0x39a: {  	v13 =	vld.idx.msk [tilespmem:v14+s16+$0x0], $0xffff;
	[tilespmem:s7+$0x80] =	vst v15  }
0x39b: {  	s14 =	simm.s32 $0x840;
	s19 =	simm.s32 $0x40;
	v14 =	vor.u32 $0x180, v9;
	v15 =	vld.idx.msk [tilespmem:v16+s16+$0x0], $0xffff  }
0x39c: {  	s18 =	sand.u32 $0x40, s19;
	s11 =	sand.u32 $0x380, s19;
	v16 =	vld [tilespmem:s14+$0x0];
	[tilespmem:s9+$0x100] =	vst v6  }
0x39d: {  	s10 =	sor.u32 $0x30, s18;
	s11 =	sor.u32 $0x800, s11;
	[tilespmem:s0+$0x100] =	vst v7;
	v6 =	vld.idx.msk [tilespmem:v11+s16+$0x0], $0xffff  }
0x39e: {  	s12 =	sor.u32 s10, s11;
	v7 =	vor.u32 $0x180, v8;
	v11 =	vld.idx.msk [tilespmem:v12+s16+$0x0], $0xffff  }
0x39f: {  	s13 =	sor.u32 $0x10, s18;
	v12 =	vor.u32 $0x200, v10;
	[tilespmem:s3+$0x100] =	vst v13;
	v13 =	vld [tilespmem:s12+$0x0]  }
0x3a0: {  	s14 =	sor.u32 $0x20, s18;
	s12 =	sor.u32 s13, s11;
	v14 =	vld.idx.msk [tilespmem:v14+s16+$0x0], $0xffff  }
0x3a1: {  	v17 =	vor.u32 $0x200, v9;
	s11 =	sor.u32 s14, s11;
	v18 =	vld [tilespmem:s12+$0x0];
	v19 =	vshll.u32 v16, $0x3  }
0x3a2: {  	[tilespmem:s7+$0x100] =	vst v15;
	v15 =	vor.u32 $0x200, v5;
	v20 =	vld [tilespmem:s11+$0x0];
	v16 =	vand.u32 $0x7F, v16;
	v19 =	vand.u32 $0xFFFFFC00, v19  }
0x3a3: {  	p0 =	por $0x0, $0x0;
	v21 =	vld.idx.msk [tilespmem:v7+s16+$0x0], $0xffff;
	[tilespmem:s9+$0x180] =	vst v6;
	v6 =	vor.u32 v16, v19;
	s9 =	simm.s32 $0x1  }
0x3a4: {  	v16 =	vor.u32 $0x200, v8;
	v12 =	vld.idx.msk [tilespmem:v12+s16+$0x0], $0xffff;
	v7 =	vshll.u32 v13, $0x3;
	s9 =	simm.s32 @!p0 $0x0  }
0x3a5: {  	v13 =	vand.u32 $0x7F, v13;
	[tilespmem:s3+$0x180] =	vst v14;
	v7 =	vand.u32 $0xFFFFFC00, v7;
	s20 =	sshll.u32 s9, $0x6;
	v14 =	vor.u32 $0x280, v10  }
0x3a6: {  	v19 =	vor.u32 $0x280, v9;
	[tilespmem:s0+$0x180] =	vst v11;
	v11 =	vld.idx.msk [tilespmem:v17+s16+$0x0], $0xffff;
	v17 =	vshll.u32 v18, $0x3;
	v7 =	vor.u32 v13, v7;
	s3 =	sadd.s32 $0x0, s20  }
0x3a7: {  	v13 =	vld.idx.msk [tilespmem:v15+s16+$0x0], $0xffff;
	v15 =	vshll.u32 v20, $0x3;
	v18 =	vand.u32 $0x7F, v18;
	v17 =	vand.u32 $0xFFFFFC00, v17;
	s0 =	sadd.s32 $0x30, s3  }
0x3a8: {  	v15 =	vand.u32 $0xFFFFFC00, v15;
	[tilespmem:s7+$0x180] =	vst v21;
	v22 =	vld.idx.msk [tilespmem:v6+s16+$0x0], $0xffff;
	v26 =	vor.u32 v18, v17;
	v17 =	vand.u32 $0x7F, v20;
	s21 =	sor.u32 $0x200, s0  }
0x3a9: {  	s7 =	sadd.s32 $0x10, s3;
	v16 =	vld.idx.msk [tilespmem:v16+s16+$0x0], $0xffff;
	v15 =	vor.u32 v17, v15;
	[tilespmem:s21+$0x1AD00] =	vst v12  }
0x3aa: {  	s22 =	sor.u32 $0x200, s7;
	v12 =	vor.u32 $0x280, v5;
	v14 =	vld.idx.msk [tilespmem:v14+s16+$0x0], $0xffff  }
0x3ab: {  	s23 =	sor.u32 $0x200, s3;
	v17 =	vor.u32 $0x280, v8;
	v18 =	vld.idx.msk [tilespmem:v7+s16+$0x0], $0xffff;
	[tilespmem:s22+$0x1AD00] =	vst v11  }
0x3ac: {  	s9 =	sadd.s32 $0x20, s3;
	s22 =	simm.s32 $0x200;
	[tilespmem:s23+$0x1AD00] =	vst v13;
	v13 =	vor.u32 $0x80, v6;
	v11 =	vld.idx.msk [tilespmem:v19+s16+$0x0], $0xffff  }
0x3ad: {  	s24 =	sor.u32 $0x200, s9;
	v19 =	vor.u32 $0x300, v10;
	s26 =	sand.u32 $0x1C00, s22;
	v20 =	vld.idx.msk [tilespmem:v26+s16+$0x0], $0xffff  }
0x3ae: {  	v21 =	vor.u32 $0x80, v7;
	s4 =	sor.u32 $0x280, s0;
	s11 =	sadd.s32 $0x1AD00, s26;
	[tilespmem:s24+$0x1AD00] =	vst v16;
	v23 =	vld.idx.msk [tilespmem:v15+s16+$0x0], $0xffff  }
0x3af: {  	v24 =	vor.u32 $0x80, v26;
	v12 =	vld.idx.msk [tilespmem:v12+s16+$0x0], $0xffff;
	s18 =	sor.u32 s18, s11;
	[tilespmem:s4+$0x1AD00] =	vst v14  }
0x3b0: {  	v16 =	vor.u32 $0x80, v15;
	s31 =	sor.u32 s10, s11;
	v17 =	vld.idx.msk [tilespmem:v17+s16+$0x0], $0xffff;
	[tilespmem:s18+$0x0] =	vst v22  }
0x3b1: {  	s12 =	sor.u32 $0x280, s7;
	v14 =	vor.u32 $0x300, v9;
	[tilespmem:s31+$0x0] =	vst v18;
	v13 =	vld.idx.msk [tilespmem:v13+s16+$0x0], $0xffff  }
0x3b2: {  	s2 =	sor.u32 s13, s11;
	v18 =	vld.idx.msk [tilespmem:v19+s16+$0x0], $0xffff;
	v19 =	vor.u32 $0x300, v8;
	[tilespmem:s12+$0x1AD00] =	vst v11  }
0x3b3: {  	v10 =	vor.u32 $0x380, v10;
	s30 =	sor.u32 s14, s11;
	v21 =	vld.idx.msk [tilespmem:v21+s16+$0x0], $0xffff;
	[tilespmem:s2+$0x0] =	vst v20  }
0x3b4: {  	s13 =	sor.u32 $0x280, s9;
	v22 =	vor.u32 $0x100, v7;
	v20 =	vld.idx.msk [tilespmem:v24+s16+$0x0], $0xffff;
	[tilespmem:s30+$0x0] =	vst v23  }
0x3b5: {  	v24 =	vor.u32 $0x100, v6;
	[tilespmem:s13+$0x1AD00] =	vst v17;
	v25 =	vld.idx.msk [tilespmem:v16+s16+$0x0], $0xffff  }
0x3b6: {  	s14 =	sor.u32 $0x300, s0;
	v11 =	vor.u32 $0x100, v26;
	v27 =	vld.idx.msk [tilespmem:v14+s16+$0x0], $0xffff;
	[tilespmem:s18+$0x80] =	vst v13  }
0x3b7: {  	v28 =	vor.u32 $0x100, v15;
	v19 =	vld.idx.msk [tilespmem:v19+s16+$0x0], $0xffff;
	[tilespmem:s14+$0x1AD00] =	vst v18  }
0x3b8: {  	[tilespmem:s31+$0x80] =	vst v21;
	v21 =	vor.u32 $0x300, v5;
	v29 =	vld.idx.msk [tilespmem:v10+s16+$0x0], $0xffff  }
0x3b9: {  	v30 =	vor.u32 $0x380, v9;
	v23 =	vld.idx.msk [tilespmem:v22+s16+$0x0], $0xffff;
	[tilespmem:s2+$0x80] =	vst v20  }
0x3ba: {  	s23 =	sor.u32 $0x300, s7;
	v9 =	vor.u32 $0x380, v26;
	v22 =	vld.idx.msk [tilespmem:v24+s16+$0x0], $0xffff;
	[tilespmem:s30+$0x80] =	vst v25  }
0x3bb: {  	s15 =	sor.u32 s15, s15;
	s20 =	sor.u32 $0x280, s3;
	s1 =	sor.u32 $0x300, s9;
	v16 =	vor.u32 $0x200, v26;
	v13 =	vor.u32 $0x280, v26;
	v24 =	vld.idx.msk [tilespmem:v11+s16+$0x0], $0xffff;
	[tilespmem:s23+$0x1AD00] =	vst v27;
	v27 =	vor.u32 $0x180, v7  }
0x3bc: {  	s21 =	sor.u32 $0x380, s15;
	s26 =	simm.s32 $0x4;
	s24 =	sor.u32 s22, s19;
	[tilespmem:s20+$0x1AD00] =	vst v12;
	v18 =	vor.u32 $0x180, v26;
	v11 =	vor.u32 $0x300, v26;
	v26 =	vor.u32 $0x180, v6;
	v25 =	vld.idx.msk [tilespmem:v28+s16+$0x0], $0xffff  }
0x3bd: {  	s0 =	sor.u32 $0x380, s0;
	s15 =	sor.u32 $0x380, s24;
	v8 =	vor.u32 $0x380, v8;
	v17 =	vor.u32 $0x180, v15;
	v12 =	vor.u32 $0x280, v15;
	s20 =	sor.u32 $0x380, s7;
	v20 =	vld.idx.msk [tilespmem:v21+s16+$0x0], $0xffff  }
0x3be: {  	v14 =	vor.u32 $0x200, v15;
	s14 =	sor.u32 $0x300, s3;
	v10 =	vor.u32 $0x300, v15;
	v15 =	vor.u32 $0x380, v15;
	s23 =	sor.u32 $0x380, s9;
	v21 =	vld.idx.msk [tilespmem:v30+s16+$0x0], $0xffff;
	[tilespmem:s0+$0x1AD00] =	vst v29;
	s0 =	simm.s32 $0x880  }
.LBB2_13:
0x3bf: {  	v28 =	vld [tilespmem:s0+$0x0];
	[tilespmem:s31+$0x100] =	vst v23;
	s19 =	sadd.s32 $0x40, s19  }
0x3c0: {  	s26 =	sadd.s32 $0x4, s26;
	s3 =	sand.u32 $0x40, s19;
	s7 =	sand.u32 $0x380, s19;
	[tilespmem:s18+$0x100] =	vst v22;
	v22 =	vld.idx.msk [tilespmem:v27+s16+$0x0], $0xffff  }
0x3c1: {  	p1 =	slt.u32 s26, $0x3C;
	s9 =	sor.u32 $0x800, s7;
	s24 =	sor.u32 $0x30, s3;
	v23 =	vld.idx.msk [tilespmem:v26+s16+$0x0], $0xffff;
	[tilespmem:s2+$0x100] =	vst v24  }
0x3c2: {  	s8 =	sor.u32 $0x10, s3;
	s7 =	sor.u32 $0x20, s3;
	v24 =	vor.u32 $0x200, v7;
	s10 =	sor.u32 s24, s9;
	v18 =	vld.idx.msk [tilespmem:v18+s16+$0x0], $0xffff;
	[tilespmem:s30+$0x100] =	vst v25  }
0x3c3: {  	v26 =	vor.u32 $0x200, v6;
	s11 =	sor.u32 s8, s9;
	s9 =	sor.u32 s7, s9;
	v25 =	vld [tilespmem:s10+$0x0];
	[tilespmem:s1+$0x1AD00] =	vst v19  }
0x3c4: {  	v19 =	vld [tilespmem:s11+$0x0];
	[tilespmem:s14+$0x1AD00] =	vst v20  }
0x3c5: {  	v20 =	vshll.u32 v28, $0x3;
	v27 =	vld [tilespmem:s9+$0x0];
	[tilespmem:s20+$0x1AD00] =	vst v21  }
0x3c6: {  	v21 =	vand.u32 $0x7F, v28;
	v20 =	vand.u32 $0xFFFFFC00, v20;
	v17 =	vld.idx.msk [tilespmem:v17+s16+$0x0], $0xffff;
	[tilespmem:s31+$0x180] =	vst v22;
	v22 =	vor.u32 $0x380, v5;
	v5 =	vmovc v6  }
0x3c7: {  	p0 =	por !p0, !p0;
	s1 =	simm.s32 $0x1;
	v6 =	vor.u32 v21, v20;
	[tilespmem:s18+$0x180] =	vst v23;
	v20 =	vld.idx.msk [tilespmem:v24+s16+$0x0], $0xffff  }
0x3c8: {  	s1 =	simm.s32 @!p0 $0x0;
	v21 =	vshll.u32 v25, $0x3;
	v23 =	vld.idx.msk [tilespmem:v26+s16+$0x0], $0xffff;
	[tilespmem:s2+$0x180] =	vst v18  }
0x3c9: {  	s1 =	sshll.u32 s1, $0x6;
	v18 =	vand.u32 $0x7F, v25;
	v21 =	vand.u32 $0xFFFFFC00, v21;
	v24 =	vld.idx.msk [tilespmem:v16+s16+$0x0], $0xffff;
	v16 =	vor.u32 $0x280, v7  }
0x3ca: {  	s2 =	sadd.s32 s1, s22;
	v25 =	vshll.u32 v19, $0x3;
	v26 =	vshll.u32 v27, $0x3;
	v21 =	vor.u32 v18, v21;
	v28 =	vld.idx.msk [tilespmem:v8+s16+$0x0], $0xffff;
	v8 =	vmovc v15  }
0x3cb: {  	s18 =	sadd.s32 $0x10, s2;
	s31 =	sadd.s32 $0x20, s2;
	s9 =	sadd.s32 $0x30, s2;
	v15 =	vand.u32 $0x7F, v19;
	v18 =	vand.u32 $0xFFFFFC00, v25;
	v19 =	vand.u32 $0xFFFFFC00, v26;
	v22 =	vld.idx.msk [tilespmem:v22+s16+$0x0], $0xffff  }
0x3cc: {  	s20 =	sor.u32 $0x200, s18;
	s1 =	sor.u32 $0x200, s9;
	v15 =	vor.u32 v15, v18;
	v18 =	vand.u32 $0x7F, v27;
	v26 =	vor.u32 $0x280, v5;
	v25 =	vld.idx.msk [tilespmem:v6+s16+$0x0], $0xffff;
	[tilespmem:s30+$0x180] =	vst v17;
	s30 =	sor.u32 $0x200, s31  }
0x3cd: {  	s10 =	sor.u32 $0x200, s2;
	s13 =	sor.u32 $0x280, s18;
	s12 =	sor.u32 $0x280, s31;
	v27 =	vor.u32 $0x80, v15;
	v29 =	vor.u32 $0x100, v15;
	v19 =	vor.u32 v18, v19;
	v30 =	vld.idx.msk [tilespmem:v14+s16+$0x0], $0xffff;
	[tilespmem:s1+$0x1AD00] =	vst v20  }
0x3ce: {  	s11 =	sor.u32 $0x280, s2;
	v18 =	vor.u32 $0x180, v15;
	v20 =	vor.u32 $0x80, v19;
	v31 =	vor.u32 $0x100, v19;
	s1 =	sor.u32 $0x300, s31;
	[tilespmem:s10+$0x1AD00] =	vst v23;
	s10 =	sor.u32 $0x300, s18;
	v23 =	vld.idx.msk [tilespmem:v16+s16+$0x0], $0xffff  }
0x3cf: {  	s14 =	sor.u32 $0x300, s2;
	s2 =	sor.u32 $0x380, s31;
	v17 =	vor.u32 $0x180, v19;
	v14 =	vor.u32 $0x200, v19;
	v16 =	vor.u32 $0x200, v15;
	v32 =	vld.idx.msk [tilespmem:v21+s16+$0x0], $0xffff;
	[tilespmem:s20+$0x1AD00] =	vst v24;
	s20 =	sor.u32 $0x380, s18  }
0x3d0: {  	v34 =	vor.u32 $0x300, v7;
	v24 =	vor.u32 $0x280, v19;
	v33 =	vld.idx.msk [tilespmem:v13+s16+$0x0], $0xffff;
	v13 =	vor.u32 $0x280, v15;
	[tilespmem:s23+$0x1AD00] =	vst v28;
	s23 =	smov.u32 s2  }
0x3d1: {  	s22 =	sadd.s32 $0x200, s22;
	v37 =	vor.u32 $0x80, v21;
	v35 =	vor.u32 $0x300, v15;
	v36 =	vor.u32 $0x300, v19;
	v28 =	vld.idx.msk [tilespmem:v15+s16+$0x0], $0xffff;
	[tilespmem:s21+$0x1AD00] =	vst v22;
	s21 =	smov.u32 s15  }
0x3d2: {  	v38 =	vor.u32 $0x380, v15;
	s2 =	sand.u32 $0x1C00, s22;
	v22 =	vor.u32 $0x80, v6;
	s15 =	sor.u32 s22, s19;
	v15 =	vor.u32 $0x380, v19;
	v39 =	vld.idx.msk [tilespmem:v19+s16+$0x0], $0xffff  }
0x3d3: {  	s4 =	sadd.s32 $0x1AD00, s2;
	s15 =	sor.u32 $0x380, s15;
	v40 =	vld.idx.msk [tilespmem:v26+s16+$0x0], $0xffff;
	[tilespmem:s30+$0x1AD00] =	vst v30;
	s30 =	sor.u32 $0x280, s9  }
0x3d4: {  	s18 =	sor.u32 s3, s4;
	s2 =	sor.u32 s8, s4;
	s31 =	sor.u32 s24, s4;
	v19 =	vld.idx.msk [tilespmem:v12+s16+$0x0], $0xffff;
	[tilespmem:s30+$0x1AD00] =	vst v23;
	v12 =	vmov v24  }
0x3d5: {  	s30 =	sor.u32 s7, s4;
	[tilespmem:s31+$0x0] =	vst v32;
	v23 =	vld.idx.msk [tilespmem:v34+s16+$0x0], $0xffff  }
0x3d6: {  	[tilespmem:s18+$0x0] =	vst v25;
	v24 =	vld.idx.msk [tilespmem:v37+s16+$0x0], $0xffff  }
0x3d7: {  	v25 =	vor.u32 $0x380, v7;
	v7 =	vmov v21;
	v22 =	vld.idx.msk [tilespmem:v22+s16+$0x0], $0xffff;
	[tilespmem:s2+$0x0] =	vst v28  }
0x3d8: {  	v26 =	vor.u32 $0x100, v7;
	v21 =	vld.idx.msk [tilespmem:v27+s16+$0x0], $0xffff;
	[tilespmem:s30+$0x0] =	vst v39  }
0x3d9: {  	v27 =	vor.u32 $0x100, v6;
	v20 =	vld.idx.msk [tilespmem:v20+s16+$0x0], $0xffff;
	[tilespmem:s13+$0x1AD00] =	vst v33  }
0x3da: {  	s3 =	sor.u32 $0x300, s9;
	v28 =	vld.idx.msk [tilespmem:v11+s16+$0x0], $0xffff;
	[tilespmem:s12+$0x1AD00] =	vst v19;
	v11 =	vmov v35  }
0x3db: {  	v19 =	vld.idx.msk [tilespmem:v10+s16+$0x0], $0xffff;
	[tilespmem:s3+$0x1AD00] =	vst v23;
	v10 =	vmov v36  }
0x3dc: {  	v30 =	vor.u32 $0x300, v5;
	[tilespmem:s31+$0x80] =	vst v24;
	v32 =	vld.idx.msk [tilespmem:v25+s16+$0x0], $0xffff  }
0x3dd: {  	[tilespmem:s18+$0x80] =	vst v22;
	v23 =	vld.idx.msk [tilespmem:v26+s16+$0x0], $0xffff  }
.Ltmp5:
0x3de: {  	v22 =	vld.idx.msk [tilespmem:v27+s16+$0x0], $0xffff;
	[tilespmem:s2+$0x80] =	vst v21;
	(pc) =	sbr.rel @p1 .LBB2_13-.Ltmp5, $4  }
0x3df: {  	v27 =	vor.u32 $0x180, v7;
	v24 =	vld.idx.msk [tilespmem:v29+s16+$0x0], $0xffff;
	[tilespmem:s30+$0x80] =	vst v20  }
0x3e0: {  	v26 =	vor.u32 $0x180, v6;
	v25 =	vld.idx.msk [tilespmem:v31+s16+$0x0], $0xffff;
	[tilespmem:s11+$0x1AD00] =	vst v40  }
0x3e1: {  	s3 =	sor.u32 $0x380, s9;
	v20 =	vld.idx.msk [tilespmem:v30+s16+$0x0], $0xffff;
	[tilespmem:s10+$0x1AD00] =	vst v28  }
0x3e2: {  	s0 =	sadd.s32 $0x40, s0;
	v21 =	vld.idx.msk [tilespmem:v9+s16+$0x0], $0xffff;
	[tilespmem:s3+$0x1AD00] =	vst v32;
	v9 =	vmov v38  }
0x3e3: {  	_ =	sdelay $0x2  }
0x3e4: {  	[tilespmem:s31+$0x100] =	vst v23  }
0x3e5: {  	[tilespmem:s18+$0x100] =	vst v22;
	v23 =	vld.idx.msk [tilespmem:v27+s16+$0x0], $0xffff  }
0x3e6: {  	v54 =	vor.u32 $0x200, v7;
	[tilespmem:s2+$0x100] =	vst v24;
	v22 =	vld.idx.msk [tilespmem:v26+s16+$0x0], $0xffff  }
0x3e7: {  	v55 =	vor.u32 $0x200, v6;
	v18 =	vld.idx.msk [tilespmem:v18+s16+$0x0], $0xffff;
	[tilespmem:s30+$0x100] =	vst v25  }
0x3e8: {  	v17 =	vld.idx.msk [tilespmem:v17+s16+$0x0], $0xffff;
	_ =	sdelay $0x1  }
0x3e9: {  	p0 =	por !p0, !p0;
	s0 =	simm.s32 $0x1;
	[tilespmem:s31+$0x180] =	vst v23  }
0x3ea: {  	s0 =	simm.s32 @!p0 $0x0;
	[tilespmem:s18+$0x180] =	vst v22;
	v23 =	vld.idx.msk [tilespmem:v54+s16+$0x0], $0xffff  }
0x3eb: {  	v56 =	vor.u32 $0x280, v7;
	s0 =	sshll.u32 s0, $0x6;
	[tilespmem:s2+$0x180] =	vst v18;
	v57 =	vld.idx.msk [tilespmem:v55+s16+$0x0], $0xffff  }
0x3ec: {  	v58 =	vor.u32 $0x280, v6;
	s0 =	sadd.s32 s0, s22;
	v16 =	vld.idx.msk [tilespmem:v16+s16+$0x0], $0xffff;
	[tilespmem:s30+$0x180] =	vst v17  }
0x3ed: {  	s9 =	sadd.s32 $0x30, s0;
	v14 =	vld.idx.msk [tilespmem:v14+s16+$0x0], $0xffff  }
0x3ee: {  	s4 =	sor.u32 $0x200, s9  }
0x3ef: {  	s3 =	sadd.s32 $0x10, s0;
	s12 =	sor.u32 $0x200, s0;
	[tilespmem:s4+$0x1AD00] =	vst v23  }
0x3f0: {  	s7 =	sadd.s32 $0x20, s0;
	s10 =	sor.u32 $0x200, s3;
	[tilespmem:s12+$0x1AD00] =	vst v57;
	v59 =	vld.idx.msk [tilespmem:v56+s16+$0x0], $0xffff  }
0x3f1: {  	v60 =	vor.u32 $0x300, v7;
	s11 =	sor.u32 $0x200, s7;
	[tilespmem:s10+$0x1AD00] =	vst v16;
	v17 =	vld.idx.msk [tilespmem:v58+s16+$0x0], $0xffff  }
0x3f2: {  	v61 =	vor.u32 $0x300, v6;
	[tilespmem:s11+$0x1AD00] =	vst v14;
	v13 =	vld.idx.msk [tilespmem:v13+s16+$0x0], $0xffff  }
0x3f3: {  	v12 =	vld.idx.msk [tilespmem:v12+s16+$0x0], $0xffff  }
0x3f4: {  	[tilespmem:s1+$0x1AD00] =	vst v19;
	s13 =	sor.u32 $0x280, s9  }
0x3f5: {  	s22 =	sor.u32 $0x280, s0;
	[tilespmem:s13+$0x1AD00] =	vst v59  }
0x3f6: {  	v5 =	vor.u32 $0x380, v5;
	s18 =	sor.u32 $0x280, s3;
	[tilespmem:s22+$0x1AD00] =	vst v17;
	v62 =	vld.idx.msk [tilespmem:v60+s16+$0x0], $0xffff  }
0x3f7: {  	v7 =	vor.u32 $0x380, v7;
	s19 =	sor.u32 $0x280, s7;
	[tilespmem:s18+$0x1AD00] =	vst v13;
	v63 =	vld.idx.msk [tilespmem:v61+s16+$0x0], $0xffff  }
0x3f8: {  	v6 =	vor.u32 $0x380, v6;
	[tilespmem:s19+$0x1AD00] =	vst v12;
	v11 =	vld.idx.msk [tilespmem:v11+s16+$0x0], $0xffff  }
0x3f9: {  	[tilespmem:s14+$0x1AD00] =	vst v20;
	v10 =	vld.idx.msk [tilespmem:v10+s16+$0x0], $0xffff  }
0x3fa: {  	v8 =	vld.idx.msk [tilespmem:v8+s16+$0x0], $0xffff;
	[tilespmem:s20+$0x1AD00] =	vst v21;
	s24 =	sor.u32 $0x300, s9  }
0x3fb: {  	s0 =	sor.u32 $0x300, s0;
	v5 =	vld.idx.msk [tilespmem:v5+s16+$0x0], $0xffff;
	[tilespmem:s24+$0x1AD00] =	vst v62  }
0x3fc: {  	s26 =	sor.u32 $0x300, s3;
	[tilespmem:s0+$0x1AD00] =	vst v63;
	v7 =	vld.idx.msk [tilespmem:v7+s16+$0x0], $0xffff  }
0x3fd: {  	s4 =	sor.u32 $0x300, s7;
	[tilespmem:s26+$0x1AD00] =	vst v11;
	v6 =	vld.idx.msk [tilespmem:v6+s16+$0x0], $0xffff  }
0x3fe: {  	[tilespmem:s4+$0x1AD00] =	vst v10;
	v9 =	vld.idx.msk [tilespmem:v9+s16+$0x0], $0xffff  }
0x3ff: {  	[tilespmem:s23+$0x1AD00] =	vst v8;
	v10 =	vld.idx.msk [tilespmem:v15+s16+$0x0], $0xffff  }
0x400: {  	s8 =	sor.u32 $0x380, s9;
	[tilespmem:s21+$0x1AD00] =	vst v5  }
0x401: {  	[tilespmem:s8+$0x1AD00] =	vst v7  }
0x402: {  	s9 =	sor.u32 $0x380, s3;
	[tilespmem:s15+$0x1AD00] =	vst v6  }
0x403: {  	s10 =	sor.u32 $0x380, s7;
	[tilespmem:s9+$0x1AD00] =	vst v9  }
0x404: {  	[tilespmem:s10+$0x1AD00] =	vst v10  }
0x405: {  	s0 =	rddreg [dreg:$0x14]  }
0x406: {  	s30 =	simm.s32 $0x0;
	s11 =	simm.s32 $0x1AD00;
	s0 =	sadd.s32 s0, s5  }
0x407: {  	[hbm4b:s0+s30] =	stream.linear.scatter [tilespmem:s11], [sflag:$0x6], $0x2000, $0x200038;
	[tilespmem:$0x1CD00] =	vst v63  }
0x408: {  	v5 =	vld.msk [tilespmem:s17+$0xC18], $0xff;
	_ =	sdelay $0x4  }
0x409: {  	v6 =	vshll.u32 v5, $0x4  }
0x40a: {  	v5 =	vand.u32 $0x7, v5;
	v6 =	vand.u32 $0xFFFFFF80, v6  }
0x40b: {  	v5 =	vor.u32 v5, v6  }
0x40c: {  	v5 =	vperm.xlane v5, v2;
	_ =	sdelay $0x1  }
0x40d: {  	v5 =	vadd.s32 v3, v5;
	_ =	sdelay $0x3  }
0x40e: {  	s31 =	rddreg [dreg:$0x2]  }
0x40f: {  	[tilespmem:s16], [sflag:$0x4] =	stream.indirect_vreg.gather [hbm4b:s31+s30], $0x80, v5, vm0, $0x2000b8;
	[tilespmem:$0x1CD00] =	vst v63  }
0x410: {  	s12 =	simm.s32 $0x15500;
	s4 =	rddreg [dreg:$0x7]  }
0x411: {  	[tilespmem:s12], [sflag:$0x4] =	stream.indirect_vreg.gather [hbm4b:s4+s30], $0x80, v5, vm0, $0x2000b8;
	[tilespmem:$0x1CD00] =	vst v63  }
0x412: {  	s14 =	simm.s32 $0x15D00;
	s13 =	rddreg [dreg:$0x8]  }
0x413: {  	[tilespmem:s14], [sflag:$0x4] =	stream.indirect_vreg.gather [hbm4b:s13+s30], $0x80, v5, vm0, $0x2000b8;
	[tilespmem:$0x1CD00] =	vst v63  }
0x414: {  	s15 =	rddreg [dreg:$0x9];
	s17 =	simm.s32 $0x16500  }
0x415: {  	[tilespmem:s17], [sflag:$0x4] =	stream.indirect_vreg.gather [hbm4b:s15+s30], $0x80, v5, vm0, $0x2000b8;
	[tilespmem:$0x1CD00] =	vst v63  }
0x416: {  	s25 =	sadd.s32 $0x1, s25;
	s19 =	simm.s32 $0x16D00;
	s18 =	rddreg [dreg:$0xa]  }
0x417: {  	[tilespmem:s19], [sflag:$0x4] =	stream.indirect_vreg.gather [hbm4b:s18+s30], $0x80, v5, vm0, $0x2000b8;
	[tilespmem:$0x1CD00] =	vst v63  }
0x418: {  	p0 =	sne.s32 s25, $0xF;
	s21 =	simm.s32 $0x17500;
	s20 =	rddreg [dreg:$0xb]  }
0x419: {  	[tilespmem:s21], [sflag:$0x4] =	stream.indirect_vreg.gather [hbm4b:s20+s30], $0x80, v5, vm0, $0x2000b8;
	[tilespmem:$0x1CD00] =	vst v63  }
.Ltmp6:
0x41a: {  	_ = 	snop;
	(pc) =	sbr.rel @p0 .LBB2_10-.Ltmp6, $4  }
0x41b: {  	s23 =	simm.s32 $0x17D00;
	s22 =	rddreg [dreg:$0xc]  }
0x41c: {  	[tilespmem:s23], [sflag:$0x4] =	stream.indirect_vreg.gather [hbm4b:s22+s30], $0x80, v5, vm0, $0x2000b8;
	[tilespmem:$0x1CD00] =	vst v63  }
0x41d: {  	s26 =	simm.s32 $0x18500;
	s24 =	rddreg [dreg:$0xd]  }
0x41e: {  	[tilespmem:s26], [sflag:$0x4] =	stream.indirect_vreg.gather [hbm4b:s24+s30], $0x80, v5, vm0, $0x2000b8;
	[tilespmem:$0x1CD00] =	vst v63  }
0x41f: {  	_ =	strace $0x9000004B  }
0x420: {  	s0 =	simm.s32 $0x3;
	_ =	strace $0x8000004C  }
0x421: {  	_ =	swait.ge [sflag:s0], $0x4000  }
0x422: {  	[sflag:s0] =	ssyncset.done $0x0  }
0x423: {  	s26 =	simm.s32 $0x0;
	s4 =	simm.s32 $0x5;
	[sflag:s0] =	ssyncadd.s32 $0xFFFFC000  }
0x424: {  	s1 =	sand.u32 $0x40, s26;
	s2 =	sand.u32 $0x380, s26;
	_ =	swait.ge [sflag:s4], $0x2000  }
0x425: {  	s2 =	sor.u32 $0x800, s2;
	s3 =	sor.u32 $0x30, s1;
	[sflag:s4] =	ssyncset.done $0x0  }
0x426: {  	s10 =	sor.u32 s3, s2;
	[sflag:s4] =	ssyncadd.s32 $0xFFFFE000  }
0x427: {  	s5 =	simm.s32 $0x800;
	v5 =	vld [tilespmem:s10+$0x0]  }
0x428: {  	s11 =	sor.u32 $0x10, s1;
	v6 =	vld [tilespmem:s5+$0x0]  }
0x429: {  	s12 =	sor.u32 $0x20, s1;
	s7 =	sor.u32 s11, s2  }
0x42a: {  	s2 =	sor.u32 s12, s2;
	v7 =	vld [tilespmem:s7+$0x0]  }
0x42b: {  	v8 =	vld [tilespmem:s2+$0x0]  }
0x42c: {  	v9 =	vshll.u32 v5, $0x3  }
0x42d: {  	v10 =	vshll.u32 v6, $0x3;
	v5 =	vand.u32 $0x7F, v5;
	v9 =	vand.u32 $0xFFFFFC00, v9  }
0x42e: {  	v6 =	vand.u32 $0x7F, v6;
	v11 =	vand.u32 $0xFFFFFC00, v10;
	v10 =	vor.u32 v5, v9  }
0x42f: {  	v5 =	vor.u32 v6, v11;
	v6 =	vshll.u32 v7, $0x3  }
0x430: {  	v9 =	vshll.u32 v8, $0x3;
	v7 =	vand.u32 $0x7F, v7;
	v6 =	vand.u32 $0xFFFFFC00, v6  }
0x431: {  	v11 =	vand.u32 $0xFFFFFC00, v9;
	v9 =	vor.u32 v7, v6;
	v6 =	vand.u32 $0x7F, v8  }
0x432: {  	v8 =	vor.u32 v6, v11  }
0x433: {  	v6 =	vld.idx.msk [tilespmem:v10+s29+$0x0], $0xffff  }
0x434: {  	v11 =	vor.u32 $0x80, v10;
	v7 =	vld.idx.msk [tilespmem:v5+s29+$0x0], $0xffff  }
0x435: {  	s13 =	sand.u32 $0x1C00, s26;
	v12 =	vor.u32 $0x80, v5  }
0x436: {  	s2 =	sadd.s32 $0x18D00, s13;
	v13 =	vld.idx.msk [tilespmem:v9+s29+$0x0], $0xffff  }
0x437: {  	s14 =	sor.u32 s3, s2;
	v14 =	vor.u32 $0x80, v9;
	v15 =	vld.idx.msk [tilespmem:v8+s29+$0x0], $0xffff  }
0x438: {  	s15 =	sor.u32 s1, s2;
	v16 =	vor.u32 $0x80, v8;
	[tilespmem:s14+$0x0] =	vst v6  }
0x439: {  	[tilespmem:s15+$0x0] =	vst v7;
	v6 =	vld.idx.msk [tilespmem:v11+s29+$0x0], $0xffff  }
0x43a: {  	s4 =	sor.u32 s11, s2;
	v7 =	vld.idx.msk [tilespmem:v12+s29+$0x0], $0xffff;
	v11 =	vor.u32 $0x100, v10  }
0x43b: {  	s8 =	sor.u32 s12, s2;
	v12 =	vor.u32 $0x100, v5;
	[tilespmem:s4+$0x0] =	vst v13  }
0x43c: {  	v13 =	vld.idx.msk [tilespmem:v14+s29+$0x0], $0xffff;
	[tilespmem:s8+$0x0] =	vst v15  }
0x43d: {  	v14 =	vor.u32 $0x100, v9;
	v15 =	vld.idx.msk [tilespmem:v16+s29+$0x0], $0xffff  }
0x43e: {  	v16 =	vor.u32 $0x100, v8;
	[tilespmem:s14+$0x80] =	vst v6  }
0x43f: {  	[tilespmem:s15+$0x80] =	vst v7;
	v6 =	vld.idx.msk [tilespmem:v11+s29+$0x0], $0xffff  }
0x440: {  	v7 =	vld.idx.msk [tilespmem:v12+s29+$0x0], $0xffff;
	v11 =	vor.u32 $0x180, v10  }
0x441: {  	v12 =	vor.u32 $0x180, v5;
	[tilespmem:s4+$0x80] =	vst v13  }
0x442: {  	v13 =	vld.idx.msk [tilespmem:v14+s29+$0x0], $0xffff;
	[tilespmem:s8+$0x80] =	vst v15  }
0x443: {  	s17 =	simm.s32 $0x840;
	s5 =	simm.s32 $0x40;
	v14 =	vor.u32 $0x180, v9;
	v15 =	vld.idx.msk [tilespmem:v16+s29+$0x0], $0xffff  }
0x444: {  	s18 =	sand.u32 $0x40, s5;
	s20 =	sand.u32 $0x380, s5;
	v16 =	vld [tilespmem:s17+$0x0];
	[tilespmem:s14+$0x100] =	vst v6  }
0x445: {  	s11 =	sor.u32 $0x800, s20;
	s21 =	sor.u32 $0x30, s18;
	[tilespmem:s15+$0x100] =	vst v7;
	v6 =	vld.idx.msk [tilespmem:v11+s29+$0x0], $0xffff  }
0x446: {  	s10 =	sor.u32 s21, s11;
	v7 =	vor.u32 $0x180, v8;
	v11 =	vld.idx.msk [tilespmem:v12+s29+$0x0], $0xffff  }
0x447: {  	s9 =	sor.u32 $0x10, s18;
	v12 =	vor.u32 $0x200, v10;
	[tilespmem:s4+$0x100] =	vst v13;
	v13 =	vld [tilespmem:s10+$0x0]  }
0x448: {  	s22 =	sor.u32 $0x20, s18;
	s12 =	sor.u32 s9, s11;
	v14 =	vld.idx.msk [tilespmem:v14+s29+$0x0], $0xffff  }
0x449: {  	s11 =	sor.u32 s22, s11;
	v18 =	vld [tilespmem:s12+$0x0];
	v17 =	vor.u32 $0x200, v9;
	v19 =	vshll.u32 v16, $0x3  }
0x44a: {  	v20 =	vld [tilespmem:s11+$0x0];
	[tilespmem:s8+$0x100] =	vst v15;
	v15 =	vor.u32 $0x200, v5;
	v16 =	vand.u32 $0x7F, v16;
	v19 =	vand.u32 $0xFFFFFC00, v19  }
0x44b: {  	p0 =	por $0x0, $0x0;
	s7 =	simm.s32 $0x1;
	v21 =	vld.idx.msk [tilespmem:v7+s29+$0x0], $0xffff;
	[tilespmem:s14+$0x180] =	vst v6;
	v6 =	vor.u32 v16, v19  }
0x44c: {  	s7 =	simm.s32 @!p0 $0x0;
	v16 =	vor.u32 $0x200, v8;
	v12 =	vld.idx.msk [tilespmem:v12+s29+$0x0], $0xffff;
	v7 =	vshll.u32 v13, $0x3  }
0x44d: {  	s23 =	sshll.u32 s7, $0x6;
	v13 =	vand.u32 $0x7F, v13;
	[tilespmem:s4+$0x180] =	vst v14;
	v7 =	vand.u32 $0xFFFFFC00, v7;
	v14 =	vor.u32 $0x280, v10  }
0x44e: {  	s7 =	sadd.s32 $0x0, s23;
	v19 =	vor.u32 $0x280, v9;
	[tilespmem:s15+$0x180] =	vst v11;
	v11 =	vld.idx.msk [tilespmem:v17+s29+$0x0], $0xffff;
	v17 =	vshll.u32 v18, $0x3;
	v7 =	vor.u32 v13, v7  }
0x44f: {  	s3 =	sadd.s32 $0x30, s7;
	v13 =	vld.idx.msk [tilespmem:v15+s29+$0x0], $0xffff;
	v15 =	vshll.u32 v20, $0x3;
	v18 =	vand.u32 $0x7F, v18;
	v17 =	vand.u32 $0xFFFFFC00, v17  }
0x450: {  	s24 =	sor.u32 $0x200, s3;
	v15 =	vand.u32 $0xFFFFFC00, v15;
	[tilespmem:s8+$0x180] =	vst v21;
	v22 =	vld.idx.msk [tilespmem:v6+s29+$0x0], $0xffff;
	v26 =	vor.u32 v18, v17;
	v17 =	vand.u32 $0x7F, v20  }
0x451: {  	s25 =	sadd.s32 $0x10, s7;
	v16 =	vld.idx.msk [tilespmem:v16+s29+$0x0], $0xffff;
	v15 =	vor.u32 v17, v15;
	[tilespmem:s24+$0x18D00] =	vst v12  }
0x452: {  	s11 =	sor.u32 $0x200, s25;
	v12 =	vor.u32 $0x280, v5;
	v14 =	vld.idx.msk [tilespmem:v14+s29+$0x0], $0xffff  }
0x453: {  	s19 =	simm.s32 $0x200;
	s12 =	sor.u32 $0x200, s7;
	v17 =	vor.u32 $0x280, v8;
	v18 =	vld.idx.msk [tilespmem:v7+s29+$0x0], $0xffff;
	[tilespmem:s11+$0x18D00] =	vst v11  }
0x454: {  	s14 =	sand.u32 $0x1C00, s19;
	s11 =	sadd.s32 $0x20, s7;
	[tilespmem:s12+$0x18D00] =	vst v13;
	v13 =	vor.u32 $0x80, v6;
	v11 =	vld.idx.msk [tilespmem:v19+s29+$0x0], $0xffff  }
0x455: {  	s4 =	sadd.s32 $0x18D00, s14;
	v19 =	vor.u32 $0x300, v10;
	s13 =	sor.u32 $0x200, s11;
	v20 =	vld.idx.msk [tilespmem:v26+s29+$0x0], $0xffff  }
0x456: {  	s14 =	sor.u32 s18, s4;
	v21 =	vor.u32 $0x80, v7;
	[tilespmem:s13+$0x18D00] =	vst v16;
	v23 =	vld.idx.msk [tilespmem:v15+s29+$0x0], $0xffff  }
0x457: {  	s15 =	sor.u32 $0x280, s3;
	v24 =	vor.u32 $0x80, v26;
	[tilespmem:s14+$0x0] =	vst v22;
	v27 =	vld.idx.msk [tilespmem:v12+s29+$0x0], $0xffff  }
0x458: {  	s2 =	sor.u32 s21, s4;
	v12 =	vor.u32 $0x80, v15;
	v16 =	vld.idx.msk [tilespmem:v17+s29+$0x0], $0xffff;
	[tilespmem:s15+$0x18D00] =	vst v14  }
0x459: {  	s17 =	sor.u32 $0x280, s25;
	v14 =	vor.u32 $0x300, v9;
	[tilespmem:s2+$0x0] =	vst v18;
	v13 =	vld.idx.msk [tilespmem:v13+s29+$0x0], $0xffff  }
0x45a: {  	s1 =	sor.u32 s9, s4;
	v18 =	vor.u32 $0x300, v8;
	v17 =	vld.idx.msk [tilespmem:v19+s29+$0x0], $0xffff;
	[tilespmem:s17+$0x18D00] =	vst v11  }
0x45b: {  	s23 =	sor.u32 s22, s4;
	v10 =	vor.u32 $0x380, v10;
	v21 =	vld.idx.msk [tilespmem:v21+s29+$0x0], $0xffff;
	[tilespmem:s1+$0x0] =	vst v20  }
0x45c: {  	s18 =	sor.u32 $0x280, s11;
	v22 =	vor.u32 $0x100, v7;
	v20 =	vld.idx.msk [tilespmem:v24+s29+$0x0], $0xffff;
	[tilespmem:s23+$0x0] =	vst v23  }
0x45d: {  	s21 =	sor.u32 $0x280, s7;
	v24 =	vor.u32 $0x100, v6;
	[tilespmem:s18+$0x18D00] =	vst v16;
	v12 =	vld.idx.msk [tilespmem:v12+s29+$0x0], $0xffff  }
0x45e: {  	s20 =	sor.u32 $0x300, s3;
	v11 =	vor.u32 $0x100, v26;
	[tilespmem:s21+$0x18D00] =	vst v27;
	v28 =	vld.idx.msk [tilespmem:v14+s29+$0x0], $0xffff  }
0x45f: {  	v25 =	vor.u32 $0x100, v15;
	v19 =	vld.idx.msk [tilespmem:v18+s29+$0x0], $0xffff;
	[tilespmem:s20+$0x18D00] =	vst v17  }
0x460: {  	[tilespmem:s2+$0x80] =	vst v21;
	v21 =	vor.u32 $0x300, v5;
	v29 =	vld.idx.msk [tilespmem:v10+s29+$0x0], $0xffff  }
0x461: {  	v30 =	vor.u32 $0x380, v9;
	[tilespmem:s14+$0x80] =	vst v13;
	v23 =	vld.idx.msk [tilespmem:v22+s29+$0x0], $0xffff  }
0x462: {  	v9 =	vor.u32 $0x380, v26;
	v22 =	vld.idx.msk [tilespmem:v24+s29+$0x0], $0xffff;
	[tilespmem:s1+$0x80] =	vst v20  }
0x463: {  	s0 =	sor.u32 s26, s26;
	s26 =	sor.u32 $0x300, s7;
	s24 =	sor.u32 $0x300, s25;
	v16 =	vor.u32 $0x200, v26;
	v27 =	vor.u32 $0x180, v7;
	v18 =	vor.u32 $0x180, v26;
	v24 =	vld.idx.msk [tilespmem:v11+s29+$0x0], $0xffff;
	[tilespmem:s23+$0x80] =	vst v12  }
0x464: {  	s17 =	sor.u32 $0x380, s0;
	s0 =	sor.u32 $0x380, s25;
	s25 =	sor.u32 s19, s5;
	v13 =	vor.u32 $0x280, v26;
	v11 =	vor.u32 $0x300, v26;
	v26 =	vor.u32 $0x180, v6;
	v25 =	vld.idx.msk [tilespmem:v25+s29+$0x0], $0xffff  }
0x465: {  	s3 =	sor.u32 $0x380, s3;
	s22 =	simm.s32 $0x4;
	v8 =	vor.u32 $0x380, v8;
	s15 =	sor.u32 $0x380, s25;
	v14 =	vor.u32 $0x200, v15;
	v17 =	vor.u32 $0x180, v15;
	[tilespmem:s24+$0x18D00] =	vst v28;
	v20 =	vld.idx.msk [tilespmem:v21+s29+$0x0], $0xffff  }
0x466: {  	s25 =	simm.s32 $0x880;
	s18 =	sor.u32 $0x300, s11;
	s21 =	sor.u32 $0x380, s11;
	v10 =	vor.u32 $0x300, v15;
	v12 =	vor.u32 $0x280, v15;
	v15 =	vor.u32 $0x380, v15;
	v21 =	vld.idx.msk [tilespmem:v30+s29+$0x0], $0xffff;
	[tilespmem:s3+$0x18D00] =	vst v29  }
.LBB2_16:
0x467: {  	v28 =	vld [tilespmem:s25+$0x0];
	[tilespmem:s2+$0x100] =	vst v23;
	s5 =	sadd.s32 $0x40, s5  }
0x468: {  	s22 =	sadd.s32 $0x4, s22;
	s3 =	sand.u32 $0x40, s5;
	s4 =	sand.u32 $0x380, s5;
	[tilespmem:s14+$0x100] =	vst v22;
	v22 =	vld.idx.msk [tilespmem:v27+s29+$0x0], $0xffff  }
0x469: {  	p1 =	slt.u32 s22, $0x3C;
	s4 =	sor.u32 $0x800, s4;
	s20 =	sor.u32 $0x30, s3;
	v23 =	vld.idx.msk [tilespmem:v26+s29+$0x0], $0xffff;
	[tilespmem:s1+$0x100] =	vst v24  }
0x46a: {  	s8 =	sor.u32 $0x10, s3;
	s7 =	sor.u32 $0x20, s3;
	v24 =	vor.u32 $0x200, v7;
	s9 =	sor.u32 s20, s4;
	v18 =	vld.idx.msk [tilespmem:v18+s29+$0x0], $0xffff;
	[tilespmem:s23+$0x100] =	vst v25  }
0x46b: {  	v26 =	vor.u32 $0x200, v6;
	s10 =	sor.u32 s8, s4;
	s4 =	sor.u32 s7, s4;
	v25 =	vld [tilespmem:s9+$0x0];
	[tilespmem:s18+$0x18D00] =	vst v19  }
0x46c: {  	v19 =	vld [tilespmem:s10+$0x0];
	[tilespmem:s26+$0x18D00] =	vst v20  }
0x46d: {  	v20 =	vshll.u32 v28, $0x3;
	v27 =	vld [tilespmem:s4+$0x0];
	[tilespmem:s0+$0x18D00] =	vst v21  }
0x46e: {  	v21 =	vand.u32 $0x7F, v28;
	v20 =	vand.u32 $0xFFFFFC00, v20;
	v17 =	vld.idx.msk [tilespmem:v17+s29+$0x0], $0xffff;
	[tilespmem:s2+$0x180] =	vst v22;
	v22 =	vor.u32 $0x380, v5;
	v5 =	vmovc v6  }
0x46f: {  	p0 =	por !p0, !p0;
	s0 =	simm.s32 $0x1;
	v6 =	vor.u32 v21, v20;
	[tilespmem:s14+$0x180] =	vst v23;
	v20 =	vld.idx.msk [tilespmem:v24+s29+$0x0], $0xffff  }
0x470: {  	s0 =	simm.s32 @!p0 $0x0;
	v21 =	vshll.u32 v25, $0x3;
	v23 =	vld.idx.msk [tilespmem:v26+s29+$0x0], $0xffff;
	[tilespmem:s1+$0x180] =	vst v18  }
0x471: {  	s0 =	sshll.u32 s0, $0x6;
	v18 =	vand.u32 $0x7F, v25;
	v21 =	vand.u32 $0xFFFFFC00, v21;
	v24 =	vld.idx.msk [tilespmem:v16+s29+$0x0], $0xffff;
	v16 =	vor.u32 $0x280, v7  }
0x472: {  	s0 =	sadd.s32 s0, s19;
	v25 =	vshll.u32 v19, $0x3;
	v26 =	vshll.u32 v27, $0x3;
	v21 =	vor.u32 v18, v21;
	v28 =	vld.idx.msk [tilespmem:v8+s29+$0x0], $0xffff;
	v8 =	vmovc v15  }
0x473: {  	s1 =	sadd.s32 $0x10, s0;
	s2 =	sadd.s32 $0x20, s0;
	s9 =	sadd.s32 $0x30, s0;
	v15 =	vand.u32 $0x7F, v19;
	v18 =	vand.u32 $0xFFFFFC00, v25;
	v19 =	vand.u32 $0xFFFFFC00, v26;
	v22 =	vld.idx.msk [tilespmem:v22+s29+$0x0], $0xffff  }
0x474: {  	s4 =	sor.u32 $0x200, s1;
	s14 =	sor.u32 $0x200, s2;
	s10 =	sor.u32 $0x200, s9;
	v15 =	vor.u32 v15, v18;
	v18 =	vand.u32 $0x7F, v27;
	v26 =	vor.u32 $0x280, v5;
	v25 =	vld.idx.msk [tilespmem:v6+s29+$0x0], $0xffff;
	[tilespmem:s23+$0x180] =	vst v17  }
0x475: {  	s11 =	sor.u32 $0x200, s0;
	s13 =	sor.u32 $0x280, s1;
	s12 =	sor.u32 $0x280, s2;
	v27 =	vor.u32 $0x80, v15;
	v29 =	vor.u32 $0x100, v15;
	v19 =	vor.u32 v18, v19;
	v30 =	vld.idx.msk [tilespmem:v14+s29+$0x0], $0xffff;
	[tilespmem:s10+$0x18D00] =	vst v20  }
0x476: {  	s18 =	sor.u32 $0x300, s2;
	v18 =	vor.u32 $0x180, v15;
	v20 =	vor.u32 $0x80, v19;
	v31 =	vor.u32 $0x100, v19;
	s10 =	sor.u32 $0x300, s1;
	[tilespmem:s11+$0x18D00] =	vst v23;
	s11 =	sor.u32 $0x280, s0;
	v23 =	vld.idx.msk [tilespmem:v16+s29+$0x0], $0xffff  }
0x477: {  	s26 =	sor.u32 $0x300, s0;
	v17 =	vor.u32 $0x180, v19;
	v14 =	vor.u32 $0x200, v19;
	v16 =	vor.u32 $0x200, v15;
	s0 =	sor.u32 $0x380, s1;
	s1 =	sor.u32 $0x380, s2;
	v32 =	vld.idx.msk [tilespmem:v21+s29+$0x0], $0xffff;
	[tilespmem:s4+$0x18D00] =	vst v24  }
0x478: {  	v34 =	vor.u32 $0x300, v7;
	v24 =	vor.u32 $0x280, v19;
	v33 =	vld.idx.msk [tilespmem:v13+s29+$0x0], $0xffff;
	v13 =	vor.u32 $0x280, v15;
	[tilespmem:s21+$0x18D00] =	vst v28;
	s21 =	smov.u32 s1  }
0x479: {  	s19 =	sadd.s32 $0x200, s19;
	v37 =	vor.u32 $0x80, v21;
	v35 =	vor.u32 $0x300, v15;
	v36 =	vor.u32 $0x300, v19;
	v28 =	vld.idx.msk [tilespmem:v15+s29+$0x0], $0xffff;
	[tilespmem:s17+$0x18D00] =	vst v22;
	s17 =	smov.u32 s15  }
0x47a: {  	v38 =	vor.u32 $0x380, v15;
	s2 =	sor.u32 s19, s5;
	s1 =	sand.u32 $0x1C00, s19;
	v22 =	vor.u32 $0x80, v6;
	v15 =	vor.u32 $0x380, v19;
	v39 =	vld.idx.msk [tilespmem:v19+s29+$0x0], $0xffff  }
0x47b: {  	s23 =	sor.u32 $0x280, s9;
	s4 =	sadd.s32 $0x18D00, s1;
	s15 =	sor.u32 $0x380, s2;
	v40 =	vld.idx.msk [tilespmem:v26+s29+$0x0], $0xffff;
	[tilespmem:s14+$0x18D00] =	vst v30  }
0x47c: {  	s1 =	sor.u32 s8, s4;
	s2 =	sor.u32 s20, s4;
	s14 =	sor.u32 s3, s4;
	v19 =	vld.idx.msk [tilespmem:v12+s29+$0x0], $0xffff;
	[tilespmem:s23+$0x18D00] =	vst v23;
	v12 =	vmov v24  }
0x47d: {  	s23 =	sor.u32 s7, s4;
	[tilespmem:s2+$0x0] =	vst v32;
	v23 =	vld.idx.msk [tilespmem:v34+s29+$0x0], $0xffff  }
0x47e: {  	[tilespmem:s14+$0x0] =	vst v25;
	v24 =	vld.idx.msk [tilespmem:v37+s29+$0x0], $0xffff  }
0x47f: {  	v25 =	vor.u32 $0x380, v7;
	v7 =	vmov v21;
	v22 =	vld.idx.msk [tilespmem:v22+s29+$0x0], $0xffff;
	[tilespmem:s1+$0x0] =	vst v28  }
0x480: {  	v26 =	vor.u32 $0x100, v7;
	v21 =	vld.idx.msk [tilespmem:v27+s29+$0x0], $0xffff;
	[tilespmem:s23+$0x0] =	vst v39  }
0x481: {  	v27 =	vor.u32 $0x100, v6;
	v20 =	vld.idx.msk [tilespmem:v20+s29+$0x0], $0xffff;
	[tilespmem:s13+$0x18D00] =	vst v33  }
0x482: {  	s3 =	sor.u32 $0x300, s9;
	v28 =	vld.idx.msk [tilespmem:v11+s29+$0x0], $0xffff;
	[tilespmem:s12+$0x18D00] =	vst v19;
	v11 =	vmov v35  }
0x483: {  	v19 =	vld.idx.msk [tilespmem:v10+s29+$0x0], $0xffff;
	[tilespmem:s3+$0x18D00] =	vst v23;
	v10 =	vmov v36  }
0x484: {  	v30 =	vor.u32 $0x300, v5;
	[tilespmem:s2+$0x80] =	vst v24;
	v32 =	vld.idx.msk [tilespmem:v25+s29+$0x0], $0xffff  }
0x485: {  	[tilespmem:s14+$0x80] =	vst v22;
	v23 =	vld.idx.msk [tilespmem:v26+s29+$0x0], $0xffff  }
.Ltmp7:
0x486: {  	v22 =	vld.idx.msk [tilespmem:v27+s29+$0x0], $0xffff;
	[tilespmem:s1+$0x80] =	vst v21;
	(pc) =	sbr.rel @p1 .LBB2_16-.Ltmp7, $4  }
0x487: {  	v27 =	vor.u32 $0x180, v7;
	v24 =	vld.idx.msk [tilespmem:v29+s29+$0x0], $0xffff;
	[tilespmem:s23+$0x80] =	vst v20  }
0x488: {  	v26 =	vor.u32 $0x180, v6;
	v25 =	vld.idx.msk [tilespmem:v31+s29+$0x0], $0xffff;
	[tilespmem:s11+$0x18D00] =	vst v40  }
0x489: {  	s3 =	sor.u32 $0x380, s9;
	v20 =	vld.idx.msk [tilespmem:v30+s29+$0x0], $0xffff;
	[tilespmem:s10+$0x18D00] =	vst v28  }
0x48a: {  	s25 =	sadd.s32 $0x40, s25;
	v21 =	vld.idx.msk [tilespmem:v9+s29+$0x0], $0xffff;
	[tilespmem:s3+$0x18D00] =	vst v32;
	v9 =	vmov v38  }
0x48b: {  	_ =	sdelay $0x2  }
0x48c: {  	[tilespmem:s2+$0x100] =	vst v23  }
0x48d: {  	v23 =	vld.idx.msk [tilespmem:v27+s29+$0x0], $0xffff;
	[tilespmem:s1+$0x100] =	vst v24  }
0x48e: {  	[tilespmem:s14+$0x100] =	vst v22;
	v24 =	vor.u32 $0x200, v7;
	v18 =	vld.idx.msk [tilespmem:v18+s29+$0x0], $0xffff  }
0x48f: {  	v22 =	vld.idx.msk [tilespmem:v26+s29+$0x0], $0xffff;
	[tilespmem:s23+$0x100] =	vst v25  }
0x490: {  	v25 =	vor.u32 $0x200, v6;
	v17 =	vld.idx.msk [tilespmem:v17+s29+$0x0], $0xffff;
	_ =	sdelay $0x1  }
0x491: {  	p0 =	por !p0, !p0;
	[tilespmem:s2+$0x180] =	vst v23;
	s2 =	simm.s32 $0x1  }
0x492: {  	v23 =	vld.idx.msk [tilespmem:v24+s29+$0x0], $0xffff;
	s2 =	simm.s32 @!p0 $0x0;
	[tilespmem:s1+$0x180] =	vst v18  }
0x493: {  	[tilespmem:s14+$0x180] =	vst v22;
	v18 =	vor.u32 $0x280, v7;
	s22 =	sshll.u32 s2, $0x6;
	v16 =	vld.idx.msk [tilespmem:v16+s29+$0x0], $0xffff  }
0x494: {  	[tilespmem:s23+$0x180] =	vst v17;
	v17 =	vld.idx.msk [tilespmem:v25+s29+$0x0], $0xffff;
	s1 =	sadd.s32 s22, s19  }
0x495: {  	v22 =	vor.u32 $0x280, v6;
	v14 =	vld.idx.msk [tilespmem:v14+s29+$0x0], $0xffff;
	s23 =	sadd.s32 $0x30, s1  }
0x496: {  	s3 =	sadd.s32 $0x10, s1;
	s4 =	sor.u32 $0x200, s23  }
0x497: {  	s7 =	sor.u32 $0x200, s3;
	[tilespmem:s4+$0x18D00] =	vst v23  }
0x498: {  	s5 =	sadd.s32 $0x20, s1;
	s25 =	sor.u32 $0x200, s1;
	v18 =	vld.idx.msk [tilespmem:v18+s29+$0x0], $0xffff;
	[tilespmem:s7+$0x18D00] =	vst v16  }
0x499: {  	s24 =	sor.u32 $0x200, s5;
	v16 =	vor.u32 $0x300, v7;
	[tilespmem:s25+$0x18D00] =	vst v17;
	v13 =	vld.idx.msk [tilespmem:v13+s29+$0x0], $0xffff  }
0x49a: {  	[tilespmem:s24+$0x18D00] =	vst v14;
	v14 =	vld.idx.msk [tilespmem:v22+s29+$0x0], $0xffff  }
0x49b: {  	v17 =	vor.u32 $0x300, v6;
	v12 =	vld.idx.msk [tilespmem:v12+s29+$0x0], $0xffff  }
0x49c: {  	[tilespmem:s18+$0x18D00] =	vst v19;
	s8 =	sor.u32 $0x280, s23  }
0x49d: {  	s9 =	sor.u32 $0x280, s3;
	[tilespmem:s8+$0x18D00] =	vst v18  }
0x49e: {  	v5 =	vor.u32 $0x380, v5;
	s11 =	sor.u32 $0x280, s1;
	v16 =	vld.idx.msk [tilespmem:v16+s29+$0x0], $0xffff;
	[tilespmem:s9+$0x18D00] =	vst v13  }
0x49f: {  	s10 =	sor.u32 $0x280, s5;
	v7 =	vor.u32 $0x380, v7;
	[tilespmem:s11+$0x18D00] =	vst v14;
	v11 =	vld.idx.msk [tilespmem:v11+s29+$0x0], $0xffff  }
0x4a0: {  	[tilespmem:s10+$0x18D00] =	vst v12;
	v12 =	vld.idx.msk [tilespmem:v17+s29+$0x0], $0xffff  }
0x4a1: {  	[tilespmem:s26+$0x18D00] =	vst v20;
	v6 =	vor.u32 $0x380, v6;
	v10 =	vld.idx.msk [tilespmem:v10+s29+$0x0], $0xffff  }
0x4a2: {  	v8 =	vld.idx.msk [tilespmem:v8+s29+$0x0], $0xffff;
	[tilespmem:s0+$0x18D00] =	vst v21;
	s12 =	sor.u32 $0x300, s23  }
0x4a3: {  	v5 =	vld.idx.msk [tilespmem:v5+s29+$0x0], $0xffff;
	s13 =	sor.u32 $0x300, s3;
	[tilespmem:s12+$0x18D00] =	vst v16  }
0x4a4: {  	s1 =	sor.u32 $0x300, s1;
	v7 =	vld.idx.msk [tilespmem:v7+s29+$0x0], $0xffff;
	[tilespmem:s13+$0x18D00] =	vst v11  }
0x4a5: {  	s14 =	sor.u32 $0x300, s5;
	[tilespmem:s1+$0x18D00] =	vst v12;
	v9 =	vld.idx.msk [tilespmem:v9+s29+$0x0], $0xffff  }
0x4a6: {  	[tilespmem:s14+$0x18D00] =	vst v10;
	v6 =	vld.idx.msk [tilespmem:v6+s29+$0x0], $0xffff  }
0x4a7: {  	[tilespmem:s21+$0x18D00] =	vst v8;
	v10 =	vld.idx.msk [tilespmem:v15+s29+$0x0], $0xffff  }
0x4a8: {  	[tilespmem:s17+$0x18D00] =	vst v5;
	s18 =	sor.u32 $0x380, s23  }
0x4a9: {  	s19 =	sor.u32 $0x380, s3;
	[tilespmem:s18+$0x18D00] =	vst v7  }
0x4aa: {  	[tilespmem:s19+$0x18D00] =	vst v9  }
0x4ab: {  	s20 =	sor.u32 $0x380, s5;
	[tilespmem:s15+$0x18D00] =	vst v6  }
0x4ac: {  	s0 =	simm.s32 $0x0;
	[tilespmem:s20+$0x18D00] =	vst v10  }
0x4ad: {  	s21 =	simm.s32 $0x18D00;
	s22 =	simm.s32 $0x4;
	s1 =	rddreg [dreg:$0x15]  }
0x4ae: {  	[hbm4b:s1+s0] =	stream.linear.scatter [tilespmem:s21], [sflag:$0x5], $0x2000, $0x200038;
	[tilespmem:$0x1CD00] =	vst v63  }
0x4af: {  	_ =	swait.ge [sflag:s22], $0x4000  }
0x4b0: {  	[sflag:s22] =	ssyncset.done $0x0  }
0x4b1: {  	s23 =	simm.s32 $0x6;
	[sflag:s22] =	ssyncadd.s32 $0xFFFFC000  }
0x4b2: {  	s25 =	sand.u32 $0x380, s0;
	s24 =	sand.u32 $0x40, s0;
	_ =	swait.ge [sflag:s23], $0x2000  }
0x4b3: {  	s2 =	sor.u32 $0x800, s25;
	s26 =	sor.u32 $0x30, s24;
	[sflag:s23] =	ssyncset.done $0x0  }
0x4b4: {  	s8 =	sor.u32 s26, s2;
	[sflag:s23] =	ssyncadd.s32 $0xFFFFE000  }
0x4b5: {  	s9 =	simm.s32 $0x800;
	v5 =	vld [tilespmem:s8+$0x0]  }
0x4b6: {  	s10 =	sor.u32 $0x10, s24;
	v6 =	vld [tilespmem:s9+$0x0]  }
0x4b7: {  	s11 =	sor.u32 $0x20, s24;
	s12 =	sor.u32 s10, s2  }
0x4b8: {  	s2 =	sor.u32 s11, s2;
	v7 =	vld [tilespmem:s12+$0x0]  }
0x4b9: {  	v8 =	vld [tilespmem:s2+$0x0]  }
0x4ba: {  	v9 =	vshll.u32 v5, $0x3  }
0x4bb: {  	v10 =	vshll.u32 v6, $0x3;
	v5 =	vand.u32 $0x7F, v5;
	v9 =	vand.u32 $0xFFFFFC00, v9  }
0x4bc: {  	v6 =	vand.u32 $0x7F, v6;
	v11 =	vand.u32 $0xFFFFFC00, v10;
	v10 =	vor.u32 v5, v9  }
0x4bd: {  	v5 =	vor.u32 v6, v11;
	v6 =	vshll.u32 v7, $0x3  }
0x4be: {  	v9 =	vshll.u32 v8, $0x3;
	v7 =	vand.u32 $0x7F, v7;
	v6 =	vand.u32 $0xFFFFFC00, v6  }
0x4bf: {  	v11 =	vand.u32 $0xFFFFFC00, v9;
	v9 =	vor.u32 v7, v6;
	v6 =	vand.u32 $0x7F, v8  }
0x4c0: {  	v8 =	vor.u32 v6, v11  }
0x4c1: {  	v6 =	vld.idx.msk [tilespmem:v10+s16+$0x0], $0xffff  }
0x4c2: {  	v11 =	vor.u32 $0x80, v10;
	v7 =	vld.idx.msk [tilespmem:v5+s16+$0x0], $0xffff  }
0x4c3: {  	s13 =	sand.u32 $0x1C00, s0;
	v12 =	vor.u32 $0x80, v5  }
0x4c4: {  	s2 =	sadd.s32 $0x1AD00, s13;
	v13 =	vld.idx.msk [tilespmem:v9+s16+$0x0], $0xffff  }
0x4c5: {  	s14 =	sor.u32 s26, s2;
	v14 =	vor.u32 $0x80, v9;
	v15 =	vld.idx.msk [tilespmem:v8+s16+$0x0], $0xffff  }
0x4c6: {  	s15 =	sor.u32 s24, s2;
	v16 =	vor.u32 $0x80, v8;
	[tilespmem:s14+$0x0] =	vst v6  }
0x4c7: {  	[tilespmem:s15+$0x0] =	vst v7;
	v6 =	vld.idx.msk [tilespmem:v11+s16+$0x0], $0xffff  }
0x4c8: {  	s4 =	sor.u32 s10, s2;
	v7 =	vld.idx.msk [tilespmem:v12+s16+$0x0], $0xffff;
	v11 =	vor.u32 $0x100, v10  }
0x4c9: {  	s8 =	sor.u32 s11, s2;
	v12 =	vor.u32 $0x100, v5;
	[tilespmem:s4+$0x0] =	vst v13  }
0x4ca: {  	v13 =	vld.idx.msk [tilespmem:v14+s16+$0x0], $0xffff;
	[tilespmem:s8+$0x0] =	vst v15  }
0x4cb: {  	v14 =	vor.u32 $0x100, v9;
	v15 =	vld.idx.msk [tilespmem:v16+s16+$0x0], $0xffff  }
0x4cc: {  	v16 =	vor.u32 $0x100, v8;
	[tilespmem:s14+$0x80] =	vst v6  }
0x4cd: {  	[tilespmem:s15+$0x80] =	vst v7;
	v6 =	vld.idx.msk [tilespmem:v11+s16+$0x0], $0xffff  }
0x4ce: {  	v7 =	vld.idx.msk [tilespmem:v12+s16+$0x0], $0xffff;
	v11 =	vor.u32 $0x180, v10  }
0x4cf: {  	v12 =	vor.u32 $0x180, v5;
	[tilespmem:s4+$0x80] =	vst v13  }
0x4d0: {  	v13 =	vld.idx.msk [tilespmem:v14+s16+$0x0], $0xffff;
	[tilespmem:s8+$0x80] =	vst v15  }
0x4d1: {  	s17 =	simm.s32 $0x840;
	s5 =	simm.s32 $0x40;
	v14 =	vor.u32 $0x180, v9;
	v15 =	vld.idx.msk [tilespmem:v16+s16+$0x0], $0xffff  }
0x4d2: {  	s18 =	sand.u32 $0x40, s5;
	s20 =	sand.u32 $0x380, s5;
	v16 =	vld [tilespmem:s17+$0x0];
	[tilespmem:s14+$0x100] =	vst v6  }
0x4d3: {  	s21 =	sor.u32 $0x30, s18;
	s11 =	sor.u32 $0x800, s20;
	[tilespmem:s15+$0x100] =	vst v7;
	v6 =	vld.idx.msk [tilespmem:v11+s16+$0x0], $0xffff  }
0x4d4: {  	s10 =	sor.u32 s21, s11;
	v7 =	vor.u32 $0x180, v8;
	v11 =	vld.idx.msk [tilespmem:v12+s16+$0x0], $0xffff  }
0x4d5: {  	s9 =	sor.u32 $0x10, s18;
	v12 =	vor.u32 $0x200, v10;
	[tilespmem:s4+$0x100] =	vst v13;
	v13 =	vld [tilespmem:s10+$0x0]  }
0x4d6: {  	s22 =	sor.u32 $0x20, s18;
	s12 =	sor.u32 s9, s11;
	v14 =	vld.idx.msk [tilespmem:v14+s16+$0x0], $0xffff  }
0x4d7: {  	s11 =	sor.u32 s22, s11;
	v18 =	vld [tilespmem:s12+$0x0];
	v17 =	vor.u32 $0x200, v9;
	v19 =	vshll.u32 v16, $0x3  }
0x4d8: {  	v20 =	vld [tilespmem:s11+$0x0];
	[tilespmem:s8+$0x100] =	vst v15;
	v15 =	vor.u32 $0x200, v5;
	v16 =	vand.u32 $0x7F, v16;
	v19 =	vand.u32 $0xFFFFFC00, v19  }
0x4d9: {  	p0 =	por $0x0, $0x0;
	s7 =	simm.s32 $0x1;
	v21 =	vld.idx.msk [tilespmem:v7+s16+$0x0], $0xffff;
	[tilespmem:s14+$0x180] =	vst v6;
	v6 =	vor.u32 v16, v19  }
0x4da: {  	s7 =	simm.s32 @!p0 $0x0;
	v16 =	vor.u32 $0x200, v8;
	v12 =	vld.idx.msk [tilespmem:v12+s16+$0x0], $0xffff;
	v7 =	vshll.u32 v13, $0x3  }
0x4db: {  	s23 =	sshll.u32 s7, $0x6;
	v13 =	vand.u32 $0x7F, v13;
	[tilespmem:s4+$0x180] =	vst v14;
	v7 =	vand.u32 $0xFFFFFC00, v7;
	v14 =	vor.u32 $0x280, v10  }
0x4dc: {  	s7 =	sadd.s32 $0x0, s23;
	v19 =	vor.u32 $0x280, v9;
	[tilespmem:s15+$0x180] =	vst v11;
	v11 =	vld.idx.msk [tilespmem:v17+s16+$0x0], $0xffff;
	v17 =	vshll.u32 v18, $0x3;
	v7 =	vor.u32 v13, v7  }
0x4dd: {  	s3 =	sadd.s32 $0x30, s7;
	v13 =	vld.idx.msk [tilespmem:v15+s16+$0x0], $0xffff;
	v15 =	vshll.u32 v20, $0x3;
	v18 =	vand.u32 $0x7F, v18;
	v17 =	vand.u32 $0xFFFFFC00, v17  }
0x4de: {  	s24 =	sor.u32 $0x200, s3;
	v15 =	vand.u32 $0xFFFFFC00, v15;
	[tilespmem:s8+$0x180] =	vst v21;
	v22 =	vld.idx.msk [tilespmem:v6+s16+$0x0], $0xffff;
	v26 =	vor.u32 v18, v17;
	v17 =	vand.u32 $0x7F, v20  }
0x4df: {  	s25 =	sadd.s32 $0x10, s7;
	v16 =	vld.idx.msk [tilespmem:v16+s16+$0x0], $0xffff;
	v15 =	vor.u32 v17, v15;
	[tilespmem:s24+$0x1AD00] =	vst v12  }
0x4e0: {  	s11 =	sor.u32 $0x200, s25;
	v12 =	vor.u32 $0x280, v5;
	v14 =	vld.idx.msk [tilespmem:v14+s16+$0x0], $0xffff  }
0x4e1: {  	s19 =	simm.s32 $0x200;
	s12 =	sor.u32 $0x200, s7;
	v17 =	vor.u32 $0x280, v8;
	v18 =	vld.idx.msk [tilespmem:v7+s16+$0x0], $0xffff;
	[tilespmem:s11+$0x1AD00] =	vst v11  }
0x4e2: {  	s14 =	sand.u32 $0x1C00, s19;
	s11 =	sadd.s32 $0x20, s7;
	[tilespmem:s12+$0x1AD00] =	vst v13;
	v13 =	vor.u32 $0x80, v6;
	v11 =	vld.idx.msk [tilespmem:v19+s16+$0x0], $0xffff  }
0x4e3: {  	s4 =	sadd.s32 $0x1AD00, s14;
	v19 =	vor.u32 $0x300, v10;
	s13 =	sor.u32 $0x200, s11;
	v20 =	vld.idx.msk [tilespmem:v26+s16+$0x0], $0xffff  }
0x4e4: {  	s14 =	sor.u32 s18, s4;
	v21 =	vor.u32 $0x80, v7;
	[tilespmem:s13+$0x1AD00] =	vst v16;
	v23 =	vld.idx.msk [tilespmem:v15+s16+$0x0], $0xffff  }
0x4e5: {  	s15 =	sor.u32 $0x280, s3;
	v24 =	vor.u32 $0x80, v26;
	[tilespmem:s14+$0x0] =	vst v22;
	v27 =	vld.idx.msk [tilespmem:v12+s16+$0x0], $0xffff  }
0x4e6: {  	s2 =	sor.u32 s21, s4;
	v12 =	vor.u32 $0x80, v15;
	v16 =	vld.idx.msk [tilespmem:v17+s16+$0x0], $0xffff;
	[tilespmem:s15+$0x1AD00] =	vst v14  }
0x4e7: {  	s17 =	sor.u32 $0x280, s25;
	v14 =	vor.u32 $0x300, v9;
	[tilespmem:s2+$0x0] =	vst v18;
	v13 =	vld.idx.msk [tilespmem:v13+s16+$0x0], $0xffff  }
0x4e8: {  	s1 =	sor.u32 s9, s4;
	v18 =	vor.u32 $0x300, v8;
	v17 =	vld.idx.msk [tilespmem:v19+s16+$0x0], $0xffff;
	[tilespmem:s17+$0x1AD00] =	vst v11  }
0x4e9: {  	s23 =	sor.u32 s22, s4;
	v10 =	vor.u32 $0x380, v10;
	v21 =	vld.idx.msk [tilespmem:v21+s16+$0x0], $0xffff;
	[tilespmem:s1+$0x0] =	vst v20  }
0x4ea: {  	s18 =	sor.u32 $0x280, s11;
	v22 =	vor.u32 $0x100, v7;
	v20 =	vld.idx.msk [tilespmem:v24+s16+$0x0], $0xffff;
	[tilespmem:s23+$0x0] =	vst v23  }
0x4eb: {  	s21 =	sor.u32 $0x280, s7;
	v24 =	vor.u32 $0x100, v6;
	[tilespmem:s18+$0x1AD00] =	vst v16;
	v12 =	vld.idx.msk [tilespmem:v12+s16+$0x0], $0xffff  }
0x4ec: {  	s20 =	sor.u32 $0x300, s3;
	v11 =	vor.u32 $0x100, v26;
	[tilespmem:s21+$0x1AD00] =	vst v27;
	v28 =	vld.idx.msk [tilespmem:v14+s16+$0x0], $0xffff  }
0x4ed: {  	v25 =	vor.u32 $0x100, v15;
	v19 =	vld.idx.msk [tilespmem:v18+s16+$0x0], $0xffff;
	[tilespmem:s20+$0x1AD00] =	vst v17  }
0x4ee: {  	[tilespmem:s2+$0x80] =	vst v21;
	v21 =	vor.u32 $0x300, v5;
	v29 =	vld.idx.msk [tilespmem:v10+s16+$0x0], $0xffff  }
0x4ef: {  	v30 =	vor.u32 $0x380, v9;
	[tilespmem:s14+$0x80] =	vst v13;
	v23 =	vld.idx.msk [tilespmem:v22+s16+$0x0], $0xffff  }
0x4f0: {  	v9 =	vor.u32 $0x380, v26;
	v22 =	vld.idx.msk [tilespmem:v24+s16+$0x0], $0xffff;
	[tilespmem:s1+$0x80] =	vst v20  }
0x4f1: {  	s0 =	sor.u32 s0, s0;
	s26 =	sor.u32 $0x300, s7;
	s24 =	sor.u32 $0x300, s25;
	v16 =	vor.u32 $0x200, v26;
	v27 =	vor.u32 $0x180, v7;
	v18 =	vor.u32 $0x180, v26;
	v24 =	vld.idx.msk [tilespmem:v11+s16+$0x0], $0xffff;
	[tilespmem:s23+$0x80] =	vst v12  }
0x4f2: {  	s17 =	sor.u32 $0x380, s0;
	s0 =	sor.u32 $0x380, s25;
	s25 =	sor.u32 s19, s5;
	v13 =	vor.u32 $0x280, v26;
	v11 =	vor.u32 $0x300, v26;
	v26 =	vor.u32 $0x180, v6;
	v25 =	vld.idx.msk [tilespmem:v25+s16+$0x0], $0xffff  }
0x4f3: {  	s3 =	sor.u32 $0x380, s3;
	s22 =	simm.s32 $0x4;
	v8 =	vor.u32 $0x380, v8;
	s15 =	sor.u32 $0x380, s25;
	v14 =	vor.u32 $0x200, v15;
	v17 =	vor.u32 $0x180, v15;
	[tilespmem:s24+$0x1AD00] =	vst v28;
	v20 =	vld.idx.msk [tilespmem:v21+s16+$0x0], $0xffff  }
0x4f4: {  	s25 =	simm.s32 $0x880;
	s18 =	sor.u32 $0x300, s11;
	s21 =	sor.u32 $0x380, s11;
	v10 =	vor.u32 $0x300, v15;
	v12 =	vor.u32 $0x280, v15;
	v15 =	vor.u32 $0x380, v15;
	v21 =	vld.idx.msk [tilespmem:v30+s16+$0x0], $0xffff;
	[tilespmem:s3+$0x1AD00] =	vst v29  }
.LBB2_18:
0x4f5: {  	v28 =	vld [tilespmem:s25+$0x0];
	[tilespmem:s2+$0x100] =	vst v23;
	s5 =	sadd.s32 $0x40, s5  }
0x4f6: {  	s22 =	sadd.s32 $0x4, s22;
	s3 =	sand.u32 $0x40, s5;
	s4 =	sand.u32 $0x380, s5;
	[tilespmem:s14+$0x100] =	vst v22;
	v22 =	vld.idx.msk [tilespmem:v27+s16+$0x0], $0xffff  }
0x4f7: {  	p1 =	slt.u32 s22, $0x3C;
	s4 =	sor.u32 $0x800, s4;
	s20 =	sor.u32 $0x30, s3;
	v23 =	vld.idx.msk [tilespmem:v26+s16+$0x0], $0xffff;
	[tilespmem:s1+$0x100] =	vst v24  }
0x4f8: {  	s8 =	sor.u32 $0x10, s3;
	s7 =	sor.u32 $0x20, s3;
	v24 =	vor.u32 $0x200, v7;
	s9 =	sor.u32 s20, s4;
	v18 =	vld.idx.msk [tilespmem:v18+s16+$0x0], $0xffff;
	[tilespmem:s23+$0x100] =	vst v25  }
0x4f9: {  	v26 =	vor.u32 $0x200, v6;
	s10 =	sor.u32 s8, s4;
	s4 =	sor.u32 s7, s4;
	v25 =	vld [tilespmem:s9+$0x0];
	[tilespmem:s18+$0x1AD00] =	vst v19  }
0x4fa: {  	v19 =	vld [tilespmem:s10+$0x0];
	[tilespmem:s26+$0x1AD00] =	vst v20  }
0x4fb: {  	v20 =	vshll.u32 v28, $0x3;
	v27 =	vld [tilespmem:s4+$0x0];
	[tilespmem:s0+$0x1AD00] =	vst v21  }
0x4fc: {  	v21 =	vand.u32 $0x7F, v28;
	v20 =	vand.u32 $0xFFFFFC00, v20;
	v17 =	vld.idx.msk [tilespmem:v17+s16+$0x0], $0xffff;
	[tilespmem:s2+$0x180] =	vst v22;
	v22 =	vor.u32 $0x380, v5;
	v5 =	vmovc v6  }
0x4fd: {  	p0 =	por !p0, !p0;
	s0 =	simm.s32 $0x1;
	v6 =	vor.u32 v21, v20;
	[tilespmem:s14+$0x180] =	vst v23;
	v20 =	vld.idx.msk [tilespmem:v24+s16+$0x0], $0xffff  }
0x4fe: {  	s0 =	simm.s32 @!p0 $0x0;
	v21 =	vshll.u32 v25, $0x3;
	v23 =	vld.idx.msk [tilespmem:v26+s16+$0x0], $0xffff;
	[tilespmem:s1+$0x180] =	vst v18  }
0x4ff: {  	s0 =	sshll.u32 s0, $0x6;
	v18 =	vand.u32 $0x7F, v25;
	v21 =	vand.u32 $0xFFFFFC00, v21;
	v24 =	vld.idx.msk [tilespmem:v16+s16+$0x0], $0xffff;
	v16 =	vor.u32 $0x280, v7  }
0x500: {  	s0 =	sadd.s32 s0, s19;
	v25 =	vshll.u32 v19, $0x3;
	v26 =	vshll.u32 v27, $0x3;
	v21 =	vor.u32 v18, v21;
	v28 =	vld.idx.msk [tilespmem:v8+s16+$0x0], $0xffff;
	v8 =	vmovc v15  }
0x501: {  	s1 =	sadd.s32 $0x10, s0;
	s2 =	sadd.s32 $0x20, s0;
	s9 =	sadd.s32 $0x30, s0;
	v15 =	vand.u32 $0x7F, v19;
	v18 =	vand.u32 $0xFFFFFC00, v25;
	v19 =	vand.u32 $0xFFFFFC00, v26;
	v22 =	vld.idx.msk [tilespmem:v22+s16+$0x0], $0xffff  }
0x502: {  	s4 =	sor.u32 $0x200, s1;
	s14 =	sor.u32 $0x200, s2;
	s10 =	sor.u32 $0x200, s9;
	v15 =	vor.u32 v15, v18;
	v18 =	vand.u32 $0x7F, v27;
	v26 =	vor.u32 $0x280, v5;
	v25 =	vld.idx.msk [tilespmem:v6+s16+$0x0], $0xffff;
	[tilespmem:s23+$0x180] =	vst v17  }
0x503: {  	s11 =	sor.u32 $0x200, s0;
	s13 =	sor.u32 $0x280, s1;
	s12 =	sor.u32 $0x280, s2;
	v27 =	vor.u32 $0x80, v15;
	v29 =	vor.u32 $0x100, v15;
	v19 =	vor.u32 v18, v19;
	v30 =	vld.idx.msk [tilespmem:v14+s16+$0x0], $0xffff;
	[tilespmem:s10+$0x1AD00] =	vst v20  }
0x504: {  	s18 =	sor.u32 $0x300, s2;
	v18 =	vor.u32 $0x180, v15;
	v20 =	vor.u32 $0x80, v19;
	v31 =	vor.u32 $0x100, v19;
	s10 =	sor.u32 $0x300, s1;
	[tilespmem:s11+$0x1AD00] =	vst v23;
	s11 =	sor.u32 $0x280, s0;
	v23 =	vld.idx.msk [tilespmem:v16+s16+$0x0], $0xffff  }
0x505: {  	s26 =	sor.u32 $0x300, s0;
	v17 =	vor.u32 $0x180, v19;
	v14 =	vor.u32 $0x200, v19;
	v16 =	vor.u32 $0x200, v15;
	s0 =	sor.u32 $0x380, s1;
	s1 =	sor.u32 $0x380, s2;
	v32 =	vld.idx.msk [tilespmem:v21+s16+$0x0], $0xffff;
	[tilespmem:s4+$0x1AD00] =	vst v24  }
0x506: {  	v34 =	vor.u32 $0x300, v7;
	v24 =	vor.u32 $0x280, v19;
	v33 =	vld.idx.msk [tilespmem:v13+s16+$0x0], $0xffff;
	v13 =	vor.u32 $0x280, v15;
	[tilespmem:s21+$0x1AD00] =	vst v28;
	s21 =	smov.u32 s1  }
0x507: {  	s19 =	sadd.s32 $0x200, s19;
	v37 =	vor.u32 $0x80, v21;
	v35 =	vor.u32 $0x300, v15;
	v36 =	vor.u32 $0x300, v19;
	v28 =	vld.idx.msk [tilespmem:v15+s16+$0x0], $0xffff;
	[tilespmem:s17+$0x1AD00] =	vst v22;
	s17 =	smov.u32 s15  }
0x508: {  	v38 =	vor.u32 $0x380, v15;
	s2 =	sor.u32 s19, s5;
	s1 =	sand.u32 $0x1C00, s19;
	v22 =	vor.u32 $0x80, v6;
	v15 =	vor.u32 $0x380, v19;
	v39 =	vld.idx.msk [tilespmem:v19+s16+$0x0], $0xffff  }
0x509: {  	s23 =	sor.u32 $0x280, s9;
	s4 =	sadd.s32 $0x1AD00, s1;
	s15 =	sor.u32 $0x380, s2;
	v40 =	vld.idx.msk [tilespmem:v26+s16+$0x0], $0xffff;
	[tilespmem:s14+$0x1AD00] =	vst v30  }
0x50a: {  	s1 =	sor.u32 s8, s4;
	s2 =	sor.u32 s20, s4;
	s14 =	sor.u32 s3, s4;
	v19 =	vld.idx.msk [tilespmem:v12+s16+$0x0], $0xffff;
	[tilespmem:s23+$0x1AD00] =	vst v23;
	v12 =	vmov v24  }
0x50b: {  	s23 =	sor.u32 s7, s4;
	[tilespmem:s2+$0x0] =	vst v32;
	v23 =	vld.idx.msk [tilespmem:v34+s16+$0x0], $0xffff  }
0x50c: {  	[tilespmem:s14+$0x0] =	vst v25;
	v24 =	vld.idx.msk [tilespmem:v37+s16+$0x0], $0xffff  }
0x50d: {  	v25 =	vor.u32 $0x380, v7;
	v7 =	vmov v21;
	v22 =	vld.idx.msk [tilespmem:v22+s16+$0x0], $0xffff;
	[tilespmem:s1+$0x0] =	vst v28  }
0x50e: {  	v26 =	vor.u32 $0x100, v7;
	v21 =	vld.idx.msk [tilespmem:v27+s16+$0x0], $0xffff;
	[tilespmem:s23+$0x0] =	vst v39  }
0x50f: {  	v27 =	vor.u32 $0x100, v6;
	v20 =	vld.idx.msk [tilespmem:v20+s16+$0x0], $0xffff;
	[tilespmem:s13+$0x1AD00] =	vst v33  }
0x510: {  	s3 =	sor.u32 $0x300, s9;
	v28 =	vld.idx.msk [tilespmem:v11+s16+$0x0], $0xffff;
	[tilespmem:s12+$0x1AD00] =	vst v19;
	v11 =	vmov v35  }
0x511: {  	v19 =	vld.idx.msk [tilespmem:v10+s16+$0x0], $0xffff;
	[tilespmem:s3+$0x1AD00] =	vst v23;
	v10 =	vmov v36  }
0x512: {  	v30 =	vor.u32 $0x300, v5;
	[tilespmem:s2+$0x80] =	vst v24;
	v32 =	vld.idx.msk [tilespmem:v25+s16+$0x0], $0xffff  }
0x513: {  	[tilespmem:s14+$0x80] =	vst v22;
	v23 =	vld.idx.msk [tilespmem:v26+s16+$0x0], $0xffff  }
.Ltmp8:
0x514: {  	v22 =	vld.idx.msk [tilespmem:v27+s16+$0x0], $0xffff;
	[tilespmem:s1+$0x80] =	vst v21;
	(pc) =	sbr.rel @p1 .LBB2_18-.Ltmp8, $4  }
0x515: {  	v27 =	vor.u32 $0x180, v7;
	v24 =	vld.idx.msk [tilespmem:v29+s16+$0x0], $0xffff;
	[tilespmem:s23+$0x80] =	vst v20  }
0x516: {  	v26 =	vor.u32 $0x180, v6;
	v25 =	vld.idx.msk [tilespmem:v31+s16+$0x0], $0xffff;
	[tilespmem:s11+$0x1AD00] =	vst v40  }
0x517: {  	s3 =	sor.u32 $0x380, s9;
	v20 =	vld.idx.msk [tilespmem:v30+s16+$0x0], $0xffff;
	[tilespmem:s10+$0x1AD00] =	vst v28  }
0x518: {  	s25 =	sadd.s32 $0x40, s25;
	v21 =	vld.idx.msk [tilespmem:v9+s16+$0x0], $0xffff;
	[tilespmem:s3+$0x1AD00] =	vst v32;
	v9 =	vmov v38  }
0x519: {  	_ =	sdelay $0x2  }
0x51a: {  	[tilespmem:s2+$0x100] =	vst v23  }
0x51b: {  	[tilespmem:s14+$0x100] =	vst v22;
	v23 =	vld.idx.msk [tilespmem:v27+s16+$0x0], $0xffff  }
0x51c: {  	v55 =	vor.u32 $0x200, v7;
	[tilespmem:s1+$0x100] =	vst v24;
	v22 =	vld.idx.msk [tilespmem:v26+s16+$0x0], $0xffff  }
0x51d: {  	v56 =	vor.u32 $0x200, v6;
	v18 =	vld.idx.msk [tilespmem:v18+s16+$0x0], $0xffff;
	[tilespmem:s23+$0x100] =	vst v25  }
0x51e: {  	v17 =	vld.idx.msk [tilespmem:v17+s16+$0x0], $0xffff;
	_ =	sdelay $0x1  }
0x51f: {  	p0 =	por !p0, !p0;
	[tilespmem:s2+$0x180] =	vst v23;
	s2 =	simm.s32 $0x1  }
0x520: {  	[tilespmem:s14+$0x180] =	vst v22;
	v23 =	vld.idx.msk [tilespmem:v55+s16+$0x0], $0xffff;
	s2 =	simm.s32 @!p0 $0x0  }
0x521: {  	v57 =	vor.u32 $0x280, v7;
	[tilespmem:s1+$0x180] =	vst v18;
	v58 =	vld.idx.msk [tilespmem:v56+s16+$0x0], $0xffff;
	s22 =	sshll.u32 s2, $0x6  }
0x522: {  	v59 =	vor.u32 $0x280, v6;
	v16 =	vld.idx.msk [tilespmem:v16+s16+$0x0], $0xffff;
	[tilespmem:s23+$0x180] =	vst v17;
	s1 =	sadd.s32 s22, s19  }
0x523: {  	v14 =	vld.idx.msk [tilespmem:v14+s16+$0x0], $0xffff;
	s24 =	sadd.s32 $0x30, s1  }
0x524: {  	s4 =	sor.u32 $0x200, s24  }
0x525: {  	s3 =	sadd.s32 $0x10, s1;
	s8 =	sor.u32 $0x200, s1;
	[tilespmem:s4+$0x1AD00] =	vst v23  }
0x526: {  	s5 =	sadd.s32 $0x20, s1;
	s7 =	sor.u32 $0x200, s3;
	[tilespmem:s8+$0x1AD00] =	vst v58;
	v18 =	vld.idx.msk [tilespmem:v57+s16+$0x0], $0xffff  }
0x527: {  	v60 =	vor.u32 $0x300, v7;
	s25 =	sor.u32 $0x200, s5;
	[tilespmem:s7+$0x1AD00] =	vst v16;
	v61 =	vld.idx.msk [tilespmem:v59+s16+$0x0], $0xffff  }
0x528: {  	v62 =	vor.u32 $0x300, v6;
	v13 =	vld.idx.msk [tilespmem:v13+s16+$0x0], $0xffff;
	[tilespmem:s25+$0x1AD00] =	vst v14  }
0x529: {  	v12 =	vld.idx.msk [tilespmem:v12+s16+$0x0], $0xffff  }
0x52a: {  	[tilespmem:s18+$0x1AD00] =	vst v19;
	s9 =	sor.u32 $0x280, s24  }
0x52b: {  	s12 =	sor.u32 $0x280, s1;
	[tilespmem:s9+$0x1AD00] =	vst v18  }
0x52c: {  	v5 =	vor.u32 $0x380, v5;
	s10 =	sor.u32 $0x280, s3;
	[tilespmem:s12+$0x1AD00] =	vst v61;
	v16 =	vld.idx.msk [tilespmem:v60+s16+$0x0], $0xffff  }
0x52d: {  	v7 =	vor.u32 $0x380, v7;
	s11 =	sor.u32 $0x280, s5;
	[tilespmem:s10+$0x1AD00] =	vst v13;
	v63 =	vld.idx.msk [tilespmem:v62+s16+$0x0], $0xffff  }
0x52e: {  	v6 =	vor.u32 $0x380, v6;
	v11 =	vld.idx.msk [tilespmem:v11+s16+$0x0], $0xffff;
	[tilespmem:s11+$0x1AD00] =	vst v12  }
0x52f: {  	[tilespmem:s26+$0x1AD00] =	vst v20;
	v10 =	vld.idx.msk [tilespmem:v10+s16+$0x0], $0xffff  }
0x530: {  	v8 =	vld.idx.msk [tilespmem:v8+s16+$0x0], $0xffff;
	[tilespmem:s0+$0x1AD00] =	vst v21;
	s13 =	sor.u32 $0x300, s24  }
0x531: {  	v5 =	vld.idx.msk [tilespmem:v5+s16+$0x0], $0xffff;
	s1 =	sor.u32 $0x300, s1;
	[tilespmem:s13+$0x1AD00] =	vst v16  }
0x532: {  	s14 =	sor.u32 $0x300, s3;
	[tilespmem:s1+$0x1AD00] =	vst v63;
	v7 =	vld.idx.msk [tilespmem:v7+s16+$0x0], $0xffff  }
0x533: {  	s18 =	sor.u32 $0x300, s5;
	[tilespmem:s14+$0x1AD00] =	vst v11;
	v6 =	vld.idx.msk [tilespmem:v6+s16+$0x0], $0xffff  }
0x534: {  	v9 =	vld.idx.msk [tilespmem:v9+s16+$0x0], $0xffff;
	[tilespmem:s18+$0x1AD00] =	vst v10  }
0x535: {  	[tilespmem:s21+$0x1AD00] =	vst v8;
	v10 =	vld.idx.msk [tilespmem:v15+s16+$0x0], $0xffff  }
0x536: {  	[tilespmem:s17+$0x1AD00] =	vst v5;
	s19 =	sor.u32 $0x380, s24  }
0x537: {  	[tilespmem:s19+$0x1AD00] =	vst v7  }
0x538: {  	s20 =	sor.u32 $0x380, s3;
	[tilespmem:s15+$0x1AD00] =	vst v6  }
0x539: {  	s21 =	sor.u32 $0x380, s5;
	[tilespmem:s20+$0x1AD00] =	vst v9  }
0x53a: {  	[tilespmem:s21+$0x1AD00] =	vst v10  }
0x53b: {  	s23 =	simm.s32 $0x5;
	s22 =	simm.s32 $0x1AD00;
	s0 =	rddreg [dreg:$0x16]  }
0x53c: {  	[hbm4b:s0+s30] =	stream.linear.scatter [tilespmem:s22], [sflag:$0x6], $0x2000, $0x200038;
	[tilespmem:$0x1CD00] =	vst v63  }
0x53d: {  	_ =	swait.ge [sflag:s23], $0x2000  }
0x53e: {  	[sflag:s23] =	ssyncset.done $0x0  }
0x53f: {  	s24 =	simm.s32 $0x6;
	[sflag:s23] =	ssyncadd.s32 $0xFFFFE000  }
0x540: {  	_ =	swait.ge [sflag:s24], $0x2000  }
0x541: {  	s25 =	rddreg [dreg:$0x18]  }
0x542: {  	s26 =	rddreg [dreg:$0x17];
	s1 =	sadd.s32 $0x1, s25  }
0x543: {  	p0 =	sne.s32 s1, s26  }
.Ltmp9:
0x544: {  	_ = 	snop;
	(pc) =	sbr.rel @p0 .LBB2_1-.Ltmp9, $4  }
0x545: {  	_ = 	snop  }
0x546: {  	[sflag:s24] =	ssyncset.done $0x0  }
0x547: {  	[sflag:s24] =	ssyncadd.s32 $0xFFFFE000  }
0x548: {  	s13 =	simm.s32 $0x7;
	_ =	strace $0x9000004C  }
0x549: {  	_ =	sfence.sel $0x180000  }
0x54a: {  	[bflag:$0x0] =	sbarrier.arrive $0xFFFF  }
0x54b: {  	_ =	strace $0x90000047  }
0x54c: {  	s0 =	stileid.u32;
	[bflag:$0x2] =	sbarrier.arrive $0xFFFF  }
0x54d: {  	p0 =	sne.s32 s0, $0x0;
	s0 =	rddreg [dreg:$0x5]  }
0x54e: {  	s0 =	sadd.s32 @!p0 $0x100000, s0  }
0x54f: {  	[sflag:s0] =	ssyncadd.tile.s32 @!p0 $0x1;
	_ =	shalt  }
.Lfunc_end2:
_tile_overlayer_lowered:
.L_overlay_start_2:
0x550: {  	(tag) =	ssettag $0x2  }
0x551: {  	s0 =	rddreg [dreg:$0x0];
	s2 =	stileid.u32  }
0x552: {  	s1 =	rddreg [dreg:$0x1];
	p0 =	sne.s32 s2, $0x0  }
0x553: {  	s3 =	rddreg [dreg:$0x2];
	[bflag:$0x3] =	sbarrier.arrive $0xFFFF;
	s2 =	simm.s32 @!p0 $0x1C07  }
0x554: {  	[timem:s3], [sflag:s2] =	dma.local @!p0 [hbm:s0], s1  }
0x555: {  	s0 =	simm.s32 @!p0 $0x7  }
0x556: {  	_ =	swait.ge @!p0 [sflag:s0], s1  }
0x557: {  	s1 =	ssub.s32 @!p0 $0x0, s1;
	[sflag:s0] =	ssyncset.done @!p0 $0x0  }
0x558: {  	[sflag:s0] =	ssyncadd.s32 @!p0 s1  }
0x559: {  	[bflag:$0x3] =	sbarrier.arrive $0xFFFF  }
0x55a: {  	_ =	shalt  }

</sc_bundles>
